<compile_context>
chip_gen: v7x
topology: tpu7x:2x2x1
jax: 0.10.2.dev20260603
libtpu: 0.0.44.dev20260713+nightly
codegen_flags: <defaults>
</compile_context>

<pallas_src>
import functools

import jax
import jax.numpy as jnp
from jax import lax
from jax.experimental import pallas as pl
from jax.experimental.pallas import tpu as pltpu
from jax.experimental.pallas import tpu_sc as plsc

_N = 16777216
_BINS = 256
_NC, _NS, _L = 2, 16, 16
_NW = _NC * _NS
_PER_W = _N // _NW
_CHUNK = 16384
_NCHUNK = _PER_W // _CHUNK
_RSTRIDE = 264

_mesh = plsc.VectorSubcoreMesh(
    core_axis_name="c", subcore_axis_name="s",
    num_cores=_NC, num_subcores=_NS)



_MM_GRID = 8
_MM_BLK = _N // _MM_GRID


def _mm_body(x_ref, mn_ref, mx_ref, par_ref):
    i = pl.program_id(0)
    v = x_ref[...]
    bmn = jnp.min(v)
    bmx = jnp.max(v)

    @pl.when(i == 0)
    def _():
        mn_ref[0, 0] = bmn
        mx_ref[0, 0] = bmx

    @pl.when(i != 0)
    def _():
        mn_ref[0, 0] = jnp.minimum(mn_ref[0, 0], bmn)
        mx_ref[0, 0] = jnp.maximum(mx_ref[0, 0], bmx)

    @pl.when(i == _MM_GRID - 1)
    def _():
        lo = jnp.trunc(mn_ref[0, 0])
        span = jnp.trunc(mx_ref[0, 0]) - lo
        safe = jnp.where(span == 0, jnp.float32(1.0), span)
        scale = jnp.float32(_BINS) / safe
        par_ref[...] = jnp.concatenate(
            [jnp.full((_L,), lo), jnp.full((_L,), scale)])


_minmax = pl.pallas_call(
    _mm_body,
    grid=(_MM_GRID,),
    in_specs=[pl.BlockSpec((_MM_BLK // 128, 128), lambda i: (i, 0))],
    out_specs=[pl.BlockSpec(memory_space=pltpu.SMEM),
               pl.BlockSpec(memory_space=pltpu.SMEM),
               pl.BlockSpec((2 * _L,), lambda i: (0,))],
    out_shape=[jax.ShapeDtypeStruct((1, 1), jnp.float32),
               jax.ShapeDtypeStruct((1, 1), jnp.float32),
               jax.ShapeDtypeStruct((2 * _L,), jnp.float32)],
)



def _hist_body(x_hbm, par_hbm, out_hbm, xout_hbm,
               buf0, buf1, buf2, buf3, par_v, hist_v, out_v,
               rs0, rs1, rs2, rs3, ws0, ws1, ws2, ws3):
    wid = lax.axis_index("s") * _NC + lax.axis_index("c")
    base = wid * _PER_W

    pltpu.sync_copy(par_hbm, par_v)
    lo = par_v[pl.ds(0, _L)]
    scale = par_v[pl.ds(_L, _L)]

    lane_base = lax.iota(jnp.int32, _L) * _RSTRIDE + 1
    ones = jnp.ones((_L,), jnp.float32)
    zeros = jnp.zeros((_L,), jnp.float32)

    def _zero(j, _):
        hist_v[pl.ds(j * _L, _L)] = zeros
        return 0
    lax.fori_loop(0, (_L * _RSTRIDE) // _L, _zero, 0)

    rsems = (rs0, rs1, rs2, rs3)
    wsems = (ws0, ws1, ws2, ws3)
    bufs = (buf0, buf1, buf2, buf3)
    rhdl = [None, None, None, None]
    whdl = [None, None, None, None]
    for p in range(3):
        rhdl[p] = pltpu.async_copy(
            x_hbm.at[pl.ds(base + p * _CHUNK, _CHUNK)], bufs[p], rsems[p])
    for c in range(_NCHUNK):
        b = c % 4
        rhdl[b].wait()
        whdl[b] = pltpu.async_copy(
            bufs[b], xout_hbm.at[pl.ds(base + c * _CHUNK, _CHUNK)], wsems[b])
        if c + 3 < _NCHUNK:
            nb = (c + 3) % 4
            if whdl[nb] is not None:
                whdl[nb].wait()
                whdl[nb] = None
            rhdl[nb] = pltpu.async_copy(
                x_hbm.at[pl.ds(base + (c + 3) * _CHUNK, _CHUNK)],
                bufs[nb], rsems[nb])
        bb = bufs[b]

        @plsc.parallel_loop(0, _CHUNK, _L, unroll=4)
        def _vstep(i):
            v = bb[pl.ds(i, _L)]
            t = (v - lo) * scale
            ii = t.astype(jnp.int32)
            idx = jnp.minimum(jnp.maximum(ii, -1), _BINS)
            plsc.addupdate_scatter(hist_v, [lane_base + idx], ones)

    for b in range(4):
        if whdl[b] is not None:
            whdl[b].wait()

    def _rcol(j, _):
        def _rrow(r, acc):
            return acc + hist_v[pl.ds(r * _RSTRIDE + 1 + j * _L, _L)]
        acc = lax.fori_loop(0, _L, _rrow, zeros)
        out_v[pl.ds(j * _L, _L)] = acc
        return 0
    lax.fori_loop(0, _BINS // _L, _rcol, 0)

    pltpu.sync_copy(out_v, out_hbm.at[wid])


_hist = functools.partial(
    pl.kernel,
    out_type=[jax.ShapeDtypeStruct((_NW, _BINS), jnp.float32),
              jax.ShapeDtypeStruct((_N,), jnp.float32)],
    mesh=_mesh,
    compiler_params=pltpu.CompilerParams(needs_layout_passes=False),
    scratch_types=[
        pltpu.VMEM((_CHUNK,), jnp.float32),
        pltpu.VMEM((_CHUNK,), jnp.float32),
        pltpu.VMEM((_CHUNK,), jnp.float32),
        pltpu.VMEM((_CHUNK,), jnp.float32),
        pltpu.VMEM((2 * _L,), jnp.float32),
        pltpu.VMEM((_L * _RSTRIDE,), jnp.float32),
        pltpu.VMEM((_BINS,), jnp.float32),
        pltpu.SemaphoreType.DMA,
        pltpu.SemaphoreType.DMA,
        pltpu.SemaphoreType.DMA,
        pltpu.SemaphoreType.DMA,
        pltpu.SemaphoreType.DMA,
        pltpu.SemaphoreType.DMA,
        pltpu.SemaphoreType.DMA,
        pltpu.SemaphoreType.DMA,
    ],
)(_hist_body)


def kernel(x_orig):
    x = lax.stop_gradient(x_orig)
    mn, mx, params = _minmax(x.reshape(_N // 128, 128))
    mn_s = mn[0, 0]
    mx_s = mx[0, 0]
    parts, x_out = _hist(x, params)
    histogram = jnp.sum(parts, axis=0)
    return x_out, histogram, mn_s, mx_s

# --- scband reference (transcript-rebuilt; emitter-appended) ---
"""Pipeline reference for scband-histogram-normalizer-48833778156025 (READ-ONLY COPY).

The authoritative reference and input builder live on the scoring server;
editing this copy changes nothing except your own understanding.
"""

import jax, jax.numpy as jnp
import numpy as np

BINS = 256

def setup_inputs(seed: int = 0) -> dict:
    key = jax.random.key(seed)
    x_orig = jax.random.normal(key, (16777216,), dtype=jnp.float32)
    return {"x_orig": x_orig}

def reference(x_orig):
    # Faithful translation of HistogramNormalizer.forward
    # x = x_orig.detach()
    x = jax.lax.stop_gradient(x_orig)
    new_min = jnp.min(x)
    new_max = jnp.max(x)
    # self.min_val starts at +inf, self.max_val starts at -inf (fresh buffers)
    min_val = jnp.minimum(jnp.float32(jnp.inf), new_min)
    max_val = jnp.maximum(jnp.float32(-jnp.inf), new_max)
    # torch.histc(x, min=int(min_val), max=int(max_val), bins=BINS)
    # int() truncates toward zero
    lo = jnp.trunc(min_val)
    hi = jnp.trunc(max_val)
    span = hi - lo
    safe_span = jnp.where(span == 0, jnp.float32(1.0), span)
    idx = jnp.floor((x - lo) / safe_span * BINS).astype(jnp.int32)
    # values exactly equal to hi land in the last bin (torch.histc semantics)
    idx = jnp.where(x == hi, BINS - 1, idx)
    in_range = (x >= lo) & (x <= hi)
    idx = jnp.clip(idx, 0, BINS - 1)
    histogram = jnp.zeros((BINS,), dtype=jnp.float32).at[idx].add(in_range.astype(jnp.float32))
    # The torch module updates buffers (histogram/min_val/max_val are side effects)
    # and returns x_orig unchanged; we surface the buffer updates as extra outputs.
    return x_orig, histogram, min_val, max_val

if __name__ == "__main__":
    import jax
    _d = setup_inputs()
    print(jax.jit(kernel)(*tuple(_d.values())))

</pallas_src>

<mosaic_0001>
#map = affine_map<(d0, d1) -> (0)>
#map1 = affine_map<(d0, d1) -> (0, 0)>
module attributes {stable_mosaic.version = 14 : i64} {
  func.func @_hist_body(%arg0: i32, %arg1: i32, %arg2: memref<16777216xf32, #tpu.memory_space<hbm>>, %arg3: memref<32xf32, #tpu.memory_space<hbm>>, %arg4: memref<32x256xf32, #tpu.memory_space<hbm>>, %arg5: memref<16777216xf32, #tpu.memory_space<hbm>>, %arg6: memref<16384xf32, #tpu.memory_space<vmem>>, %arg7: memref<16384xf32, #tpu.memory_space<vmem>>, %arg8: memref<16384xf32, #tpu.memory_space<vmem>>, %arg9: memref<16384xf32, #tpu.memory_space<vmem>>, %arg10: memref<32xf32, #tpu.memory_space<vmem>>, %arg11: memref<4224xf32, #tpu.memory_space<vmem>>, %arg12: memref<256xf32, #tpu.memory_space<vmem>>, %arg13: memref<!tpu.dma_semaphore, #tpu.memory_space<semaphore_mem>>, %arg14: memref<!tpu.dma_semaphore, #tpu.memory_space<semaphore_mem>>, %arg15: memref<!tpu.dma_semaphore, #tpu.memory_space<semaphore_mem>>, %arg16: memref<!tpu.dma_semaphore, #tpu.memory_space<semaphore_mem>>, %arg17: memref<!tpu.dma_semaphore, #tpu.memory_space<semaphore_mem>>, %arg18: memref<!tpu.dma_semaphore, #tpu.memory_space<semaphore_mem>>, %arg19: memref<!tpu.dma_semaphore, #tpu.memory_space<semaphore_mem>>, %arg20: memref<!tpu.dma_semaphore, #tpu.memory_space<semaphore_mem>>) attributes {dimension_semantics = [#tpu.dimension_semantics<core_parallel>, #tpu.dimension_semantics<subcore_parallel>], iteration_bounds = array<i64: 2, 16>, scalar_prefetch = 0 : i64, scratch_operands = 15 : i64, tpu.core_type = #tpu.core_type<sc_vector_subcore>, window_params = [{transform_indices = #map}, {transform_indices = #map}, {transform_indices = #map1}, {transform_indices = #map}]} {
    %mul3A = arith.constant 2 : i32
    %mul3A_0 = arith.muli %arg1, %mul3A : i32
    %add3A = arith.addi %mul3A_0, %arg0 : i32
    %mul3A_1 = arith.constant 524288 : i32
    %mul3A_2 = arith.muli %add3A, %mul3A_1 : i32
    "tpu.region"() ({
      %run_scoped3A = tpu.sem_alloc : memref<!tpu.dma_semaphore, #tpu.memory_space<semaphore_mem>>
      tpu.enqueue_dma source(%arg3 : memref<32xf32, #tpu.memory_space<hbm>>) target(%arg10 : memref<32xf32, #tpu.memory_space<vmem>>) target_semaphore(%run_scoped3A : memref<!tpu.dma_semaphore, #tpu.memory_space<semaphore_mem>>)
      tpu.wait_dma2 semaphore(%run_scoped3A : memref<!tpu.dma_semaphore, #tpu.memory_space<semaphore_mem>>) src(%arg3 : memref<32xf32, #tpu.memory_space<hbm>>) dst(%arg10 : memref<32xf32, #tpu.memory_space<vmem>>)
      tpu.yield
    }) : () -> ()
    %get3A = arith.constant 0 : index
    %get3A_3 = tpu.vector_load %arg10[%get3A] {strides = array<i32>} : memref<32xf32, #tpu.memory_space<vmem>>, vector<16xf32>,
    %get3A_4 = arith.constant 16 : index
    %get3A_5 = tpu.vector_load %arg10[%get3A_4] {strides = array<i32>} : memref<32xf32, #tpu.memory_space<vmem>>, vector<16xf32>,
    %iota3A = tpu.iota {dimensions = array<i32: 0>} : vector<16xi32>
    %mul3A_6 = arith.constant 264 : i32
    %mul3A_7 = vector.broadcast %mul3A_6 : i32 to vector<16xi32>
    %mul3A_8 = arith.muli %iota3A, %mul3A_7 : vector<16xi32>
    %add3A_9 = arith.constant 1 : i32
    %add3A_10 = vector.broadcast %add3A_9 : i32 to vector<16xi32>
    %add3A_11 = arith.addi %mul3A_8, %add3A_10 : vector<16xi32>
    %broadcast_in_dim3A = arith.constant 1.000000e+00 : f32
    %broadcast_in_dim3A_12 = vector.broadcast %broadcast_in_dim3A : f32 to vector<16xf32>
    %broadcast_in_dim3A_13 = arith.constant 0.000000e+00 : f32
    %broadcast_in_dim3A_14 = vector.broadcast %broadcast_in_dim3A_13 : f32 to vector<16xf32>
    %scan3A = arith.constant 0 : i32
    %scan3A_15 = arith.constant 0 : i32
    %scan3A_16 = arith.constant 264 : i32
    %scan3A_17 = arith.addi %scan3A_15, %scan3A_16 : i32
    %scan3A_18 = arith.constant 1 : i32
    %scan3A_19 = scf.for %scan3A_505 = %scan3A_15 to %scan3A_17 step %scan3A_18 iter_args(%scan3A_506 = %scan3A) -> (i32)  : i32 {
      %mul3A_507 = arith.constant 16 : i32
      %mul3A_508 = arith.muli %scan3A_505, %mul3A_507 : i32
      %swap3A = arith.index_cast %mul3A_508 : i32 to index
      %swap3A_509 = tpu.vector_load %arg11[%swap3A] {strides = array<i32>} : memref<4224xf32, #tpu.memory_space<vmem>>, vector<16xf32>,
      tpu.vector_store %arg11[%swap3A], %broadcast_in_dim3A_14 {strides = array<i32>} : memref<4224xf32, #tpu.memory_space<vmem>>, vector<16xf32>,
      %scan3A_510 = arith.constant 0 : i32
      scf.yield %scan3A_510 : i32
    }
    %scan3A_20 = arith.constant 264 : i32
    %add3A_21 = arith.constant 0 : i32
    %add3A_22 = arith.addi %mul3A_2, %add3A_21 : i32
    %dma_start3A = tpu.memref_slice %arg2[%add3A_22] : memref<16777216xf32, #tpu.memory_space<hbm>> -> memref<16384xf32, #tpu.memory_space<hbm>>
    %dma_start3A_23 = tpu.memref_slice %arg2[%add3A_22] : memref<16777216xf32, #tpu.memory_space<hbm>> -> memref<16384xf32, #tpu.memory_space<hbm>>
    tpu.enqueue_dma source(%dma_start3A_23 : memref<16384xf32, #tpu.memory_space<hbm>>) target(%arg6 : memref<16384xf32, #tpu.memory_space<vmem>>) target_semaphore(%arg13 : memref<!tpu.dma_semaphore, #tpu.memory_space<semaphore_mem>>)
    %add3A_24 = arith.constant 16384 : i32
    %add3A_25 = arith.addi %mul3A_2, %add3A_24 : i32
    %dma_start3A_26 = tpu.memref_slice %arg2[%add3A_25] : memref<16777216xf32, #tpu.memory_space<hbm>> -> memref<16384xf32, #tpu.memory_space<hbm>>
    %dma_start3A_27 = tpu.memref_slice %arg2[%add3A_25] : memref<16777216xf32, #tpu.memory_space<hbm>> -> memref<16384xf32, #tpu.memory_space<hbm>>
    tpu.enqueue_dma source(%dma_start3A_27 : memref<16384xf32, #tpu.memory_space<hbm>>) target(%arg7 : memref<16384xf32, #tpu.memory_space<vmem>>) target_semaphore(%arg14 : memref<!tpu.dma_semaphore, #tpu.memory_space<semaphore_mem>>)
    %add3A_28 = arith.constant 32768 : i32
    %add3A_29 = arith.addi %mul3A_2, %add3A_28 : i32
    %dma_start3A_30 = tpu.memref_slice %arg2[%add3A_29] : memref<16777216xf32, #tpu.memory_space<hbm>> -> memref<16384xf32, #tpu.memory_space<hbm>>
    %dma_start3A_31 = tpu.memref_slice %arg2[%add3A_29] : memref<16777216xf32, #tpu.memory_space<hbm>> -> memref<16384xf32, #tpu.memory_space<hbm>>
    tpu.enqueue_dma source(%dma_start3A_31 : memref<16384xf32, #tpu.memory_space<hbm>>) target(%arg8 : memref<16384xf32, #tpu.memory_space<vmem>>) target_semaphore(%arg15 : memref<!tpu.dma_semaphore, #tpu.memory_space<semaphore_mem>>)
    %dma_wait3A = tpu.memref_slice %arg2[%add3A_22] : memref<16777216xf32, #tpu.memory_space<hbm>> -> memref<16384xf32, #tpu.memory_space<hbm>>
    %dma_wait3A_32 = tpu.memref_slice %arg2[%add3A_22] : memref<16777216xf32, #tpu.memory_space<hbm>> -> memref<16384xf32, #tpu.memory_space<hbm>>
    tpu.wait_dma2 semaphore(%arg13 : memref<!tpu.dma_semaphore, #tpu.memory_space<semaphore_mem>>) src(%dma_wait3A_32 : memref<16384xf32, #tpu.memory_space<hbm>>) dst(%arg6 : memref<16384xf32, #tpu.memory_space<vmem>>)
    %add3A_33 = arith.constant 0 : i32
    %add3A_34 = arith.addi %mul3A_2, %add3A_33 : i32
    %dma_start3A_35 = tpu.memref_slice %arg5[%add3A_34] : memref<16777216xf32, #tpu.memory_space<hbm>> -> memref<16384xf32, #tpu.memory_space<hbm>>
    %dma_start3A_36 = tpu.memref_slice %arg5[%add3A_34] : memref<16777216xf32, #tpu.memory_space<hbm>> -> memref<16384xf32, #tpu.memory_space<hbm>>
    tpu.enqueue_dma source(%arg6 : memref<16384xf32, #tpu.memory_space<vmem>>) target(%dma_start3A_36 : memref<16384xf32, #tpu.memory_space<hbm>>) target_semaphore(%arg17 : memref<!tpu.dma_semaphore, #tpu.memory_space<semaphore_mem>>)
    %add3A_37 = arith.constant 49152 : i32
    %add3A_38 = arith.addi %mul3A_2, %add3A_37 : i32
    %dma_start3A_39 = tpu.memref_slice %arg2[%add3A_38] : memref<16777216xf32, #tpu.memory_space<hbm>> -> memref<16384xf32, #tpu.memory_space<hbm>>
    %dma_start3A_40 = tpu.memref_slice %arg2[%add3A_38] : memref<16777216xf32, #tpu.memory_space<hbm>> -> memref<16384xf32, #tpu.memory_space<hbm>>
    tpu.enqueue_dma source(%dma_start3A_40 : memref<16384xf32, #tpu.memory_space<hbm>>) target(%arg9 : memref<16384xf32, #tpu.memory_space<vmem>>) target_semaphore(%arg16 : memref<!tpu.dma_semaphore, #tpu.memory_space<semaphore_mem>>)
    %parallel_loop3A = arith.constant 0 : i32
    %parallel_loop3A_41 = arith.constant 16384 : i32
    %parallel_loop3A_42 = arith.constant 16 : i32
    scf.for %parallel_loop3A_505 = %parallel_loop3A to %parallel_loop3A_41 step %parallel_loop3A_42  : i32 {
      %parallel_loop3A_506 = arith.index_cast %parallel_loop3A_505 : i32 to index
      %parallel_loop3A_507 = tpu.vector_load %arg6[%parallel_loop3A_506] {strides = array<i32>} : memref<16384xf32, #tpu.memory_space<vmem>>, vector<16xf32>,
      %parallel_loop3A_508 = arith.subf %parallel_loop3A_507, %get3A_3 : vector<16xf32>
      %parallel_loop3A_509 = arith.mulf %parallel_loop3A_508, %get3A_5 : vector<16xf32>
      %parallel_loop3A_510 = arith.fptosi %parallel_loop3A_509 : vector<16xf32> to vector<16xi32>
      %parallel_loop3A_511 = arith.constant -1 : i32
      %parallel_loop3A_512 = vector.broadcast %parallel_loop3A_511 : i32 to vector<16xi32>
      %parallel_loop3A_513 = arith.maxsi %parallel_loop3A_510, %parallel_loop3A_512 : vector<16xi32>
      %parallel_loop3A_514 = arith.constant 256 : i32
      %parallel_loop3A_515 = vector.broadcast %parallel_loop3A_514 : i32 to vector<16xi32>
      %parallel_loop3A_516 = arith.minsi %parallel_loop3A_513, %parallel_loop3A_515 : vector<16xi32>
      %parallel_loop3A_517 = arith.addi %add3A_11, %parallel_loop3A_516 : vector<16xi32>
      tpu.vector_store_idx %arg11[%parallel_loop3A_517], %broadcast_in_dim3A_12 {add = true} : memref<4224xf32, #tpu.memory_space<vmem>>[vector<16xi32>], vector<16xf32>,
    } {sc.loop_unroll_factor = 4 : i64, sc.parallel_access}
    %dma_wait3A_43 = tpu.memref_slice %arg2[%add3A_25] : memref<16777216xf32, #tpu.memory_space<hbm>> -> memref<16384xf32, #tpu.memory_space<hbm>>
    %dma_wait3A_44 = tpu.memref_slice %arg2[%add3A_25] : memref<16777216xf32, #tpu.memory_space<hbm>> -> memref<16384xf32, #tpu.memory_space<hbm>>
    tpu.wait_dma2 semaphore(%arg14 : memref<!tpu.dma_semaphore, #tpu.memory_space<semaphore_mem>>) src(%dma_wait3A_44 : memref<16384xf32, #tpu.memory_space<hbm>>) dst(%arg7 : memref<16384xf32, #tpu.memory_space<vmem>>)
    %add3A_45 = arith.constant 16384 : i32
    %add3A_46 = arith.addi %mul3A_2, %add3A_45 : i32
    %dma_start3A_47 = tpu.memref_slice %arg5[%add3A_46] : memref<16777216xf32, #tpu.memory_space<hbm>> -> memref<16384xf32, #tpu.memory_space<hbm>>
    %dma_start3A_48 = tpu.memref_slice %arg5[%add3A_46] : memref<16777216xf32, #tpu.memory_space<hbm>> -> memref<16384xf32, #tpu.memory_space<hbm>>
    tpu.enqueue_dma source(%arg7 : memref<16384xf32, #tpu.memory_space<vmem>>) target(%dma_start3A_48 : memref<16384xf32, #tpu.memory_space<hbm>>) target_semaphore(%arg18 : memref<!tpu.dma_semaphore, #tpu.memory_space<semaphore_mem>>)
    %dma_wait3A_49 = tpu.memref_slice %arg5[%add3A_34] : memref<16777216xf32, #tpu.memory_space<hbm>> -> memref<16384xf32, #tpu.memory_space<hbm>>
    %dma_wait3A_50 = tpu.memref_slice %arg5[%add3A_34] : memref<16777216xf32, #tpu.memory_space<hbm>> -> memref<16384xf32, #tpu.memory_space<hbm>>
    tpu.wait_dma2 semaphore(%arg17 : memref<!tpu.dma_semaphore, #tpu.memory_space<semaphore_mem>>) src(%arg6 : memref<16384xf32, #tpu.memory_space<vmem>>) dst(%dma_wait3A_50 : memref<16384xf32, #tpu.memory_space<hbm>>)
    %add3A_51 = arith.constant 65536 : i32
    %add3A_52 = arith.addi %mul3A_2, %add3A_51 : i32
    %dma_start3A_53 = tpu.memref_slice %arg2[%add3A_52] : memref<16777216xf32, #tpu.memory_space<hbm>> -> memref<16384xf32, #tpu.memory_space<hbm>>
    %dma_start3A_54 = tpu.memref_slice %arg2[%add3A_52] : memref<16777216xf32, #tpu.memory_space<hbm>> -> memref<16384xf32, #tpu.memory_space<hbm>>
    tpu.enqueue_dma source(%dma_start3A_54 : memref<16384xf32, #tpu.memory_space<hbm>>) target(%arg6 : memref<16384xf32, #tpu.memory_space<vmem>>) target_semaphore(%arg13 : memref<!tpu.dma_semaphore, #tpu.memory_space<semaphore_mem>>)
    %parallel_loop3A_55 = arith.constant 0 : i32
    %parallel_loop3A_56 = arith.constant 16384 : i32
    %parallel_loop3A_57 = arith.constant 16 : i32
    scf.for %parallel_loop3A_505 = %parallel_loop3A_55 to %parallel_loop3A_56 step %parallel_loop3A_57  : i32 {
      %parallel_loop3A_506 = arith.index_cast %parallel_loop3A_505 : i32 to index
      %parallel_loop3A_507 = tpu.vector_load %arg7[%parallel_loop3A_506] {strides = array<i32>} : memref<16384xf32, #tpu.memory_space<vmem>>, vector<16xf32>,
      %parallel_loop3A_508 = arith.subf %parallel_loop3A_507, %get3A_3 : vector<16xf32>
      %parallel_loop3A_509 = arith.mulf %parallel_loop3A_508, %get3A_5 : vector<16xf32>
      %parallel_loop3A_510 = arith.fptosi %parallel_loop3A_509 : vector<16xf32> to vector<16xi32>
      %parallel_loop3A_511 = arith.constant -1 : i32
      %parallel_loop3A_512 = vector.broadcast %parallel_loop3A_511 : i32 to vector<16xi32>
      %parallel_loop3A_513 = arith.maxsi %parallel_loop3A_510, %parallel_loop3A_512 : vector<16xi32>
      %parallel_loop3A_514 = arith.constant 256 : i32
      %parallel_loop3A_515 = vector.broadcast %parallel_loop3A_514 : i32 to vector<16xi32>
      %parallel_loop3A_516 = arith.minsi %parallel_loop3A_513, %parallel_loop3A_515 : vector<16xi32>
      %parallel_loop3A_517 = arith.addi %add3A_11, %parallel_loop3A_516 : vector<16xi32>
      tpu.vector_store_idx %arg11[%parallel_loop3A_517], %broadcast_in_dim3A_12 {add = true} : memref<4224xf32, #tpu.memory_space<vmem>>[vector<16xi32>], vector<16xf32>,
    } {sc.loop_unroll_factor = 4 : i64, sc.parallel_access}
    %dma_wait3A_58 = tpu.memref_slice %arg2[%add3A_29] : memref<16777216xf32, #tpu.memory_space<hbm>> -> memref<16384xf32, #tpu.memory_space<hbm>>
    %dma_wait3A_59 = tpu.memref_slice %arg2[%add3A_29] : memref<16777216xf32, #tpu.memory_space<hbm>> -> memref<16384xf32, #tpu.memory_space<hbm>>
    tpu.wait_dma2 semaphore(%arg15 : memref<!tpu.dma_semaphore, #tpu.memory_space<semaphore_mem>>) src(%dma_wait3A_59 : memref<16384xf32, #tpu.memory_space<hbm>>) dst(%arg8 : memref<16384xf32, #tpu.memory_space<vmem>>)
    %add3A_60 = arith.constant 32768 : i32
    %add3A_61 = arith.addi %mul3A_2, %add3A_60 : i32
    %dma_start3A_62 = tpu.memref_slice %arg5[%add3A_61] : memref<16777216xf32, #tpu.memory_space<hbm>> -> memref<16384xf32, #tpu.memory_space<hbm>>
    %dma_start3A_63 = tpu.memref_slice %arg5[%add3A_61] : memref<16777216xf32, #tpu.memory_space<hbm>> -> memref<16384xf32, #tpu.memory_space<hbm>>
    tpu.enqueue_dma source(%arg8 : memref<16384xf32, #tpu.memory_space<vmem>>) target(%dma_start3A_63 : memref<16384xf32, #tpu.memory_space<hbm>>) target_semaphore(%arg19 : memref<!tpu.dma_semaphore, #tpu.memory_space<semaphore_mem>>)
    %dma_wait3A_64 = tpu.memref_slice %arg5[%add3A_46] : memref<16777216xf32, #tpu.memory_space<hbm>> -> memref<16384xf32, #tpu.memory_space<hbm>>
    %dma_wait3A_65 = tpu.memref_slice %arg5[%add3A_46] : memref<16777216xf32, #tpu.memory_space<hbm>> -> memref<16384xf32, #tpu.memory_space<hbm>>
    tpu.wait_dma2 semaphore(%arg18 : memref<!tpu.dma_semaphore, #tpu.memory_space<semaphore_mem>>) src(%arg7 : memref<16384xf32, #tpu.memory_space<vmem>>) dst(%dma_wait3A_65 : memref<16384xf32, #tpu.memory_space<hbm>>)
    %add3A_66 = arith.constant 81920 : i32
    %add3A_67 = arith.addi %mul3A_2, %add3A_66 : i32
    %dma_start3A_68 = tpu.memref_slice %arg2[%add3A_67] : memref<16777216xf32, #tpu.memory_space<hbm>> -> memref<16384xf32, #tpu.memory_space<hbm>>
    %dma_start3A_69 = tpu.memref_slice %arg2[%add3A_67] : memref<16777216xf32, #tpu.memory_space<hbm>> -> memref<16384xf32, #tpu.memory_space<hbm>>
    tpu.enqueue_dma source(%dma_start3A_69 : memref<16384xf32, #tpu.memory_space<hbm>>) target(%arg7 : memref<16384xf32, #tpu.memory_space<vmem>>) target_semaphore(%arg14 : memref<!tpu.dma_semaphore, #tpu.memory_space<semaphore_mem>>)
    %parallel_loop3A_70 = arith.constant 0 : i32
    %parallel_loop3A_71 = arith.constant 16384 : i32
    %parallel_loop3A_72 = arith.constant 16 : i32
    scf.for %parallel_loop3A_505 = %parallel_loop3A_70 to %parallel_loop3A_71 step %parallel_loop3A_72  : i32 {
      %parallel_loop3A_506 = arith.index_cast %parallel_loop3A_505 : i32 to index
      %parallel_loop3A_507 = tpu.vector_load %arg8[%parallel_loop3A_506] {strides = array<i32>} : memref<16384xf32, #tpu.memory_space<vmem>>, vector<16xf32>,
      %parallel_loop3A_508 = arith.subf %parallel_loop3A_507, %get3A_3 : vector<16xf32>
      %parallel_loop3A_509 = arith.mulf %parallel_loop3A_508, %get3A_5 : vector<16xf32>
      %parallel_loop3A_510 = arith.fptosi %parallel_loop3A_509 : vector<16xf32> to vector<16xi32>
      %parallel_loop3A_511 = arith.constant -1 : i32
      %parallel_loop3A_512 = vector.broadcast %parallel_loop3A_511 : i32 to vector<16xi32>
      %parallel_loop3A_513 = arith.maxsi %parallel_loop3A_510, %parallel_loop3A_512 : vector<16xi32>
      %parallel_loop3A_514 = arith.constant 256 : i32
      %parallel_loop3A_515 = vector.broadcast %parallel_loop3A_514 : i32 to vector<16xi32>
      %parallel_loop3A_516 = arith.minsi %parallel_loop3A_513, %parallel_loop3A_515 : vector<16xi32>
      %parallel_loop3A_517 = arith.addi %add3A_11, %parallel_loop3A_516 : vector<16xi32>
      tpu.vector_store_idx %arg11[%parallel_loop3A_517], %broadcast_in_dim3A_12 {add = true} : memref<4224xf32, #tpu.memory_space<vmem>>[vector<16xi32>], vector<16xf32>,
    } {sc.loop_unroll_factor = 4 : i64, sc.parallel_access}
    %dma_wait3A_73 = tpu.memref_slice %arg2[%add3A_38] : memref<16777216xf32, #tpu.memory_space<hbm>> -> memref<16384xf32, #tpu.memory_space<hbm>>
    %dma_wait3A_74 = tpu.memref_slice %arg2[%add3A_38] : memref<16777216xf32, #tpu.memory_space<hbm>> -> memref<16384xf32, #tpu.memory_space<hbm>>
    tpu.wait_dma2 semaphore(%arg16 : memref<!tpu.dma_semaphore, #tpu.memory_space<semaphore_mem>>) src(%dma_wait3A_74 : memref<16384xf32, #tpu.memory_space<hbm>>) dst(%arg9 : memref<16384xf32, #tpu.memory_space<vmem>>)
    %add3A_75 = arith.constant 49152 : i32
    %add3A_76 = arith.addi %mul3A_2, %add3A_75 : i32
    %dma_start3A_77 = tpu.memref_slice %arg5[%add3A_76] : memref<16777216xf32, #tpu.memory_space<hbm>> -> memref<16384xf32, #tpu.memory_space<hbm>>
    %dma_start3A_78 = tpu.memref_slice %arg5[%add3A_76] : memref<16777216xf32, #tpu.memory_space<hbm>> -> memref<16384xf32, #tpu.memory_space<hbm>>
    tpu.enqueue_dma source(%arg9 : memref<16384xf32, #tpu.memory_space<vmem>>) target(%dma_start3A_78 : memref<16384xf32, #tpu.memory_space<hbm>>) target_semaphore(%arg20 : memref<!tpu.dma_semaphore, #tpu.memory_space<semaphore_mem>>)
    %dma_wait3A_79 = tpu.memref_slice %arg5[%add3A_61] : memref<16777216xf32, #tpu.memory_space<hbm>> -> memref<16384xf32, #tpu.memory_space<hbm>>
    %dma_wait3A_80 = tpu.memref_slice %arg5[%add3A_61] : memref<16777216xf32, #tpu.memory_space<hbm>> -> memref<16384xf32, #tpu.memory_space<hbm>>
    tpu.wait_dma2 semaphore(%arg19 : memref<!tpu.dma_semaphore, #tpu.memory_space<semaphore_mem>>) src(%arg8 : memref<16384xf32, #tpu.memory_space<vmem>>) dst(%dma_wait3A_80 : memref<16384xf32, #tpu.memory_space<hbm>>)
    %add3A_81 = arith.constant 98304 : i32
    %add3A_82 = arith.addi %mul3A_2, %add3A_81 : i32
    %dma_start3A_83 = tpu.memref_slice %arg2[%add3A_82] : memref<16777216xf32, #tpu.memory_space<hbm>> -> memref<16384xf32, #tpu.memory_space<hbm>>
    %dma_start3A_84 = tpu.memref_slice %arg2[%add3A_82] : memref<16777216xf32, #tpu.memory_space<hbm>> -> memref<16384xf32, #tpu.memory_space<hbm>>
    tpu.enqueue_dma source(%dma_start3A_84 : memref<16384xf32, #tpu.memory_space<hbm>>) target(%arg8 : memref<16384xf32, #tpu.memory_space<vmem>>) target_semaphore(%arg15 : memref<!tpu.dma_semaphore, #tpu.memory_space<semaphore_mem>>)
    %parallel_loop3A_85 = arith.constant 0 : i32
    %parallel_loop3A_86 = arith.constant 16384 : i32
    %parallel_loop3A_87 = arith.constant 16 : i32
    scf.for %parallel_loop3A_505 = %parallel_loop3A_85 to %parallel_loop3A_86 step %parallel_loop3A_87  : i32 {
      %parallel_loop3A_506 = arith.index_cast %parallel_loop3A_505 : i32 to index
      %parallel_loop3A_507 = tpu.vector_load %arg9[%parallel_loop3A_506] {strides = array<i32>} : memref<16384xf32, #tpu.memory_space<vmem>>, vector<16xf32>,
      %parallel_loop3A_508 = arith.subf %parallel_loop3A_507, %get3A_3 : vector<16xf32>
      %parallel_loop3A_509 = arith.mulf %parallel_loop3A_508, %get3A_5 : vector<16xf32>
      %parallel_loop3A_510 = arith.fptosi %parallel_loop3A_509 : vector<16xf32> to vector<16xi32>
      %parallel_loop3A_511 = arith.constant -1 : i32
      %parallel_loop3A_512 = vector.broadcast %parallel_loop3A_511 : i32 to vector<16xi32>
      %parallel_loop3A_513 = arith.maxsi %parallel_loop3A_510, %parallel_loop3A_512 : vector<16xi32>
      %parallel_loop3A_514 = arith.constant 256 : i32
      %parallel_loop3A_515 = vector.broadcast %parallel_loop3A_514 : i32 to vector<16xi32>
      %parallel_loop3A_516 = arith.minsi %parallel_loop3A_513, %parallel_loop3A_515 : vector<16xi32>
      %parallel_loop3A_517 = arith.addi %add3A_11, %parallel_loop3A_516 : vector<16xi32>
      tpu.vector_store_idx %arg11[%parallel_loop3A_517], %broadcast_in_dim3A_12 {add = true} : memref<4224xf32, #tpu.memory_space<vmem>>[vector<16xi32>], vector<16xf32>,
    } {sc.loop_unroll_factor = 4 : i64, sc.parallel_access}
    %dma_wait3A_88 = tpu.memref_slice %arg2[%add3A_52] : memref<16777216xf32, #tpu.memory_space<hbm>> -> memref<16384xf32, #tpu.memory_space<hbm>>
    %dma_wait3A_89 = tpu.memref_slice %arg2[%add3A_52] : memref<16777216xf32, #tpu.memory_space<hbm>> -> memref<16384xf32, #tpu.memory_space<hbm>>
    tpu.wait_dma2 semaphore(%arg13 : memref<!tpu.dma_semaphore, #tpu.memory_space<semaphore_mem>>) src(%dma_wait3A_89 : memref<16384xf32, #tpu.memory_space<hbm>>) dst(%arg6 : memref<16384xf32, #tpu.memory_space<vmem>>)
    %add3A_90 = arith.constant 65536 : i32
    %add3A_91 = arith.addi %mul3A_2, %add3A_90 : i32
    %dma_start3A_92 = tpu.memref_slice %arg5[%add3A_91] : memref<16777216xf32, #tpu.memory_space<hbm>> -> memref<16384xf32, #tpu.memory_space<hbm>>
    %dma_start3A_93 = tpu.memref_slice %arg5[%add3A_91] : memref<16777216xf32, #tpu.memory_space<hbm>> -> memref<16384xf32, #tpu.memory_space<hbm>>
    tpu.enqueue_dma source(%arg6 : memref<16384xf32, #tpu.memory_space<vmem>>) target(%dma_start3A_93 : memref<16384xf32, #tpu.memory_space<hbm>>) target_semaphore(%arg17 : memref<!tpu.dma_semaphore, #tpu.memory_space<semaphore_mem>>)
    %dma_wait3A_94 = tpu.memref_slice %arg5[%add3A_76] : memref<16777216xf32, #tpu.memory_space<hbm>> -> memref<16384xf32, #tpu.memory_space<hbm>>
    %dma_wait3A_95 = tpu.memref_slice %arg5[%add3A_76] : memref<16777216xf32, #tpu.memory_space<hbm>> -> memref<16384xf32, #tpu.memory_space<hbm>>
    tpu.wait_dma2 semaphore(%arg20 : memref<!tpu.dma_semaphore, #tpu.memory_space<semaphore_mem>>) src(%arg9 : memref<16384xf32, #tpu.memory_space<vmem>>) dst(%dma_wait3A_95 : memref<16384xf32, #tpu.memory_space<hbm>>)
    %add3A_96 = arith.constant 114688 : i32
    %add3A_97 = arith.addi %mul3A_2, %add3A_96 : i32
    %dma_start3A_98 = tpu.memref_slice %arg2[%add3A_97] : memref<16777216xf32, #tpu.memory_space<hbm>> -> memref<16384xf32, #tpu.memory_space<hbm>>
    %dma_start3A_99 = tpu.memref_slice %arg2[%add3A_97] : memref<16777216xf32, #tpu.memory_space<hbm>> -> memref<16384xf32, #tpu.memory_space<hbm>>
    tpu.enqueue_dma source(%dma_start3A_99 : memref<16384xf32, #tpu.memory_space<hbm>>) target(%arg9 : memref<16384xf32, #tpu.memory_space<vmem>>) target_semaphore(%arg16 : memref<!tpu.dma_semaphore, #tpu.memory_space<semaphore_mem>>)
    %parallel_loop3A_100 = arith.constant 0 : i32
    %parallel_loop3A_101 = arith.constant 16384 : i32
    %parallel_loop3A_102 = arith.constant 16 : i32
    scf.for %parallel_loop3A_505 = %parallel_loop3A_100 to %parallel_loop3A_101 step %parallel_loop3A_102  : i32 {
      %parallel_loop3A_506 = arith.index_cast %parallel_loop3A_505 : i32 to index
      %parallel_loop3A_507 = tpu.vector_load %arg6[%parallel_loop3A_506] {strides = array<i32>} : memref<16384xf32, #tpu.memory_space<vmem>>, vector<16xf32>,
      %parallel_loop3A_508 = arith.subf %parallel_loop3A_507, %get3A_3 : vector<16xf32>
      %parallel_loop3A_509 = arith.mulf %parallel_loop3A_508, %get3A_5 : vector<16xf32>
      %parallel_loop3A_510 = arith.fptosi %parallel_loop3A_509 : vector<16xf32> to vector<16xi32>
      %parallel_loop3A_511 = arith.constant -1 : i32
      %parallel_loop3A_512 = vector.broadcast %parallel_loop3A_511 : i32 to vector<16xi32>
      %parallel_loop3A_513 = arith.maxsi %parallel_loop3A_510, %parallel_loop3A_512 : vector<16xi32>
      %parallel_loop3A_514 = arith.constant 256 : i32
      %parallel_loop3A_515 = vector.broadcast %parallel_loop3A_514 : i32 to vector<16xi32>
      %parallel_loop3A_516 = arith.minsi %parallel_loop3A_513, %parallel_loop3A_515 : vector<16xi32>
      %parallel_loop3A_517 = arith.addi %add3A_11, %parallel_loop3A_516 : vector<16xi32>
      tpu.vector_store_idx %arg11[%parallel_loop3A_517], %broadcast_in_dim3A_12 {add = true} : memref<4224xf32, #tpu.memory_space<vmem>>[vector<16xi32>], vector<16xf32>,
    } {sc.loop_unroll_factor = 4 : i64, sc.parallel_access}
    %dma_wait3A_103 = tpu.memref_slice %arg2[%add3A_67] : memref<16777216xf32, #tpu.memory_space<hbm>> -> memref<16384xf32, #tpu.memory_space<hbm>>
    %dma_wait3A_104 = tpu.memref_slice %arg2[%add3A_67] : memref<16777216xf32, #tpu.memory_space<hbm>> -> memref<16384xf32, #tpu.memory_space<hbm>>
    tpu.wait_dma2 semaphore(%arg14 : memref<!tpu.dma_semaphore, #tpu.memory_space<semaphore_mem>>) src(%dma_wait3A_104 : memref<16384xf32, #tpu.memory_space<hbm>>) dst(%arg7 : memref<16384xf32, #tpu.memory_space<vmem>>)
    %add3A_105 = arith.constant 81920 : i32
    %add3A_106 = arith.addi %mul3A_2, %add3A_105 : i32
    %dma_start3A_107 = tpu.memref_slice %arg5[%add3A_106] : memref<16777216xf32, #tpu.memory_space<hbm>> -> memref<16384xf32, #tpu.memory_space<hbm>>
    %dma_start3A_108 = tpu.memref_slice %arg5[%add3A_106] : memref<16777216xf32, #tpu.memory_space<hbm>> -> memref<16384xf32, #tpu.memory_space<hbm>>
    tpu.enqueue_dma source(%arg7 : memref<16384xf32, #tpu.memory_space<vmem>>) target(%dma_start3A_108 : memref<16384xf32, #tpu.memory_space<hbm>>) target_semaphore(%arg18 : memref<!tpu.dma_semaphore, #tpu.memory_space<semaphore_mem>>)
    %dma_wait3A_109 = tpu.memref_slice %arg5[%add3A_91] : memref<16777216xf32, #tpu.memory_space<hbm>> -> memref<16384xf32, #tpu.memory_space<hbm>>
    %dma_wait3A_110 = tpu.memref_slice %arg5[%add3A_91] : memref<16777216xf32, #tpu.memory_space<hbm>> -> memref<16384xf32, #tpu.memory_space<hbm>>
    tpu.wait_dma2 semaphore(%arg17 : memref<!tpu.dma_semaphore, #tpu.memory_space<semaphore_mem>>) src(%arg6 : memref<16384xf32, #tpu.memory_space<vmem>>) dst(%dma_wait3A_110 : memref<16384xf32, #tpu.memory_space<hbm>>)
    %add3A_111 = arith.constant 131072 : i32
    %add3A_112 = arith.addi %mul3A_2, %add3A_111 : i32
    %dma_start3A_113 = tpu.memref_slice %arg2[%add3A_112] : memref<16777216xf32, #tpu.memory_space<hbm>> -> memref<16384xf32, #tpu.memory_space<hbm>>
    %dma_start3A_114 = tpu.memref_slice %arg2[%add3A_112] : memref<16777216xf32, #tpu.memory_space<hbm>> -> memref<16384xf32, #tpu.memory_space<hbm>>
    tpu.enqueue_dma source(%dma_start3A_114 : memref<16384xf32, #tpu.memory_space<hbm>>) target(%arg6 : memref<16384xf32, #tpu.memory_space<vmem>>) target_semaphore(%arg13 : memref<!tpu.dma_semaphore, #tpu.memory_space<semaphore_mem>>)
    %parallel_loop3A_115 = arith.constant 0 : i32
    %parallel_loop3A_116 = arith.constant 16384 : i32
    %parallel_loop3A_117 = arith.constant 16 : i32
    scf.for %parallel_loop3A_505 = %parallel_loop3A_115 to %parallel_loop3A_116 step %parallel_loop3A_117  : i32 {
      %parallel_loop3A_506 = arith.index_cast %parallel_loop3A_505 : i32 to index
      %parallel_loop3A_507 = tpu.vector_load %arg7[%parallel_loop3A_506] {strides = array<i32>} : memref<16384xf32, #tpu.memory_space<vmem>>, vector<16xf32>,
      %parallel_loop3A_508 = arith.subf %parallel_loop3A_507, %get3A_3 : vector<16xf32>
      %parallel_loop3A_509 = arith.mulf %parallel_loop3A_508, %get3A_5 : vector<16xf32>
      %parallel_loop3A_510 = arith.fptosi %parallel_loop3A_509 : vector<16xf32> to vector<16xi32>
      %parallel_loop3A_511 = arith.constant -1 : i32
      %parallel_loop3A_512 = vector.broadcast %parallel_loop3A_511 : i32 to vector<16xi32>
      %parallel_loop3A_513 = arith.maxsi %parallel_loop3A_510, %parallel_loop3A_512 : vector<16xi32>
      %parallel_loop3A_514 = arith.constant 256 : i32
      %parallel_loop3A_515 = vector.broadcast %parallel_loop3A_514 : i32 to vector<16xi32>
      %parallel_loop3A_516 = arith.minsi %parallel_loop3A_513, %parallel_loop3A_515 : vector<16xi32>
      %parallel_loop3A_517 = arith.addi %add3A_11, %parallel_loop3A_516 : vector<16xi32>
      tpu.vector_store_idx %arg11[%parallel_loop3A_517], %broadcast_in_dim3A_12 {add = true} : memref<4224xf32, #tpu.memory_space<vmem>>[vector<16xi32>], vector<16xf32>,
    } {sc.loop_unroll_factor = 4 : i64, sc.parallel_access}
    %dma_wait3A_118 = tpu.memref_slice %arg2[%add3A_82] : memref<16777216xf32, #tpu.memory_space<hbm>> -> memref<16384xf32, #tpu.memory_space<hbm>>
    %dma_wait3A_119 = tpu.memref_slice %arg2[%add3A_82] : memref<16777216xf32, #tpu.memory_space<hbm>> -> memref<16384xf32, #tpu.memory_space<hbm>>
    tpu.wait_dma2 semaphore(%arg15 : memref<!tpu.dma_semaphore, #tpu.memory_space<semaphore_mem>>) src(%dma_wait3A_119 : memref<16384xf32, #tpu.memory_space<hbm>>) dst(%arg8 : memref<16384xf32, #tpu.memory_space<vmem>>)
    %add3A_120 = arith.constant 98304 : i32
    %add3A_121 = arith.addi %mul3A_2, %add3A_120 : i32
    %dma_start3A_122 = tpu.memref_slice %arg5[%add3A_121] : memref<16777216xf32, #tpu.memory_space<hbm>> -> memref<16384xf32, #tpu.memory_space<hbm>>
    %dma_start3A_123 = tpu.memref_slice %arg5[%add3A_121] : memref<16777216xf32, #tpu.memory_space<hbm>> -> memref<16384xf32, #tpu.memory_space<hbm>>
    tpu.enqueue_dma source(%arg8 : memref<16384xf32, #tpu.memory_space<vmem>>) target(%dma_start3A_123 : memref<16384xf32, #tpu.memory_space<hbm>>) target_semaphore(%arg19 : memref<!tpu.dma_semaphore, #tpu.memory_space<semaphore_mem>>)
    %dma_wait3A_124 = tpu.memref_slice %arg5[%add3A_106] : memref<16777216xf32, #tpu.memory_space<hbm>> -> memref<16384xf32, #tpu.memory_space<hbm>>
    %dma_wait3A_125 = tpu.memref_slice %arg5[%add3A_106] : memref<16777216xf32, #tpu.memory_space<hbm>> -> memref<16384xf32, #tpu.memory_space<hbm>>
    tpu.wait_dma2 semaphore(%arg18 : memref<!tpu.dma_semaphore, #tpu.memory_space<semaphore_mem>>) src(%arg7 : memref<16384xf32, #tpu.memory_space<vmem>>) dst(%dma_wait3A_125 : memref<16384xf32, #tpu.memory_space<hbm>>)
    %add3A_126 = arith.constant 147456 : i32
    %add3A_127 = arith.addi %mul3A_2, %add3A_126 : i32
    %dma_start3A_128 = tpu.memref_slice %arg2[%add3A_127] : memref<16777216xf32, #tpu.memory_space<hbm>> -> memref<16384xf32, #tpu.memory_space<hbm>>
    %dma_start3A_129 = tpu.memref_slice %arg2[%add3A_127] : memref<16777216xf32, #tpu.memory_space<hbm>> -> memref<16384xf32, #tpu.memory_space<hbm>>
    tpu.enqueue_dma source(%dma_start3A_129 : memref<16384xf32, #tpu.memory_space<hbm>>) target(%arg7 : memref<16384xf32, #tpu.memory_space<vmem>>) target_semaphore(%arg14 : memref<!tpu.dma_semaphore, #tpu.memory_space<semaphore_mem>>)
    %parallel_loop3A_130 = arith.constant 0 : i32
    %parallel_loop3A_131 = arith.constant 16384 : i32
    %parallel_loop3A_132 = arith.constant 16 : i32
    scf.for %parallel_loop3A_505 = %parallel_loop3A_130 to %parallel_loop3A_131 step %parallel_loop3A_132  : i32 {
      %parallel_loop3A_506 = arith.index_cast %parallel_loop3A_505 : i32 to index
      %parallel_loop3A_507 = tpu.vector_load %arg8[%parallel_loop3A_506] {strides = array<i32>} : memref<16384xf32, #tpu.memory_space<vmem>>, vector<16xf32>,
      %parallel_loop3A_508 = arith.subf %parallel_loop3A_507, %get3A_3 : vector<16xf32>
      %parallel_loop3A_509 = arith.mulf %parallel_loop3A_508, %get3A_5 : vector<16xf32>
      %parallel_loop3A_510 = arith.fptosi %parallel_loop3A_509 : vector<16xf32> to vector<16xi32>
      %parallel_loop3A_511 = arith.constant -1 : i32
      %parallel_loop3A_512 = vector.broadcast %parallel_loop3A_511 : i32 to vector<16xi32>
      %parallel_loop3A_513 = arith.maxsi %parallel_loop3A_510, %parallel_loop3A_512 : vector<16xi32>
      %parallel_loop3A_514 = arith.constant 256 : i32
      %parallel_loop3A_515 = vector.broadcast %parallel_loop3A_514 : i32 to vector<16xi32>
      %parallel_loop3A_516 = arith.minsi %parallel_loop3A_513, %parallel_loop3A_515 : vector<16xi32>
      %parallel_loop3A_517 = arith.addi %add3A_11, %parallel_loop3A_516 : vector<16xi32>
      tpu.vector_store_idx %arg11[%parallel_loop3A_517], %broadcast_in_dim3A_12 {add = true} : memref<4224xf32, #tpu.memory_space<vmem>>[vector<16xi32>], vector<16xf32>,
    } {sc.loop_unroll_factor = 4 : i64, sc.parallel_access}
    %dma_wait3A_133 = tpu.memref_slice %arg2[%add3A_97] : memref<16777216xf32, #tpu.memory_space<hbm>> -> memref<16384xf32, #tpu.memory_space<hbm>>
    %dma_wait3A_134 = tpu.memref_slice %arg2[%add3A_97] : memref<16777216xf32, #tpu.memory_space<hbm>> -> memref<16384xf32, #tpu.memory_space<hbm>>
    tpu.wait_dma2 semaphore(%arg16 : memref<!tpu.dma_semaphore, #tpu.memory_space<semaphore_mem>>) src(%dma_wait3A_134 : memref<16384xf32, #tpu.memory_space<hbm>>) dst(%arg9 : memref<16384xf32, #tpu.memory_space<vmem>>)
    %add3A_135 = arith.constant 114688 : i32
    %add3A_136 = arith.addi %mul3A_2, %add3A_135 : i32
    %dma_start3A_137 = tpu.memref_slice %arg5[%add3A_136] : memref<16777216xf32, #tpu.memory_space<hbm>> -> memref<16384xf32, #tpu.memory_space<hbm>>
    %dma_start3A_138 = tpu.memref_slice %arg5[%add3A_136] : memref<16777216xf32, #tpu.memory_space<hbm>> -> memref<16384xf32, #tpu.memory_space<hbm>>
    tpu.enqueue_dma source(%arg9 : memref<16384xf32, #tpu.memory_space<vmem>>) target(%dma_start3A_138 : memref<16384xf32, #tpu.memory_space<hbm>>) target_semaphore(%arg20 : memref<!tpu.dma_semaphore, #tpu.memory_space<semaphore_mem>>)
    %dma_wait3A_139 = tpu.memref_slice %arg5[%add3A_121] : memref<16777216xf32, #tpu.memory_space<hbm>> -> memref<16384xf32, #tpu.memory_space<hbm>>
    %dma_wait3A_140 = tpu.memref_slice %arg5[%add3A_121] : memref<16777216xf32, #tpu.memory_space<hbm>> -> memref<16384xf32, #tpu.memory_space<hbm>>
    tpu.wait_dma2 semaphore(%arg19 : memref<!tpu.dma_semaphore, #tpu.memory_space<semaphore_mem>>) src(%arg8 : memref<16384xf32, #tpu.memory_space<vmem>>) dst(%dma_wait3A_140 : memref<16384xf32, #tpu.memory_space<hbm>>)
    %add3A_141 = arith.constant 163840 : i32
    %add3A_142 = arith.addi %mul3A_2, %add3A_141 : i32
    %dma_start3A_143 = tpu.memref_slice %arg2[%add3A_142] : memref<16777216xf32, #tpu.memory_space<hbm>> -> memref<16384xf32, #tpu.memory_space<hbm>>
    %dma_start3A_144 = tpu.memref_slice %arg2[%add3A_142] : memref<16777216xf32, #tpu.memory_space<hbm>> -> memref<16384xf32, #tpu.memory_space<hbm>>
    tpu.enqueue_dma source(%dma_start3A_144 : memref<16384xf32, #tpu.memory_space<hbm>>) target(%arg8 : memref<16384xf32, #tpu.memory_space<vmem>>) target_semaphore(%arg15 : memref<!tpu.dma_semaphore, #tpu.memory_space<semaphore_mem>>)
    %parallel_loop3A_145 = arith.constant 0 : i32
    %parallel_loop3A_146 = arith.constant 16384 : i32
    %parallel_loop3A_147 = arith.constant 16 : i32
    scf.for %parallel_loop3A_505 = %parallel_loop3A_145 to %parallel_loop3A_146 step %parallel_loop3A_147  : i32 {
      %parallel_loop3A_506 = arith.index_cast %parallel_loop3A_505 : i32 to index
      %parallel_loop3A_507 = tpu.vector_load %arg9[%parallel_loop3A_506] {strides = array<i32>} : memref<16384xf32, #tpu.memory_space<vmem>>, vector<16xf32>,
      %parallel_loop3A_508 = arith.subf %parallel_loop3A_507, %get3A_3 : vector<16xf32>
      %parallel_loop3A_509 = arith.mulf %parallel_loop3A_508, %get3A_5 : vector<16xf32>
      %parallel_loop3A_510 = arith.fptosi %parallel_loop3A_509 : vector<16xf32> to vector<16xi32>
      %parallel_loop3A_511 = arith.constant -1 : i32
      %parallel_loop3A_512 = vector.broadcast %parallel_loop3A_511 : i32 to vector<16xi32>
      %parallel_loop3A_513 = arith.maxsi %parallel_loop3A_510, %parallel_loop3A_512 : vector<16xi32>
      %parallel_loop3A_514 = arith.constant 256 : i32
      %parallel_loop3A_515 = vector.broadcast %parallel_loop3A_514 : i32 to vector<16xi32>
      %parallel_loop3A_516 = arith.minsi %parallel_loop3A_513, %parallel_loop3A_515 : vector<16xi32>
      %parallel_loop3A_517 = arith.addi %add3A_11, %parallel_loop3A_516 : vector<16xi32>
      tpu.vector_store_idx %arg11[%parallel_loop3A_517], %broadcast_in_dim3A_12 {add = true} : memref<4224xf32, #tpu.memory_space<vmem>>[vector<16xi32>], vector<16xf32>,
    } {sc.loop_unroll_factor = 4 : i64, sc.parallel_access}
    %dma_wait3A_148 = tpu.memref_slice %arg2[%add3A_112] : memref<16777216xf32, #tpu.memory_space<hbm>> -> memref<16384xf32, #tpu.memory_space<hbm>>
    %dma_wait3A_149 = tpu.memref_slice %arg2[%add3A_112] : memref<16777216xf32, #tpu.memory_space<hbm>> -> memref<16384xf32, #tpu.memory_space<hbm>>
    tpu.wait_dma2 semaphore(%arg13 : memref<!tpu.dma_semaphore, #tpu.memory_space<semaphore_mem>>) src(%dma_wait3A_149 : memref<16384xf32, #tpu.memory_space<hbm>>) dst(%arg6 : memref<16384xf32, #tpu.memory_space<vmem>>)
    %add3A_150 = arith.constant 131072 : i32
    %add3A_151 = arith.addi %mul3A_2, %add3A_150 : i32
    %dma_start3A_152 = tpu.memref_slice %arg5[%add3A_151] : memref<16777216xf32, #tpu.memory_space<hbm>> -> memref<16384xf32, #tpu.memory_space<hbm>>
    %dma_start3A_153 = tpu.memref_slice %arg5[%add3A_151] : memref<16777216xf32, #tpu.memory_space<hbm>> -> memref<16384xf32, #tpu.memory_space<hbm>>
    tpu.enqueue_dma source(%arg6 : memref<16384xf32, #tpu.memory_space<vmem>>) target(%dma_start3A_153 : memref<16384xf32, #tpu.memory_space<hbm>>) target_semaphore(%arg17 : memref<!tpu.dma_semaphore, #tpu.memory_space<semaphore_mem>>)
    %dma_wait3A_154 = tpu.memref_slice %arg5[%add3A_136] : memref<16777216xf32, #tpu.memory_space<hbm>> -> memref<16384xf32, #tpu.memory_space<hbm>>
    %dma_wait3A_155 = tpu.memref_slice %arg5[%add3A_136] : memref<16777216xf32, #tpu.memory_space<hbm>> -> memref<16384xf32, #tpu.memory_space<hbm>>
    tpu.wait_dma2 semaphore(%arg20 : memref<!tpu.dma_semaphore, #tpu.memory_space<semaphore_mem>>) src(%arg9 : memref<16384xf32, #tpu.memory_space<vmem>>) dst(%dma_wait3A_155 : memref<16384xf32, #tpu.memory_space<hbm>>)
    %add3A_156 = arith.constant 180224 : i32
    %add3A_157 = arith.addi %mul3A_2, %add3A_156 : i32
    %dma_start3A_158 = tpu.memref_slice %arg2[%add3A_157] : memref<16777216xf32, #tpu.memory_space<hbm>> -> memref<16384xf32, #tpu.memory_space<hbm>>
    %dma_start3A_159 = tpu.memref_slice %arg2[%add3A_157] : memref<16777216xf32, #tpu.memory_space<hbm>> -> memref<16384xf32, #tpu.memory_space<hbm>>
    tpu.enqueue_dma source(%dma_start3A_159 : memref<16384xf32, #tpu.memory_space<hbm>>) target(%arg9 : memref<16384xf32, #tpu.memory_space<vmem>>) target_semaphore(%arg16 : memref<!tpu.dma_semaphore, #tpu.memory_space<semaphore_mem>>)
    %parallel_loop3A_160 = arith.constant 0 : i32
    %parallel_loop3A_161 = arith.constant 16384 : i32
    %parallel_loop3A_162 = arith.constant 16 : i32
    scf.for %parallel_loop3A_505 = %parallel_loop3A_160 to %parallel_loop3A_161 step %parallel_loop3A_162  : i32 {
      %parallel_loop3A_506 = arith.index_cast %parallel_loop3A_505 : i32 to index
      %parallel_loop3A_507 = tpu.vector_load %arg6[%parallel_loop3A_506] {strides = array<i32>} : memref<16384xf32, #tpu.memory_space<vmem>>, vector<16xf32>,
      %parallel_loop3A_508 = arith.subf %parallel_loop3A_507, %get3A_3 : vector<16xf32>
      %parallel_loop3A_509 = arith.mulf %parallel_loop3A_508, %get3A_5 : vector<16xf32>
      %parallel_loop3A_510 = arith.fptosi %parallel_loop3A_509 : vector<16xf32> to vector<16xi32>
      %parallel_loop3A_511 = arith.constant -1 : i32
      %parallel_loop3A_512 = vector.broadcast %parallel_loop3A_511 : i32 to vector<16xi32>
      %parallel_loop3A_513 = arith.maxsi %parallel_loop3A_510, %parallel_loop3A_512 : vector<16xi32>
      %parallel_loop3A_514 = arith.constant 256 : i32
      %parallel_loop3A_515 = vector.broadcast %parallel_loop3A_514 : i32 to vector<16xi32>
      %parallel_loop3A_516 = arith.minsi %parallel_loop3A_513, %parallel_loop3A_515 : vector<16xi32>
      %parallel_loop3A_517 = arith.addi %add3A_11, %parallel_loop3A_516 : vector<16xi32>
      tpu.vector_store_idx %arg11[%parallel_loop3A_517], %broadcast_in_dim3A_12 {add = true} : memref<4224xf32, #tpu.memory_space<vmem>>[vector<16xi32>], vector<16xf32>,
    } {sc.loop_unroll_factor = 4 : i64, sc.parallel_access}
    %dma_wait3A_163 = tpu.memref_slice %arg2[%add3A_127] : memref<16777216xf32, #tpu.memory_space<hbm>> -> memref<16384xf32, #tpu.memory_space<hbm>>
    %dma_wait3A_164 = tpu.memref_slice %arg2[%add3A_127] : memref<16777216xf32, #tpu.memory_space<hbm>> -> memref<16384xf32, #tpu.memory_space<hbm>>
    tpu.wait_dma2 semaphore(%arg14 : memref<!tpu.dma_semaphore, #tpu.memory_space<semaphore_mem>>) src(%dma_wait3A_164 : memref<16384xf32, #tpu.memory_space<hbm>>) dst(%arg7 : memref<16384xf32, #tpu.memory_space<vmem>>)
    %add3A_165 = arith.constant 147456 : i32
    %add3A_166 = arith.addi %mul3A_2, %add3A_165 : i32
    %dma_start3A_167 = tpu.memref_slice %arg5[%add3A_166] : memref<16777216xf32, #tpu.memory_space<hbm>> -> memref<16384xf32, #tpu.memory_space<hbm>>
    %dma_start3A_168 = tpu.memref_slice %arg5[%add3A_166] : memref<16777216xf32, #tpu.memory_space<hbm>> -> memref<16384xf32, #tpu.memory_space<hbm>>
    tpu.enqueue_dma source(%arg7 : memref<16384xf32, #tpu.memory_space<vmem>>) target(%dma_start3A_168 : memref<16384xf32, #tpu.memory_space<hbm>>) target_semaphore(%arg18 : memref<!tpu.dma_semaphore, #tpu.memory_space<semaphore_mem>>)
    %dma_wait3A_169 = tpu.memref_slice %arg5[%add3A_151] : memref<16777216xf32, #tpu.memory_space<hbm>> -> memref<16384xf32, #tpu.memory_space<hbm>>
    %dma_wait3A_170 = tpu.memref_slice %arg5[%add3A_151] : memref<16777216xf32, #tpu.memory_space<hbm>> -> memref<16384xf32, #tpu.memory_space<hbm>>
    tpu.wait_dma2 semaphore(%arg17 : memref<!tpu.dma_semaphore, #tpu.memory_space<semaphore_mem>>) src(%arg6 : memref<16384xf32, #tpu.memory_space<vmem>>) dst(%dma_wait3A_170 : memref<16384xf32, #tpu.memory_space<hbm>>)
    %add3A_171 = arith.constant 196608 : i32
    %add3A_172 = arith.addi %mul3A_2, %add3A_171 : i32
    %dma_start3A_173 = tpu.memref_slice %arg2[%add3A_172] : memref<16777216xf32, #tpu.memory_space<hbm>> -> memref<16384xf32, #tpu.memory_space<hbm>>
    %dma_start3A_174 = tpu.memref_slice %arg2[%add3A_172] : memref<16777216xf32, #tpu.memory_space<hbm>> -> memref<16384xf32, #tpu.memory_space<hbm>>
    tpu.enqueue_dma source(%dma_start3A_174 : memref<16384xf32, #tpu.memory_space<hbm>>) target(%arg6 : memref<16384xf32, #tpu.memory_space<vmem>>) target_semaphore(%arg13 : memref<!tpu.dma_semaphore, #tpu.memory_space<semaphore_mem>>)
    %parallel_loop3A_175 = arith.constant 0 : i32
    %parallel_loop3A_176 = arith.constant 16384 : i32
    %parallel_loop3A_177 = arith.constant 16 : i32
    scf.for %parallel_loop3A_505 = %parallel_loop3A_175 to %parallel_loop3A_176 step %parallel_loop3A_177  : i32 {
      %parallel_loop3A_506 = arith.index_cast %parallel_loop3A_505 : i32 to index
      %parallel_loop3A_507 = tpu.vector_load %arg7[%parallel_loop3A_506] {strides = array<i32>} : memref<16384xf32, #tpu.memory_space<vmem>>, vector<16xf32>,
      %parallel_loop3A_508 = arith.subf %parallel_loop3A_507, %get3A_3 : vector<16xf32>
      %parallel_loop3A_509 = arith.mulf %parallel_loop3A_508, %get3A_5 : vector<16xf32>
      %parallel_loop3A_510 = arith.fptosi %parallel_loop3A_509 : vector<16xf32> to vector<16xi32>
      %parallel_loop3A_511 = arith.constant -1 : i32
      %parallel_loop3A_512 = vector.broadcast %parallel_loop3A_511 : i32 to vector<16xi32>
      %parallel_loop3A_513 = arith.maxsi %parallel_loop3A_510, %parallel_loop3A_512 : vector<16xi32>
      %parallel_loop3A_514 = arith.constant 256 : i32
      %parallel_loop3A_515 = vector.broadcast %parallel_loop3A_514 : i32 to vector<16xi32>
      %parallel_loop3A_516 = arith.minsi %parallel_loop3A_513, %parallel_loop3A_515 : vector<16xi32>
      %parallel_loop3A_517 = arith.addi %add3A_11, %parallel_loop3A_516 : vector<16xi32>
      tpu.vector_store_idx %arg11[%parallel_loop3A_517], %broadcast_in_dim3A_12 {add = true} : memref<4224xf32, #tpu.memory_space<vmem>>[vector<16xi32>], vector<16xf32>,
    } {sc.loop_unroll_factor = 4 : i64, sc.parallel_access}
    %dma_wait3A_178 = tpu.memref_slice %arg2[%add3A_142] : memref<16777216xf32, #tpu.memory_space<hbm>> -> memref<16384xf32, #tpu.memory_space<hbm>>
    %dma_wait3A_179 = tpu.memref_slice %arg2[%add3A_142] : memref<16777216xf32, #tpu.memory_space<hbm>> -> memref<16384xf32, #tpu.memory_space<hbm>>
    tpu.wait_dma2 semaphore(%arg15 : memref<!tpu.dma_semaphore, #tpu.memory_space<semaphore_mem>>) src(%dma_wait3A_179 : memref<16384xf32, #tpu.memory_space<hbm>>) dst(%arg8 : memref<16384xf32, #tpu.memory_space<vmem>>)
    %add3A_180 = arith.constant 163840 : i32
    %add3A_181 = arith.addi %mul3A_2, %add3A_180 : i32
    %dma_start3A_182 = tpu.memref_slice %arg5[%add3A_181] : memref<16777216xf32, #tpu.memory_space<hbm>> -> memref<16384xf32, #tpu.memory_space<hbm>>
    %dma_start3A_183 = tpu.memref_slice %arg5[%add3A_181] : memref<16777216xf32, #tpu.memory_space<hbm>> -> memref<16384xf32, #tpu.memory_space<hbm>>
    tpu.enqueue_dma source(%arg8 : memref<16384xf32, #tpu.memory_space<vmem>>) target(%dma_start3A_183 : memref<16384xf32, #tpu.memory_space<hbm>>) target_semaphore(%arg19 : memref<!tpu.dma_semaphore, #tpu.memory_space<semaphore_mem>>)
    %dma_wait3A_184 = tpu.memref_slice %arg5[%add3A_166] : memref<16777216xf32, #tpu.memory_space<hbm>> -> memref<16384xf32, #tpu.memory_space<hbm>>
    %dma_wait3A_185 = tpu.memref_slice %arg5[%add3A_166] : memref<16777216xf32, #tpu.memory_space<hbm>> -> memref<16384xf32, #tpu.memory_space<hbm>>
    tpu.wait_dma2 semaphore(%arg18 : memref<!tpu.dma_semaphore, #tpu.memory_space<semaphore_mem>>) src(%arg7 : memref<16384xf32, #tpu.memory_space<vmem>>) dst(%dma_wait3A_185 : memref<16384xf32, #tpu.memory_space<hbm>>)
    %add3A_186 = arith.constant 212992 : i32
    %add3A_187 = arith.addi %mul3A_2, %add3A_186 : i32
    %dma_start3A_188 = tpu.memref_slice %arg2[%add3A_187] : memref<16777216xf32, #tpu.memory_space<hbm>> -> memref<16384xf32, #tpu.memory_space<hbm>>
    %dma_start3A_189 = tpu.memref_slice %arg2[%add3A_187] : memref<16777216xf32, #tpu.memory_space<hbm>> -> memref<16384xf32, #tpu.memory_space<hbm>>
    tpu.enqueue_dma source(%dma_start3A_189 : memref<16384xf32, #tpu.memory_space<hbm>>) target(%arg7 : memref<16384xf32, #tpu.memory_space<vmem>>) target_semaphore(%arg14 : memref<!tpu.dma_semaphore, #tpu.memory_space<semaphore_mem>>)
    %parallel_loop3A_190 = arith.constant 0 : i32
    %parallel_loop3A_191 = arith.constant 16384 : i32
    %parallel_loop3A_192 = arith.constant 16 : i32
    scf.for %parallel_loop3A_505 = %parallel_loop3A_190 to %parallel_loop3A_191 step %parallel_loop3A_192  : i32 {
      %parallel_loop3A_506 = arith.index_cast %parallel_loop3A_505 : i32 to index
      %parallel_loop3A_507 = tpu.vector_load %arg8[%parallel_loop3A_506] {strides = array<i32>} : memref<16384xf32, #tpu.memory_space<vmem>>, vector<16xf32>,
      %parallel_loop3A_508 = arith.subf %parallel_loop3A_507, %get3A_3 : vector<16xf32>
      %parallel_loop3A_509 = arith.mulf %parallel_loop3A_508, %get3A_5 : vector<16xf32>
      %parallel_loop3A_510 = arith.fptosi %parallel_loop3A_509 : vector<16xf32> to vector<16xi32>
      %parallel_loop3A_511 = arith.constant -1 : i32
      %parallel_loop3A_512 = vector.broadcast %parallel_loop3A_511 : i32 to vector<16xi32>
      %parallel_loop3A_513 = arith.maxsi %parallel_loop3A_510, %parallel_loop3A_512 : vector<16xi32>
      %parallel_loop3A_514 = arith.constant 256 : i32
      %parallel_loop3A_515 = vector.broadcast %parallel_loop3A_514 : i32 to vector<16xi32>
      %parallel_loop3A_516 = arith.minsi %parallel_loop3A_513, %parallel_loop3A_515 : vector<16xi32>
      %parallel_loop3A_517 = arith.addi %add3A_11, %parallel_loop3A_516 : vector<16xi32>
      tpu.vector_store_idx %arg11[%parallel_loop3A_517], %broadcast_in_dim3A_12 {add = true} : memref<4224xf32, #tpu.memory_space<vmem>>[vector<16xi32>], vector<16xf32>,
    } {sc.loop_unroll_factor = 4 : i64, sc.parallel_access}
    %dma_wait3A_193 = tpu.memref_slice %arg2[%add3A_157] : memref<16777216xf32, #tpu.memory_space<hbm>> -> memref<16384xf32, #tpu.memory_space<hbm>>
    %dma_wait3A_194 = tpu.memref_slice %arg2[%add3A_157] : memref<16777216xf32, #tpu.memory_space<hbm>> -> memref<16384xf32, #tpu.memory_space<hbm>>
    tpu.wait_dma2 semaphore(%arg16 : memref<!tpu.dma_semaphore, #tpu.memory_space<semaphore_mem>>) src(%dma_wait3A_194 : memref<16384xf32, #tpu.memory_space<hbm>>) dst(%arg9 : memref<16384xf32, #tpu.memory_space<vmem>>)
    %add3A_195 = arith.constant 180224 : i32
    %add3A_196 = arith.addi %mul3A_2, %add3A_195 : i32
    %dma_start3A_197 = tpu.memref_slice %arg5[%add3A_196] : memref<16777216xf32, #tpu.memory_space<hbm>> -> memref<16384xf32, #tpu.memory_space<hbm>>
    %dma_start3A_198 = tpu.memref_slice %arg5[%add3A_196] : memref<16777216xf32, #tpu.memory_space<hbm>> -> memref<16384xf32, #tpu.memory_space<hbm>>
    tpu.enqueue_dma source(%arg9 : memref<16384xf32, #tpu.memory_space<vmem>>) target(%dma_start3A_198 : memref<16384xf32, #tpu.memory_space<hbm>>) target_semaphore(%arg20 : memref<!tpu.dma_semaphore, #tpu.memory_space<semaphore_mem>>)
    %dma_wait3A_199 = tpu.memref_slice %arg5[%add3A_181] : memref<16777216xf32, #tpu.memory_space<hbm>> -> memref<16384xf32, #tpu.memory_space<hbm>>
    %dma_wait3A_200 = tpu.memref_slice %arg5[%add3A_181] : memref<16777216xf32, #tpu.memory_space<hbm>> -> memref<16384xf32, #tpu.memory_space<hbm>>
    tpu.wait_dma2 semaphore(%arg19 : memref<!tpu.dma_semaphore, #tpu.memory_space<semaphore_mem>>) src(%arg8 : memref<16384xf32, #tpu.memory_space<vmem>>) dst(%dma_wait3A_200 : memref<16384xf32, #tpu.memory_space<hbm>>)
    %add3A_201 = arith.constant 229376 : i32
    %add3A_202 = arith.addi %mul3A_2, %add3A_201 : i32
    %dma_start3A_203 = tpu.memref_slice %arg2[%add3A_202] : memref<16777216xf32, #tpu.memory_space<hbm>> -> memref<16384xf32, #tpu.memory_space<hbm>>
    %dma_start3A_204 = tpu.memref_slice %arg2[%add3A_202] : memref<16777216xf32, #tpu.memory_space<hbm>> -> memref<16384xf32, #tpu.memory_space<hbm>>
    tpu.enqueue_dma source(%dma_start3A_204 : memref<16384xf32, #tpu.memory_space<hbm>>) target(%arg8 : memref<16384xf32, #tpu.memory_space<vmem>>) target_semaphore(%arg15 : memref<!tpu.dma_semaphore, #tpu.memory_space<semaphore_mem>>)
    %parallel_loop3A_205 = arith.constant 0 : i32
    %parallel_loop3A_206 = arith.constant 16384 : i32
    %parallel_loop3A_207 = arith.constant 16 : i32
    scf.for %parallel_loop3A_505 = %parallel_loop3A_205 to %parallel_loop3A_206 step %parallel_loop3A_207  : i32 {
      %parallel_loop3A_506 = arith.index_cast %parallel_loop3A_505 : i32 to index
      %parallel_loop3A_507 = tpu.vector_load %arg9[%parallel_loop3A_506] {strides = array<i32>} : memref<16384xf32, #tpu.memory_space<vmem>>, vector<16xf32>,
      %parallel_loop3A_508 = arith.subf %parallel_loop3A_507, %get3A_3 : vector<16xf32>
      %parallel_loop3A_509 = arith.mulf %parallel_loop3A_508, %get3A_5 : vector<16xf32>
      %parallel_loop3A_510 = arith.fptosi %parallel_loop3A_509 : vector<16xf32> to vector<16xi32>
      %parallel_loop3A_511 = arith.constant -1 : i32
      %parallel_loop3A_512 = vector.broadcast %parallel_loop3A_511 : i32 to vector<16xi32>
      %parallel_loop3A_513 = arith.maxsi %parallel_loop3A_510, %parallel_loop3A_512 : vector<16xi32>
      %parallel_loop3A_514 = arith.constant 256 : i32
      %parallel_loop3A_515 = vector.broadcast %parallel_loop3A_514 : i32 to vector<16xi32>
      %parallel_loop3A_516 = arith.minsi %parallel_loop3A_513, %parallel_loop3A_515 : vector<16xi32>
      %parallel_loop3A_517 = arith.addi %add3A_11, %parallel_loop3A_516 : vector<16xi32>
      tpu.vector_store_idx %arg11[%parallel_loop3A_517], %broadcast_in_dim3A_12 {add = true} : memref<4224xf32, #tpu.memory_space<vmem>>[vector<16xi32>], vector<16xf32>,
    } {sc.loop_unroll_factor = 4 : i64, sc.parallel_access}
    %dma_wait3A_208 = tpu.memref_slice %arg2[%add3A_172] : memref<16777216xf32, #tpu.memory_space<hbm>> -> memref<16384xf32, #tpu.memory_space<hbm>>
    %dma_wait3A_209 = tpu.memref_slice %arg2[%add3A_172] : memref<16777216xf32, #tpu.memory_space<hbm>> -> memref<16384xf32, #tpu.memory_space<hbm>>
    tpu.wait_dma2 semaphore(%arg13 : memref<!tpu.dma_semaphore, #tpu.memory_space<semaphore_mem>>) src(%dma_wait3A_209 : memref<16384xf32, #tpu.memory_space<hbm>>) dst(%arg6 : memref<16384xf32, #tpu.memory_space<vmem>>)
    %add3A_210 = arith.constant 196608 : i32
    %add3A_211 = arith.addi %mul3A_2, %add3A_210 : i32
    %dma_start3A_212 = tpu.memref_slice %arg5[%add3A_211] : memref<16777216xf32, #tpu.memory_space<hbm>> -> memref<16384xf32, #tpu.memory_space<hbm>>
    %dma_start3A_213 = tpu.memref_slice %arg5[%add3A_211] : memref<16777216xf32, #tpu.memory_space<hbm>> -> memref<16384xf32, #tpu.memory_space<hbm>>
    tpu.enqueue_dma source(%arg6 : memref<16384xf32, #tpu.memory_space<vmem>>) target(%dma_start3A_213 : memref<16384xf32, #tpu.memory_space<hbm>>) target_semaphore(%arg17 : memref<!tpu.dma_semaphore, #tpu.memory_space<semaphore_mem>>)
    %dma_wait3A_214 = tpu.memref_slice %arg5[%add3A_196] : memref<16777216xf32, #tpu.memory_space<hbm>> -> memref<16384xf32, #tpu.memory_space<hbm>>
    %dma_wait3A_215 = tpu.memref_slice %arg5[%add3A_196] : memref<16777216xf32, #tpu.memory_space<hbm>> -> memref<16384xf32, #tpu.memory_space<hbm>>
    tpu.wait_dma2 semaphore(%arg20 : memref<!tpu.dma_semaphore, #tpu.memory_space<semaphore_mem>>) src(%arg9 : memref<16384xf32, #tpu.memory_space<vmem>>) dst(%dma_wait3A_215 : memref<16384xf32, #tpu.memory_space<hbm>>)
    %add3A_216 = arith.constant 245760 : i32
    %add3A_217 = arith.addi %mul3A_2, %add3A_216 : i32
    %dma_start3A_218 = tpu.memref_slice %arg2[%add3A_217] : memref<16777216xf32, #tpu.memory_space<hbm>> -> memref<16384xf32, #tpu.memory_space<hbm>>
    %dma_start3A_219 = tpu.memref_slice %arg2[%add3A_217] : memref<16777216xf32, #tpu.memory_space<hbm>> -> memref<16384xf32, #tpu.memory_space<hbm>>
    tpu.enqueue_dma source(%dma_start3A_219 : memref<16384xf32, #tpu.memory_space<hbm>>) target(%arg9 : memref<16384xf32, #tpu.memory_space<vmem>>) target_semaphore(%arg16 : memref<!tpu.dma_semaphore, #tpu.memory_space<semaphore_mem>>)
    %parallel_loop3A_220 = arith.constant 0 : i32
    %parallel_loop3A_221 = arith.constant 16384 : i32
    %parallel_loop3A_222 = arith.constant 16 : i32
    scf.for %parallel_loop3A_505 = %parallel_loop3A_220 to %parallel_loop3A_221 step %parallel_loop3A_222  : i32 {
      %parallel_loop3A_506 = arith.index_cast %parallel_loop3A_505 : i32 to index
      %parallel_loop3A_507 = tpu.vector_load %arg6[%parallel_loop3A_506] {strides = array<i32>} : memref<16384xf32, #tpu.memory_space<vmem>>, vector<16xf32>,
      %parallel_loop3A_508 = arith.subf %parallel_loop3A_507, %get3A_3 : vector<16xf32>
      %parallel_loop3A_509 = arith.mulf %parallel_loop3A_508, %get3A_5 : vector<16xf32>
      %parallel_loop3A_510 = arith.fptosi %parallel_loop3A_509 : vector<16xf32> to vector<16xi32>
      %parallel_loop3A_511 = arith.constant -1 : i32
      %parallel_loop3A_512 = vector.broadcast %parallel_loop3A_511 : i32 to vector<16xi32>
      %parallel_loop3A_513 = arith.maxsi %parallel_loop3A_510, %parallel_loop3A_512 : vector<16xi32>
      %parallel_loop3A_514 = arith.constant 256 : i32
      %parallel_loop3A_515 = vector.broadcast %parallel_loop3A_514 : i32 to vector<16xi32>
      %parallel_loop3A_516 = arith.minsi %parallel_loop3A_513, %parallel_loop3A_515 : vector<16xi32>
      %parallel_loop3A_517 = arith.addi %add3A_11, %parallel_loop3A_516 : vector<16xi32>
      tpu.vector_store_idx %arg11[%parallel_loop3A_517], %broadcast_in_dim3A_12 {add = true} : memref<4224xf32, #tpu.memory_space<vmem>>[vector<16xi32>], vector<16xf32>,
    } {sc.loop_unroll_factor = 4 : i64, sc.parallel_access}
    %dma_wait3A_223 = tpu.memref_slice %arg2[%add3A_187] : memref<16777216xf32, #tpu.memory_space<hbm>> -> memref<16384xf32, #tpu.memory_space<hbm>>
    %dma_wait3A_224 = tpu.memref_slice %arg2[%add3A_187] : memref<16777216xf32, #tpu.memory_space<hbm>> -> memref<16384xf32, #tpu.memory_space<hbm>>
    tpu.wait_dma2 semaphore(%arg14 : memref<!tpu.dma_semaphore, #tpu.memory_space<semaphore_mem>>) src(%dma_wait3A_224 : memref<16384xf32, #tpu.memory_space<hbm>>) dst(%arg7 : memref<16384xf32, #tpu.memory_space<vmem>>)
    %add3A_225 = arith.constant 212992 : i32
    %add3A_226 = arith.addi %mul3A_2, %add3A_225 : i32
    %dma_start3A_227 = tpu.memref_slice %arg5[%add3A_226] : memref<16777216xf32, #tpu.memory_space<hbm>> -> memref<16384xf32, #tpu.memory_space<hbm>>
    %dma_start3A_228 = tpu.memref_slice %arg5[%add3A_226] : memref<16777216xf32, #tpu.memory_space<hbm>> -> memref<16384xf32, #tpu.memory_space<hbm>>
    tpu.enqueue_dma source(%arg7 : memref<16384xf32, #tpu.memory_space<vmem>>) target(%dma_start3A_228 : memref<16384xf32, #tpu.memory_space<hbm>>) target_semaphore(%arg18 : memref<!tpu.dma_semaphore, #tpu.memory_space<semaphore_mem>>)
    %dma_wait3A_229 = tpu.memref_slice %arg5[%add3A_211] : memref<16777216xf32, #tpu.memory_space<hbm>> -> memref<16384xf32, #tpu.memory_space<hbm>>
    %dma_wait3A_230 = tpu.memref_slice %arg5[%add3A_211] : memref<16777216xf32, #tpu.memory_space<hbm>> -> memref<16384xf32, #tpu.memory_space<hbm>>
    tpu.wait_dma2 semaphore(%arg17 : memref<!tpu.dma_semaphore, #tpu.memory_space<semaphore_mem>>) src(%arg6 : memref<16384xf32, #tpu.memory_space<vmem>>) dst(%dma_wait3A_230 : memref<16384xf32, #tpu.memory_space<hbm>>)
    %add3A_231 = arith.constant 262144 : i32
    %add3A_232 = arith.addi %mul3A_2, %add3A_231 : i32
    %dma_start3A_233 = tpu.memref_slice %arg2[%add3A_232] : memref<16777216xf32, #tpu.memory_space<hbm>> -> memref<16384xf32, #tpu.memory_space<hbm>>
    %dma_start3A_234 = tpu.memref_slice %arg2[%add3A_232] : memref<16777216xf32, #tpu.memory_space<hbm>> -> memref<16384xf32, #tpu.memory_space<hbm>>
    tpu.enqueue_dma source(%dma_start3A_234 : memref<16384xf32, #tpu.memory_space<hbm>>) target(%arg6 : memref<16384xf32, #tpu.memory_space<vmem>>) target_semaphore(%arg13 : memref<!tpu.dma_semaphore, #tpu.memory_space<semaphore_mem>>)
    %parallel_loop3A_235 = arith.constant 0 : i32
    %parallel_loop3A_236 = arith.constant 16384 : i32
    %parallel_loop3A_237 = arith.constant 16 : i32
    scf.for %parallel_loop3A_505 = %parallel_loop3A_235 to %parallel_loop3A_236 step %parallel_loop3A_237  : i32 {
      %parallel_loop3A_506 = arith.index_cast %parallel_loop3A_505 : i32 to index
      %parallel_loop3A_507 = tpu.vector_load %arg7[%parallel_loop3A_506] {strides = array<i32>} : memref<16384xf32, #tpu.memory_space<vmem>>, vector<16xf32>,
      %parallel_loop3A_508 = arith.subf %parallel_loop3A_507, %get3A_3 : vector<16xf32>
      %parallel_loop3A_509 = arith.mulf %parallel_loop3A_508, %get3A_5 : vector<16xf32>
      %parallel_loop3A_510 = arith.fptosi %parallel_loop3A_509 : vector<16xf32> to vector<16xi32>
      %parallel_loop3A_511 = arith.constant -1 : i32
      %parallel_loop3A_512 = vector.broadcast %parallel_loop3A_511 : i32 to vector<16xi32>
      %parallel_loop3A_513 = arith.maxsi %parallel_loop3A_510, %parallel_loop3A_512 : vector<16xi32>
      %parallel_loop3A_514 = arith.constant 256 : i32
      %parallel_loop3A_515 = vector.broadcast %parallel_loop3A_514 : i32 to vector<16xi32>
      %parallel_loop3A_516 = arith.minsi %parallel_loop3A_513, %parallel_loop3A_515 : vector<16xi32>
      %parallel_loop3A_517 = arith.addi %add3A_11, %parallel_loop3A_516 : vector<16xi32>
      tpu.vector_store_idx %arg11[%parallel_loop3A_517], %broadcast_in_dim3A_12 {add = true} : memref<4224xf32, #tpu.memory_space<vmem>>[vector<16xi32>], vector<16xf32>,
    } {sc.loop_unroll_factor = 4 : i64, sc.parallel_access}
    %dma_wait3A_238 = tpu.memref_slice %arg2[%add3A_202] : memref<16777216xf32, #tpu.memory_space<hbm>> -> memref<16384xf32, #tpu.memory_space<hbm>>
    %dma_wait3A_239 = tpu.memref_slice %arg2[%add3A_202] : memref<16777216xf32, #tpu.memory_space<hbm>> -> memref<16384xf32, #tpu.memory_space<hbm>>
    tpu.wait_dma2 semaphore(%arg15 : memref<!tpu.dma_semaphore, #tpu.memory_space<semaphore_mem>>) src(%dma_wait3A_239 : memref<16384xf32, #tpu.memory_space<hbm>>) dst(%arg8 : memref<16384xf32, #tpu.memory_space<vmem>>)
    %add3A_240 = arith.constant 229376 : i32
    %add3A_241 = arith.addi %mul3A_2, %add3A_240 : i32
    %dma_start3A_242 = tpu.memref_slice %arg5[%add3A_241] : memref<16777216xf32, #tpu.memory_space<hbm>> -> memref<16384xf32, #tpu.memory_space<hbm>>
    %dma_start3A_243 = tpu.memref_slice %arg5[%add3A_241] : memref<16777216xf32, #tpu.memory_space<hbm>> -> memref<16384xf32, #tpu.memory_space<hbm>>
    tpu.enqueue_dma source(%arg8 : memref<16384xf32, #tpu.memory_space<vmem>>) target(%dma_start3A_243 : memref<16384xf32, #tpu.memory_space<hbm>>) target_semaphore(%arg19 : memref<!tpu.dma_semaphore, #tpu.memory_space<semaphore_mem>>)
    %dma_wait3A_244 = tpu.memref_slice %arg5[%add3A_226] : memref<16777216xf32, #tpu.memory_space<hbm>> -> memref<16384xf32, #tpu.memory_space<hbm>>
    %dma_wait3A_245 = tpu.memref_slice %arg5[%add3A_226] : memref<16777216xf32, #tpu.memory_space<hbm>> -> memref<16384xf32, #tpu.memory_space<hbm>>
    tpu.wait_dma2 semaphore(%arg18 : memref<!tpu.dma_semaphore, #tpu.memory_space<semaphore_mem>>) src(%arg7 : memref<16384xf32, #tpu.memory_space<vmem>>) dst(%dma_wait3A_245 : memref<16384xf32, #tpu.memory_space<hbm>>)
    %add3A_246 = arith.constant 278528 : i32
    %add3A_247 = arith.addi %mul3A_2, %add3A_246 : i32
    %dma_start3A_248 = tpu.memref_slice %arg2[%add3A_247] : memref<16777216xf32, #tpu.memory_space<hbm>> -> memref<16384xf32, #tpu.memory_space<hbm>>
    %dma_start3A_249 = tpu.memref_slice %arg2[%add3A_247] : memref<16777216xf32, #tpu.memory_space<hbm>> -> memref<16384xf32, #tpu.memory_space<hbm>>
    tpu.enqueue_dma source(%dma_start3A_249 : memref<16384xf32, #tpu.memory_space<hbm>>) target(%arg7 : memref<16384xf32, #tpu.memory_space<vmem>>) target_semaphore(%arg14 : memref<!tpu.dma_semaphore, #tpu.memory_space<semaphore_mem>>)
    %parallel_loop3A_250 = arith.constant 0 : i32
    %parallel_loop3A_251 = arith.constant 16384 : i32
    %parallel_loop3A_252 = arith.constant 16 : i32
    scf.for %parallel_loop3A_505 = %parallel_loop3A_250 to %parallel_loop3A_251 step %parallel_loop3A_252  : i32 {
      %parallel_loop3A_506 = arith.index_cast %parallel_loop3A_505 : i32 to index
      %parallel_loop3A_507 = tpu.vector_load %arg8[%parallel_loop3A_506] {strides = array<i32>} : memref<16384xf32, #tpu.memory_space<vmem>>, vector<16xf32>,
      %parallel_loop3A_508 = arith.subf %parallel_loop3A_507, %get3A_3 : vector<16xf32>
      %parallel_loop3A_509 = arith.mulf %parallel_loop3A_508, %get3A_5 : vector<16xf32>
      %parallel_loop3A_510 = arith.fptosi %parallel_loop3A_509 : vector<16xf32> to vector<16xi32>
      %parallel_loop3A_511 = arith.constant -1 : i32
      %parallel_loop3A_512 = vector.broadcast %parallel_loop3A_511 : i32 to vector<16xi32>
      %parallel_loop3A_513 = arith.maxsi %parallel_loop3A_510, %parallel_loop3A_512 : vector<16xi32>
      %parallel_loop3A_514 = arith.constant 256 : i32
      %parallel_loop3A_515 = vector.broadcast %parallel_loop3A_514 : i32 to vector<16xi32>
      %parallel_loop3A_516 = arith.minsi %parallel_loop3A_513, %parallel_loop3A_515 : vector<16xi32>
      %parallel_loop3A_517 = arith.addi %add3A_11, %parallel_loop3A_516 : vector<16xi32>
      tpu.vector_store_idx %arg11[%parallel_loop3A_517], %broadcast_in_dim3A_12 {add = true} : memref<4224xf32, #tpu.memory_space<vmem>>[vector<16xi32>], vector<16xf32>,
    } {sc.loop_unroll_factor = 4 : i64, sc.parallel_access}
    %dma_wait3A_253 = tpu.memref_slice %arg2[%add3A_217] : memref<16777216xf32, #tpu.memory_space<hbm>> -> memref<16384xf32, #tpu.memory_space<hbm>>
    %dma_wait3A_254 = tpu.memref_slice %arg2[%add3A_217] : memref<16777216xf32, #tpu.memory_space<hbm>> -> memref<16384xf32, #tpu.memory_space<hbm>>
    tpu.wait_dma2 semaphore(%arg16 : memref<!tpu.dma_semaphore, #tpu.memory_space<semaphore_mem>>) src(%dma_wait3A_254 : memref<16384xf32, #tpu.memory_space<hbm>>) dst(%arg9 : memref<16384xf32, #tpu.memory_space<vmem>>)
    %add3A_255 = arith.constant 245760 : i32
    %add3A_256 = arith.addi %mul3A_2, %add3A_255 : i32
    %dma_start3A_257 = tpu.memref_slice %arg5[%add3A_256] : memref<16777216xf32, #tpu.memory_space<hbm>> -> memref<16384xf32, #tpu.memory_space<hbm>>
    %dma_start3A_258 = tpu.memref_slice %arg5[%add3A_256] : memref<16777216xf32, #tpu.memory_space<hbm>> -> memref<16384xf32, #tpu.memory_space<hbm>>
    tpu.enqueue_dma source(%arg9 : memref<16384xf32, #tpu.memory_space<vmem>>) target(%dma_start3A_258 : memref<16384xf32, #tpu.memory_space<hbm>>) target_semaphore(%arg20 : memref<!tpu.dma_semaphore, #tpu.memory_space<semaphore_mem>>)
    %dma_wait3A_259 = tpu.memref_slice %arg5[%add3A_241] : memref<16777216xf32, #tpu.memory_space<hbm>> -> memref<16384xf32, #tpu.memory_space<hbm>>
    %dma_wait3A_260 = tpu.memref_slice %arg5[%add3A_241] : memref<16777216xf32, #tpu.memory_space<hbm>> -> memref<16384xf32, #tpu.memory_space<hbm>>
    tpu.wait_dma2 semaphore(%arg19 : memref<!tpu.dma_semaphore, #tpu.memory_space<semaphore_mem>>) src(%arg8 : memref<16384xf32, #tpu.memory_space<vmem>>) dst(%dma_wait3A_260 : memref<16384xf32, #tpu.memory_space<hbm>>)
    %add3A_261 = arith.constant 294912 : i32
    %add3A_262 = arith.addi %mul3A_2, %add3A_261 : i32
    %dma_start3A_263 = tpu.memref_slice %arg2[%add3A_262] : memref<16777216xf32, #tpu.memory_space<hbm>> -> memref<16384xf32, #tpu.memory_space<hbm>>
    %dma_start3A_264 = tpu.memref_slice %arg2[%add3A_262] : memref<16777216xf32, #tpu.memory_space<hbm>> -> memref<16384xf32, #tpu.memory_space<hbm>>
    tpu.enqueue_dma source(%dma_start3A_264 : memref<16384xf32, #tpu.memory_space<hbm>>) target(%arg8 : memref<16384xf32, #tpu.memory_space<vmem>>) target_semaphore(%arg15 : memref<!tpu.dma_semaphore, #tpu.memory_space<semaphore_mem>>)
    %parallel_loop3A_265 = arith.constant 0 : i32
    %parallel_loop3A_266 = arith.constant 16384 : i32
    %parallel_loop3A_267 = arith.constant 16 : i32
    scf.for %parallel_loop3A_505 = %parallel_loop3A_265 to %parallel_loop3A_266 step %parallel_loop3A_267  : i32 {
      %parallel_loop3A_506 = arith.index_cast %parallel_loop3A_505 : i32 to index
      %parallel_loop3A_507 = tpu.vector_load %arg9[%parallel_loop3A_506] {strides = array<i32>} : memref<16384xf32, #tpu.memory_space<vmem>>, vector<16xf32>,
      %parallel_loop3A_508 = arith.subf %parallel_loop3A_507, %get3A_3 : vector<16xf32>
      %parallel_loop3A_509 = arith.mulf %parallel_loop3A_508, %get3A_5 : vector<16xf32>
      %parallel_loop3A_510 = arith.fptosi %parallel_loop3A_509 : vector<16xf32> to vector<16xi32>
      %parallel_loop3A_511 = arith.constant -1 : i32
      %parallel_loop3A_512 = vector.broadcast %parallel_loop3A_511 : i32 to vector<16xi32>
      %parallel_loop3A_513 = arith.maxsi %parallel_loop3A_510, %parallel_loop3A_512 : vector<16xi32>
      %parallel_loop3A_514 = arith.constant 256 : i32
      %parallel_loop3A_515 = vector.broadcast %parallel_loop3A_514 : i32 to vector<16xi32>
      %parallel_loop3A_516 = arith.minsi %parallel_loop3A_513, %parallel_loop3A_515 : vector<16xi32>
      %parallel_loop3A_517 = arith.addi %add3A_11, %parallel_loop3A_516 : vector<16xi32>
      tpu.vector_store_idx %arg11[%parallel_loop3A_517], %broadcast_in_dim3A_12 {add = true} : memref<4224xf32, #tpu.memory_space<vmem>>[vector<16xi32>], vector<16xf32>,
    } {sc.loop_unroll_factor = 4 : i64, sc.parallel_access}
    %dma_wait3A_268 = tpu.memref_slice %arg2[%add3A_232] : memref<16777216xf32, #tpu.memory_space<hbm>> -> memref<16384xf32, #tpu.memory_space<hbm>>
    %dma_wait3A_269 = tpu.memref_slice %arg2[%add3A_232] : memref<16777216xf32, #tpu.memory_space<hbm>> -> memref<16384xf32, #tpu.memory_space<hbm>>
    tpu.wait_dma2 semaphore(%arg13 : memref<!tpu.dma_semaphore, #tpu.memory_space<semaphore_mem>>) src(%dma_wait3A_269 : memref<16384xf32, #tpu.memory_space<hbm>>) dst(%arg6 : memref<16384xf32, #tpu.memory_space<vmem>>)
    %add3A_270 = arith.constant 262144 : i32
    %add3A_271 = arith.addi %mul3A_2, %add3A_270 : i32
    %dma_start3A_272 = tpu.memref_slice %arg5[%add3A_271] : memref<16777216xf32, #tpu.memory_space<hbm>> -> memref<16384xf32, #tpu.memory_space<hbm>>
    %dma_start3A_273 = tpu.memref_slice %arg5[%add3A_271] : memref<16777216xf32, #tpu.memory_space<hbm>> -> memref<16384xf32, #tpu.memory_space<hbm>>
    tpu.enqueue_dma source(%arg6 : memref<16384xf32, #tpu.memory_space<vmem>>) target(%dma_start3A_273 : memref<16384xf32, #tpu.memory_space<hbm>>) target_semaphore(%arg17 : memref<!tpu.dma_semaphore, #tpu.memory_space<semaphore_mem>>)
    %dma_wait3A_274 = tpu.memref_slice %arg5[%add3A_256] : memref<16777216xf32, #tpu.memory_space<hbm>> -> memref<16384xf32, #tpu.memory_space<hbm>>
    %dma_wait3A_275 = tpu.memref_slice %arg5[%add3A_256] : memref<16777216xf32, #tpu.memory_space<hbm>> -> memref<16384xf32, #tpu.memory_space<hbm>>
    tpu.wait_dma2 semaphore(%arg20 : memref<!tpu.dma_semaphore, #tpu.memory_space<semaphore_mem>>) src(%arg9 : memref<16384xf32, #tpu.memory_space<vmem>>) dst(%dma_wait3A_275 : memref<16384xf32, #tpu.memory_space<hbm>>)
    %add3A_276 = arith.constant 311296 : i32
    %add3A_277 = arith.addi %mul3A_2, %add3A_276 : i32
    %dma_start3A_278 = tpu.memref_slice %arg2[%add3A_277] : memref<16777216xf32, #tpu.memory_space<hbm>> -> memref<16384xf32, #tpu.memory_space<hbm>>
    %dma_start3A_279 = tpu.memref_slice %arg2[%add3A_277] : memref<16777216xf32, #tpu.memory_space<hbm>> -> memref<16384xf32, #tpu.memory_space<hbm>>
    tpu.enqueue_dma source(%dma_start3A_279 : memref<16384xf32, #tpu.memory_space<hbm>>) target(%arg9 : memref<16384xf32, #tpu.memory_space<vmem>>) target_semaphore(%arg16 : memref<!tpu.dma_semaphore, #tpu.memory_space<semaphore_mem>>)
    %parallel_loop3A_280 = arith.constant 0 : i32
    %parallel_loop3A_281 = arith.constant 16384 : i32
    %parallel_loop3A_282 = arith.constant 16 : i32
    scf.for %parallel_loop3A_505 = %parallel_loop3A_280 to %parallel_loop3A_281 step %parallel_loop3A_282  : i32 {
      %parallel_loop3A_506 = arith.index_cast %parallel_loop3A_505 : i32 to index
      %parallel_loop3A_507 = tpu.vector_load %arg6[%parallel_loop3A_506] {strides = array<i32>} : memref<16384xf32, #tpu.memory_space<vmem>>, vector<16xf32>,
      %parallel_loop3A_508 = arith.subf %parallel_loop3A_507, %get3A_3 : vector<16xf32>
      %parallel_loop3A_509 = arith.mulf %parallel_loop3A_508, %get3A_5 : vector<16xf32>
      %parallel_loop3A_510 = arith.fptosi %parallel_loop3A_509 : vector<16xf32> to vector<16xi32>
      %parallel_loop3A_511 = arith.constant -1 : i32
      %parallel_loop3A_512 = vector.broadcast %parallel_loop3A_511 : i32 to vector<16xi32>
      %parallel_loop3A_513 = arith.maxsi %parallel_loop3A_510, %parallel_loop3A_512 : vector<16xi32>
      %parallel_loop3A_514 = arith.constant 256 : i32
      %parallel_loop3A_515 = vector.broadcast %parallel_loop3A_514 : i32 to vector<16xi32>
      %parallel_loop3A_516 = arith.minsi %parallel_loop3A_513, %parallel_loop3A_515 : vector<16xi32>
      %parallel_loop3A_517 = arith.addi %add3A_11, %parallel_loop3A_516 : vector<16xi32>
      tpu.vector_store_idx %arg11[%parallel_loop3A_517], %broadcast_in_dim3A_12 {add = true} : memref<4224xf32, #tpu.memory_space<vmem>>[vector<16xi32>], vector<16xf32>,
    } {sc.loop_unroll_factor = 4 : i64, sc.parallel_access}
    %dma_wait3A_283 = tpu.memref_slice %arg2[%add3A_247] : memref<16777216xf32, #tpu.memory_space<hbm>> -> memref<16384xf32, #tpu.memory_space<hbm>>
    %dma_wait3A_284 = tpu.memref_slice %arg2[%add3A_247] : memref<16777216xf32, #tpu.memory_space<hbm>> -> memref<16384xf32, #tpu.memory_space<hbm>>
    tpu.wait_dma2 semaphore(%arg14 : memref<!tpu.dma_semaphore, #tpu.memory_space<semaphore_mem>>) src(%dma_wait3A_284 : memref<16384xf32, #tpu.memory_space<hbm>>) dst(%arg7 : memref<16384xf32, #tpu.memory_space<vmem>>)
    %add3A_285 = arith.constant 278528 : i32
    %add3A_286 = arith.addi %mul3A_2, %add3A_285 : i32
    %dma_start3A_287 = tpu.memref_slice %arg5[%add3A_286] : memref<16777216xf32, #tpu.memory_space<hbm>> -> memref<16384xf32, #tpu.memory_space<hbm>>
    %dma_start3A_288 = tpu.memref_slice %arg5[%add3A_286] : memref<16777216xf32, #tpu.memory_space<hbm>> -> memref<16384xf32, #tpu.memory_space<hbm>>
    tpu.enqueue_dma source(%arg7 : memref<16384xf32, #tpu.memory_space<vmem>>) target(%dma_start3A_288 : memref<16384xf32, #tpu.memory_space<hbm>>) target_semaphore(%arg18 : memref<!tpu.dma_semaphore, #tpu.memory_space<semaphore_mem>>)
    %dma_wait3A_289 = tpu.memref_slice %arg5[%add3A_271] : memref<16777216xf32, #tpu.memory_space<hbm>> -> memref<16384xf32, #tpu.memory_space<hbm>>
    %dma_wait3A_290 = tpu.memref_slice %arg5[%add3A_271] : memref<16777216xf32, #tpu.memory_space<hbm>> -> memref<16384xf32, #tpu.memory_space<hbm>>
    tpu.wait_dma2 semaphore(%arg17 : memref<!tpu.dma_semaphore, #tpu.memory_space<semaphore_mem>>) src(%arg6 : memref<16384xf32, #tpu.memory_space<vmem>>) dst(%dma_wait3A_290 : memref<16384xf32, #tpu.memory_space<hbm>>)
    %add3A_291 = arith.constant 327680 : i32
    %add3A_292 = arith.addi %mul3A_2, %add3A_291 : i32
    %dma_start3A_293 = tpu.memref_slice %arg2[%add3A_292] : memref<16777216xf32, #tpu.memory_space<hbm>> -> memref<16384xf32, #tpu.memory_space<hbm>>
    %dma_start3A_294 = tpu.memref_slice %arg2[%add3A_292] : memref<16777216xf32, #tpu.memory_space<hbm>> -> memref<16384xf32, #tpu.memory_space<hbm>>
    tpu.enqueue_dma source(%dma_start3A_294 : memref<16384xf32, #tpu.memory_space<hbm>>) target(%arg6 : memref<16384xf32, #tpu.memory_space<vmem>>) target_semaphore(%arg13 : memref<!tpu.dma_semaphore, #tpu.memory_space<semaphore_mem>>)
    %parallel_loop3A_295 = arith.constant 0 : i32
    %parallel_loop3A_296 = arith.constant 16384 : i32
    %parallel_loop3A_297 = arith.constant 16 : i32
    scf.for %parallel_loop3A_505 = %parallel_loop3A_295 to %parallel_loop3A_296 step %parallel_loop3A_297  : i32 {
      %parallel_loop3A_506 = arith.index_cast %parallel_loop3A_505 : i32 to index
      %parallel_loop3A_507 = tpu.vector_load %arg7[%parallel_loop3A_506] {strides = array<i32>} : memref<16384xf32, #tpu.memory_space<vmem>>, vector<16xf32>,
      %parallel_loop3A_508 = arith.subf %parallel_loop3A_507, %get3A_3 : vector<16xf32>
      %parallel_loop3A_509 = arith.mulf %parallel_loop3A_508, %get3A_5 : vector<16xf32>
      %parallel_loop3A_510 = arith.fptosi %parallel_loop3A_509 : vector<16xf32> to vector<16xi32>
      %parallel_loop3A_511 = arith.constant -1 : i32
      %parallel_loop3A_512 = vector.broadcast %parallel_loop3A_511 : i32 to vector<16xi32>
      %parallel_loop3A_513 = arith.maxsi %parallel_loop3A_510, %parallel_loop3A_512 : vector<16xi32>
      %parallel_loop3A_514 = arith.constant 256 : i32
      %parallel_loop3A_515 = vector.broadcast %parallel_loop3A_514 : i32 to vector<16xi32>
      %parallel_loop3A_516 = arith.minsi %parallel_loop3A_513, %parallel_loop3A_515 : vector<16xi32>
      %parallel_loop3A_517 = arith.addi %add3A_11, %parallel_loop3A_516 : vector<16xi32>
      tpu.vector_store_idx %arg11[%parallel_loop3A_517], %broadcast_in_dim3A_12 {add = true} : memref<4224xf32, #tpu.memory_space<vmem>>[vector<16xi32>], vector<16xf32>,
    } {sc.loop_unroll_factor = 4 : i64, sc.parallel_access}
    %dma_wait3A_298 = tpu.memref_slice %arg2[%add3A_262] : memref<16777216xf32, #tpu.memory_space<hbm>> -> memref<16384xf32, #tpu.memory_space<hbm>>
    %dma_wait3A_299 = tpu.memref_slice %arg2[%add3A_262] : memref<16777216xf32, #tpu.memory_space<hbm>> -> memref<16384xf32, #tpu.memory_space<hbm>>
    tpu.wait_dma2 semaphore(%arg15 : memref<!tpu.dma_semaphore, #tpu.memory_space<semaphore_mem>>) src(%dma_wait3A_299 : memref<16384xf32, #tpu.memory_space<hbm>>) dst(%arg8 : memref<16384xf32, #tpu.memory_space<vmem>>)
    %add3A_300 = arith.constant 294912 : i32
    %add3A_301 = arith.addi %mul3A_2, %add3A_300 : i32
    %dma_start3A_302 = tpu.memref_slice %arg5[%add3A_301] : memref<16777216xf32, #tpu.memory_space<hbm>> -> memref<16384xf32, #tpu.memory_space<hbm>>
    %dma_start3A_303 = tpu.memref_slice %arg5[%add3A_301] : memref<16777216xf32, #tpu.memory_space<hbm>> -> memref<16384xf32, #tpu.memory_space<hbm>>
    tpu.enqueue_dma source(%arg8 : memref<16384xf32, #tpu.memory_space<vmem>>) target(%dma_start3A_303 : memref<16384xf32, #tpu.memory_space<hbm>>) target_semaphore(%arg19 : memref<!tpu.dma_semaphore, #tpu.memory_space<semaphore_mem>>)
    %dma_wait3A_304 = tpu.memref_slice %arg5[%add3A_286] : memref<16777216xf32, #tpu.memory_space<hbm>> -> memref<16384xf32, #tpu.memory_space<hbm>>
    %dma_wait3A_305 = tpu.memref_slice %arg5[%add3A_286] : memref<16777216xf32, #tpu.memory_space<hbm>> -> memref<16384xf32, #tpu.memory_space<hbm>>
    tpu.wait_dma2 semaphore(%arg18 : memref<!tpu.dma_semaphore, #tpu.memory_space<semaphore_mem>>) src(%arg7 : memref<16384xf32, #tpu.memory_space<vmem>>) dst(%dma_wait3A_305 : memref<16384xf32, #tpu.memory_space<hbm>>)
    %add3A_306 = arith.constant 344064 : i32
    %add3A_307 = arith.addi %mul3A_2, %add3A_306 : i32
    %dma_start3A_308 = tpu.memref_slice %arg2[%add3A_307] : memref<16777216xf32, #tpu.memory_space<hbm>> -> memref<16384xf32, #tpu.memory_space<hbm>>
    %dma_start3A_309 = tpu.memref_slice %arg2[%add3A_307] : memref<16777216xf32, #tpu.memory_space<hbm>> -> memref<16384xf32, #tpu.memory_space<hbm>>
    tpu.enqueue_dma source(%dma_start3A_309 : memref<16384xf32, #tpu.memory_space<hbm>>) target(%arg7 : memref<16384xf32, #tpu.memory_space<vmem>>) target_semaphore(%arg14 : memref<!tpu.dma_semaphore, #tpu.memory_space<semaphore_mem>>)
    %parallel_loop3A_310 = arith.constant 0 : i32
    %parallel_loop3A_311 = arith.constant 16384 : i32
    %parallel_loop3A_312 = arith.constant 16 : i32
    scf.for %parallel_loop3A_505 = %parallel_loop3A_310 to %parallel_loop3A_311 step %parallel_loop3A_312  : i32 {
      %parallel_loop3A_506 = arith.index_cast %parallel_loop3A_505 : i32 to index
      %parallel_loop3A_507 = tpu.vector_load %arg8[%parallel_loop3A_506] {strides = array<i32>} : memref<16384xf32, #tpu.memory_space<vmem>>, vector<16xf32>,
      %parallel_loop3A_508 = arith.subf %parallel_loop3A_507, %get3A_3 : vector<16xf32>
      %parallel_loop3A_509 = arith.mulf %parallel_loop3A_508, %get3A_5 : vector<16xf32>
      %parallel_loop3A_510 = arith.fptosi %parallel_loop3A_509 : vector<16xf32> to vector<16xi32>
      %parallel_loop3A_511 = arith.constant -1 : i32
      %parallel_loop3A_512 = vector.broadcast %parallel_loop3A_511 : i32 to vector<16xi32>
      %parallel_loop3A_513 = arith.maxsi %parallel_loop3A_510, %parallel_loop3A_512 : vector<16xi32>
      %parallel_loop3A_514 = arith.constant 256 : i32
      %parallel_loop3A_515 = vector.broadcast %parallel_loop3A_514 : i32 to vector<16xi32>
      %parallel_loop3A_516 = arith.minsi %parallel_loop3A_513, %parallel_loop3A_515 : vector<16xi32>
      %parallel_loop3A_517 = arith.addi %add3A_11, %parallel_loop3A_516 : vector<16xi32>
      tpu.vector_store_idx %arg11[%parallel_loop3A_517], %broadcast_in_dim3A_12 {add = true} : memref<4224xf32, #tpu.memory_space<vmem>>[vector<16xi32>], vector<16xf32>,
    } {sc.loop_unroll_factor = 4 : i64, sc.parallel_access}
    %dma_wait3A_313 = tpu.memref_slice %arg2[%add3A_277] : memref<16777216xf32, #tpu.memory_space<hbm>> -> memref<16384xf32, #tpu.memory_space<hbm>>
    %dma_wait3A_314 = tpu.memref_slice %arg2[%add3A_277] : memref<16777216xf32, #tpu.memory_space<hbm>> -> memref<16384xf32, #tpu.memory_space<hbm>>
    tpu.wait_dma2 semaphore(%arg16 : memref<!tpu.dma_semaphore, #tpu.memory_space<semaphore_mem>>) src(%dma_wait3A_314 : memref<16384xf32, #tpu.memory_space<hbm>>) dst(%arg9 : memref<16384xf32, #tpu.memory_space<vmem>>)
    %add3A_315 = arith.constant 311296 : i32
    %add3A_316 = arith.addi %mul3A_2, %add3A_315 : i32
    %dma_start3A_317 = tpu.memref_slice %arg5[%add3A_316] : memref<16777216xf32, #tpu.memory_space<hbm>> -> memref<16384xf32, #tpu.memory_space<hbm>>
    %dma_start3A_318 = tpu.memref_slice %arg5[%add3A_316] : memref<16777216xf32, #tpu.memory_space<hbm>> -> memref<16384xf32, #tpu.memory_space<hbm>>
    tpu.enqueue_dma source(%arg9 : memref<16384xf32, #tpu.memory_space<vmem>>) target(%dma_start3A_318 : memref<16384xf32, #tpu.memory_space<hbm>>) target_semaphore(%arg20 : memref<!tpu.dma_semaphore, #tpu.memory_space<semaphore_mem>>)
    %dma_wait3A_319 = tpu.memref_slice %arg5[%add3A_301] : memref<16777216xf32, #tpu.memory_space<hbm>> -> memref<16384xf32, #tpu.memory_space<hbm>>
    %dma_wait3A_320 = tpu.memref_slice %arg5[%add3A_301] : memref<16777216xf32, #tpu.memory_space<hbm>> -> memref<16384xf32, #tpu.memory_space<hbm>>
    tpu.wait_dma2 semaphore(%arg19 : memref<!tpu.dma_semaphore, #tpu.memory_space<semaphore_mem>>) src(%arg8 : memref<16384xf32, #tpu.memory_space<vmem>>) dst(%dma_wait3A_320 : memref<16384xf32, #tpu.memory_space<hbm>>)
    %add3A_321 = arith.constant 360448 : i32
    %add3A_322 = arith.addi %mul3A_2, %add3A_321 : i32
    %dma_start3A_323 = tpu.memref_slice %arg2[%add3A_322] : memref<16777216xf32, #tpu.memory_space<hbm>> -> memref<16384xf32, #tpu.memory_space<hbm>>
    %dma_start3A_324 = tpu.memref_slice %arg2[%add3A_322] : memref<16777216xf32, #tpu.memory_space<hbm>> -> memref<16384xf32, #tpu.memory_space<hbm>>
    tpu.enqueue_dma source(%dma_start3A_324 : memref<16384xf32, #tpu.memory_space<hbm>>) target(%arg8 : memref<16384xf32, #tpu.memory_space<vmem>>) target_semaphore(%arg15 : memref<!tpu.dma_semaphore, #tpu.memory_space<semaphore_mem>>)
    %parallel_loop3A_325 = arith.constant 0 : i32
    %parallel_loop3A_326 = arith.constant 16384 : i32
    %parallel_loop3A_327 = arith.constant 16 : i32
    scf.for %parallel_loop3A_505 = %parallel_loop3A_325 to %parallel_loop3A_326 step %parallel_loop3A_327  : i32 {
      %parallel_loop3A_506 = arith.index_cast %parallel_loop3A_505 : i32 to index
      %parallel_loop3A_507 = tpu.vector_load %arg9[%parallel_loop3A_506] {strides = array<i32>} : memref<16384xf32, #tpu.memory_space<vmem>>, vector<16xf32>,
      %parallel_loop3A_508 = arith.subf %parallel_loop3A_507, %get3A_3 : vector<16xf32>
      %parallel_loop3A_509 = arith.mulf %parallel_loop3A_508, %get3A_5 : vector<16xf32>
      %parallel_loop3A_510 = arith.fptosi %parallel_loop3A_509 : vector<16xf32> to vector<16xi32>
      %parallel_loop3A_511 = arith.constant -1 : i32
      %parallel_loop3A_512 = vector.broadcast %parallel_loop3A_511 : i32 to vector<16xi32>
      %parallel_loop3A_513 = arith.maxsi %parallel_loop3A_510, %parallel_loop3A_512 : vector<16xi32>
      %parallel_loop3A_514 = arith.constant 256 : i32
      %parallel_loop3A_515 = vector.broadcast %parallel_loop3A_514 : i32 to vector<16xi32>
      %parallel_loop3A_516 = arith.minsi %parallel_loop3A_513, %parallel_loop3A_515 : vector<16xi32>
      %parallel_loop3A_517 = arith.addi %add3A_11, %parallel_loop3A_516 : vector<16xi32>
      tpu.vector_store_idx %arg11[%parallel_loop3A_517], %broadcast_in_dim3A_12 {add = true} : memref<4224xf32, #tpu.memory_space<vmem>>[vector<16xi32>], vector<16xf32>,
    } {sc.loop_unroll_factor = 4 : i64, sc.parallel_access}
    %dma_wait3A_328 = tpu.memref_slice %arg2[%add3A_292] : memref<16777216xf32, #tpu.memory_space<hbm>> -> memref<16384xf32, #tpu.memory_space<hbm>>
    %dma_wait3A_329 = tpu.memref_slice %arg2[%add3A_292] : memref<16777216xf32, #tpu.memory_space<hbm>> -> memref<16384xf32, #tpu.memory_space<hbm>>
    tpu.wait_dma2 semaphore(%arg13 : memref<!tpu.dma_semaphore, #tpu.memory_space<semaphore_mem>>) src(%dma_wait3A_329 : memref<16384xf32, #tpu.memory_space<hbm>>) dst(%arg6 : memref<16384xf32, #tpu.memory_space<vmem>>)
    %add3A_330 = arith.constant 327680 : i32
    %add3A_331 = arith.addi %mul3A_2, %add3A_330 : i32
    %dma_start3A_332 = tpu.memref_slice %arg5[%add3A_331] : memref<16777216xf32, #tpu.memory_space<hbm>> -> memref<16384xf32, #tpu.memory_space<hbm>>
    %dma_start3A_333 = tpu.memref_slice %arg5[%add3A_331] : memref<16777216xf32, #tpu.memory_space<hbm>> -> memref<16384xf32, #tpu.memory_space<hbm>>
    tpu.enqueue_dma source(%arg6 : memref<16384xf32, #tpu.memory_space<vmem>>) target(%dma_start3A_333 : memref<16384xf32, #tpu.memory_space<hbm>>) target_semaphore(%arg17 : memref<!tpu.dma_semaphore, #tpu.memory_space<semaphore_mem>>)
    %dma_wait3A_334 = tpu.memref_slice %arg5[%add3A_316] : memref<16777216xf32, #tpu.memory_space<hbm>> -> memref<16384xf32, #tpu.memory_space<hbm>>
    %dma_wait3A_335 = tpu.memref_slice %arg5[%add3A_316] : memref<16777216xf32, #tpu.memory_space<hbm>> -> memref<16384xf32, #tpu.memory_space<hbm>>
    tpu.wait_dma2 semaphore(%arg20 : memref<!tpu.dma_semaphore, #tpu.memory_space<semaphore_mem>>) src(%arg9 : memref<16384xf32, #tpu.memory_space<vmem>>) dst(%dma_wait3A_335 : memref<16384xf32, #tpu.memory_space<hbm>>)
    %add3A_336 = arith.constant 376832 : i32
    %add3A_337 = arith.addi %mul3A_2, %add3A_336 : i32
    %dma_start3A_338 = tpu.memref_slice %arg2[%add3A_337] : memref<16777216xf32, #tpu.memory_space<hbm>> -> memref<16384xf32, #tpu.memory_space<hbm>>
    %dma_start3A_339 = tpu.memref_slice %arg2[%add3A_337] : memref<16777216xf32, #tpu.memory_space<hbm>> -> memref<16384xf32, #tpu.memory_space<hbm>>
    tpu.enqueue_dma source(%dma_start3A_339 : memref<16384xf32, #tpu.memory_space<hbm>>) target(%arg9 : memref<16384xf32, #tpu.memory_space<vmem>>) target_semaphore(%arg16 : memref<!tpu.dma_semaphore, #tpu.memory_space<semaphore_mem>>)
    %parallel_loop3A_340 = arith.constant 0 : i32
    %parallel_loop3A_341 = arith.constant 16384 : i32
    %parallel_loop3A_342 = arith.constant 16 : i32
    scf.for %parallel_loop3A_505 = %parallel_loop3A_340 to %parallel_loop3A_341 step %parallel_loop3A_342  : i32 {
      %parallel_loop3A_506 = arith.index_cast %parallel_loop3A_505 : i32 to index
      %parallel_loop3A_507 = tpu.vector_load %arg6[%parallel_loop3A_506] {strides = array<i32>} : memref<16384xf32, #tpu.memory_space<vmem>>, vector<16xf32>,
      %parallel_loop3A_508 = arith.subf %parallel_loop3A_507, %get3A_3 : vector<16xf32>
      %parallel_loop3A_509 = arith.mulf %parallel_loop3A_508, %get3A_5 : vector<16xf32>
      %parallel_loop3A_510 = arith.fptosi %parallel_loop3A_509 : vector<16xf32> to vector<16xi32>
      %parallel_loop3A_511 = arith.constant -1 : i32
      %parallel_loop3A_512 = vector.broadcast %parallel_loop3A_511 : i32 to vector<16xi32>
      %parallel_loop3A_513 = arith.maxsi %parallel_loop3A_510, %parallel_loop3A_512 : vector<16xi32>
      %parallel_loop3A_514 = arith.constant 256 : i32
      %parallel_loop3A_515 = vector.broadcast %parallel_loop3A_514 : i32 to vector<16xi32>
      %parallel_loop3A_516 = arith.minsi %parallel_loop3A_513, %parallel_loop3A_515 : vector<16xi32>
      %parallel_loop3A_517 = arith.addi %add3A_11, %parallel_loop3A_516 : vector<16xi32>
      tpu.vector_store_idx %arg11[%parallel_loop3A_517], %broadcast_in_dim3A_12 {add = true} : memref<4224xf32, #tpu.memory_space<vmem>>[vector<16xi32>], vector<16xf32>,
    } {sc.loop_unroll_factor = 4 : i64, sc.parallel_access}
    %dma_wait3A_343 = tpu.memref_slice %arg2[%add3A_307] : memref<16777216xf32, #tpu.memory_space<hbm>> -> memref<16384xf32, #tpu.memory_space<hbm>>
    %dma_wait3A_344 = tpu.memref_slice %arg2[%add3A_307] : memref<16777216xf32, #tpu.memory_space<hbm>> -> memref<16384xf32, #tpu.memory_space<hbm>>
    tpu.wait_dma2 semaphore(%arg14 : memref<!tpu.dma_semaphore, #tpu.memory_space<semaphore_mem>>) src(%dma_wait3A_344 : memref<16384xf32, #tpu.memory_space<hbm>>) dst(%arg7 : memref<16384xf32, #tpu.memory_space<vmem>>)
    %add3A_345 = arith.constant 344064 : i32
    %add3A_346 = arith.addi %mul3A_2, %add3A_345 : i32
    %dma_start3A_347 = tpu.memref_slice %arg5[%add3A_346] : memref<16777216xf32, #tpu.memory_space<hbm>> -> memref<16384xf32, #tpu.memory_space<hbm>>
    %dma_start3A_348 = tpu.memref_slice %arg5[%add3A_346] : memref<16777216xf32, #tpu.memory_space<hbm>> -> memref<16384xf32, #tpu.memory_space<hbm>>
    tpu.enqueue_dma source(%arg7 : memref<16384xf32, #tpu.memory_space<vmem>>) target(%dma_start3A_348 : memref<16384xf32, #tpu.memory_space<hbm>>) target_semaphore(%arg18 : memref<!tpu.dma_semaphore, #tpu.memory_space<semaphore_mem>>)
    %dma_wait3A_349 = tpu.memref_slice %arg5[%add3A_331] : memref<16777216xf32, #tpu.memory_space<hbm>> -> memref<16384xf32, #tpu.memory_space<hbm>>
    %dma_wait3A_350 = tpu.memref_slice %arg5[%add3A_331] : memref<16777216xf32, #tpu.memory_space<hbm>> -> memref<16384xf32, #tpu.memory_space<hbm>>
    tpu.wait_dma2 semaphore(%arg17 : memref<!tpu.dma_semaphore, #tpu.memory_space<semaphore_mem>>) src(%arg6 : memref<16384xf32, #tpu.memory_space<vmem>>) dst(%dma_wait3A_350 : memref<16384xf32, #tpu.memory_space<hbm>>)
    %add3A_351 = arith.constant 393216 : i32
    %add3A_352 = arith.addi %mul3A_2, %add3A_351 : i32
    %dma_start3A_353 = tpu.memref_slice %arg2[%add3A_352] : memref<16777216xf32, #tpu.memory_space<hbm>> -> memref<16384xf32, #tpu.memory_space<hbm>>
    %dma_start3A_354 = tpu.memref_slice %arg2[%add3A_352] : memref<16777216xf32, #tpu.memory_space<hbm>> -> memref<16384xf32, #tpu.memory_space<hbm>>
    tpu.enqueue_dma source(%dma_start3A_354 : memref<16384xf32, #tpu.memory_space<hbm>>) target(%arg6 : memref<16384xf32, #tpu.memory_space<vmem>>) target_semaphore(%arg13 : memref<!tpu.dma_semaphore, #tpu.memory_space<semaphore_mem>>)
    %parallel_loop3A_355 = arith.constant 0 : i32
    %parallel_loop3A_356 = arith.constant 16384 : i32
    %parallel_loop3A_357 = arith.constant 16 : i32
    scf.for %parallel_loop3A_505 = %parallel_loop3A_355 to %parallel_loop3A_356 step %parallel_loop3A_357  : i32 {
      %parallel_loop3A_506 = arith.index_cast %parallel_loop3A_505 : i32 to index
      %parallel_loop3A_507 = tpu.vector_load %arg7[%parallel_loop3A_506] {strides = array<i32>} : memref<16384xf32, #tpu.memory_space<vmem>>, vector<16xf32>,
      %parallel_loop3A_508 = arith.subf %parallel_loop3A_507, %get3A_3 : vector<16xf32>
      %parallel_loop3A_509 = arith.mulf %parallel_loop3A_508, %get3A_5 : vector<16xf32>
      %parallel_loop3A_510 = arith.fptosi %parallel_loop3A_509 : vector<16xf32> to vector<16xi32>
      %parallel_loop3A_511 = arith.constant -1 : i32
      %parallel_loop3A_512 = vector.broadcast %parallel_loop3A_511 : i32 to vector<16xi32>
      %parallel_loop3A_513 = arith.maxsi %parallel_loop3A_510, %parallel_loop3A_512 : vector<16xi32>
      %parallel_loop3A_514 = arith.constant 256 : i32
      %parallel_loop3A_515 = vector.broadcast %parallel_loop3A_514 : i32 to vector<16xi32>
      %parallel_loop3A_516 = arith.minsi %parallel_loop3A_513, %parallel_loop3A_515 : vector<16xi32>
      %parallel_loop3A_517 = arith.addi %add3A_11, %parallel_loop3A_516 : vector<16xi32>
      tpu.vector_store_idx %arg11[%parallel_loop3A_517], %broadcast_in_dim3A_12 {add = true} : memref<4224xf32, #tpu.memory_space<vmem>>[vector<16xi32>], vector<16xf32>,
    } {sc.loop_unroll_factor = 4 : i64, sc.parallel_access}
    %dma_wait3A_358 = tpu.memref_slice %arg2[%add3A_322] : memref<16777216xf32, #tpu.memory_space<hbm>> -> memref<16384xf32, #tpu.memory_space<hbm>>
    %dma_wait3A_359 = tpu.memref_slice %arg2[%add3A_322] : memref<16777216xf32, #tpu.memory_space<hbm>> -> memref<16384xf32, #tpu.memory_space<hbm>>
    tpu.wait_dma2 semaphore(%arg15 : memref<!tpu.dma_semaphore, #tpu.memory_space<semaphore_mem>>) src(%dma_wait3A_359 : memref<16384xf32, #tpu.memory_space<hbm>>) dst(%arg8 : memref<16384xf32, #tpu.memory_space<vmem>>)
    %add3A_360 = arith.constant 360448 : i32
    %add3A_361 = arith.addi %mul3A_2, %add3A_360 : i32
    %dma_start3A_362 = tpu.memref_slice %arg5[%add3A_361] : memref<16777216xf32, #tpu.memory_space<hbm>> -> memref<16384xf32, #tpu.memory_space<hbm>>
    %dma_start3A_363 = tpu.memref_slice %arg5[%add3A_361] : memref<16777216xf32, #tpu.memory_space<hbm>> -> memref<16384xf32, #tpu.memory_space<hbm>>
    tpu.enqueue_dma source(%arg8 : memref<16384xf32, #tpu.memory_space<vmem>>) target(%dma_start3A_363 : memref<16384xf32, #tpu.memory_space<hbm>>) target_semaphore(%arg19 : memref<!tpu.dma_semaphore, #tpu.memory_space<semaphore_mem>>)
    %dma_wait3A_364 = tpu.memref_slice %arg5[%add3A_346] : memref<16777216xf32, #tpu.memory_space<hbm>> -> memref<16384xf32, #tpu.memory_space<hbm>>
    %dma_wait3A_365 = tpu.memref_slice %arg5[%add3A_346] : memref<16777216xf32, #tpu.memory_space<hbm>> -> memref<16384xf32, #tpu.memory_space<hbm>>
    tpu.wait_dma2 semaphore(%arg18 : memref<!tpu.dma_semaphore, #tpu.memory_space<semaphore_mem>>) src(%arg7 : memref<16384xf32, #tpu.memory_space<vmem>>) dst(%dma_wait3A_365 : memref<16384xf32, #tpu.memory_space<hbm>>)
    %add3A_366 = arith.constant 409600 : i32
    %add3A_367 = arith.addi %mul3A_2, %add3A_366 : i32
    %dma_start3A_368 = tpu.memref_slice %arg2[%add3A_367] : memref<16777216xf32, #tpu.memory_space<hbm>> -> memref<16384xf32, #tpu.memory_space<hbm>>
    %dma_start3A_369 = tpu.memref_slice %arg2[%add3A_367] : memref<16777216xf32, #tpu.memory_space<hbm>> -> memref<16384xf32, #tpu.memory_space<hbm>>
    tpu.enqueue_dma source(%dma_start3A_369 : memref<16384xf32, #tpu.memory_space<hbm>>) target(%arg7 : memref<16384xf32, #tpu.memory_space<vmem>>) target_semaphore(%arg14 : memref<!tpu.dma_semaphore, #tpu.memory_space<semaphore_mem>>)
    %parallel_loop3A_370 = arith.constant 0 : i32
    %parallel_loop3A_371 = arith.constant 16384 : i32
    %parallel_loop3A_372 = arith.constant 16 : i32
    scf.for %parallel_loop3A_505 = %parallel_loop3A_370 to %parallel_loop3A_371 step %parallel_loop3A_372  : i32 {
      %parallel_loop3A_506 = arith.index_cast %parallel_loop3A_505 : i32 to index
      %parallel_loop3A_507 = tpu.vector_load %arg8[%parallel_loop3A_506] {strides = array<i32>} : memref<16384xf32, #tpu.memory_space<vmem>>, vector<16xf32>,
      %parallel_loop3A_508 = arith.subf %parallel_loop3A_507, %get3A_3 : vector<16xf32>
      %parallel_loop3A_509 = arith.mulf %parallel_loop3A_508, %get3A_5 : vector<16xf32>
      %parallel_loop3A_510 = arith.fptosi %parallel_loop3A_509 : vector<16xf32> to vector<16xi32>
      %parallel_loop3A_511 = arith.constant -1 : i32
      %parallel_loop3A_512 = vector.broadcast %parallel_loop3A_511 : i32 to vector<16xi32>
      %parallel_loop3A_513 = arith.maxsi %parallel_loop3A_510, %parallel_loop3A_512 : vector<16xi32>
      %parallel_loop3A_514 = arith.constant 256 : i32
      %parallel_loop3A_515 = vector.broadcast %parallel_loop3A_514 : i32 to vector<16xi32>
      %parallel_loop3A_516 = arith.minsi %parallel_loop3A_513, %parallel_loop3A_515 : vector<16xi32>
      %parallel_loop3A_517 = arith.addi %add3A_11, %parallel_loop3A_516 : vector<16xi32>
      tpu.vector_store_idx %arg11[%parallel_loop3A_517], %broadcast_in_dim3A_12 {add = true} : memref<4224xf32, #tpu.memory_space<vmem>>[vector<16xi32>], vector<16xf32>,
    } {sc.loop_unroll_factor = 4 : i64, sc.parallel_access}
    %dma_wait3A_373 = tpu.memref_slice %arg2[%add3A_337] : memref<16777216xf32, #tpu.memory_space<hbm>> -> memref<16384xf32, #tpu.memory_space<hbm>>
    %dma_wait3A_374 = tpu.memref_slice %arg2[%add3A_337] : memref<16777216xf32, #tpu.memory_space<hbm>> -> memref<16384xf32, #tpu.memory_space<hbm>>
    tpu.wait_dma2 semaphore(%arg16 : memref<!tpu.dma_semaphore, #tpu.memory_space<semaphore_mem>>) src(%dma_wait3A_374 : memref<16384xf32, #tpu.memory_space<hbm>>) dst(%arg9 : memref<16384xf32, #tpu.memory_space<vmem>>)
    %add3A_375 = arith.constant 376832 : i32
    %add3A_376 = arith.addi %mul3A_2, %add3A_375 : i32
    %dma_start3A_377 = tpu.memref_slice %arg5[%add3A_376] : memref<16777216xf32, #tpu.memory_space<hbm>> -> memref<16384xf32, #tpu.memory_space<hbm>>
    %dma_start3A_378 = tpu.memref_slice %arg5[%add3A_376] : memref<16777216xf32, #tpu.memory_space<hbm>> -> memref<16384xf32, #tpu.memory_space<hbm>>
    tpu.enqueue_dma source(%arg9 : memref<16384xf32, #tpu.memory_space<vmem>>) target(%dma_start3A_378 : memref<16384xf32, #tpu.memory_space<hbm>>) target_semaphore(%arg20 : memref<!tpu.dma_semaphore, #tpu.memory_space<semaphore_mem>>)
    %dma_wait3A_379 = tpu.memref_slice %arg5[%add3A_361] : memref<16777216xf32, #tpu.memory_space<hbm>> -> memref<16384xf32, #tpu.memory_space<hbm>>
    %dma_wait3A_380 = tpu.memref_slice %arg5[%add3A_361] : memref<16777216xf32, #tpu.memory_space<hbm>> -> memref<16384xf32, #tpu.memory_space<hbm>>
    tpu.wait_dma2 semaphore(%arg19 : memref<!tpu.dma_semaphore, #tpu.memory_space<semaphore_mem>>) src(%arg8 : memref<16384xf32, #tpu.memory_space<vmem>>) dst(%dma_wait3A_380 : memref<16384xf32, #tpu.memory_space<hbm>>)
    %add3A_381 = arith.constant 425984 : i32
    %add3A_382 = arith.addi %mul3A_2, %add3A_381 : i32
    %dma_start3A_383 = tpu.memref_slice %arg2[%add3A_382] : memref<16777216xf32, #tpu.memory_space<hbm>> -> memref<16384xf32, #tpu.memory_space<hbm>>
    %dma_start3A_384 = tpu.memref_slice %arg2[%add3A_382] : memref<16777216xf32, #tpu.memory_space<hbm>> -> memref<16384xf32, #tpu.memory_space<hbm>>
    tpu.enqueue_dma source(%dma_start3A_384 : memref<16384xf32, #tpu.memory_space<hbm>>) target(%arg8 : memref<16384xf32, #tpu.memory_space<vmem>>) target_semaphore(%arg15 : memref<!tpu.dma_semaphore, #tpu.memory_space<semaphore_mem>>)
    %parallel_loop3A_385 = arith.constant 0 : i32
    %parallel_loop3A_386 = arith.constant 16384 : i32
    %parallel_loop3A_387 = arith.constant 16 : i32
    scf.for %parallel_loop3A_505 = %parallel_loop3A_385 to %parallel_loop3A_386 step %parallel_loop3A_387  : i32 {
      %parallel_loop3A_506 = arith.index_cast %parallel_loop3A_505 : i32 to index
      %parallel_loop3A_507 = tpu.vector_load %arg9[%parallel_loop3A_506] {strides = array<i32>} : memref<16384xf32, #tpu.memory_space<vmem>>, vector<16xf32>,
      %parallel_loop3A_508 = arith.subf %parallel_loop3A_507, %get3A_3 : vector<16xf32>
      %parallel_loop3A_509 = arith.mulf %parallel_loop3A_508, %get3A_5 : vector<16xf32>
      %parallel_loop3A_510 = arith.fptosi %parallel_loop3A_509 : vector<16xf32> to vector<16xi32>
      %parallel_loop3A_511 = arith.constant -1 : i32
      %parallel_loop3A_512 = vector.broadcast %parallel_loop3A_511 : i32 to vector<16xi32>
      %parallel_loop3A_513 = arith.maxsi %parallel_loop3A_510, %parallel_loop3A_512 : vector<16xi32>
      %parallel_loop3A_514 = arith.constant 256 : i32
      %parallel_loop3A_515 = vector.broadcast %parallel_loop3A_514 : i32 to vector<16xi32>
      %parallel_loop3A_516 = arith.minsi %parallel_loop3A_513, %parallel_loop3A_515 : vector<16xi32>
      %parallel_loop3A_517 = arith.addi %add3A_11, %parallel_loop3A_516 : vector<16xi32>
      tpu.vector_store_idx %arg11[%parallel_loop3A_517], %broadcast_in_dim3A_12 {add = true} : memref<4224xf32, #tpu.memory_space<vmem>>[vector<16xi32>], vector<16xf32>,
    } {sc.loop_unroll_factor = 4 : i64, sc.parallel_access}
    %dma_wait3A_388 = tpu.memref_slice %arg2[%add3A_352] : memref<16777216xf32, #tpu.memory_space<hbm>> -> memref<16384xf32, #tpu.memory_space<hbm>>
    %dma_wait3A_389 = tpu.memref_slice %arg2[%add3A_352] : memref<16777216xf32, #tpu.memory_space<hbm>> -> memref<16384xf32, #tpu.memory_space<hbm>>
    tpu.wait_dma2 semaphore(%arg13 : memref<!tpu.dma_semaphore, #tpu.memory_space<semaphore_mem>>) src(%dma_wait3A_389 : memref<16384xf32, #tpu.memory_space<hbm>>) dst(%arg6 : memref<16384xf32, #tpu.memory_space<vmem>>)
    %add3A_390 = arith.constant 393216 : i32
    %add3A_391 = arith.addi %mul3A_2, %add3A_390 : i32
    %dma_start3A_392 = tpu.memref_slice %arg5[%add3A_391] : memref<16777216xf32, #tpu.memory_space<hbm>> -> memref<16384xf32, #tpu.memory_space<hbm>>
    %dma_start3A_393 = tpu.memref_slice %arg5[%add3A_391] : memref<16777216xf32, #tpu.memory_space<hbm>> -> memref<16384xf32, #tpu.memory_space<hbm>>
    tpu.enqueue_dma source(%arg6 : memref<16384xf32, #tpu.memory_space<vmem>>) target(%dma_start3A_393 : memref<16384xf32, #tpu.memory_space<hbm>>) target_semaphore(%arg17 : memref<!tpu.dma_semaphore, #tpu.memory_space<semaphore_mem>>)
    %dma_wait3A_394 = tpu.memref_slice %arg5[%add3A_376] : memref<16777216xf32, #tpu.memory_space<hbm>> -> memref<16384xf32, #tpu.memory_space<hbm>>
    %dma_wait3A_395 = tpu.memref_slice %arg5[%add3A_376] : memref<16777216xf32, #tpu.memory_space<hbm>> -> memref<16384xf32, #tpu.memory_space<hbm>>
    tpu.wait_dma2 semaphore(%arg20 : memref<!tpu.dma_semaphore, #tpu.memory_space<semaphore_mem>>) src(%arg9 : memref<16384xf32, #tpu.memory_space<vmem>>) dst(%dma_wait3A_395 : memref<16384xf32, #tpu.memory_space<hbm>>)
    %add3A_396 = arith.constant 442368 : i32
    %add3A_397 = arith.addi %mul3A_2, %add3A_396 : i32
    %dma_start3A_398 = tpu.memref_slice %arg2[%add3A_397] : memref<16777216xf32, #tpu.memory_space<hbm>> -> memref<16384xf32, #tpu.memory_space<hbm>>
    %dma_start3A_399 = tpu.memref_slice %arg2[%add3A_397] : memref<16777216xf32, #tpu.memory_space<hbm>> -> memref<16384xf32, #tpu.memory_space<hbm>>
    tpu.enqueue_dma source(%dma_start3A_399 : memref<16384xf32, #tpu.memory_space<hbm>>) target(%arg9 : memref<16384xf32, #tpu.memory_space<vmem>>) target_semaphore(%arg16 : memref<!tpu.dma_semaphore, #tpu.memory_space<semaphore_mem>>)
    %parallel_loop3A_400 = arith.constant 0 : i32
    %parallel_loop3A_401 = arith.constant 16384 : i32
    %parallel_loop3A_402 = arith.constant 16 : i32
    scf.for %parallel_loop3A_505 = %parallel_loop3A_400 to %parallel_loop3A_401 step %parallel_loop3A_402  : i32 {
      %parallel_loop3A_506 = arith.index_cast %parallel_loop3A_505 : i32 to index
      %parallel_loop3A_507 = tpu.vector_load %arg6[%parallel_loop3A_506] {strides = array<i32>} : memref<16384xf32, #tpu.memory_space<vmem>>, vector<16xf32>,
      %parallel_loop3A_508 = arith.subf %parallel_loop3A_507, %get3A_3 : vector<16xf32>
      %parallel_loop3A_509 = arith.mulf %parallel_loop3A_508, %get3A_5 : vector<16xf32>
      %parallel_loop3A_510 = arith.fptosi %parallel_loop3A_509 : vector<16xf32> to vector<16xi32>
      %parallel_loop3A_511 = arith.constant -1 : i32
      %parallel_loop3A_512 = vector.broadcast %parallel_loop3A_511 : i32 to vector<16xi32>
      %parallel_loop3A_513 = arith.maxsi %parallel_loop3A_510, %parallel_loop3A_512 : vector<16xi32>
      %parallel_loop3A_514 = arith.constant 256 : i32
      %parallel_loop3A_515 = vector.broadcast %parallel_loop3A_514 : i32 to vector<16xi32>
      %parallel_loop3A_516 = arith.minsi %parallel_loop3A_513, %parallel_loop3A_515 : vector<16xi32>
      %parallel_loop3A_517 = arith.addi %add3A_11, %parallel_loop3A_516 : vector<16xi32>
      tpu.vector_store_idx %arg11[%parallel_loop3A_517], %broadcast_in_dim3A_12 {add = true} : memref<4224xf32, #tpu.memory_space<vmem>>[vector<16xi32>], vector<16xf32>,
    } {sc.loop_unroll_factor = 4 : i64, sc.parallel_access}
    %dma_wait3A_403 = tpu.memref_slice %arg2[%add3A_367] : memref<16777216xf32, #tpu.memory_space<hbm>> -> memref<16384xf32, #tpu.memory_space<hbm>>
    %dma_wait3A_404 = tpu.memref_slice %arg2[%add3A_367] : memref<16777216xf32, #tpu.memory_space<hbm>> -> memref<16384xf32, #tpu.memory_space<hbm>>
    tpu.wait_dma2 semaphore(%arg14 : memref<!tpu.dma_semaphore, #tpu.memory_space<semaphore_mem>>) src(%dma_wait3A_404 : memref<16384xf32, #tpu.memory_space<hbm>>) dst(%arg7 : memref<16384xf32, #tpu.memory_space<vmem>>)
    %add3A_405 = arith.constant 409600 : i32
    %add3A_406 = arith.addi %mul3A_2, %add3A_405 : i32
    %dma_start3A_407 = tpu.memref_slice %arg5[%add3A_406] : memref<16777216xf32, #tpu.memory_space<hbm>> -> memref<16384xf32, #tpu.memory_space<hbm>>
    %dma_start3A_408 = tpu.memref_slice %arg5[%add3A_406] : memref<16777216xf32, #tpu.memory_space<hbm>> -> memref<16384xf32, #tpu.memory_space<hbm>>
    tpu.enqueue_dma source(%arg7 : memref<16384xf32, #tpu.memory_space<vmem>>) target(%dma_start3A_408 : memref<16384xf32, #tpu.memory_space<hbm>>) target_semaphore(%arg18 : memref<!tpu.dma_semaphore, #tpu.memory_space<semaphore_mem>>)
    %dma_wait3A_409 = tpu.memref_slice %arg5[%add3A_391] : memref<16777216xf32, #tpu.memory_space<hbm>> -> memref<16384xf32, #tpu.memory_space<hbm>>
    %dma_wait3A_410 = tpu.memref_slice %arg5[%add3A_391] : memref<16777216xf32, #tpu.memory_space<hbm>> -> memref<16384xf32, #tpu.memory_space<hbm>>
    tpu.wait_dma2 semaphore(%arg17 : memref<!tpu.dma_semaphore, #tpu.memory_space<semaphore_mem>>) src(%arg6 : memref<16384xf32, #tpu.memory_space<vmem>>) dst(%dma_wait3A_410 : memref<16384xf32, #tpu.memory_space<hbm>>)
    %add3A_411 = arith.constant 458752 : i32
    %add3A_412 = arith.addi %mul3A_2, %add3A_411 : i32
    %dma_start3A_413 = tpu.memref_slice %arg2[%add3A_412] : memref<16777216xf32, #tpu.memory_space<hbm>> -> memref<16384xf32, #tpu.memory_space<hbm>>
    %dma_start3A_414 = tpu.memref_slice %arg2[%add3A_412] : memref<16777216xf32, #tpu.memory_space<hbm>> -> memref<16384xf32, #tpu.memory_space<hbm>>
    tpu.enqueue_dma source(%dma_start3A_414 : memref<16384xf32, #tpu.memory_space<hbm>>) target(%arg6 : memref<16384xf32, #tpu.memory_space<vmem>>) target_semaphore(%arg13 : memref<!tpu.dma_semaphore, #tpu.memory_space<semaphore_mem>>)
    %parallel_loop3A_415 = arith.constant 0 : i32
    %parallel_loop3A_416 = arith.constant 16384 : i32
    %parallel_loop3A_417 = arith.constant 16 : i32
    scf.for %parallel_loop3A_505 = %parallel_loop3A_415 to %parallel_loop3A_416 step %parallel_loop3A_417  : i32 {
      %parallel_loop3A_506 = arith.index_cast %parallel_loop3A_505 : i32 to index
      %parallel_loop3A_507 = tpu.vector_load %arg7[%parallel_loop3A_506] {strides = array<i32>} : memref<16384xf32, #tpu.memory_space<vmem>>, vector<16xf32>,
      %parallel_loop3A_508 = arith.subf %parallel_loop3A_507, %get3A_3 : vector<16xf32>
      %parallel_loop3A_509 = arith.mulf %parallel_loop3A_508, %get3A_5 : vector<16xf32>
      %parallel_loop3A_510 = arith.fptosi %parallel_loop3A_509 : vector<16xf32> to vector<16xi32>
      %parallel_loop3A_511 = arith.constant -1 : i32
      %parallel_loop3A_512 = vector.broadcast %parallel_loop3A_511 : i32 to vector<16xi32>
      %parallel_loop3A_513 = arith.maxsi %parallel_loop3A_510, %parallel_loop3A_512 : vector<16xi32>
      %parallel_loop3A_514 = arith.constant 256 : i32
      %parallel_loop3A_515 = vector.broadcast %parallel_loop3A_514 : i32 to vector<16xi32>
      %parallel_loop3A_516 = arith.minsi %parallel_loop3A_513, %parallel_loop3A_515 : vector<16xi32>
      %parallel_loop3A_517 = arith.addi %add3A_11, %parallel_loop3A_516 : vector<16xi32>
      tpu.vector_store_idx %arg11[%parallel_loop3A_517], %broadcast_in_dim3A_12 {add = true} : memref<4224xf32, #tpu.memory_space<vmem>>[vector<16xi32>], vector<16xf32>,
    } {sc.loop_unroll_factor = 4 : i64, sc.parallel_access}
    %dma_wait3A_418 = tpu.memref_slice %arg2[%add3A_382] : memref<16777216xf32, #tpu.memory_space<hbm>> -> memref<16384xf32, #tpu.memory_space<hbm>>
    %dma_wait3A_419 = tpu.memref_slice %arg2[%add3A_382] : memref<16777216xf32, #tpu.memory_space<hbm>> -> memref<16384xf32, #tpu.memory_space<hbm>>
    tpu.wait_dma2 semaphore(%arg15 : memref<!tpu.dma_semaphore, #tpu.memory_space<semaphore_mem>>) src(%dma_wait3A_419 : memref<16384xf32, #tpu.memory_space<hbm>>) dst(%arg8 : memref<16384xf32, #tpu.memory_space<vmem>>)
    %add3A_420 = arith.constant 425984 : i32
    %add3A_421 = arith.addi %mul3A_2, %add3A_420 : i32
    %dma_start3A_422 = tpu.memref_slice %arg5[%add3A_421] : memref<16777216xf32, #tpu.memory_space<hbm>> -> memref<16384xf32, #tpu.memory_space<hbm>>
    %dma_start3A_423 = tpu.memref_slice %arg5[%add3A_421] : memref<16777216xf32, #tpu.memory_space<hbm>> -> memref<16384xf32, #tpu.memory_space<hbm>>
    tpu.enqueue_dma source(%arg8 : memref<16384xf32, #tpu.memory_space<vmem>>) target(%dma_start3A_423 : memref<16384xf32, #tpu.memory_space<hbm>>) target_semaphore(%arg19 : memref<!tpu.dma_semaphore, #tpu.memory_space<semaphore_mem>>)
    %dma_wait3A_424 = tpu.memref_slice %arg5[%add3A_406] : memref<16777216xf32, #tpu.memory_space<hbm>> -> memref<16384xf32, #tpu.memory_space<hbm>>
    %dma_wait3A_425 = tpu.memref_slice %arg5[%add3A_406] : memref<16777216xf32, #tpu.memory_space<hbm>> -> memref<16384xf32, #tpu.memory_space<hbm>>
    tpu.wait_dma2 semaphore(%arg18 : memref<!tpu.dma_semaphore, #tpu.memory_space<semaphore_mem>>) src(%arg7 : memref<16384xf32, #tpu.memory_space<vmem>>) dst(%dma_wait3A_425 : memref<16384xf32, #tpu.memory_space<hbm>>)
    %add3A_426 = arith.constant 475136 : i32
    %add3A_427 = arith.addi %mul3A_2, %add3A_426 : i32
    %dma_start3A_428 = tpu.memref_slice %arg2[%add3A_427] : memref<16777216xf32, #tpu.memory_space<hbm>> -> memref<16384xf32, #tpu.memory_space<hbm>>
    %dma_start3A_429 = tpu.memref_slice %arg2[%add3A_427] : memref<16777216xf32, #tpu.memory_space<hbm>> -> memref<16384xf32, #tpu.memory_space<hbm>>
    tpu.enqueue_dma source(%dma_start3A_429 : memref<16384xf32, #tpu.memory_space<hbm>>) target(%arg7 : memref<16384xf32, #tpu.memory_space<vmem>>) target_semaphore(%arg14 : memref<!tpu.dma_semaphore, #tpu.memory_space<semaphore_mem>>)
    %parallel_loop3A_430 = arith.constant 0 : i32
    %parallel_loop3A_431 = arith.constant 16384 : i32
    %parallel_loop3A_432 = arith.constant 16 : i32
    scf.for %parallel_loop3A_505 = %parallel_loop3A_430 to %parallel_loop3A_431 step %parallel_loop3A_432  : i32 {
      %parallel_loop3A_506 = arith.index_cast %parallel_loop3A_505 : i32 to index
      %parallel_loop3A_507 = tpu.vector_load %arg8[%parallel_loop3A_506] {strides = array<i32>} : memref<16384xf32, #tpu.memory_space<vmem>>, vector<16xf32>,
      %parallel_loop3A_508 = arith.subf %parallel_loop3A_507, %get3A_3 : vector<16xf32>
      %parallel_loop3A_509 = arith.mulf %parallel_loop3A_508, %get3A_5 : vector<16xf32>
      %parallel_loop3A_510 = arith.fptosi %parallel_loop3A_509 : vector<16xf32> to vector<16xi32>
      %parallel_loop3A_511 = arith.constant -1 : i32
      %parallel_loop3A_512 = vector.broadcast %parallel_loop3A_511 : i32 to vector<16xi32>
      %parallel_loop3A_513 = arith.maxsi %parallel_loop3A_510, %parallel_loop3A_512 : vector<16xi32>
      %parallel_loop3A_514 = arith.constant 256 : i32
      %parallel_loop3A_515 = vector.broadcast %parallel_loop3A_514 : i32 to vector<16xi32>
      %parallel_loop3A_516 = arith.minsi %parallel_loop3A_513, %parallel_loop3A_515 : vector<16xi32>
      %parallel_loop3A_517 = arith.addi %add3A_11, %parallel_loop3A_516 : vector<16xi32>
      tpu.vector_store_idx %arg11[%parallel_loop3A_517], %broadcast_in_dim3A_12 {add = true} : memref<4224xf32, #tpu.memory_space<vmem>>[vector<16xi32>], vector<16xf32>,
    } {sc.loop_unroll_factor = 4 : i64, sc.parallel_access}
    %dma_wait3A_433 = tpu.memref_slice %arg2[%add3A_397] : memref<16777216xf32, #tpu.memory_space<hbm>> -> memref<16384xf32, #tpu.memory_space<hbm>>
    %dma_wait3A_434 = tpu.memref_slice %arg2[%add3A_397] : memref<16777216xf32, #tpu.memory_space<hbm>> -> memref<16384xf32, #tpu.memory_space<hbm>>
    tpu.wait_dma2 semaphore(%arg16 : memref<!tpu.dma_semaphore, #tpu.memory_space<semaphore_mem>>) src(%dma_wait3A_434 : memref<16384xf32, #tpu.memory_space<hbm>>) dst(%arg9 : memref<16384xf32, #tpu.memory_space<vmem>>)
    %add3A_435 = arith.constant 442368 : i32
    %add3A_436 = arith.addi %mul3A_2, %add3A_435 : i32
    %dma_start3A_437 = tpu.memref_slice %arg5[%add3A_436] : memref<16777216xf32, #tpu.memory_space<hbm>> -> memref<16384xf32, #tpu.memory_space<hbm>>
    %dma_start3A_438 = tpu.memref_slice %arg5[%add3A_436] : memref<16777216xf32, #tpu.memory_space<hbm>> -> memref<16384xf32, #tpu.memory_space<hbm>>
    tpu.enqueue_dma source(%arg9 : memref<16384xf32, #tpu.memory_space<vmem>>) target(%dma_start3A_438 : memref<16384xf32, #tpu.memory_space<hbm>>) target_semaphore(%arg20 : memref<!tpu.dma_semaphore, #tpu.memory_space<semaphore_mem>>)
    %dma_wait3A_439 = tpu.memref_slice %arg5[%add3A_421] : memref<16777216xf32, #tpu.memory_space<hbm>> -> memref<16384xf32, #tpu.memory_space<hbm>>
    %dma_wait3A_440 = tpu.memref_slice %arg5[%add3A_421] : memref<16777216xf32, #tpu.memory_space<hbm>> -> memref<16384xf32, #tpu.memory_space<hbm>>
    tpu.wait_dma2 semaphore(%arg19 : memref<!tpu.dma_semaphore, #tpu.memory_space<semaphore_mem>>) src(%arg8 : memref<16384xf32, #tpu.memory_space<vmem>>) dst(%dma_wait3A_440 : memref<16384xf32, #tpu.memory_space<hbm>>)
    %add3A_441 = arith.constant 491520 : i32
    %add3A_442 = arith.addi %mul3A_2, %add3A_441 : i32
    %dma_start3A_443 = tpu.memref_slice %arg2[%add3A_442] : memref<16777216xf32, #tpu.memory_space<hbm>> -> memref<16384xf32, #tpu.memory_space<hbm>>
    %dma_start3A_444 = tpu.memref_slice %arg2[%add3A_442] : memref<16777216xf32, #tpu.memory_space<hbm>> -> memref<16384xf32, #tpu.memory_space<hbm>>
    tpu.enqueue_dma source(%dma_start3A_444 : memref<16384xf32, #tpu.memory_space<hbm>>) target(%arg8 : memref<16384xf32, #tpu.memory_space<vmem>>) target_semaphore(%arg15 : memref<!tpu.dma_semaphore, #tpu.memory_space<semaphore_mem>>)
    %parallel_loop3A_445 = arith.constant 0 : i32
    %parallel_loop3A_446 = arith.constant 16384 : i32
    %parallel_loop3A_447 = arith.constant 16 : i32
    scf.for %parallel_loop3A_505 = %parallel_loop3A_445 to %parallel_loop3A_446 step %parallel_loop3A_447  : i32 {
      %parallel_loop3A_506 = arith.index_cast %parallel_loop3A_505 : i32 to index
      %parallel_loop3A_507 = tpu.vector_load %arg9[%parallel_loop3A_506] {strides = array<i32>} : memref<16384xf32, #tpu.memory_space<vmem>>, vector<16xf32>,
      %parallel_loop3A_508 = arith.subf %parallel_loop3A_507, %get3A_3 : vector<16xf32>
      %parallel_loop3A_509 = arith.mulf %parallel_loop3A_508, %get3A_5 : vector<16xf32>
      %parallel_loop3A_510 = arith.fptosi %parallel_loop3A_509 : vector<16xf32> to vector<16xi32>
      %parallel_loop3A_511 = arith.constant -1 : i32
      %parallel_loop3A_512 = vector.broadcast %parallel_loop3A_511 : i32 to vector<16xi32>
      %parallel_loop3A_513 = arith.maxsi %parallel_loop3A_510, %parallel_loop3A_512 : vector<16xi32>
      %parallel_loop3A_514 = arith.constant 256 : i32
      %parallel_loop3A_515 = vector.broadcast %parallel_loop3A_514 : i32 to vector<16xi32>
      %parallel_loop3A_516 = arith.minsi %parallel_loop3A_513, %parallel_loop3A_515 : vector<16xi32>
      %parallel_loop3A_517 = arith.addi %add3A_11, %parallel_loop3A_516 : vector<16xi32>
      tpu.vector_store_idx %arg11[%parallel_loop3A_517], %broadcast_in_dim3A_12 {add = true} : memref<4224xf32, #tpu.memory_space<vmem>>[vector<16xi32>], vector<16xf32>,
    } {sc.loop_unroll_factor = 4 : i64, sc.parallel_access}
    %dma_wait3A_448 = tpu.memref_slice %arg2[%add3A_412] : memref<16777216xf32, #tpu.memory_space<hbm>> -> memref<16384xf32, #tpu.memory_space<hbm>>
    %dma_wait3A_449 = tpu.memref_slice %arg2[%add3A_412] : memref<16777216xf32, #tpu.memory_space<hbm>> -> memref<16384xf32, #tpu.memory_space<hbm>>
    tpu.wait_dma2 semaphore(%arg13 : memref<!tpu.dma_semaphore, #tpu.memory_space<semaphore_mem>>) src(%dma_wait3A_449 : memref<16384xf32, #tpu.memory_space<hbm>>) dst(%arg6 : memref<16384xf32, #tpu.memory_space<vmem>>)
    %add3A_450 = arith.constant 458752 : i32
    %add3A_451 = arith.addi %mul3A_2, %add3A_450 : i32
    %dma_start3A_452 = tpu.memref_slice %arg5[%add3A_451] : memref<16777216xf32, #tpu.memory_space<hbm>> -> memref<16384xf32, #tpu.memory_space<hbm>>
    %dma_start3A_453 = tpu.memref_slice %arg5[%add3A_451] : memref<16777216xf32, #tpu.memory_space<hbm>> -> memref<16384xf32, #tpu.memory_space<hbm>>
    tpu.enqueue_dma source(%arg6 : memref<16384xf32, #tpu.memory_space<vmem>>) target(%dma_start3A_453 : memref<16384xf32, #tpu.memory_space<hbm>>) target_semaphore(%arg17 : memref<!tpu.dma_semaphore, #tpu.memory_space<semaphore_mem>>)
    %dma_wait3A_454 = tpu.memref_slice %arg5[%add3A_436] : memref<16777216xf32, #tpu.memory_space<hbm>> -> memref<16384xf32, #tpu.memory_space<hbm>>
    %dma_wait3A_455 = tpu.memref_slice %arg5[%add3A_436] : memref<16777216xf32, #tpu.memory_space<hbm>> -> memref<16384xf32, #tpu.memory_space<hbm>>
    tpu.wait_dma2 semaphore(%arg20 : memref<!tpu.dma_semaphore, #tpu.memory_space<semaphore_mem>>) src(%arg9 : memref<16384xf32, #tpu.memory_space<vmem>>) dst(%dma_wait3A_455 : memref<16384xf32, #tpu.memory_space<hbm>>)
    %add3A_456 = arith.constant 507904 : i32
    %add3A_457 = arith.addi %mul3A_2, %add3A_456 : i32
    %dma_start3A_458 = tpu.memref_slice %arg2[%add3A_457] : memref<16777216xf32, #tpu.memory_space<hbm>> -> memref<16384xf32, #tpu.memory_space<hbm>>
    %dma_start3A_459 = tpu.memref_slice %arg2[%add3A_457] : memref<16777216xf32, #tpu.memory_space<hbm>> -> memref<16384xf32, #tpu.memory_space<hbm>>
    tpu.enqueue_dma source(%dma_start3A_459 : memref<16384xf32, #tpu.memory_space<hbm>>) target(%arg9 : memref<16384xf32, #tpu.memory_space<vmem>>) target_semaphore(%arg16 : memref<!tpu.dma_semaphore, #tpu.memory_space<semaphore_mem>>)
    %parallel_loop3A_460 = arith.constant 0 : i32
    %parallel_loop3A_461 = arith.constant 16384 : i32
    %parallel_loop3A_462 = arith.constant 16 : i32
    scf.for %parallel_loop3A_505 = %parallel_loop3A_460 to %parallel_loop3A_461 step %parallel_loop3A_462  : i32 {
      %parallel_loop3A_506 = arith.index_cast %parallel_loop3A_505 : i32 to index
      %parallel_loop3A_507 = tpu.vector_load %arg6[%parallel_loop3A_506] {strides = array<i32>} : memref<16384xf32, #tpu.memory_space<vmem>>, vector<16xf32>,
      %parallel_loop3A_508 = arith.subf %parallel_loop3A_507, %get3A_3 : vector<16xf32>
      %parallel_loop3A_509 = arith.mulf %parallel_loop3A_508, %get3A_5 : vector<16xf32>
      %parallel_loop3A_510 = arith.fptosi %parallel_loop3A_509 : vector<16xf32> to vector<16xi32>
      %parallel_loop3A_511 = arith.constant -1 : i32
      %parallel_loop3A_512 = vector.broadcast %parallel_loop3A_511 : i32 to vector<16xi32>
      %parallel_loop3A_513 = arith.maxsi %parallel_loop3A_510, %parallel_loop3A_512 : vector<16xi32>
      %parallel_loop3A_514 = arith.constant 256 : i32
      %parallel_loop3A_515 = vector.broadcast %parallel_loop3A_514 : i32 to vector<16xi32>
      %parallel_loop3A_516 = arith.minsi %parallel_loop3A_513, %parallel_loop3A_515 : vector<16xi32>
      %parallel_loop3A_517 = arith.addi %add3A_11, %parallel_loop3A_516 : vector<16xi32>
      tpu.vector_store_idx %arg11[%parallel_loop3A_517], %broadcast_in_dim3A_12 {add = true} : memref<4224xf32, #tpu.memory_space<vmem>>[vector<16xi32>], vector<16xf32>,
    } {sc.loop_unroll_factor = 4 : i64, sc.parallel_access}
    %dma_wait3A_463 = tpu.memref_slice %arg2[%add3A_427] : memref<16777216xf32, #tpu.memory_space<hbm>> -> memref<16384xf32, #tpu.memory_space<hbm>>
    %dma_wait3A_464 = tpu.memref_slice %arg2[%add3A_427] : memref<16777216xf32, #tpu.memory_space<hbm>> -> memref<16384xf32, #tpu.memory_space<hbm>>
    tpu.wait_dma2 semaphore(%arg14 : memref<!tpu.dma_semaphore, #tpu.memory_space<semaphore_mem>>) src(%dma_wait3A_464 : memref<16384xf32, #tpu.memory_space<hbm>>) dst(%arg7 : memref<16384xf32, #tpu.memory_space<vmem>>)
    %add3A_465 = arith.constant 475136 : i32
    %add3A_466 = arith.addi %mul3A_2, %add3A_465 : i32
    %dma_start3A_467 = tpu.memref_slice %arg5[%add3A_466] : memref<16777216xf32, #tpu.memory_space<hbm>> -> memref<16384xf32, #tpu.memory_space<hbm>>
    %dma_start3A_468 = tpu.memref_slice %arg5[%add3A_466] : memref<16777216xf32, #tpu.memory_space<hbm>> -> memref<16384xf32, #tpu.memory_space<hbm>>
    tpu.enqueue_dma source(%arg7 : memref<16384xf32, #tpu.memory_space<vmem>>) target(%dma_start3A_468 : memref<16384xf32, #tpu.memory_space<hbm>>) target_semaphore(%arg18 : memref<!tpu.dma_semaphore, #tpu.memory_space<semaphore_mem>>)
    %parallel_loop3A_469 = arith.constant 0 : i32
    %parallel_loop3A_470 = arith.constant 16384 : i32
    %parallel_loop3A_471 = arith.constant 16 : i32
    scf.for %parallel_loop3A_505 = %parallel_loop3A_469 to %parallel_loop3A_470 step %parallel_loop3A_471  : i32 {
      %parallel_loop3A_506 = arith.index_cast %parallel_loop3A_505 : i32 to index
      %parallel_loop3A_507 = tpu.vector_load %arg7[%parallel_loop3A_506] {strides = array<i32>} : memref<16384xf32, #tpu.memory_space<vmem>>, vector<16xf32>,
      %parallel_loop3A_508 = arith.subf %parallel_loop3A_507, %get3A_3 : vector<16xf32>
      %parallel_loop3A_509 = arith.mulf %parallel_loop3A_508, %get3A_5 : vector<16xf32>
      %parallel_loop3A_510 = arith.fptosi %parallel_loop3A_509 : vector<16xf32> to vector<16xi32>
      %parallel_loop3A_511 = arith.constant -1 : i32
      %parallel_loop3A_512 = vector.broadcast %parallel_loop3A_511 : i32 to vector<16xi32>
      %parallel_loop3A_513 = arith.maxsi %parallel_loop3A_510, %parallel_loop3A_512 : vector<16xi32>
      %parallel_loop3A_514 = arith.constant 256 : i32
      %parallel_loop3A_515 = vector.broadcast %parallel_loop3A_514 : i32 to vector<16xi32>
      %parallel_loop3A_516 = arith.minsi %parallel_loop3A_513, %parallel_loop3A_515 : vector<16xi32>
      %parallel_loop3A_517 = arith.addi %add3A_11, %parallel_loop3A_516 : vector<16xi32>
      tpu.vector_store_idx %arg11[%parallel_loop3A_517], %broadcast_in_dim3A_12 {add = true} : memref<4224xf32, #tpu.memory_space<vmem>>[vector<16xi32>], vector<16xf32>,
    } {sc.loop_unroll_factor = 4 : i64, sc.parallel_access}
    %dma_wait3A_472 = tpu.memref_slice %arg2[%add3A_442] : memref<16777216xf32, #tpu.memory_space<hbm>> -> memref<16384xf32, #tpu.memory_space<hbm>>
    %dma_wait3A_473 = tpu.memref_slice %arg2[%add3A_442] : memref<16777216xf32, #tpu.memory_space<hbm>> -> memref<16384xf32, #tpu.memory_space<hbm>>
    tpu.wait_dma2 semaphore(%arg15 : memref<!tpu.dma_semaphore, #tpu.memory_space<semaphore_mem>>) src(%dma_wait3A_473 : memref<16384xf32, #tpu.memory_space<hbm>>) dst(%arg8 : memref<16384xf32, #tpu.memory_space<vmem>>)
    %add3A_474 = arith.constant 491520 : i32
    %add3A_475 = arith.addi %mul3A_2, %add3A_474 : i32
    %dma_start3A_476 = tpu.memref_slice %arg5[%add3A_475] : memref<16777216xf32, #tpu.memory_space<hbm>> -> memref<16384xf32, #tpu.memory_space<hbm>>
    %dma_start3A_477 = tpu.memref_slice %arg5[%add3A_475] : memref<16777216xf32, #tpu.memory_space<hbm>> -> memref<16384xf32, #tpu.memory_space<hbm>>
    tpu.enqueue_dma source(%arg8 : memref<16384xf32, #tpu.memory_space<vmem>>) target(%dma_start3A_477 : memref<16384xf32, #tpu.memory_space<hbm>>) target_semaphore(%arg19 : memref<!tpu.dma_semaphore, #tpu.memory_space<semaphore_mem>>)
    %parallel_loop3A_478 = arith.constant 0 : i32
    %parallel_loop3A_479 = arith.constant 16384 : i32
    %parallel_loop3A_480 = arith.constant 16 : i32
    scf.for %parallel_loop3A_505 = %parallel_loop3A_478 to %parallel_loop3A_479 step %parallel_loop3A_480  : i32 {
      %parallel_loop3A_506 = arith.index_cast %parallel_loop3A_505 : i32 to index
      %parallel_loop3A_507 = tpu.vector_load %arg8[%parallel_loop3A_506] {strides = array<i32>} : memref<16384xf32, #tpu.memory_space<vmem>>, vector<16xf32>,
      %parallel_loop3A_508 = arith.subf %parallel_loop3A_507, %get3A_3 : vector<16xf32>
      %parallel_loop3A_509 = arith.mulf %parallel_loop3A_508, %get3A_5 : vector<16xf32>
      %parallel_loop3A_510 = arith.fptosi %parallel_loop3A_509 : vector<16xf32> to vector<16xi32>
      %parallel_loop3A_511 = arith.constant -1 : i32
      %parallel_loop3A_512 = vector.broadcast %parallel_loop3A_511 : i32 to vector<16xi32>
      %parallel_loop3A_513 = arith.maxsi %parallel_loop3A_510, %parallel_loop3A_512 : vector<16xi32>
      %parallel_loop3A_514 = arith.constant 256 : i32
      %parallel_loop3A_515 = vector.broadcast %parallel_loop3A_514 : i32 to vector<16xi32>
      %parallel_loop3A_516 = arith.minsi %parallel_loop3A_513, %parallel_loop3A_515 : vector<16xi32>
      %parallel_loop3A_517 = arith.addi %add3A_11, %parallel_loop3A_516 : vector<16xi32>
      tpu.vector_store_idx %arg11[%parallel_loop3A_517], %broadcast_in_dim3A_12 {add = true} : memref<4224xf32, #tpu.memory_space<vmem>>[vector<16xi32>], vector<16xf32>,
    } {sc.loop_unroll_factor = 4 : i64, sc.parallel_access}
    %dma_wait3A_481 = tpu.memref_slice %arg2[%add3A_457] : memref<16777216xf32, #tpu.memory_space<hbm>> -> memref<16384xf32, #tpu.memory_space<hbm>>
    %dma_wait3A_482 = tpu.memref_slice %arg2[%add3A_457] : memref<16777216xf32, #tpu.memory_space<hbm>> -> memref<16384xf32, #tpu.memory_space<hbm>>
    tpu.wait_dma2 semaphore(%arg16 : memref<!tpu.dma_semaphore, #tpu.memory_space<semaphore_mem>>) src(%dma_wait3A_482 : memref<16384xf32, #tpu.memory_space<hbm>>) dst(%arg9 : memref<16384xf32, #tpu.memory_space<vmem>>)
    %add3A_483 = arith.constant 507904 : i32
    %add3A_484 = arith.addi %mul3A_2, %add3A_483 : i32
    %dma_start3A_485 = tpu.memref_slice %arg5[%add3A_484] : memref<16777216xf32, #tpu.memory_space<hbm>> -> memref<16384xf32, #tpu.memory_space<hbm>>
    %dma_start3A_486 = tpu.memref_slice %arg5[%add3A_484] : memref<16777216xf32, #tpu.memory_space<hbm>> -> memref<16384xf32, #tpu.memory_space<hbm>>
    tpu.enqueue_dma source(%arg9 : memref<16384xf32, #tpu.memory_space<vmem>>) target(%dma_start3A_486 : memref<16384xf32, #tpu.memory_space<hbm>>) target_semaphore(%arg20 : memref<!tpu.dma_semaphore, #tpu.memory_space<semaphore_mem>>)
    %parallel_loop3A_487 = arith.constant 0 : i32
    %parallel_loop3A_488 = arith.constant 16384 : i32
    %parallel_loop3A_489 = arith.constant 16 : i32
    scf.for %parallel_loop3A_505 = %parallel_loop3A_487 to %parallel_loop3A_488 step %parallel_loop3A_489  : i32 {
      %parallel_loop3A_506 = arith.index_cast %parallel_loop3A_505 : i32 to index
      %parallel_loop3A_507 = tpu.vector_load %arg9[%parallel_loop3A_506] {strides = array<i32>} : memref<16384xf32, #tpu.memory_space<vmem>>, vector<16xf32>,
      %parallel_loop3A_508 = arith.subf %parallel_loop3A_507, %get3A_3 : vector<16xf32>
      %parallel_loop3A_509 = arith.mulf %parallel_loop3A_508, %get3A_5 : vector<16xf32>
      %parallel_loop3A_510 = arith.fptosi %parallel_loop3A_509 : vector<16xf32> to vector<16xi32>
      %parallel_loop3A_511 = arith.constant -1 : i32
      %parallel_loop3A_512 = vector.broadcast %parallel_loop3A_511 : i32 to vector<16xi32>
      %parallel_loop3A_513 = arith.maxsi %parallel_loop3A_510, %parallel_loop3A_512 : vector<16xi32>
      %parallel_loop3A_514 = arith.constant 256 : i32
      %parallel_loop3A_515 = vector.broadcast %parallel_loop3A_514 : i32 to vector<16xi32>
      %parallel_loop3A_516 = arith.minsi %parallel_loop3A_513, %parallel_loop3A_515 : vector<16xi32>
      %parallel_loop3A_517 = arith.addi %add3A_11, %parallel_loop3A_516 : vector<16xi32>
      tpu.vector_store_idx %arg11[%parallel_loop3A_517], %broadcast_in_dim3A_12 {add = true} : memref<4224xf32, #tpu.memory_space<vmem>>[vector<16xi32>], vector<16xf32>,
    } {sc.loop_unroll_factor = 4 : i64, sc.parallel_access}
    %dma_wait3A_490 = tpu.memref_slice %arg5[%add3A_451] : memref<16777216xf32, #tpu.memory_space<hbm>> -> memref<16384xf32, #tpu.memory_space<hbm>>
    %dma_wait3A_491 = tpu.memref_slice %arg5[%add3A_451] : memref<16777216xf32, #tpu.memory_space<hbm>> -> memref<16384xf32, #tpu.memory_space<hbm>>
    tpu.wait_dma2 semaphore(%arg17 : memref<!tpu.dma_semaphore, #tpu.memory_space<semaphore_mem>>) src(%arg6 : memref<16384xf32, #tpu.memory_space<vmem>>) dst(%dma_wait3A_491 : memref<16384xf32, #tpu.memory_space<hbm>>)
    %dma_wait3A_492 = tpu.memref_slice %arg5[%add3A_466] : memref<16777216xf32, #tpu.memory_space<hbm>> -> memref<16384xf32, #tpu.memory_space<hbm>>
    %dma_wait3A_493 = tpu.memref_slice %arg5[%add3A_466] : memref<16777216xf32, #tpu.memory_space<hbm>> -> memref<16384xf32, #tpu.memory_space<hbm>>
    tpu.wait_dma2 semaphore(%arg18 : memref<!tpu.dma_semaphore, #tpu.memory_space<semaphore_mem>>) src(%arg7 : memref<16384xf32, #tpu.memory_space<vmem>>) dst(%dma_wait3A_493 : memref<16384xf32, #tpu.memory_space<hbm>>)
    %dma_wait3A_494 = tpu.memref_slice %arg5[%add3A_475] : memref<16777216xf32, #tpu.memory_space<hbm>> -> memref<16384xf32, #tpu.memory_space<hbm>>
    %dma_wait3A_495 = tpu.memref_slice %arg5[%add3A_475] : memref<16777216xf32, #tpu.memory_space<hbm>> -> memref<16384xf32, #tpu.memory_space<hbm>>
    tpu.wait_dma2 semaphore(%arg19 : memref<!tpu.dma_semaphore, #tpu.memory_space<semaphore_mem>>) src(%arg8 : memref<16384xf32, #tpu.memory_space<vmem>>) dst(%dma_wait3A_495 : memref<16384xf32, #tpu.memory_space<hbm>>)
    %dma_wait3A_496 = tpu.memref_slice %arg5[%add3A_484] : memref<16777216xf32, #tpu.memory_space<hbm>> -> memref<16384xf32, #tpu.memory_space<hbm>>
    %dma_wait3A_497 = tpu.memref_slice %arg5[%add3A_484] : memref<16777216xf32, #tpu.memory_space<hbm>> -> memref<16384xf32, #tpu.memory_space<hbm>>
    tpu.wait_dma2 semaphore(%arg20 : memref<!tpu.dma_semaphore, #tpu.memory_space<semaphore_mem>>) src(%arg9 : memref<16384xf32, #tpu.memory_space<vmem>>) dst(%dma_wait3A_497 : memref<16384xf32, #tpu.memory_space<hbm>>)
    %scan3A_498 = arith.constant 0 : i32
    %scan3A_499 = arith.constant 0 : i32
    %scan3A_500 = arith.constant 16 : i32
    %scan3A_501 = arith.addi %scan3A_499, %scan3A_500 : i32
    %scan3A_502 = arith.constant 1 : i32
    %scan3A_503 = scf.for %scan3A_505 = %scan3A_499 to %scan3A_501 step %scan3A_502 iter_args(%scan3A_506 = %scan3A_498) -> (i32)  : i32 {
      %scan3A_507 = arith.constant 0 : i32
      %scan3A_508 = arith.constant 16 : i32
      %scan3A_509 = arith.addi %scan3A_507, %scan3A_508 : i32
      %scan3A_510 = arith.constant 1 : i32
      %scan3A_511 = scf.for %scan3A_517 = %scan3A_507 to %scan3A_509 step %scan3A_510 iter_args(%scan3A_518 = %broadcast_in_dim3A_14) -> (vector<16xf32>)  : i32 {
        %mul3A_519 = arith.constant 264 : i32
        %mul3A_520 = arith.muli %scan3A_517, %mul3A_519 : i32
        %add3A_521 = arith.constant 1 : i32
        %add3A_522 = arith.addi %mul3A_520, %add3A_521 : i32
        %mul3A_523 = arith.constant 16 : i32
        %mul3A_524 = arith.muli %scan3A_505, %mul3A_523 : i32
        %add3A_525 = arith.addi %add3A_522, %mul3A_524 : i32
        %get3A_526 = arith.index_cast %add3A_525 : i32 to index
        %get3A_527 = tpu.vector_load %arg11[%get3A_526] {strides = array<i32>} : memref<4224xf32, #tpu.memory_space<vmem>>, vector<16xf32>,
        %add3A_528 = arith.addf %scan3A_518, %get3A_527 : vector<16xf32>
        scf.yield %add3A_528 : vector<16xf32>
      }
      %scan3A_512 = arith.constant 16 : i32
      %mul3A_513 = arith.constant 16 : i32
      %mul3A_514 = arith.muli %scan3A_505, %mul3A_513 : i32
      %swap3A = arith.index_cast %mul3A_514 : i32 to index
      %swap3A_515 = tpu.vector_load %arg12[%swap3A] {strides = array<i32>} : memref<256xf32, #tpu.memory_space<vmem>>, vector<16xf32>,
      tpu.vector_store %arg12[%swap3A], %scan3A_511 {strides = array<i32>} : memref<256xf32, #tpu.memory_space<vmem>>, vector<16xf32>,
      %scan3A_516 = arith.constant 0 : i32
      scf.yield %scan3A_516 : i32
    }
    %scan3A_504 = arith.constant 16 : i32
    "tpu.region"() ({
      %run_scoped3A = tpu.sem_alloc : memref<!tpu.dma_semaphore, #tpu.memory_space<semaphore_mem>>
      %dma_start3A_505 = arith.constant 0 : i32
      %dma_start3A_506 = tpu.memref_slice %arg4[%add3A, %dma_start3A_505] : memref<32x256xf32, #tpu.memory_space<hbm>> -> memref<1x256xf32, #tpu.memory_space<hbm>>
      %dma_start3A_507 = tpu.memref_squeeze %dma_start3A_506 : memref<1x256xf32, #tpu.memory_space<hbm>> -> memref<256xf32, #tpu.memory_space<hbm>>
      %dma_start3A_508 = arith.constant 0 : i32
      %dma_start3A_509 = tpu.memref_slice %arg4[%add3A, %dma_start3A_508] : memref<32x256xf32, #tpu.memory_space<hbm>> -> memref<1x256xf32, #tpu.memory_space<hbm>>
      %dma_start3A_510 = tpu.memref_squeeze %dma_start3A_509 : memref<1x256xf32, #tpu.memory_space<hbm>> -> memref<256xf32, #tpu.memory_space<hbm>>
      tpu.enqueue_dma source(%arg12 : memref<256xf32, #tpu.memory_space<vmem>>) target(%dma_start3A_510 : memref<256xf32, #tpu.memory_space<hbm>>) target_semaphore(%run_scoped3A : memref<!tpu.dma_semaphore, #tpu.memory_space<semaphore_mem>>)
      %dma_wait3A_511 = arith.constant 0 : i32
      %dma_wait3A_512 = tpu.memref_slice %arg4[%add3A, %dma_wait3A_511] : memref<32x256xf32, #tpu.memory_space<hbm>> -> memref<1x256xf32, #tpu.memory_space<hbm>>
      %dma_wait3A_513 = tpu.memref_squeeze %dma_wait3A_512 : memref<1x256xf32, #tpu.memory_space<hbm>> -> memref<256xf32, #tpu.memory_space<hbm>>
      %dma_wait3A_514 = arith.constant 0 : i32
      %dma_wait3A_515 = tpu.memref_slice %arg4[%add3A, %dma_wait3A_514] : memref<32x256xf32, #tpu.memory_space<hbm>> -> memref<1x256xf32, #tpu.memory_space<hbm>>
      %dma_wait3A_516 = tpu.memref_squeeze %dma_wait3A_515 : memref<1x256xf32, #tpu.memory_space<hbm>> -> memref<256xf32, #tpu.memory_space<hbm>>
      tpu.wait_dma2 semaphore(%run_scoped3A : memref<!tpu.dma_semaphore, #tpu.memory_space<semaphore_mem>>) src(%arg12 : memref<256xf32, #tpu.memory_space<vmem>>) dst(%dma_wait3A_516 : memref<256xf32, #tpu.memory_space<hbm>>)
      tpu.yield
    }) : () -> ()
    return
  }
}

module attributes {stable_mosaic.version = 14 : i64} {
  func.func @_mm_body(%arg0: i32, %arg1: memref<16384x128xf32, #tpu.memory_space<vmem>>, %arg2: memref<1x1xf32, #tpu.memory_space<smem>>, %arg3: memref<1x1xf32, #tpu.memory_space<smem>>, %arg4: memref<32xf32, #tpu.memory_space<vmem>>) attributes {dimension_semantics = [#tpu.dimension_semantics<arbitrary>], iteration_bounds = array<i64: 8>, scalar_prefetch = 0 : i64, scratch_operands = 0 : i64, tpu.core_type = #tpu.core_type<tc>, window_params = [{transform_indices = @transform_0, window_bounds = array<i64: 16384, 128>}, {transform_indices = @transform_1, window_bounds = array<i64: 1, 1>}, {transform_indices = @transform_2, window_bounds = array<i64: 1, 1>}, {pipeline_mode = #tpu.pipeline_mode<synchronous>, transform_indices = @transform_3, window_bounds = array<i64: 32>}]} {
    %get3A = arith.constant 0 : index
    %get3A_0 = arith.constant 0 : index
    %get3A_1 = vector.load %arg1[%get3A, %get3A_0] : memref<16384x128xf32, #tpu.memory_space<vmem>>, vector<16384x128xf32>
    %reduce_min3A = vector.shape_cast %get3A_1 : vector<16384x128xf32> to vector<1x16384x128xf32>
    %reduce_min3A_2 = arith.constant dense<0x7F800000> : vector<1xf32>
    %reduce_min3A_3 = vector.multi_reduction <minimumf>, %reduce_min3A, %reduce_min3A_2 [1, 2] : vector<1x16384x128xf32> to vector<1xf32>
    %reduce_min3A_4 = vector.shape_cast %reduce_min3A_3 : vector<1xf32> to vector<1x1x1xf32>
    %reduce_min3A_5 = vector.extract %reduce_min3A_4[0, 0, 0] : f32 from vector<1x1x1xf32>
    %reduce_max3A = vector.shape_cast %get3A_1 : vector<16384x128xf32> to vector<1x16384x128xf32>
    %reduce_max3A_6 = arith.constant dense<0xFF800000> : vector<1xf32>
    %reduce_max3A_7 = vector.multi_reduction <maximumf>, %reduce_max3A, %reduce_max3A_6 [1, 2] : vector<1x16384x128xf32> to vector<1xf32>
    %reduce_max3A_8 = vector.shape_cast %reduce_max3A_7 : vector<1xf32> to vector<1x1x1xf32>
    %reduce_max3A_9 = vector.extract %reduce_max3A_8[0, 0, 0] : f32 from vector<1x1x1xf32>
    %eq3A = arith.constant 0 : i32
    %eq3A_10 = arith.cmpi eq, %arg0, %eq3A : i32
    %convert_element_type3A = arith.extui %eq3A_10 : i1 to i32
    %cond3A = arith.constant 0 : i32
    %cond3A_11 = arith.cmpi ne, %convert_element_type3A, %cond3A : i32
    scf.if %cond3A_11 {
      %swap3A = arith.constant 0 : index
      %swap3A_21 = arith.constant 0 : index
      %swap3A_22 = memref.load %arg2[%swap3A, %swap3A_21] : memref<1x1xf32, #tpu.memory_space<smem>>
      memref.store %reduce_min3A_5, %arg2[%swap3A, %swap3A_21] : memref<1x1xf32, #tpu.memory_space<smem>>
      %swap3A_23 = arith.constant 0 : index
      %swap3A_24 = arith.constant 0 : index
      %swap3A_25 = memref.load %arg3[%swap3A_23, %swap3A_24] : memref<1x1xf32, #tpu.memory_space<smem>>
      memref.store %reduce_max3A_9, %arg3[%swap3A_23, %swap3A_24] : memref<1x1xf32, #tpu.memory_space<smem>>
    } else {
    }
    %ne3A = arith.constant 0 : i32
    %ne3A_12 = arith.cmpi ne, %arg0, %ne3A : i32
    %convert_element_type3A_13 = arith.extui %ne3A_12 : i1 to i32
    %cond3A_14 = arith.constant 0 : i32
    %cond3A_15 = arith.cmpi ne, %convert_element_type3A_13, %cond3A_14 : i32
    scf.if %cond3A_15 {
      %get3A_21 = arith.constant 0 : index
      %get3A_22 = arith.constant 0 : index
      %get3A_23 = memref.load %arg2[%get3A_21, %get3A_22] : memref<1x1xf32, #tpu.memory_space<smem>>
      %min3A = arith.minimumf %get3A_23, %reduce_min3A_5 : f32
      %swap3A = arith.constant 0 : index
      %swap3A_24 = arith.constant 0 : index
      %swap3A_25 = memref.load %arg2[%swap3A, %swap3A_24] : memref<1x1xf32, #tpu.memory_space<smem>>
      memref.store %min3A, %arg2[%swap3A, %swap3A_24] : memref<1x1xf32, #tpu.memory_space<smem>>
      %get3A_26 = arith.constant 0 : index
      %get3A_27 = arith.constant 0 : index
      %get3A_28 = memref.load %arg3[%get3A_26, %get3A_27] : memref<1x1xf32, #tpu.memory_space<smem>>
      %max3A = arith.maximumf %get3A_28, %reduce_max3A_9 : f32
      %swap3A_29 = arith.constant 0 : index
      %swap3A_30 = arith.constant 0 : index
      %swap3A_31 = memref.load %arg3[%swap3A_29, %swap3A_30] : memref<1x1xf32, #tpu.memory_space<smem>>
      memref.store %max3A, %arg3[%swap3A_29, %swap3A_30] : memref<1x1xf32, #tpu.memory_space<smem>>
    } else {
    }
    %eq3A_16 = arith.constant 7 : i32
    %eq3A_17 = arith.cmpi eq, %arg0, %eq3A_16 : i32
    %convert_element_type3A_18 = arith.extui %eq3A_17 : i1 to i32
    %cond3A_19 = arith.constant 0 : i32
    %cond3A_20 = arith.cmpi ne, %convert_element_type3A_18, %cond3A_19 : i32
    scf.if %cond3A_20 {
      %get3A_21 = arith.constant 0 : index
      %get3A_22 = arith.constant 0 : index
      %get3A_23 = memref.load %arg2[%get3A_21, %get3A_22] : memref<1x1xf32, #tpu.memory_space<smem>>
      %lt3A = arith.constant 0.000000e+00 : f32
      %lt3A_24 = arith.cmpf olt, %get3A_23, %lt3A : f32
      %ceil3A = math.ceil %get3A_23 : f32
      %floor3A = math.floor %get3A_23 : f32
      %select_n3A = arith.select %lt3A_24, %ceil3A, %floor3A : f32
      %get3A_25 = arith.constant 0 : index
      %get3A_26 = arith.constant 0 : index
      %get3A_27 = memref.load %arg3[%get3A_25, %get3A_26] : memref<1x1xf32, #tpu.memory_space<smem>>
      %lt3A_28 = arith.constant 0.000000e+00 : f32
      %lt3A_29 = arith.cmpf olt, %get3A_27, %lt3A_28 : f32
      %ceil3A_30 = math.ceil %get3A_27 : f32
      %floor3A_31 = math.floor %get3A_27 : f32
      %select_n3A_32 = arith.select %lt3A_29, %ceil3A_30, %floor3A_31 : f32
      %sub3A = arith.subf %select_n3A_32, %select_n3A : f32
      %eq3A_33 = arith.constant 0.000000e+00 : f32
      %eq3A_34 = arith.cmpf oeq, %sub3A, %eq3A_33 : f32
      %jit3A = arith.constant 1.000000e+00 : f32
      %select_n3A_35 = arith.select %eq3A_34, %jit3A, %sub3A : f32
      %div3A = arith.constant 2.560000e+02 : f32
      %div3A_36 = arith.divf %div3A, %select_n3A_35 : f32
      %broadcast_in_dim3A = vector.broadcast %select_n3A : f32 to vector<16xf32>
      %broadcast_in_dim3A_37 = vector.broadcast %div3A_36 : f32 to vector<16xf32>
      %concatenate3A = tpu.concatenate %broadcast_in_dim3A, %broadcast_in_dim3A_37 in 0 : vector<16xf32>, vector<16xf32> -> vector<32xf32>
      %swap3A = arith.constant 0 : index
      %swap3A_38 = vector.load %arg4[%swap3A] : memref<32xf32, #tpu.memory_space<vmem>>, vector<32xf32>
      tpu.vector_store %arg4[%swap3A], %concatenate3A {strides = array<i32>} : memref<32xf32, #tpu.memory_space<vmem>>, vector<32xf32>,
    } else {
    }
    return
  }
  func.func @transform_0(%arg0: i32) -> (i32, i32) {
    %c0_i32 = arith.constant 0 : i32
    %c0_i32_0 = arith.constant 0 : i32
    return %arg0, %c0_i32 : i32, i32
  }
  func.func @transform_1(%arg0: i32) -> (i32, i32) {
    %c0_i32 = arith.constant 0 : i32
    %c0_i32_0 = arith.constant 0 : i32
    %c0_i32_1 = arith.constant 0 : i32
    return %c0_i32, %c0_i32_0 : i32, i32
  }
  func.func @transform_2(%arg0: i32) -> (i32, i32) {
    %c0_i32 = arith.constant 0 : i32
    %c0_i32_0 = arith.constant 0 : i32
    %c0_i32_1 = arith.constant 0 : i32
    return %c0_i32, %c0_i32_0 : i32, i32
  }
  func.func @transform_3(%arg0: i32) -> i32 {
    %c0_i32 = arith.constant 0 : i32
    %c0_i32_0 = arith.constant 0 : i32
    return %c0_i32 : i32
  }
}

</mosaic_0001>

<sc_bundles>
// kernel: kernel.4.cloned.1.call-start
scs
__scs_entry_jumppad:
0x0: {  	(pc) =	sbr.rel $0x88, $3  }
0x1: {  	(tag) =	ssettag $0x0;
	lr =	simm.s32 $0x1  }
0x2: {  	[smem:$0x3FA0] =	sst lr;
	_ =	strace $0xD0000000  }
0x3: {  	_ = 	snop  }
0x4: {  	_ = 	snop  }
0x5: {  	_ = 	snop  }
0x6: {  	_ = 	snop  }
0x7: {  	_ = 	snop  }
__scs_overlays_trampoline_lowered:
0x8: {  	[smem:$0x3FAF] =	sst s0  }
0x9: {  	[smem:$0x3FB0] =	sst s1  }
0xa: {  	[smem:$0x3FB1] =	sst s2  }
0xb: {  	[smem:$0x3FB2] =	sst s3  }
0xc: {  	[smem:$0x3FB3] =	sst s4  }
0xd: {  	[smem:$0x3FB4] =	sst s5  }
0xe: {  	[smem:$0x3FB5] =	sst s6  }
0xf: {  	[smem:$0x3FB6] =	sst s7  }
0x10: {  	[smem:$0x3FB7] =	sst s8  }
0x11: {  	[smem:$0x3FB8] =	sst s9;
	s0 =	simm.s32 @!p0 $0x0  }
0x12: {  	s1 =	sld [smem:$0x3F9E];
	s0 =	simm.s32 @p0 $0x1  }
0x13: {  	[smem:$0x3FB9] =	sst s0;
	s0 =	simm.s32 @!p1 $0x0  }
0x14: {  	s2 =	sld [smem:$0x3F9D];
	s0 =	simm.s32 @p1 $0x1  }
0x15: {  	[smem:$0x3FBA] =	sst s0;
	s0 =	simm.s32 @!p2 $0x0  }
0x16: {  	s3 =	sld [smem:$0x3FDB];
	s0 =	simm.s32 @p2 $0x1  }
0x17: {  	s4 =	simm.s32 $0x1BF5;
	[smem:$0x3FBC] =	sst s0  }
0x18: {  	s0 =	sld [smem:$0x3F9F];
	_ =	swait.ge [sflag:s4], $0x0  }
0x19: {  	s7 =	sld [smem:$0x3FA0]  }
0x1a: {  	s8 =	sadd.s32 $0xFFFFE003, lr  }
0x1b: {  	s9 =	sadd.s32 $0xFFFFFEF7, lr;
	s5 =	simm.s32 $0xFFFFFFFF;
	p2 =	slt.u32 s8, $0xFFFFF086  }
0x1c: {  	p1 =	slt.u32 s9, $0xF7A;
	s5 =	simm.s32 @!p2 $0x0  }
0x1d: {  	s5 =	simm.s32 @p1 $0x1;
	p0 =	seq.s32 s7, s2  }
0x1e: {  	s7 =	smul.u32 @!p0 $0xF7A, s2;
	p2 =	seq.s32 @!p0 s5, $0x0  }
0x1f: {  	s9 =	smul.u32 $0xF7A, s1;
	s8 =	simm.s32 @!p0 $0x1BF5;
	p2 =	por !p2, p0  }
0x20: {  	[sflag:s8] =	ssyncset.s32 @!p0 $0xFFFFF086;
	s6 =	sadd.s32 @!p0 s3, s7;
	s7 =	simm.s32 @!p0 $0x108  }
0x21: {  	s3 =	sadd.s32 s3, s9;
	s6 =	sadd.s32 @!p0 $0x88, s6;
	s7 =	simm.s32 @p2 $0x1082  }
0x22: {  	[simem:s7], [sflag:s8] =	dma.local @!p0 [hbm:s6], $0xF7A  }
0x23: {  	s9 =	sor.u32 $0xD0000000, s2;
	s6 =	simm.s32 $0x108;
	_ =	swait.ge @!p0 [sflag:s8], $0x0  }
0x24: {  	s3 =	sadd.s32 $0x88, s3;
	s6 =	simm.s32 @!p1 $0x1082;
	[sflag:s4] =	ssyncset.s32 $0xFFFFF086  }
0x25: {  	[simem:s6], [sflag:s4] =	dma.local [hbm:s3], $0xF7A  }
0x26: {  	[smem:$0x3FA0] =	sst s1;
	(tag) =	ssettag s2;
	_ =	strace s9  }
0x27: {  	s1 =	sld [smem:$0x3FB0]  }
0x28: {  	s2 =	sld [smem:$0x3FB1]  }
0x29: {  	s4 =	sld [smem:$0x3FB3]  }
0x2a: {  	p0 =	seq.s32 s5, $0x0;
	s5 =	sld [smem:$0x3FB4]  }
0x2b: {  	s6 =	sld [smem:$0x3FB5]  }
0x2c: {  	s7 =	sld [smem:$0x3FB6]  }
0x2d: {  	s3 =	simm.s32 $0x108;
	s8 =	sld [smem:$0x3FB7]  }
0x2e: {  	s3 =	simm.s32 @!p0 $0x1082;
	s9 =	sld [smem:$0x3FB8]  }
0x2f: {  	lr =	sadd.s32 s0, s3;
	s0 =	sld [smem:$0x3FAF]  }
0x30: {  	s3 =	sld [smem:$0x3FB2]  }
0x31: {  	[smem:$0x3FBB] =	sst s10  }
0x32: {  	s10 =	sld [smem:$0x3FB9];
	_ =	sdelay $0x3  }
0x33: {  	p0 =	seq.s32 s10, $0x1;
	s10 =	sld [smem:$0x3FBB];
	_ =	sdelay $0x3  }
0x34: {  	[smem:$0x3FBB] =	sst s10  }
0x35: {  	s10 =	sld [smem:$0x3FBA];
	_ =	sdelay $0x3  }
0x36: {  	p1 =	seq.s32 s10, $0x1;
	s10 =	sld [smem:$0x3FBB];
	_ =	sdelay $0x3  }
0x37: {  	[smem:$0x3FBB] =	sst s10  }
0x38: {  	s10 =	sld [smem:$0x3FBC]  }
0x39: {  	_ = 	snop;
	(pc) =	sbr.ind lr, $3  }
0x3a: {  	_ = 	snop  }
0x3b: {  	_ = 	snop  }
0x3c: {  	p2 =	seq.s32 s10, $0x1;
	s10 =	sld [smem:$0x3FBB]  }
0x3d: {  	_ =	shalt  }
0x3e: {  	_ =	shalt  }
0x3f: {  	_ =	shalt  }
0x40: {  	_ =	shalt  }
0x41: {  	_ =	shalt  }
0x42: {  	_ =	shalt  }
0x43: {  	_ =	shalt  }
0x44: {  	_ =	shalt  }
0x45: {  	_ =	shalt  }
0x46: {  	_ =	shalt  }
0x47: {  	_ =	shalt  }
0x48: {  	_ =	shalt  }
0x49: {  	_ =	shalt  }
0x4a: {  	_ =	shalt  }
0x4b: {  	_ =	shalt  }
0x4c: {  	_ =	shalt  }
0x4d: {  	_ =	shalt  }
0x4e: {  	_ =	shalt  }
0x4f: {  	_ =	shalt  }
0x50: {  	_ =	shalt  }
0x51: {  	_ =	shalt  }
0x52: {  	_ =	shalt  }
0x53: {  	_ =	shalt  }
0x54: {  	_ =	shalt  }
0x55: {  	_ =	shalt  }
0x56: {  	_ =	shalt  }
0x57: {  	_ =	shalt  }
0x58: {  	_ =	shalt  }
0x59: {  	_ =	shalt  }
0x5a: {  	_ =	shalt  }
0x5b: {  	_ =	shalt  }
0x5c: {  	_ =	shalt  }
0x5d: {  	_ =	shalt  }
0x5e: {  	_ =	shalt  }
0x5f: {  	_ =	shalt  }
0x60: {  	_ =	shalt  }
0x61: {  	_ =	shalt  }
0x62: {  	_ =	shalt  }
0x63: {  	_ =	shalt  }
0x64: {  	_ =	shalt  }
0x65: {  	_ =	shalt  }
0x66: {  	_ =	shalt  }
0x67: {  	_ =	shalt  }
0x68: {  	_ =	shalt  }
0x69: {  	_ =	shalt  }
0x6a: {  	_ =	shalt  }
0x6b: {  	_ =	shalt  }
0x6c: {  	_ =	shalt  }
0x6d: {  	_ =	shalt  }
0x6e: {  	_ =	shalt  }
0x6f: {  	_ =	shalt  }
0x70: {  	_ =	shalt  }
0x71: {  	_ =	shalt  }
0x72: {  	_ =	shalt  }
0x73: {  	_ =	shalt  }
0x74: {  	_ =	shalt  }
0x75: {  	_ =	shalt  }
0x76: {  	_ =	shalt  }
0x77: {  	_ =	shalt  }
0x78: {  	_ =	shalt  }
0x79: {  	_ =	shalt  }
0x7a: {  	_ =	shalt  }
0x7b: {  	_ =	shalt  }
0x7c: {  	_ =	shalt  }
0x7d: {  	_ =	shalt  }
0x7e: {  	_ =	shalt  }
0x7f: {  	_ =	shalt  }
0x80: {  	_ =	shalt  }
0x81: {  	_ =	shalt  }
0x82: {  	_ =	shalt  }
0x83: {  	_ =	shalt  }
0x84: {  	_ =	shalt  }
0x85: {  	_ =	shalt  }
0x86: {  	_ =	shalt  }
0x87: {  	_ =	shalt  }
.Lfunc_end0:
.L_simem_size_0:
called_computation_lowered:
.L_overlay_start_0:
0x88: {  	s2 =	sld [smem:$0x3FD9]  }
0x89: {  	s3 =	sld [smem:$0x3FFE];
	_ =	sdelay $0x1  }
0x8a: {  	s1 =	srdreg.scid  }
0x8b: {  	s0 =	sand.u32 $0x1, s1  }
0x8c: {  	s14 =	sshll.u32 s0, $0xA;
	s2 =	sadd.s32 s3, s2  }
0x8d: {  	s2 =	sadd.s32 s2, s14  }
0x8e: {  	[smem:$0x3FC7] =	sst s2  }
0x8f: {  	_ = 	snop  }
0x90: {  	s2 =	sld [smem:$0x3FD0];
	_ =	sdelay $0x2  }
0x91: {  	s4 =	simm.s32 $0xA;
	s5 =	simm.s32 $0x10;
	s15 =	sld [smem:$0x3FC9]  }
0x92: {  	[smem:s5], [sflag:s4] =	dma.local [hbm:s2], $0x1  }
0x93: {  	_ =	swait.eq [sflag:s4], $0x1  }
0x94: {  	[sflag:s4] =	ssyncset.done $0x0  }
0x95: {  	s16 =	sld [smem:$0x10];
	[sflag:s4] =	ssyncadd.s32 $0xFFFFFFFF  }
0x96: {  	s17 =	sld [smem:$0x11];
	(tm) =	ssettm $0x1  }
0x97: {  	s18 =	sld [smem:$0x3FFB];
	_ =	sdelay $0x3  }
0x98: {  	_ =	strace s18  }
0x99: {  	s5 =	sld [smem:$0x3FFC];
	_ =	sdelay $0x3  }
0x9a: {  	_ =	strace s5  }
0x9b: {  	s5 =	sld [smem:$0x3FFD];
	_ =	sdelay $0x3  }
0x9c: {  	_ =	strace s5  }
0x9d: {  	_ =	strace $0x8FFFFFFF  }
0x9e: {  	s19 =	sld [smem:$0x3FDB];
	_ =	sdelay $0x1  }
0x9f: {  	s6 =	simm.s32 $_scs_section_size  }
0xa0: {  	s7 =	simm.s32 $_size__tile_overlayer_lowered;
	s8 =	simm.s32 $_tile_overlayer_lowered  }
0xa1: {  	s22 =	simm.s32 $0x1BFF;
	s21 =	sshll.u32 s8, $0x1;
	s5 =	sadd.s32 s6, s19  }
0xa2: {  	s9 =	simm.s32 $0x0;
	s20 =	sshll.u32 s7, $0x1;
	s7 =	sadd.s32 s21, s5  }
0xa3: {  	[timem:s9], [sflag:s22] =	dma.local [hbm:s7], s20  }
0xa4: {  	_ =	swait.ge [sflag:s22], s20  }
0xa5: {  	s6 =	ssub.s32 $0x0, s20;
	[sflag:s22] =	ssyncset.done $0x0  }
0xa6: {  	[sflag:s22] =	ssyncadd.s32 s6;
	_ =	sdelay $0x1  }
0xa7: {  	s23 =	simm.s32 $0x1B8B  }
0xa8: {  	_ =	swait.ge [sflag:s23], $0x1  }
0xa9: {  	[sflag:s23] =	ssyncset.done $0x0  }
0xaa: {  	s25 =	simm.s32 $0x1B8E;
	s24 =	sld [smem:$0x3FFE];
	[sflag:s23] =	ssyncadd.s32 $0xFFFFFFFF  }
0xab: {  	s26 =	simm.s32 $execute0_lowered;
	[smem:$0x3FD2] =	sst s25  }
0xac: {  	s7 =	sshll.u32 s26, $0x1;
	_ =	strace $0x80000046;
	[dreg:$0x1] =	wrdreg $0xFFFFFFFF  }
0xad: {  	s28 =	simm.s32 $_size_execute0_lowered;
	s5 =	sadd.s32 s5, s7;
	[dreg:$0x0] =	wrdreg $0x0  }
0xae: {  	s7 =	sshll.u32 s28, $0x1;
	[dreg:$0x2] =	wrdreg s5  }
0xaf: {  	[dreg:$0x3] =	wrdreg s7  }
0xb0: {  	[dreg:$0x4] =	wrdreg $0xC0  }
0xb1: {  	_ =	task [dreg:s9], $0x5FFFF  }
0xb2: {  	[dreg:$0x1] =	wrdreg $0xFFFFFFFF  }
0xb3: {  	[dreg:$0x0] =	wrdreg $0x60  }
0xb4: {  	[dreg:$0x2] =	wrdreg s15  }
0xb5: {  	[dreg:$0x3] =	wrdreg s17  }
0xb6: {  	[dreg:$0x4] =	wrdreg s24  }
0xb7: {  	[dreg:$0x5] =	wrdreg s16  }
0xb8: {  	[dreg:$0x6] =	wrdreg $0x9  }
0xb9: {  	_ =	task.clear_ibuf [dreg:s9], $0x7FFFF;
	_ =	strace $0x90000046  }
0xba: {  	s29 =	simm.s32 $0x9;
	_ =	strace $0x80000048  }
0xbb: {  	_ =	swait.ge [sflag:s29], $0x1  }
0xbc: {  	[sflag:s29] =	ssyncadd.s32 $0xFFFFFFFF  }
0xbd: {  	_ =	strace $0x90000048  }
0xbe: {  	_ =	sfence  }
0xbf: {  	s30 =	sld [smem:$0x0];
	_ =	sdelay $0x2  }
0xc0: {  	s31 =	sshll.u32 s1, $0xD;
	s1 =	sshrl.u32 s1, $0x2  }
0xc1: {  	s3 =	sand.u32 $0x4000, s31;
	s1 =	sadd.s32 s1, s30  }
0xc2: {  	s0 =	sor.u32 s3, s0;
	s1 =	sshll.u32 s1, $0x11  }
0xc3: {  	s0 =	sor.u32 s1, s0  }
0xc4: {  	s0 =	sadd.s32 $0x8F2B, s0  }
0xc5: {  	[sflag:s0] =	ssyncadd.remote.s32 $0x1  }
0xc6: {  	_ =	sfence.sel $0xFFFF  }
0xc7: {  	[dreg:$0x0] =	wrdreg $0xFFFFFFFF;
	(pc) =	sbr.abs _section_cstart, $3  }
0xc8: {  	[dreg:$0x1] =	wrdreg $0xFFFFFFFF  }
0xc9: {  	_ =	task.clear_ibuf [dreg:s9], $0x2FFFF;
	_ =	strace $0x9FFFFFFF  }
0xca: {  	(tm) =	ssettm $0x7FFFFFFF  }
0xcb: {  	_ =	shalt  }
tec
execute0_lowered:
.L_overlay_start_1:
0x0: {  	(tag) =	ssettag $0x1  }
0x1: {  	s2 =	rddreg [dreg:$0x0]  }
0x2: {  	s6 =	stileid.u32;
	s0 =	srdreg.scid  }
0x3: {  	s3 =	rddreg [dreg:$0x2];
	s0 =	sand.u32 $0x1, s0;
	s4 =	sshll.u32 s6, $0x1  }
0x4: {  	s5 =	rddreg [dreg:$0x3];
	s1 =	simm.s32 $0x0;
	s4 =	sor.u32 s0, s4  }
0x5: {  	s6 =	sshll.u32 s6, $0x6;
	s7 =	ssub.s32 $0x2, s0;
	s0 =	sshll.u32 s4, $0x10  }
0x6: {  	[smem:$0x7FF] =	sst s1;
	s6 =	sand.u32 $0x300, s6;
	s18 =	sor.u32 $0x800, s0  }
0x7: {  	s8 =	sshrl.u32 s7, $0x1;
	s20 =	sor.u32 $0x1000, s0;
	s19 =	sadd.s32 s2, s18  }
0x8: {  	s9 =	sor.u32 $0x1800, s0;
	s10 =	sadd.s32 s2, s20;
	[dreg:$0x5] =	wrdreg s19  }
0x9: {  	s6 =	sadd.s32 s6, s3;
	s21 =	sadd.s32 s2, s9;
	[dreg:$0x6] =	wrdreg s10  }
0xa: {  	s22 =	sor.u32 $0x2000, s0;
	s3 =	sadd.s32 s5, s18;
	[dreg:$0x7] =	wrdreg s21  }
0xb: {  	s7 =	ssub.s32 s7, s8;
	s23 =	sadd.s32 s2, s22;
	[dreg:$0x8] =	wrdreg s3  }
0xc: {  	s24 =	sor.u32 $0x2800, s0;
	s8 =	sadd.s32 s5, s20;
	[dreg:$0x9] =	wrdreg s23  }
0xd: {  	s25 =	sadd.s32 s2, s24;
	[dreg:$0xa] =	wrdreg s8  }
0xe: {  	s26 =	sor.u32 $0x3000, s0;
	s9 =	sadd.s32 s5, s9;
	[dreg:$0xb] =	wrdreg s25  }
0xf: {  	s12 =	sor.u32 $0x3800, s0;
	s11 =	sadd.s32 s2, s26;
	[dreg:$0xc] =	wrdreg s9  }
0x10: {  	s14 =	sor.u32 $0x4000, s0;
	s13 =	sadd.s32 s2, s12;
	[dreg:$0xd] =	wrdreg s11  }
0x11: {  	s16 =	sor.u32 $0x4800, s0;
	s15 =	sadd.s32 s2, s14;
	[dreg:$0xf] =	wrdreg s13  }
0x12: {  	s17 =	sadd.s32 s2, s16;
	[dreg:$0x11] =	wrdreg s15  }
0x13: {  	s18 =	sadd.s32 s5, s12;
	[dreg:$0x13] =	wrdreg s17  }
0x14: {  	s10 =	sadd.s32 s5, s22;
	[dreg:$0x14] =	wrdreg s18  }
0x15: {  	s3 =	sadd.s32 s5, s24;
	[dreg:$0xe] =	wrdreg s10  }
0x16: {  	s8 =	sadd.s32 s5, s26;
	[dreg:$0x10] =	wrdreg s3  }
0x17: {  	s20 =	sor.u32 $0x5000, s0;
	s19 =	sadd.s32 s5, s14;
	[dreg:$0x12] =	wrdreg s8  }
0x18: {  	s12 =	sor.u32 $0x7800, s0;
	s21 =	sadd.s32 s2, s20;
	[dreg:$0x15] =	wrdreg s19  }
0x19: {  	s29 =	sadd.s32 s2, s0;
	s13 =	sadd.s32 s2, s12;
	[dreg:$0x17] =	wrdreg s21  }
0x1a: {  	s22 =	sor.u32 $0x5800, s0;
	s3 =	sadd.s32 s5, s16;
	[smem:$0x7E4] =	sst s13  }
0x1b: {  	s24 =	sor.u32 $0x6000, s0;
	s23 =	sadd.s32 s2, s22;
	[dreg:$0x16] =	wrdreg s3  }
0x1c: {  	s26 =	sor.u32 $0x6800, s0;
	s25 =	sadd.s32 s2, s24;
	[dreg:$0x19] =	wrdreg s23  }
0x1d: {  	s14 =	sor.u32 $0x8000, s0;
	s9 =	sadd.s32 s2, s26;
	[dreg:$0x1b] =	wrdreg s25  }
0x1e: {  	s18 =	sor.u32 $0x9000, s0;
	s15 =	sadd.s32 s2, s14;
	[dreg:$0x1d] =	wrdreg s9  }
0x1f: {  	s30 =	sadd.s32 s5, s0;
	s19 =	sadd.s32 s2, s18;
	[smem:$0x7E6] =	sst s15  }
0x20: {  	s10 =	sor.u32 $0x7000, s0;
	s3 =	sadd.s32 s5, s20;
	[smem:$0x7EA] =	sst s19  }
0x21: {  	s16 =	sor.u32 $0x8800, s0;
	s11 =	sadd.s32 s2, s10;
	[dreg:$0x18] =	wrdreg s3  }
0x22: {  	s7 =	smax.u32 s7, $0x1;
	s17 =	sadd.s32 s2, s16;
	[dreg:$0x1f] =	wrdreg s11  }
0x23: {  	s20 =	sor.u32 $0x9800, s0;
	s3 =	sadd.s32 s5, s22;
	[smem:$0x7E8] =	sst s17  }
0x24: {  	s8 =	simm.s32 $0x9;
	s21 =	sadd.s32 s2, s20;
	[dreg:$0x1a] =	wrdreg s3  }
0x25: {  	s22 =	sor.u32 $0xA000, s0;
	s3 =	sadd.s32 s5, s24;
	[smem:$0x7EC] =	sst s21  }
0x26: {  	s23 =	sadd.s32 s2, s22;
	s24 =	sor.u32 $0xA800, s0;
	[dreg:$0x1c] =	wrdreg s3  }
0x27: {  	s21 =	sor.u32 $0xE800, s0;
	s3 =	sadd.s32 s5, s26;
	[smem:$0x7EE] =	sst s23  }
0x28: {  	s25 =	sadd.s32 s2, s24;
	s26 =	sor.u32 $0xB000, s0;
	[dreg:$0x1e] =	wrdreg s3  }
0x29: {  	s23 =	sor.u32 $0xF800, s0;
	s3 =	sadd.s32 s5, s10;
	[smem:$0x7F0] =	sst s25  }
0x2a: {  	s31 =	sadd.s32 s2, s21;
	s9 =	sadd.s32 s2, s26;
	[smem:$0x7E3] =	sst s3  }
0x2b: {  	s10 =	sor.u32 $0xB800, s0;
	s3 =	sadd.s32 s5, s12;
	[smem:$0x7F2] =	sst s9  }
0x2c: {  	s11 =	sadd.s32 s2, s10;
	s12 =	sor.u32 $0xC000, s0;
	[smem:$0x7E5] =	sst s3  }
0x2d: {  	s9 =	simm.s32 $0x4000;
	s3 =	sadd.s32 s5, s14;
	[smem:$0x7F4] =	sst s11  }
0x2e: {  	s13 =	sadd.s32 s2, s12;
	s14 =	sor.u32 $0xC800, s0;
	[smem:$0x7E7] =	sst s3  }
0x2f: {  	s11 =	simm.s32 $0x1;
	s3 =	sadd.s32 s5, s16;
	[smem:$0x7F6] =	sst s13  }
0x30: {  	s15 =	sadd.s32 s2, s14;
	s16 =	sor.u32 $0xD000, s0;
	[smem:$0x7E9] =	sst s3  }
0x31: {  	s13 =	simm.s32 $0x10080;
	s3 =	sadd.s32 s5, s18;
	[smem:$0x7F8] =	sst s15  }
0x32: {  	s17 =	sadd.s32 s2, s16;
	s18 =	sor.u32 $0xD800, s0;
	[smem:$0x7EB] =	sst s3  }
0x33: {  	s15 =	simm.s32 $0x5;
	s3 =	sadd.s32 s5, s20;
	[smem:$0x7FA] =	sst s17  }
0x34: {  	s19 =	sadd.s32 s2, s18;
	s20 =	sor.u32 $0xE000, s0;
	[smem:$0x7ED] =	sst s3  }
0x35: {  	s17 =	simm.s32 $0x6;
	s3 =	sadd.s32 s5, s22;
	[smem:$0x7FC] =	sst s19  }
0x36: {  	s28 =	sadd.s32 s5, s20;
	s22 =	sor.u32 $0xF000, s0;
	s19 =	simm.s32 $0x7  }
0x37: {  	[smem:$0x7EF] =	sst s3;
	s3 =	sadd.s32 s5, s24;
	s0 =	sadd.s32 s2, s22  }
0x38: {  	s24 =	sshll.u32 s4, $0x4;
	s4 =	sadd.s32 s5, s22;
	[smem:$0x7F1] =	sst s3  }
0x39: {  	s3 =	sadd.s32 s5, s26;
	s26 =	sadd.s32 s2, s20;
	s2 =	sadd.s32 s2, s23  }
0x3a: {  	s25 =	sand.u32 $0x70, s24;
	s20 =	simm.s32 $0x8;
	[smem:$0x7F3] =	sst s3  }
0x3b: {  	s3 =	sadd.s32 s5, s10;
	s6 =	sadd.s32 s25, s6;
	s10 =	simm.s32 $0x8000  }
0x3c: {  	[smem:$0x7F5] =	sst s3;
	s3 =	sadd.s32 s5, s12;
	s6 =	sadd.s32 $0x800, s6  }
0x3d: {  	s12 =	simm.s32 $0xC000;
	[smem:$0x7F7] =	sst s3;
	s3 =	sadd.s32 s5, s14  }
0x3e: {  	v0 =	vlaneseq.u32;
	s14 =	simm.s32 $0x2;
	[smem:$0x7F9] =	sst s3;
	s3 =	sadd.s32 s5, s16  }
0x3f: {  	v1 =	vmul.u32 $0x108, v0;
	s16 =	simm.s32 $0x3;
	[smem:$0x7FB] =	sst s3;
	s3 =	sadd.s32 s5, s18  }
0x40: {  	s18 =	simm.s32 $0x4;
	[smem:$0x7FD] =	sst s3;
	s3 =	sadd.s32 s5, s21  }
0x41: {  	v2 =	vimm.f32 $1.000000000e+00;
	v0 =	vimm.f32 $0.0e+00;
	v1 =	vor.u32 $0x1, v1;
	s5 =	sadd.s32 s5, s23;
	s21 =	simm.s32 $0x0;
	_ =	strace $0x80000047  }
.LBB2_1:
0x42: {  	s22 =	rddreg [dreg:$0x1];
	s23 =	simm.s32 $0x10000  }
0x43: {  	[tilespmem:s23], [sflag:$0x9] =	stream.linear.gather [hbm4b:s22+s1], $0x80, $0x38;
	[tilespmem:$0x11200] =	vst v63  }
0x44: {  	_ =	swait.ge [sflag:s8], $0x80  }
0x45: {  	[sflag:s8] =	ssyncset.done $0x0  }
0x46: {  	[sflag:s8] =	ssyncadd.s32 $0xFFFFFF80  }
0x47: {  	v3 =	vld [tilespmem:$0x10000]  }
0x48: {  	s22 =	simm.s32 $0x40;
	s23 =	simm.s32 $0x0;
	v4 =	vld [tilespmem:$0x10010]  }
.LBB2_2:
0x49: {  	p0 =	sne.s32 s22, $0x41C0;
	[tilespmem:s23+$0x10080] =	vst v0;
	s23 =	smov.u32 s22;
	s22 =	sadd.s32 $0x40, s22  }
.Ltmp0:
0x4a: {  	(pc) =	sbr.rel @p0 .LBB2_2-.Ltmp0, $2  }
0x4b: {  	_ =	sdelay $0x2  }
0x4c: {  	s23 =	sshra.s32 s23, $0x2  }
0x4d: {  	[tilespmem:s23+$0x10080] =	vst v0  }
0x4e: {  	[tilespmem:s1], [sflag:$0x1] =	stream.linear.gather [hbm4b:s29+s1], $0x4000, $0x38;
	[tilespmem:$0x11200] =	vst v63  }
0x4f: {  	s22 =	rddreg [dreg:$0x5]  }
0x50: {  	[tilespmem:s9], [sflag:$0x2] =	stream.linear.gather [hbm4b:s22+s1], $0x4000, $0x38;
	[tilespmem:$0x11200] =	vst v63  }
0x51: {  	s25 =	rddreg [dreg:$0x6]  }
0x52: {  	[tilespmem:s10], [sflag:$0x3] =	stream.linear.gather [hbm4b:s25+s1], $0x4000, $0x38;
	[tilespmem:$0x11200] =	vst v63  }
0x53: {  	_ =	swait.ge [sflag:s11], $0x4000  }
0x54: {  	[sflag:s11] =	ssyncset.done $0x0  }
0x55: {  	[sflag:s11] =	ssyncadd.s32 $0xFFFFC000  }
0x56: {  	[hbm4b:s30+s1] =	stream.linear.scatter [tilespmem:s1], [sflag:$0x5], $0x4000, $0x38;
	[tilespmem:$0x11200] =	vst v63  }
0x57: {  	s24 =	simm.s32 $0x20;
	s23 =	rddreg [dreg:$0x7]  }
0x58: {  	[tilespmem:s12], [sflag:$0x4] =	stream.linear.gather [hbm4b:s23+s1], $0x4000, $0x38;
	[tilespmem:$0x11200] =	vst v63  }
0x59: {  	v5 =	vld [tilespmem:s24+$0x10]  }
0x5a: {  	v6 =	vld [tilespmem:s24+$0xFFFFFFF0]  }
0x5b: {  	v7 =	vld [tilespmem:s24+$0x0]  }
0x5c: {  	v8 =	vld [tilespmem:s24+$0xFFFFFFE0];
	_ =	sdelay $0x2  }
0x5d: {  	v5 =	vsub.f32 v5, v3  }
0x5e: {  	v6 =	vsub.f32 v6, v3;
	v7 =	vsub.f32 v7, v3  }
0x5f: {  	v8 =	vsub.f32 v8, v3;
	v5 =	vmul.f32 v5, v4  }
0x60: {  	v6 =	vmul.f32 v6, v4;
	v7 =	vmul.f32 v7, v4  }
0x61: {  	v8 =	vmul.f32 v8, v4;
	v5 =	vtrunc.f32 v5  }
0x62: {  	v6 =	vtrunc.f32 v6;
	v7 =	vtrunc.f32 v7  }
0x63: {  	s25 =	simm.s32 $0x60;
	v8 =	vtrunc.f32 v8;
	v5 =	vcvt.f32.s32 v5  }
0x64: {  	v9 =	vld [tilespmem:s25+$0x10];
	v6 =	vcvt.f32.s32 v6;
	v8 =	vcvt.f32.s32 v8  }
0x65: {  	v11 =	vld [tilespmem:s25+$0xFFFFFFF0];
	v7 =	vcvt.f32.s32 v7;
	v10 =	vshra.s32 v5, $0x1F  }
0x66: {  	v12 =	vshra.s32 v6, $0x1F;
	v14 =	vshra.s32 v8, $0x1F;
	v5 =	vor.u32 v10, v5;
	v10 =	vld [tilespmem:s25+$0x0]  }
0x67: {  	v13 =	vld [tilespmem:s25+$0xFFFFFFE0];
	v15 =	vshra.s32 v7, $0x1F;
	v8 =	vor.u32 v14, v8;
	vm0 =	vlt.s32 v5, $0x100  }
0x68: {  	v6 =	vor.u32 v12, v6;
	v7 =	vor.u32 v15, v7;
	v5 =	vnsel vm0, $0x100, v5  }
0x69: {  	vm15 =	vlt.s32 v8, $0x100;
	v62 =	vadd.s32 v1, v5;
	v5 =	vsub.f32 v9, v3  }
0x6a: {  	vm1 =	vlt.s32 v6, $0x100;
	vm2 =	vlt.s32 v7, $0x100;
	v9 =	vsub.f32 v11, v3  }
0x6b: {  	v6 =	vnsel vm1, $0x100, v6;
	v10 =	vsub.f32 v10, v3;
	v5 =	vmul.f32 v5, v4  }
0x6c: {  	v11 =	vnsel vm15, $0x100, v8;
	v8 =	vsub.f32 v13, v3;
	v63 =	vmul.f32 v9, v4  }
0x6d: {  	v7 =	vnsel vm2, $0x100, v7;
	v10 =	vmul.f32 v10, v4;
	v5 =	vtrunc.f32 v5  }
0x6e: {  	v6 =	vadd.s32 v1, v6;
	v9 =	vmul.f32 v8, v4;
	v8 =	vcvt.f32.s32 v5  }
0x6f: {  	s22 =	simm.s32 $0x40;
	s23 =	simm.s32 $0xA0;
	v5 =	vadd.s32 v1, v11;
	[tilespmem:v62+s13+$0x0] =	vst.idx.add.f32.msk $0xffff, v2;
	v11 =	vtrunc.f32 v63;
	v10 =	vtrunc.f32 v10  }
.LBB2_4:
0x70: {  	v12 =	vld [tilespmem:s23+$0x10];
	s22 =	sadd.s32 $0x40, s22;
	v9 =	vtrunc.f32 v9;
	v11 =	vcvt.f32.s32 v11;
	v13 =	vshra.s32 v8, $0x1F  }
0x71: {  	v10 =	vcvt.f32.s32 v10;
	v14 =	vld [tilespmem:s23+$0xFFFFFFF0];
	p0 =	slt.u32 s22, $0x3FC0;
	v9 =	vcvt.f32.s32 v9;
	v8 =	vor.u32 v13, v8  }
0x72: {  	v7 =	vadd.s32 v1, v7;
	v13 =	vld [tilespmem:s23+$0x0];
	v15 =	vshra.s32 v11, $0x1F;
	vm0 =	vlt.s32 v8, $0x100  }
0x73: {  	v18 =	vshra.s32 v10, $0x1F;
	v16 =	vld [tilespmem:s23+$0xFFFFFFE0];
	v17 =	vshra.s32 v9, $0x1F;
	v8 =	vnsel vm0, $0x100, v8  }
0x74: {  	v11 =	vor.u32 v15, v11;
	v9 =	vor.u32 v17, v9;
	v8 =	vadd.s32 v1, v8  }
0x75: {  	v10 =	vor.u32 v18, v10;
	v12 =	vsub.f32 v12, v3;
	vm0 =	vlt.s32 v9, $0x100;
	[tilespmem:v5+s13+$0x0] =	vst.idx.add.f32.msk $0xffff, v2  }
0x76: {  	vm1 =	vlt.s32 v11, $0x100;
	vm2 =	vlt.s32 v10, $0x100;
	v5 =	vsub.f32 v14, v3;
	[tilespmem:v6+s13+$0x0] =	vst.idx.add.f32.msk $0xffff, v2  }
.Ltmp1:
0x77: {  	v6 =	vsub.f32 v13, v3;
	v12 =	vmul.f32 v12, v4;
	v13 =	vnsel vm0, $0x100, v9;
	[tilespmem:v7+s13+$0x0] =	vst.idx.add.f32.msk $0xffff, v2;
	(pc) =	sbr.rel @p0 .LBB2_4-.Ltmp1, $4  }
0x78: {  	v15 =	vnsel vm1, $0x100, v11;
	v9 =	vsub.f32 v16, v3;
	v14 =	vmul.f32 v5, v4  }
0x79: {  	v7 =	vnsel vm2, $0x100, v10;
	v6 =	vmul.f32 v6, v4;
	v5 =	vtrunc.f32 v12;
	[tilespmem:v8+s13+$0x0] =	vst.idx.add.f32.msk $0xffff, v2  }
0x7a: {  	v9 =	vmul.f32 v9, v4;
	v8 =	vcvt.f32.s32 v5;
	v5 =	vadd.s32 v1, v13  }
0x7b: {  	s23 =	sadd.s32 $0x40, s23;
	v11 =	vtrunc.f32 v14;
	v10 =	vtrunc.f32 v6;
	v6 =	vadd.s32 v1, v15  }
0x7c: {  	v9 =	vtrunc.f32 v9  }
0x7d: {  	v11 =	vcvt.f32.s32 v11;
	v12 =	vshra.s32 v8, $0x1F;
	v10 =	vcvt.f32.s32 v10  }
0x7e: {  	v7 =	vadd.s32 v1, v7;
	v9 =	vcvt.f32.s32 v9;
	v8 =	vor.u32 v12, v8  }
0x7f: {  	v58 =	vshra.s32 v11, $0x1F;
	vm0 =	vlt.s32 v8, $0x100;
	v14 =	vshra.s32 v10, $0x1F  }
0x80: {  	v13 =	vshra.s32 v9, $0x1F;
	v8 =	vnsel vm0, $0x100, v8;
	v11 =	vor.u32 v58, v11  }
0x81: {  	v10 =	vor.u32 v14, v10;
	v9 =	vor.u32 v13, v9;
	vm1 =	vlt.s32 v11, $0x100  }
0x82: {  	v8 =	vadd.s32 v1, v8;
	vm12 =	vlt.s32 v10, $0x100;
	v11 =	vnsel vm1, $0x100, v11  }
0x83: {  	[tilespmem:v5+s13+$0x0] =	vst.idx.add.f32.msk $0xffff, v2;
	vm11 =	vlt.s32 v9, $0x100;
	v5 =	vnsel vm12, $0x100, v10;
	v10 =	vadd.s32 v1, v11  }
0x84: {  	v9 =	vnsel vm11, $0x100, v9;
	v5 =	vadd.s32 v1, v5  }
0x85: {  	[tilespmem:v6+s13+$0x0] =	vst.idx.add.f32.msk $0xffff, v2;
	v9 =	vadd.s32 v1, v9  }
0x86: {  	[tilespmem:v7+s13+$0x0] =	vst.idx.add.f32.msk $0xffff, v2  }
0x87: {  	[tilespmem:v8+s13+$0x0] =	vst.idx.add.f32.msk $0xffff, v2  }
0x88: {  	[tilespmem:v10+s13+$0x0] =	vst.idx.add.f32.msk $0xffff, v2  }
0x89: {  	[tilespmem:v5+s13+$0x0] =	vst.idx.add.f32.msk $0xffff, v2  }
0x8a: {  	[tilespmem:v9+s13+$0x0] =	vst.idx.add.f32.msk $0xffff, v2  }
0x8b: {  	_ =	swait.ge [sflag:s14], $0x4000  }
0x8c: {  	[sflag:s14] =	ssyncset.done $0x0  }
0x8d: {  	s22 =	rddreg [dreg:$0x8];
	[sflag:s14] =	ssyncadd.s32 $0xFFFFC000  }
0x8e: {  	[hbm4b:s22+s1] =	stream.linear.scatter [tilespmem:s9], [sflag:$0x6], $0x4000, $0x38;
	[tilespmem:$0x11200] =	vst v63  }
0x8f: {  	_ =	swait.ge [sflag:s15], $0x4000  }
0x90: {  	[sflag:s15] =	ssyncset.done $0x0  }
0x91: {  	s24 =	simm.s32 $0x4020;
	s23 =	rddreg [dreg:$0x9];
	[sflag:s15] =	ssyncadd.s32 $0xFFFFC000  }
0x92: {  	[tilespmem:s1], [sflag:$0x1] =	stream.linear.gather [hbm4b:s23+s1], $0x4000, $0x38;
	[tilespmem:$0x11200] =	vst v63  }
0x93: {  	v5 =	vld [tilespmem:s24+$0x10]  }
0x94: {  	v6 =	vld [tilespmem:s24+$0xFFFFFFF0]  }
0x95: {  	v7 =	vld [tilespmem:s24+$0x0]  }
0x96: {  	v8 =	vld [tilespmem:s24+$0xFFFFFFE0];
	_ =	sdelay $0x2  }
0x97: {  	v5 =	vsub.f32 v5, v3  }
0x98: {  	v6 =	vsub.f32 v6, v3;
	v7 =	vsub.f32 v7, v3  }
0x99: {  	v8 =	vsub.f32 v8, v3;
	v5 =	vmul.f32 v5, v4  }
0x9a: {  	v6 =	vmul.f32 v6, v4;
	v7 =	vmul.f32 v7, v4  }
0x9b: {  	v8 =	vmul.f32 v8, v4;
	v5 =	vtrunc.f32 v5  }
0x9c: {  	v6 =	vtrunc.f32 v6;
	v7 =	vtrunc.f32 v7  }
0x9d: {  	s25 =	simm.s32 $0x4060;
	v8 =	vtrunc.f32 v8;
	v5 =	vcvt.f32.s32 v5  }
0x9e: {  	v9 =	vld [tilespmem:s25+$0x10];
	v6 =	vcvt.f32.s32 v6;
	v8 =	vcvt.f32.s32 v8  }
0x9f: {  	v11 =	vld [tilespmem:s25+$0xFFFFFFF0];
	v7 =	vcvt.f32.s32 v7;
	v10 =	vshra.s32 v5, $0x1F  }
0xa0: {  	v59 =	vshra.s32 v6, $0x1F;
	v61 =	vshra.s32 v8, $0x1F;
	v5 =	vor.u32 v10, v5;
	v10 =	vld [tilespmem:s25+$0x0]  }
0xa1: {  	v60 =	vld [tilespmem:s25+$0xFFFFFFE0];
	v15 =	vshra.s32 v7, $0x1F;
	v8 =	vor.u32 v61, v8;
	vm13 =	vlt.s32 v5, $0x100  }
0xa2: {  	v6 =	vor.u32 v59, v6;
	v7 =	vor.u32 v15, v7;
	v5 =	vnsel vm13, $0x100, v5  }
0xa3: {  	vm14 =	vlt.s32 v8, $0x100;
	v62 =	vadd.s32 v1, v5;
	v5 =	vsub.f32 v9, v3  }
0xa4: {  	vm15 =	vlt.s32 v6, $0x100;
	vm2 =	vlt.s32 v7, $0x100;
	v9 =	vsub.f32 v11, v3  }
0xa5: {  	v6 =	vnsel vm15, $0x100, v6;
	v10 =	vsub.f32 v10, v3;
	v5 =	vmul.f32 v5, v4  }
0xa6: {  	v11 =	vnsel vm14, $0x100, v8;
	v8 =	vsub.f32 v60, v3;
	v63 =	vmul.f32 v9, v4  }
0xa7: {  	v7 =	vnsel vm2, $0x100, v7;
	v10 =	vmul.f32 v10, v4;
	v5 =	vtrunc.f32 v5  }
0xa8: {  	v6 =	vadd.s32 v1, v6;
	v9 =	vmul.f32 v8, v4;
	v8 =	vcvt.f32.s32 v5  }
0xa9: {  	s22 =	simm.s32 $0x40;
	s23 =	simm.s32 $0x40A0;
	v5 =	vadd.s32 v1, v11;
	[tilespmem:v62+s13+$0x0] =	vst.idx.add.f32.msk $0xffff, v2;
	v11 =	vtrunc.f32 v63;
	v10 =	vtrunc.f32 v10  }
.LBB2_6:
0xaa: {  	v12 =	vld [tilespmem:s23+$0x10];
	s22 =	sadd.s32 $0x40, s22;
	v9 =	vtrunc.f32 v9;
	v11 =	vcvt.f32.s32 v11;
	v13 =	vshra.s32 v8, $0x1F  }
0xab: {  	v10 =	vcvt.f32.s32 v10;
	v14 =	vld [tilespmem:s23+$0xFFFFFFF0];
	p0 =	slt.u32 s22, $0x3FC0;
	v9 =	vcvt.f32.s32 v9;
	v8 =	vor.u32 v13, v8  }
0xac: {  	v7 =	vadd.s32 v1, v7;
	v13 =	vld [tilespmem:s23+$0x0];
	v15 =	vshra.s32 v11, $0x1F;
	vm0 =	vlt.s32 v8, $0x100  }
0xad: {  	v18 =	vshra.s32 v10, $0x1F;
	v16 =	vld [tilespmem:s23+$0xFFFFFFE0];
	v17 =	vshra.s32 v9, $0x1F;
	v8 =	vnsel vm0, $0x100, v8  }
0xae: {  	v11 =	vor.u32 v15, v11;
	v9 =	vor.u32 v17, v9;
	v8 =	vadd.s32 v1, v8  }
0xaf: {  	v10 =	vor.u32 v18, v10;
	v12 =	vsub.f32 v12, v3;
	vm0 =	vlt.s32 v9, $0x100;
	[tilespmem:v5+s13+$0x0] =	vst.idx.add.f32.msk $0xffff, v2  }
0xb0: {  	vm1 =	vlt.s32 v11, $0x100;
	vm2 =	vlt.s32 v10, $0x100;
	v5 =	vsub.f32 v14, v3;
	[tilespmem:v6+s13+$0x0] =	vst.idx.add.f32.msk $0xffff, v2  }
.Ltmp2:
0xb1: {  	v6 =	vsub.f32 v13, v3;
	v12 =	vmul.f32 v12, v4;
	v13 =	vnsel vm0, $0x100, v9;
	[tilespmem:v7+s13+$0x0] =	vst.idx.add.f32.msk $0xffff, v2;
	(pc) =	sbr.rel @p0 .LBB2_6-.Ltmp2, $4  }
0xb2: {  	v15 =	vnsel vm1, $0x100, v11;
	v9 =	vsub.f32 v16, v3;
	v14 =	vmul.f32 v5, v4  }
0xb3: {  	v7 =	vnsel vm2, $0x100, v10;
	v6 =	vmul.f32 v6, v4;
	v5 =	vtrunc.f32 v12;
	[tilespmem:v8+s13+$0x0] =	vst.idx.add.f32.msk $0xffff, v2  }
0xb4: {  	v9 =	vmul.f32 v9, v4;
	v8 =	vcvt.f32.s32 v5;
	v5 =	vadd.s32 v1, v13  }
0xb5: {  	s23 =	sadd.s32 $0x40, s23;
	v11 =	vtrunc.f32 v14;
	v10 =	vtrunc.f32 v6;
	v6 =	vadd.s32 v1, v15  }
0xb6: {  	v9 =	vtrunc.f32 v9  }
0xb7: {  	v11 =	vcvt.f32.s32 v11;
	v12 =	vshra.s32 v8, $0x1F;
	v10 =	vcvt.f32.s32 v10  }
0xb8: {  	v7 =	vadd.s32 v1, v7;
	v9 =	vcvt.f32.s32 v9;
	v8 =	vor.u32 v12, v8  }
0xb9: {  	v58 =	vshra.s32 v11, $0x1F;
	vm0 =	vlt.s32 v8, $0x100;
	v14 =	vshra.s32 v10, $0x1F  }
0xba: {  	v13 =	vshra.s32 v9, $0x1F;
	v8 =	vnsel vm0, $0x100, v8;
	v11 =	vor.u32 v58, v11  }
0xbb: {  	v10 =	vor.u32 v14, v10;
	v9 =	vor.u32 v13, v9;
	vm1 =	vlt.s32 v11, $0x100  }
0xbc: {  	v8 =	vadd.s32 v1, v8;
	vm12 =	vlt.s32 v10, $0x100;
	v11 =	vnsel vm1, $0x100, v11  }
0xbd: {  	[tilespmem:v5+s13+$0x0] =	vst.idx.add.f32.msk $0xffff, v2;
	vm11 =	vlt.s32 v9, $0x100;
	v5 =	vnsel vm12, $0x100, v10;
	v10 =	vadd.s32 v1, v11  }
0xbe: {  	v9 =	vnsel vm11, $0x100, v9;
	v5 =	vadd.s32 v1, v5  }
0xbf: {  	[tilespmem:v6+s13+$0x0] =	vst.idx.add.f32.msk $0xffff, v2;
	v9 =	vadd.s32 v1, v9  }
0xc0: {  	[tilespmem:v7+s13+$0x0] =	vst.idx.add.f32.msk $0xffff, v2  }
0xc1: {  	[tilespmem:v8+s13+$0x0] =	vst.idx.add.f32.msk $0xffff, v2  }
0xc2: {  	[tilespmem:v10+s13+$0x0] =	vst.idx.add.f32.msk $0xffff, v2  }
0xc3: {  	[tilespmem:v5+s13+$0x0] =	vst.idx.add.f32.msk $0xffff, v2  }
0xc4: {  	[tilespmem:v9+s13+$0x0] =	vst.idx.add.f32.msk $0xffff, v2  }
0xc5: {  	_ =	swait.ge [sflag:s16], $0x4000  }
0xc6: {  	[sflag:s16] =	ssyncset.done $0x0  }
0xc7: {  	s22 =	rddreg [dreg:$0xa];
	[sflag:s16] =	ssyncadd.s32 $0xFFFFC000  }
0xc8: {  	[hbm4b:s22+s1] =	stream.linear.scatter [tilespmem:s10], [sflag:$0x7], $0x4000, $0x38;
	[tilespmem:$0x11200] =	vst v63  }
0xc9: {  	_ =	swait.ge [sflag:s17], $0x4000  }
0xca: {  	[sflag:s17] =	ssyncset.done $0x0  }
0xcb: {  	s24 =	simm.s32 $0x8020;
	s23 =	rddreg [dreg:$0xb];
	[sflag:s17] =	ssyncadd.s32 $0xFFFFC000  }
0xcc: {  	[tilespmem:s9], [sflag:$0x2] =	stream.linear.gather [hbm4b:s23+s1], $0x4000, $0x38;
	[tilespmem:$0x11200] =	vst v63  }
0xcd: {  	v5 =	vld [tilespmem:s24+$0x10]  }
0xce: {  	v6 =	vld [tilespmem:s24+$0xFFFFFFF0]  }
0xcf: {  	v7 =	vld [tilespmem:s24+$0x0]  }
0xd0: {  	v8 =	vld [tilespmem:s24+$0xFFFFFFE0];
	_ =	sdelay $0x2  }
0xd1: {  	v5 =	vsub.f32 v5, v3  }
0xd2: {  	v6 =	vsub.f32 v6, v3;
	v7 =	vsub.f32 v7, v3  }
0xd3: {  	v8 =	vsub.f32 v8, v3;
	v5 =	vmul.f32 v5, v4  }
0xd4: {  	v6 =	vmul.f32 v6, v4;
	v7 =	vmul.f32 v7, v4  }
0xd5: {  	v8 =	vmul.f32 v8, v4;
	v5 =	vtrunc.f32 v5  }
0xd6: {  	v6 =	vtrunc.f32 v6;
	v7 =	vtrunc.f32 v7  }
0xd7: {  	s25 =	simm.s32 $0x8060;
	v8 =	vtrunc.f32 v8;
	v5 =	vcvt.f32.s32 v5  }
0xd8: {  	v9 =	vld [tilespmem:s25+$0x10];
	v6 =	vcvt.f32.s32 v6;
	v8 =	vcvt.f32.s32 v8  }
0xd9: {  	v11 =	vld [tilespmem:s25+$0xFFFFFFF0];
	v7 =	vcvt.f32.s32 v7;
	v10 =	vshra.s32 v5, $0x1F  }
0xda: {  	v59 =	vshra.s32 v6, $0x1F;
	v61 =	vshra.s32 v8, $0x1F;
	v5 =	vor.u32 v10, v5;
	v10 =	vld [tilespmem:s25+$0x0]  }
0xdb: {  	v60 =	vld [tilespmem:s25+$0xFFFFFFE0];
	v15 =	vshra.s32 v7, $0x1F;
	v8 =	vor.u32 v61, v8;
	vm13 =	vlt.s32 v5, $0x100  }
0xdc: {  	v6 =	vor.u32 v59, v6;
	v7 =	vor.u32 v15, v7;
	v5 =	vnsel vm13, $0x100, v5  }
0xdd: {  	vm14 =	vlt.s32 v8, $0x100;
	v62 =	vadd.s32 v1, v5;
	v5 =	vsub.f32 v9, v3  }
0xde: {  	vm15 =	vlt.s32 v6, $0x100;
	vm2 =	vlt.s32 v7, $0x100;
	v9 =	vsub.f32 v11, v3  }
0xdf: {  	v6 =	vnsel vm15, $0x100, v6;
	v10 =	vsub.f32 v10, v3;
	v5 =	vmul.f32 v5, v4  }
0xe0: {  	v11 =	vnsel vm14, $0x100, v8;
	v8 =	vsub.f32 v60, v3;
	v63 =	vmul.f32 v9, v4  }
0xe1: {  	v7 =	vnsel vm2, $0x100, v7;
	v10 =	vmul.f32 v10, v4;
	v5 =	vtrunc.f32 v5  }
0xe2: {  	v6 =	vadd.s32 v1, v6;
	v9 =	vmul.f32 v8, v4;
	v8 =	vcvt.f32.s32 v5  }
0xe3: {  	s22 =	simm.s32 $0x40;
	s23 =	simm.s32 $0x80A0;
	v5 =	vadd.s32 v1, v11;
	[tilespmem:v62+s13+$0x0] =	vst.idx.add.f32.msk $0xffff, v2;
	v11 =	vtrunc.f32 v63;
	v10 =	vtrunc.f32 v10  }
.LBB2_8:
0xe4: {  	v12 =	vld [tilespmem:s23+$0x10];
	s22 =	sadd.s32 $0x40, s22;
	v9 =	vtrunc.f32 v9;
	v11 =	vcvt.f32.s32 v11;
	v13 =	vshra.s32 v8, $0x1F  }
0xe5: {  	v10 =	vcvt.f32.s32 v10;
	v14 =	vld [tilespmem:s23+$0xFFFFFFF0];
	p0 =	slt.u32 s22, $0x3FC0;
	v9 =	vcvt.f32.s32 v9;
	v8 =	vor.u32 v13, v8  }
0xe6: {  	v7 =	vadd.s32 v1, v7;
	v13 =	vld [tilespmem:s23+$0x0];
	v15 =	vshra.s32 v11, $0x1F;
	vm0 =	vlt.s32 v8, $0x100  }
0xe7: {  	v18 =	vshra.s32 v10, $0x1F;
	v16 =	vld [tilespmem:s23+$0xFFFFFFE0];
	v17 =	vshra.s32 v9, $0x1F;
	v8 =	vnsel vm0, $0x100, v8  }
0xe8: {  	v11 =	vor.u32 v15, v11;
	v9 =	vor.u32 v17, v9;
	v8 =	vadd.s32 v1, v8  }
0xe9: {  	v10 =	vor.u32 v18, v10;
	v12 =	vsub.f32 v12, v3;
	vm0 =	vlt.s32 v9, $0x100;
	[tilespmem:v5+s13+$0x0] =	vst.idx.add.f32.msk $0xffff, v2  }
0xea: {  	vm1 =	vlt.s32 v11, $0x100;
	vm2 =	vlt.s32 v10, $0x100;
	v5 =	vsub.f32 v14, v3;
	[tilespmem:v6+s13+$0x0] =	vst.idx.add.f32.msk $0xffff, v2  }
.Ltmp3:
0xeb: {  	v6 =	vsub.f32 v13, v3;
	v12 =	vmul.f32 v12, v4;
	v13 =	vnsel vm0, $0x100, v9;
	[tilespmem:v7+s13+$0x0] =	vst.idx.add.f32.msk $0xffff, v2;
	(pc) =	sbr.rel @p0 .LBB2_8-.Ltmp3, $4  }
0xec: {  	v15 =	vnsel vm1, $0x100, v11;
	v9 =	vsub.f32 v16, v3;
	v14 =	vmul.f32 v5, v4  }
0xed: {  	v7 =	vnsel vm2, $0x100, v10;
	v6 =	vmul.f32 v6, v4;
	v5 =	vtrunc.f32 v12;
	[tilespmem:v8+s13+$0x0] =	vst.idx.add.f32.msk $0xffff, v2  }
0xee: {  	v9 =	vmul.f32 v9, v4;
	v8 =	vcvt.f32.s32 v5;
	v5 =	vadd.s32 v1, v13  }
0xef: {  	s23 =	sadd.s32 $0x40, s23;
	v11 =	vtrunc.f32 v14;
	v10 =	vtrunc.f32 v6;
	v6 =	vadd.s32 v1, v15  }
0xf0: {  	v9 =	vtrunc.f32 v9  }
0xf1: {  	v11 =	vcvt.f32.s32 v11;
	v12 =	vshra.s32 v8, $0x1F;
	v10 =	vcvt.f32.s32 v10  }
0xf2: {  	v7 =	vadd.s32 v1, v7;
	v9 =	vcvt.f32.s32 v9;
	v8 =	vor.u32 v12, v8  }
0xf3: {  	v58 =	vshra.s32 v11, $0x1F;
	vm0 =	vlt.s32 v8, $0x100;
	v14 =	vshra.s32 v10, $0x1F  }
0xf4: {  	v13 =	vshra.s32 v9, $0x1F;
	v8 =	vnsel vm0, $0x100, v8;
	v11 =	vor.u32 v58, v11  }
0xf5: {  	v10 =	vor.u32 v14, v10;
	v9 =	vor.u32 v13, v9;
	vm1 =	vlt.s32 v11, $0x100  }
0xf6: {  	v8 =	vadd.s32 v1, v8;
	vm12 =	vlt.s32 v10, $0x100;
	v11 =	vnsel vm1, $0x100, v11  }
0xf7: {  	[tilespmem:v5+s13+$0x0] =	vst.idx.add.f32.msk $0xffff, v2;
	vm11 =	vlt.s32 v9, $0x100;
	v5 =	vnsel vm12, $0x100, v10;
	v10 =	vadd.s32 v1, v11  }
0xf8: {  	v9 =	vnsel vm11, $0x100, v9;
	v5 =	vadd.s32 v1, v5  }
0xf9: {  	[tilespmem:v6+s13+$0x0] =	vst.idx.add.f32.msk $0xffff, v2;
	v9 =	vadd.s32 v1, v9  }
0xfa: {  	[tilespmem:v7+s13+$0x0] =	vst.idx.add.f32.msk $0xffff, v2  }
0xfb: {  	[tilespmem:v8+s13+$0x0] =	vst.idx.add.f32.msk $0xffff, v2  }
0xfc: {  	[tilespmem:v10+s13+$0x0] =	vst.idx.add.f32.msk $0xffff, v2  }
0xfd: {  	[tilespmem:v5+s13+$0x0] =	vst.idx.add.f32.msk $0xffff, v2  }
0xfe: {  	[tilespmem:v9+s13+$0x0] =	vst.idx.add.f32.msk $0xffff, v2  }
0xff: {  	_ =	swait.ge [sflag:s18], $0x4000  }
0x100: {  	[sflag:s18] =	ssyncset.done $0x0  }
0x101: {  	s22 =	rddreg [dreg:$0xc];
	[sflag:s18] =	ssyncadd.s32 $0xFFFFC000  }
0x102: {  	[hbm4b:s22+s1] =	stream.linear.scatter [tilespmem:s12], [sflag:$0x8], $0x4000, $0x38;
	[tilespmem:$0x11200] =	vst v63  }
0x103: {  	_ =	swait.ge [sflag:s19], $0x4000  }
0x104: {  	[sflag:s19] =	ssyncset.done $0x0  }
0x105: {  	s24 =	simm.s32 $0xC020;
	s23 =	rddreg [dreg:$0xd];
	[sflag:s19] =	ssyncadd.s32 $0xFFFFC000  }
0x106: {  	[tilespmem:s10], [sflag:$0x3] =	stream.linear.gather [hbm4b:s23+s1], $0x4000, $0x38;
	[tilespmem:$0x11200] =	vst v63  }
0x107: {  	v5 =	vld [tilespmem:s24+$0x10]  }
0x108: {  	v6 =	vld [tilespmem:s24+$0xFFFFFFF0]  }
0x109: {  	v7 =	vld [tilespmem:s24+$0x0]  }
0x10a: {  	v8 =	vld [tilespmem:s24+$0xFFFFFFE0];
	_ =	sdelay $0x2  }
0x10b: {  	v5 =	vsub.f32 v5, v3  }
0x10c: {  	v6 =	vsub.f32 v6, v3;
	v7 =	vsub.f32 v7, v3  }
0x10d: {  	v8 =	vsub.f32 v8, v3;
	v5 =	vmul.f32 v5, v4  }
0x10e: {  	v6 =	vmul.f32 v6, v4;
	v7 =	vmul.f32 v7, v4  }
0x10f: {  	v8 =	vmul.f32 v8, v4;
	v5 =	vtrunc.f32 v5  }
0x110: {  	v6 =	vtrunc.f32 v6;
	v7 =	vtrunc.f32 v7  }
0x111: {  	s25 =	simm.s32 $0xC060;
	v8 =	vtrunc.f32 v8;
	v5 =	vcvt.f32.s32 v5  }
0x112: {  	v9 =	vld [tilespmem:s25+$0x10];
	v6 =	vcvt.f32.s32 v6;
	v8 =	vcvt.f32.s32 v8  }
0x113: {  	v11 =	vld [tilespmem:s25+$0xFFFFFFF0];
	v7 =	vcvt.f32.s32 v7;
	v10 =	vshra.s32 v5, $0x1F  }
0x114: {  	v59 =	vshra.s32 v6, $0x1F;
	v61 =	vshra.s32 v8, $0x1F;
	v5 =	vor.u32 v10, v5;
	v10 =	vld [tilespmem:s25+$0x0]  }
0x115: {  	v60 =	vld [tilespmem:s25+$0xFFFFFFE0];
	v15 =	vshra.s32 v7, $0x1F;
	v8 =	vor.u32 v61, v8;
	vm13 =	vlt.s32 v5, $0x100  }
0x116: {  	v6 =	vor.u32 v59, v6;
	v7 =	vor.u32 v15, v7;
	v5 =	vnsel vm13, $0x100, v5  }
0x117: {  	vm14 =	vlt.s32 v8, $0x100;
	v62 =	vadd.s32 v1, v5;
	v5 =	vsub.f32 v9, v3  }
0x118: {  	vm15 =	vlt.s32 v6, $0x100;
	vm2 =	vlt.s32 v7, $0x100;
	v9 =	vsub.f32 v11, v3  }
0x119: {  	v6 =	vnsel vm15, $0x100, v6;
	v10 =	vsub.f32 v10, v3;
	v5 =	vmul.f32 v5, v4  }
0x11a: {  	v11 =	vnsel vm14, $0x100, v8;
	v8 =	vsub.f32 v60, v3;
	v63 =	vmul.f32 v9, v4  }
0x11b: {  	v7 =	vnsel vm2, $0x100, v7;
	v10 =	vmul.f32 v10, v4;
	v5 =	vtrunc.f32 v5  }
0x11c: {  	v6 =	vadd.s32 v1, v6;
	v9 =	vmul.f32 v8, v4;
	v8 =	vcvt.f32.s32 v5  }
0x11d: {  	s22 =	simm.s32 $0x40;
	s23 =	simm.s32 $0xC0A0;
	v5 =	vadd.s32 v1, v11;
	[tilespmem:v62+s13+$0x0] =	vst.idx.add.f32.msk $0xffff, v2;
	v11 =	vtrunc.f32 v63;
	v10 =	vtrunc.f32 v10  }
.LBB2_10:
0x11e: {  	v12 =	vld [tilespmem:s23+$0x10];
	s22 =	sadd.s32 $0x40, s22;
	v9 =	vtrunc.f32 v9;
	v11 =	vcvt.f32.s32 v11;
	v13 =	vshra.s32 v8, $0x1F  }
0x11f: {  	v10 =	vcvt.f32.s32 v10;
	v14 =	vld [tilespmem:s23+$0xFFFFFFF0];
	p0 =	slt.u32 s22, $0x3FC0;
	v9 =	vcvt.f32.s32 v9;
	v8 =	vor.u32 v13, v8  }
0x120: {  	v7 =	vadd.s32 v1, v7;
	v13 =	vld [tilespmem:s23+$0x0];
	v15 =	vshra.s32 v11, $0x1F;
	vm0 =	vlt.s32 v8, $0x100  }
0x121: {  	v18 =	vshra.s32 v10, $0x1F;
	v16 =	vld [tilespmem:s23+$0xFFFFFFE0];
	v17 =	vshra.s32 v9, $0x1F;
	v8 =	vnsel vm0, $0x100, v8  }
0x122: {  	v11 =	vor.u32 v15, v11;
	v9 =	vor.u32 v17, v9;
	v8 =	vadd.s32 v1, v8  }
0x123: {  	v10 =	vor.u32 v18, v10;
	v12 =	vsub.f32 v12, v3;
	vm0 =	vlt.s32 v9, $0x100;
	[tilespmem:v5+s13+$0x0] =	vst.idx.add.f32.msk $0xffff, v2  }
0x124: {  	vm1 =	vlt.s32 v11, $0x100;
	vm2 =	vlt.s32 v10, $0x100;
	v5 =	vsub.f32 v14, v3;
	[tilespmem:v6+s13+$0x0] =	vst.idx.add.f32.msk $0xffff, v2  }
.Ltmp4:
0x125: {  	v6 =	vsub.f32 v13, v3;
	v12 =	vmul.f32 v12, v4;
	v13 =	vnsel vm0, $0x100, v9;
	[tilespmem:v7+s13+$0x0] =	vst.idx.add.f32.msk $0xffff, v2;
	(pc) =	sbr.rel @p0 .LBB2_10-.Ltmp4, $4  }
0x126: {  	v15 =	vnsel vm1, $0x100, v11;
	v9 =	vsub.f32 v16, v3;
	v14 =	vmul.f32 v5, v4  }
0x127: {  	v7 =	vnsel vm2, $0x100, v10;
	v6 =	vmul.f32 v6, v4;
	v5 =	vtrunc.f32 v12;
	[tilespmem:v8+s13+$0x0] =	vst.idx.add.f32.msk $0xffff, v2  }
0x128: {  	v9 =	vmul.f32 v9, v4;
	v8 =	vcvt.f32.s32 v5;
	v5 =	vadd.s32 v1, v13  }
0x129: {  	s23 =	sadd.s32 $0x40, s23;
	v11 =	vtrunc.f32 v14;
	v10 =	vtrunc.f32 v6;
	v6 =	vadd.s32 v1, v15  }
0x12a: {  	v9 =	vtrunc.f32 v9  }
0x12b: {  	v11 =	vcvt.f32.s32 v11;
	v12 =	vshra.s32 v8, $0x1F;
	v10 =	vcvt.f32.s32 v10  }
0x12c: {  	v7 =	vadd.s32 v1, v7;
	v9 =	vcvt.f32.s32 v9;
	v8 =	vor.u32 v12, v8  }
0x12d: {  	v58 =	vshra.s32 v11, $0x1F;
	vm0 =	vlt.s32 v8, $0x100;
	v14 =	vshra.s32 v10, $0x1F  }
0x12e: {  	v13 =	vshra.s32 v9, $0x1F;
	v8 =	vnsel vm0, $0x100, v8;
	v11 =	vor.u32 v58, v11  }
0x12f: {  	v10 =	vor.u32 v14, v10;
	v9 =	vor.u32 v13, v9;
	vm1 =	vlt.s32 v11, $0x100  }
0x130: {  	v8 =	vadd.s32 v1, v8;
	vm12 =	vlt.s32 v10, $0x100;
	v11 =	vnsel vm1, $0x100, v11  }
0x131: {  	[tilespmem:v5+s13+$0x0] =	vst.idx.add.f32.msk $0xffff, v2;
	vm11 =	vlt.s32 v9, $0x100;
	v5 =	vnsel vm12, $0x100, v10;
	v10 =	vadd.s32 v1, v11  }
0x132: {  	v9 =	vnsel vm11, $0x100, v9;
	v5 =	vadd.s32 v1, v5  }
0x133: {  	[tilespmem:v6+s13+$0x0] =	vst.idx.add.f32.msk $0xffff, v2;
	v9 =	vadd.s32 v1, v9  }
0x134: {  	[tilespmem:v7+s13+$0x0] =	vst.idx.add.f32.msk $0xffff, v2  }
0x135: {  	[tilespmem:v8+s13+$0x0] =	vst.idx.add.f32.msk $0xffff, v2  }
0x136: {  	[tilespmem:v10+s13+$0x0] =	vst.idx.add.f32.msk $0xffff, v2  }
0x137: {  	[tilespmem:v5+s13+$0x0] =	vst.idx.add.f32.msk $0xffff, v2  }
0x138: {  	[tilespmem:v9+s13+$0x0] =	vst.idx.add.f32.msk $0xffff, v2  }
0x139: {  	_ =	swait.ge [sflag:s11], $0x4000  }
0x13a: {  	[sflag:s11] =	ssyncset.done $0x0  }
0x13b: {  	s22 =	rddreg [dreg:$0xe];
	[sflag:s11] =	ssyncadd.s32 $0xFFFFC000  }
0x13c: {  	[hbm4b:s22+s1] =	stream.linear.scatter [tilespmem:s1], [sflag:$0x5], $0x4000, $0x38;
	[tilespmem:$0x11200] =	vst v63  }
0x13d: {  	_ =	swait.ge [sflag:s20], $0x4000  }
0x13e: {  	[sflag:s20] =	ssyncset.done $0x0  }
0x13f: {  	s24 =	simm.s32 $0x20;
	s23 =	rddreg [dreg:$0xf];
	[sflag:s20] =	ssyncadd.s32 $0xFFFFC000  }
0x140: {  	[tilespmem:s12], [sflag:$0x4] =	stream.linear.gather [hbm4b:s23+s1], $0x4000, $0x38;
	[tilespmem:$0x11200] =	vst v63  }
0x141: {  	v5 =	vld [tilespmem:s24+$0x10]  }
0x142: {  	v6 =	vld [tilespmem:s24+$0xFFFFFFF0]  }
0x143: {  	v7 =	vld [tilespmem:s24+$0x0]  }
0x144: {  	v8 =	vld [tilespmem:s24+$0xFFFFFFE0];
	_ =	sdelay $0x2  }
0x145: {  	v5 =	vsub.f32 v5, v3  }
0x146: {  	v6 =	vsub.f32 v6, v3;
	v7 =	vsub.f32 v7, v3  }
0x147: {  	v8 =	vsub.f32 v8, v3;
	v5 =	vmul.f32 v5, v4  }
0x148: {  	v6 =	vmul.f32 v6, v4;
	v7 =	vmul.f32 v7, v4  }
0x149: {  	v8 =	vmul.f32 v8, v4;
	v5 =	vtrunc.f32 v5  }
0x14a: {  	v6 =	vtrunc.f32 v6;
	v7 =	vtrunc.f32 v7  }
0x14b: {  	s25 =	simm.s32 $0x60;
	v8 =	vtrunc.f32 v8;
	v5 =	vcvt.f32.s32 v5  }
0x14c: {  	v9 =	vld [tilespmem:s25+$0x10];
	v6 =	vcvt.f32.s32 v6;
	v8 =	vcvt.f32.s32 v8  }
0x14d: {  	v11 =	vld [tilespmem:s25+$0xFFFFFFF0];
	v7 =	vcvt.f32.s32 v7;
	v10 =	vshra.s32 v5, $0x1F  }
0x14e: {  	v59 =	vshra.s32 v6, $0x1F;
	v61 =	vshra.s32 v8, $0x1F;
	v5 =	vor.u32 v10, v5;
	v10 =	vld [tilespmem:s25+$0x0]  }
0x14f: {  	v60 =	vld [tilespmem:s25+$0xFFFFFFE0];
	v15 =	vshra.s32 v7, $0x1F;
	v8 =	vor.u32 v61, v8;
	vm13 =	vlt.s32 v5, $0x100  }
0x150: {  	v6 =	vor.u32 v59, v6;
	v7 =	vor.u32 v15, v7;
	v5 =	vnsel vm13, $0x100, v5  }
0x151: {  	vm14 =	vlt.s32 v8, $0x100;
	v62 =	vadd.s32 v1, v5;
	v5 =	vsub.f32 v9, v3  }
0x152: {  	vm15 =	vlt.s32 v6, $0x100;
	vm2 =	vlt.s32 v7, $0x100;
	v9 =	vsub.f32 v11, v3  }
0x153: {  	v6 =	vnsel vm15, $0x100, v6;
	v10 =	vsub.f32 v10, v3;
	v5 =	vmul.f32 v5, v4  }
0x154: {  	v11 =	vnsel vm14, $0x100, v8;
	v8 =	vsub.f32 v60, v3;
	v63 =	vmul.f32 v9, v4  }
0x155: {  	v7 =	vnsel vm2, $0x100, v7;
	v10 =	vmul.f32 v10, v4;
	v5 =	vtrunc.f32 v5  }
0x156: {  	v6 =	vadd.s32 v1, v6;
	v9 =	vmul.f32 v8, v4;
	v8 =	vcvt.f32.s32 v5  }
0x157: {  	s22 =	simm.s32 $0x40;
	s23 =	simm.s32 $0xA0;
	v5 =	vadd.s32 v1, v11;
	[tilespmem:v62+s13+$0x0] =	vst.idx.add.f32.msk $0xffff, v2;
	v11 =	vtrunc.f32 v63;
	v10 =	vtrunc.f32 v10  }
.LBB2_12:
0x158: {  	v12 =	vld [tilespmem:s23+$0x10];
	s22 =	sadd.s32 $0x40, s22;
	v9 =	vtrunc.f32 v9;
	v11 =	vcvt.f32.s32 v11;
	v13 =	vshra.s32 v8, $0x1F  }
0x159: {  	v10 =	vcvt.f32.s32 v10;
	v14 =	vld [tilespmem:s23+$0xFFFFFFF0];
	p0 =	slt.u32 s22, $0x3FC0;
	v9 =	vcvt.f32.s32 v9;
	v8 =	vor.u32 v13, v8  }
0x15a: {  	v7 =	vadd.s32 v1, v7;
	v13 =	vld [tilespmem:s23+$0x0];
	v15 =	vshra.s32 v11, $0x1F;
	vm0 =	vlt.s32 v8, $0x100  }
0x15b: {  	v18 =	vshra.s32 v10, $0x1F;
	v16 =	vld [tilespmem:s23+$0xFFFFFFE0];
	v17 =	vshra.s32 v9, $0x1F;
	v8 =	vnsel vm0, $0x100, v8  }
0x15c: {  	v11 =	vor.u32 v15, v11;
	v9 =	vor.u32 v17, v9;
	v8 =	vadd.s32 v1, v8  }
0x15d: {  	v10 =	vor.u32 v18, v10;
	v12 =	vsub.f32 v12, v3;
	vm0 =	vlt.s32 v9, $0x100;
	[tilespmem:v5+s13+$0x0] =	vst.idx.add.f32.msk $0xffff, v2  }
0x15e: {  	vm1 =	vlt.s32 v11, $0x100;
	vm2 =	vlt.s32 v10, $0x100;
	v5 =	vsub.f32 v14, v3;
	[tilespmem:v6+s13+$0x0] =	vst.idx.add.f32.msk $0xffff, v2  }
.Ltmp5:
0x15f: {  	v6 =	vsub.f32 v13, v3;
	v12 =	vmul.f32 v12, v4;
	v13 =	vnsel vm0, $0x100, v9;
	[tilespmem:v7+s13+$0x0] =	vst.idx.add.f32.msk $0xffff, v2;
	(pc) =	sbr.rel @p0 .LBB2_12-.Ltmp5, $4  }
0x160: {  	v15 =	vnsel vm1, $0x100, v11;
	v9 =	vsub.f32 v16, v3;
	v14 =	vmul.f32 v5, v4  }
0x161: {  	v7 =	vnsel vm2, $0x100, v10;
	v6 =	vmul.f32 v6, v4;
	v5 =	vtrunc.f32 v12;
	[tilespmem:v8+s13+$0x0] =	vst.idx.add.f32.msk $0xffff, v2  }
0x162: {  	v9 =	vmul.f32 v9, v4;
	v8 =	vcvt.f32.s32 v5;
	v5 =	vadd.s32 v1, v13  }
0x163: {  	s23 =	sadd.s32 $0x40, s23;
	v11 =	vtrunc.f32 v14;
	v10 =	vtrunc.f32 v6;
	v6 =	vadd.s32 v1, v15  }
0x164: {  	v9 =	vtrunc.f32 v9  }
0x165: {  	v11 =	vcvt.f32.s32 v11;
	v12 =	vshra.s32 v8, $0x1F;
	v10 =	vcvt.f32.s32 v10  }
0x166: {  	v7 =	vadd.s32 v1, v7;
	v9 =	vcvt.f32.s32 v9;
	v8 =	vor.u32 v12, v8  }
0x167: {  	v58 =	vshra.s32 v11, $0x1F;
	vm0 =	vlt.s32 v8, $0x100;
	v14 =	vshra.s32 v10, $0x1F  }
0x168: {  	v13 =	vshra.s32 v9, $0x1F;
	v8 =	vnsel vm0, $0x100, v8;
	v11 =	vor.u32 v58, v11  }
0x169: {  	v10 =	vor.u32 v14, v10;
	v9 =	vor.u32 v13, v9;
	vm1 =	vlt.s32 v11, $0x100  }
0x16a: {  	v8 =	vadd.s32 v1, v8;
	vm12 =	vlt.s32 v10, $0x100;
	v11 =	vnsel vm1, $0x100, v11  }
0x16b: {  	[tilespmem:v5+s13+$0x0] =	vst.idx.add.f32.msk $0xffff, v2;
	vm11 =	vlt.s32 v9, $0x100;
	v5 =	vnsel vm12, $0x100, v10;
	v10 =	vadd.s32 v1, v11  }
0x16c: {  	v9 =	vnsel vm11, $0x100, v9;
	v5 =	vadd.s32 v1, v5  }
0x16d: {  	[tilespmem:v6+s13+$0x0] =	vst.idx.add.f32.msk $0xffff, v2;
	v9 =	vadd.s32 v1, v9  }
0x16e: {  	[tilespmem:v7+s13+$0x0] =	vst.idx.add.f32.msk $0xffff, v2  }
0x16f: {  	[tilespmem:v8+s13+$0x0] =	vst.idx.add.f32.msk $0xffff, v2  }
0x170: {  	[tilespmem:v10+s13+$0x0] =	vst.idx.add.f32.msk $0xffff, v2  }
0x171: {  	[tilespmem:v5+s13+$0x0] =	vst.idx.add.f32.msk $0xffff, v2  }
0x172: {  	[tilespmem:v9+s13+$0x0] =	vst.idx.add.f32.msk $0xffff, v2  }
0x173: {  	_ =	swait.ge [sflag:s14], $0x4000  }
0x174: {  	[sflag:s14] =	ssyncset.done $0x0  }
0x175: {  	s22 =	rddreg [dreg:$0x10];
	[sflag:s14] =	ssyncadd.s32 $0xFFFFC000  }
0x176: {  	[hbm4b:s22+s1] =	stream.linear.scatter [tilespmem:s9], [sflag:$0x6], $0x4000, $0x38;
	[tilespmem:$0x11200] =	vst v63  }
0x177: {  	_ =	swait.ge [sflag:s15], $0x4000  }
0x178: {  	[sflag:s15] =	ssyncset.done $0x0  }
0x179: {  	s24 =	simm.s32 $0x4020;
	s23 =	rddreg [dreg:$0x11];
	[sflag:s15] =	ssyncadd.s32 $0xFFFFC000  }
0x17a: {  	[tilespmem:s1], [sflag:$0x1] =	stream.linear.gather [hbm4b:s23+s1], $0x4000, $0x38;
	[tilespmem:$0x11200] =	vst v63  }
0x17b: {  	v5 =	vld [tilespmem:s24+$0x10]  }
0x17c: {  	v6 =	vld [tilespmem:s24+$0xFFFFFFF0]  }
0x17d: {  	v7 =	vld [tilespmem:s24+$0x0]  }
0x17e: {  	v8 =	vld [tilespmem:s24+$0xFFFFFFE0];
	_ =	sdelay $0x2  }
0x17f: {  	v5 =	vsub.f32 v5, v3  }
0x180: {  	v6 =	vsub.f32 v6, v3;
	v7 =	vsub.f32 v7, v3  }
0x181: {  	v8 =	vsub.f32 v8, v3;
	v5 =	vmul.f32 v5, v4  }
0x182: {  	v6 =	vmul.f32 v6, v4;
	v7 =	vmul.f32 v7, v4  }
0x183: {  	v8 =	vmul.f32 v8, v4;
	v5 =	vtrunc.f32 v5  }
0x184: {  	v6 =	vtrunc.f32 v6;
	v7 =	vtrunc.f32 v7  }
0x185: {  	s25 =	simm.s32 $0x4060;
	v8 =	vtrunc.f32 v8;
	v5 =	vcvt.f32.s32 v5  }
0x186: {  	v9 =	vld [tilespmem:s25+$0x10];
	v6 =	vcvt.f32.s32 v6;
	v8 =	vcvt.f32.s32 v8  }
0x187: {  	v11 =	vld [tilespmem:s25+$0xFFFFFFF0];
	v7 =	vcvt.f32.s32 v7;
	v10 =	vshra.s32 v5, $0x1F  }
0x188: {  	v59 =	vshra.s32 v6, $0x1F;
	v61 =	vshra.s32 v8, $0x1F;
	v5 =	vor.u32 v10, v5;
	v10 =	vld [tilespmem:s25+$0x0]  }
0x189: {  	v60 =	vld [tilespmem:s25+$0xFFFFFFE0];
	v15 =	vshra.s32 v7, $0x1F;
	v8 =	vor.u32 v61, v8;
	vm13 =	vlt.s32 v5, $0x100  }
0x18a: {  	v6 =	vor.u32 v59, v6;
	v7 =	vor.u32 v15, v7;
	v5 =	vnsel vm13, $0x100, v5  }
0x18b: {  	vm14 =	vlt.s32 v8, $0x100;
	v62 =	vadd.s32 v1, v5;
	v5 =	vsub.f32 v9, v3  }
0x18c: {  	vm15 =	vlt.s32 v6, $0x100;
	vm2 =	vlt.s32 v7, $0x100;
	v9 =	vsub.f32 v11, v3  }
0x18d: {  	v6 =	vnsel vm15, $0x100, v6;
	v10 =	vsub.f32 v10, v3;
	v5 =	vmul.f32 v5, v4  }
0x18e: {  	v11 =	vnsel vm14, $0x100, v8;
	v8 =	vsub.f32 v60, v3;
	v63 =	vmul.f32 v9, v4  }
0x18f: {  	v7 =	vnsel vm2, $0x100, v7;
	v10 =	vmul.f32 v10, v4;
	v5 =	vtrunc.f32 v5  }
0x190: {  	v6 =	vadd.s32 v1, v6;
	v9 =	vmul.f32 v8, v4;
	v8 =	vcvt.f32.s32 v5  }
0x191: {  	s22 =	simm.s32 $0x40;
	s23 =	simm.s32 $0x40A0;
	v5 =	vadd.s32 v1, v11;
	[tilespmem:v62+s13+$0x0] =	vst.idx.add.f32.msk $0xffff, v2;
	v11 =	vtrunc.f32 v63;
	v10 =	vtrunc.f32 v10  }
.LBB2_14:
0x192: {  	v12 =	vld [tilespmem:s23+$0x10];
	s22 =	sadd.s32 $0x40, s22;
	v9 =	vtrunc.f32 v9;
	v11 =	vcvt.f32.s32 v11;
	v13 =	vshra.s32 v8, $0x1F  }
0x193: {  	v10 =	vcvt.f32.s32 v10;
	v14 =	vld [tilespmem:s23+$0xFFFFFFF0];
	p0 =	slt.u32 s22, $0x3FC0;
	v9 =	vcvt.f32.s32 v9;
	v8 =	vor.u32 v13, v8  }
0x194: {  	v7 =	vadd.s32 v1, v7;
	v13 =	vld [tilespmem:s23+$0x0];
	v15 =	vshra.s32 v11, $0x1F;
	vm0 =	vlt.s32 v8, $0x100  }
0x195: {  	v18 =	vshra.s32 v10, $0x1F;
	v16 =	vld [tilespmem:s23+$0xFFFFFFE0];
	v17 =	vshra.s32 v9, $0x1F;
	v8 =	vnsel vm0, $0x100, v8  }
0x196: {  	v11 =	vor.u32 v15, v11;
	v9 =	vor.u32 v17, v9;
	v8 =	vadd.s32 v1, v8  }
0x197: {  	v10 =	vor.u32 v18, v10;
	v12 =	vsub.f32 v12, v3;
	vm0 =	vlt.s32 v9, $0x100;
	[tilespmem:v5+s13+$0x0] =	vst.idx.add.f32.msk $0xffff, v2  }
0x198: {  	vm1 =	vlt.s32 v11, $0x100;
	vm2 =	vlt.s32 v10, $0x100;
	v5 =	vsub.f32 v14, v3;
	[tilespmem:v6+s13+$0x0] =	vst.idx.add.f32.msk $0xffff, v2  }
.Ltmp6:
0x199: {  	v6 =	vsub.f32 v13, v3;
	v12 =	vmul.f32 v12, v4;
	v13 =	vnsel vm0, $0x100, v9;
	[tilespmem:v7+s13+$0x0] =	vst.idx.add.f32.msk $0xffff, v2;
	(pc) =	sbr.rel @p0 .LBB2_14-.Ltmp6, $4  }
0x19a: {  	v15 =	vnsel vm1, $0x100, v11;
	v9 =	vsub.f32 v16, v3;
	v14 =	vmul.f32 v5, v4  }
0x19b: {  	v7 =	vnsel vm2, $0x100, v10;
	v6 =	vmul.f32 v6, v4;
	v5 =	vtrunc.f32 v12;
	[tilespmem:v8+s13+$0x0] =	vst.idx.add.f32.msk $0xffff, v2  }
0x19c: {  	v9 =	vmul.f32 v9, v4;
	v8 =	vcvt.f32.s32 v5;
	v5 =	vadd.s32 v1, v13  }
0x19d: {  	s23 =	sadd.s32 $0x40, s23;
	v11 =	vtrunc.f32 v14;
	v10 =	vtrunc.f32 v6;
	v6 =	vadd.s32 v1, v15  }
0x19e: {  	v9 =	vtrunc.f32 v9  }
0x19f: {  	v11 =	vcvt.f32.s32 v11;
	v12 =	vshra.s32 v8, $0x1F;
	v10 =	vcvt.f32.s32 v10  }
0x1a0: {  	v7 =	vadd.s32 v1, v7;
	v9 =	vcvt.f32.s32 v9;
	v8 =	vor.u32 v12, v8  }
0x1a1: {  	v58 =	vshra.s32 v11, $0x1F;
	vm0 =	vlt.s32 v8, $0x100;
	v14 =	vshra.s32 v10, $0x1F  }
0x1a2: {  	v13 =	vshra.s32 v9, $0x1F;
	v8 =	vnsel vm0, $0x100, v8;
	v11 =	vor.u32 v58, v11  }
0x1a3: {  	v10 =	vor.u32 v14, v10;
	v9 =	vor.u32 v13, v9;
	vm1 =	vlt.s32 v11, $0x100  }
0x1a4: {  	v8 =	vadd.s32 v1, v8;
	vm12 =	vlt.s32 v10, $0x100;
	v11 =	vnsel vm1, $0x100, v11  }
0x1a5: {  	[tilespmem:v5+s13+$0x0] =	vst.idx.add.f32.msk $0xffff, v2;
	vm11 =	vlt.s32 v9, $0x100;
	v5 =	vnsel vm12, $0x100, v10;
	v10 =	vadd.s32 v1, v11  }
0x1a6: {  	v9 =	vnsel vm11, $0x100, v9;
	v5 =	vadd.s32 v1, v5  }
0x1a7: {  	[tilespmem:v6+s13+$0x0] =	vst.idx.add.f32.msk $0xffff, v2;
	v9 =	vadd.s32 v1, v9  }
0x1a8: {  	[tilespmem:v7+s13+$0x0] =	vst.idx.add.f32.msk $0xffff, v2  }
0x1a9: {  	[tilespmem:v8+s13+$0x0] =	vst.idx.add.f32.msk $0xffff, v2  }
0x1aa: {  	[tilespmem:v10+s13+$0x0] =	vst.idx.add.f32.msk $0xffff, v2  }
0x1ab: {  	[tilespmem:v5+s13+$0x0] =	vst.idx.add.f32.msk $0xffff, v2  }
0x1ac: {  	[tilespmem:v9+s13+$0x0] =	vst.idx.add.f32.msk $0xffff, v2  }
0x1ad: {  	_ =	swait.ge [sflag:s16], $0x4000  }
0x1ae: {  	[sflag:s16] =	ssyncset.done $0x0  }
0x1af: {  	s22 =	rddreg [dreg:$0x12];
	[sflag:s16] =	ssyncadd.s32 $0xFFFFC000  }
0x1b0: {  	[hbm4b:s22+s1] =	stream.linear.scatter [tilespmem:s10], [sflag:$0x7], $0x4000, $0x38;
	[tilespmem:$0x11200] =	vst v63  }
0x1b1: {  	_ =	swait.ge [sflag:s17], $0x4000  }
0x1b2: {  	[sflag:s17] =	ssyncset.done $0x0  }
0x1b3: {  	s24 =	simm.s32 $0x8020;
	s23 =	rddreg [dreg:$0x13];
	[sflag:s17] =	ssyncadd.s32 $0xFFFFC000  }
0x1b4: {  	[tilespmem:s9], [sflag:$0x2] =	stream.linear.gather [hbm4b:s23+s1], $0x4000, $0x38;
	[tilespmem:$0x11200] =	vst v63  }
0x1b5: {  	v5 =	vld [tilespmem:s24+$0x10]  }
0x1b6: {  	v6 =	vld [tilespmem:s24+$0xFFFFFFF0]  }
0x1b7: {  	v7 =	vld [tilespmem:s24+$0x0]  }
0x1b8: {  	v8 =	vld [tilespmem:s24+$0xFFFFFFE0];
	_ =	sdelay $0x2  }
0x1b9: {  	v5 =	vsub.f32 v5, v3  }
0x1ba: {  	v6 =	vsub.f32 v6, v3;
	v7 =	vsub.f32 v7, v3  }
0x1bb: {  	v8 =	vsub.f32 v8, v3;
	v5 =	vmul.f32 v5, v4  }
0x1bc: {  	v6 =	vmul.f32 v6, v4;
	v7 =	vmul.f32 v7, v4  }
0x1bd: {  	v8 =	vmul.f32 v8, v4;
	v5 =	vtrunc.f32 v5  }
0x1be: {  	v6 =	vtrunc.f32 v6;
	v7 =	vtrunc.f32 v7  }
0x1bf: {  	s25 =	simm.s32 $0x8060;
	v8 =	vtrunc.f32 v8;
	v5 =	vcvt.f32.s32 v5  }
0x1c0: {  	v9 =	vld [tilespmem:s25+$0x10];
	v6 =	vcvt.f32.s32 v6;
	v8 =	vcvt.f32.s32 v8  }
0x1c1: {  	v11 =	vld [tilespmem:s25+$0xFFFFFFF0];
	v7 =	vcvt.f32.s32 v7;
	v10 =	vshra.s32 v5, $0x1F  }
0x1c2: {  	v59 =	vshra.s32 v6, $0x1F;
	v61 =	vshra.s32 v8, $0x1F;
	v5 =	vor.u32 v10, v5;
	v10 =	vld [tilespmem:s25+$0x0]  }
0x1c3: {  	v60 =	vld [tilespmem:s25+$0xFFFFFFE0];
	v15 =	vshra.s32 v7, $0x1F;
	v8 =	vor.u32 v61, v8;
	vm13 =	vlt.s32 v5, $0x100  }
0x1c4: {  	v6 =	vor.u32 v59, v6;
	v7 =	vor.u32 v15, v7;
	v5 =	vnsel vm13, $0x100, v5  }
0x1c5: {  	vm14 =	vlt.s32 v8, $0x100;
	v62 =	vadd.s32 v1, v5;
	v5 =	vsub.f32 v9, v3  }
0x1c6: {  	vm15 =	vlt.s32 v6, $0x100;
	vm2 =	vlt.s32 v7, $0x100;
	v9 =	vsub.f32 v11, v3  }
0x1c7: {  	v6 =	vnsel vm15, $0x100, v6;
	v10 =	vsub.f32 v10, v3;
	v5 =	vmul.f32 v5, v4  }
0x1c8: {  	v11 =	vnsel vm14, $0x100, v8;
	v8 =	vsub.f32 v60, v3;
	v63 =	vmul.f32 v9, v4  }
0x1c9: {  	v7 =	vnsel vm2, $0x100, v7;
	v10 =	vmul.f32 v10, v4;
	v5 =	vtrunc.f32 v5  }
0x1ca: {  	v6 =	vadd.s32 v1, v6;
	v9 =	vmul.f32 v8, v4;
	v8 =	vcvt.f32.s32 v5  }
0x1cb: {  	s22 =	simm.s32 $0x40;
	s23 =	simm.s32 $0x80A0;
	v5 =	vadd.s32 v1, v11;
	[tilespmem:v62+s13+$0x0] =	vst.idx.add.f32.msk $0xffff, v2;
	v11 =	vtrunc.f32 v63;
	v10 =	vtrunc.f32 v10  }
.LBB2_16:
0x1cc: {  	v12 =	vld [tilespmem:s23+$0x10];
	s22 =	sadd.s32 $0x40, s22;
	v9 =	vtrunc.f32 v9;
	v11 =	vcvt.f32.s32 v11;
	v13 =	vshra.s32 v8, $0x1F  }
0x1cd: {  	v10 =	vcvt.f32.s32 v10;
	v14 =	vld [tilespmem:s23+$0xFFFFFFF0];
	p0 =	slt.u32 s22, $0x3FC0;
	v9 =	vcvt.f32.s32 v9;
	v8 =	vor.u32 v13, v8  }
0x1ce: {  	v7 =	vadd.s32 v1, v7;
	v13 =	vld [tilespmem:s23+$0x0];
	v15 =	vshra.s32 v11, $0x1F;
	vm0 =	vlt.s32 v8, $0x100  }
0x1cf: {  	v18 =	vshra.s32 v10, $0x1F;
	v16 =	vld [tilespmem:s23+$0xFFFFFFE0];
	v17 =	vshra.s32 v9, $0x1F;
	v8 =	vnsel vm0, $0x100, v8  }
0x1d0: {  	v11 =	vor.u32 v15, v11;
	v9 =	vor.u32 v17, v9;
	v8 =	vadd.s32 v1, v8  }
0x1d1: {  	v10 =	vor.u32 v18, v10;
	v12 =	vsub.f32 v12, v3;
	vm0 =	vlt.s32 v9, $0x100;
	[tilespmem:v5+s13+$0x0] =	vst.idx.add.f32.msk $0xffff, v2  }
0x1d2: {  	vm1 =	vlt.s32 v11, $0x100;
	vm2 =	vlt.s32 v10, $0x100;
	v5 =	vsub.f32 v14, v3;
	[tilespmem:v6+s13+$0x0] =	vst.idx.add.f32.msk $0xffff, v2  }
.Ltmp7:
0x1d3: {  	v6 =	vsub.f32 v13, v3;
	v12 =	vmul.f32 v12, v4;
	v13 =	vnsel vm0, $0x100, v9;
	[tilespmem:v7+s13+$0x0] =	vst.idx.add.f32.msk $0xffff, v2;
	(pc) =	sbr.rel @p0 .LBB2_16-.Ltmp7, $4  }
0x1d4: {  	v15 =	vnsel vm1, $0x100, v11;
	v9 =	vsub.f32 v16, v3;
	v14 =	vmul.f32 v5, v4  }
0x1d5: {  	v7 =	vnsel vm2, $0x100, v10;
	v6 =	vmul.f32 v6, v4;
	v5 =	vtrunc.f32 v12;
	[tilespmem:v8+s13+$0x0] =	vst.idx.add.f32.msk $0xffff, v2  }
0x1d6: {  	v9 =	vmul.f32 v9, v4;
	v8 =	vcvt.f32.s32 v5;
	v5 =	vadd.s32 v1, v13  }
0x1d7: {  	s23 =	sadd.s32 $0x40, s23;
	v11 =	vtrunc.f32 v14;
	v10 =	vtrunc.f32 v6;
	v6 =	vadd.s32 v1, v15  }
0x1d8: {  	v9 =	vtrunc.f32 v9  }
0x1d9: {  	v11 =	vcvt.f32.s32 v11;
	v12 =	vshra.s32 v8, $0x1F;
	v10 =	vcvt.f32.s32 v10  }
0x1da: {  	v7 =	vadd.s32 v1, v7;
	v9 =	vcvt.f32.s32 v9;
	v8 =	vor.u32 v12, v8  }
0x1db: {  	v58 =	vshra.s32 v11, $0x1F;
	vm0 =	vlt.s32 v8, $0x100;
	v14 =	vshra.s32 v10, $0x1F  }
0x1dc: {  	v13 =	vshra.s32 v9, $0x1F;
	v8 =	vnsel vm0, $0x100, v8;
	v11 =	vor.u32 v58, v11  }
0x1dd: {  	v10 =	vor.u32 v14, v10;
	v9 =	vor.u32 v13, v9;
	vm1 =	vlt.s32 v11, $0x100  }
0x1de: {  	v8 =	vadd.s32 v1, v8;
	vm12 =	vlt.s32 v10, $0x100;
	v11 =	vnsel vm1, $0x100, v11  }
0x1df: {  	[tilespmem:v5+s13+$0x0] =	vst.idx.add.f32.msk $0xffff, v2;
	vm11 =	vlt.s32 v9, $0x100;
	v5 =	vnsel vm12, $0x100, v10;
	v10 =	vadd.s32 v1, v11  }
0x1e0: {  	v9 =	vnsel vm11, $0x100, v9;
	v5 =	vadd.s32 v1, v5  }
0x1e1: {  	[tilespmem:v6+s13+$0x0] =	vst.idx.add.f32.msk $0xffff, v2;
	v9 =	vadd.s32 v1, v9  }
0x1e2: {  	[tilespmem:v7+s13+$0x0] =	vst.idx.add.f32.msk $0xffff, v2  }
0x1e3: {  	[tilespmem:v8+s13+$0x0] =	vst.idx.add.f32.msk $0xffff, v2  }
0x1e4: {  	[tilespmem:v10+s13+$0x0] =	vst.idx.add.f32.msk $0xffff, v2  }
0x1e5: {  	[tilespmem:v5+s13+$0x0] =	vst.idx.add.f32.msk $0xffff, v2  }
0x1e6: {  	[tilespmem:v9+s13+$0x0] =	vst.idx.add.f32.msk $0xffff, v2  }
0x1e7: {  	_ =	swait.ge [sflag:s18], $0x4000  }
0x1e8: {  	[sflag:s18] =	ssyncset.done $0x0  }
0x1e9: {  	s22 =	rddreg [dreg:$0x14];
	[sflag:s18] =	ssyncadd.s32 $0xFFFFC000  }
0x1ea: {  	[hbm4b:s22+s1] =	stream.linear.scatter [tilespmem:s12], [sflag:$0x8], $0x4000, $0x38;
	[tilespmem:$0x11200] =	vst v63  }
0x1eb: {  	_ =	swait.ge [sflag:s19], $0x4000  }
0x1ec: {  	[sflag:s19] =	ssyncset.done $0x0  }
0x1ed: {  	s24 =	simm.s32 $0xC020;
	s23 =	rddreg [dreg:$0x17];
	[sflag:s19] =	ssyncadd.s32 $0xFFFFC000  }
0x1ee: {  	[tilespmem:s10], [sflag:$0x3] =	stream.linear.gather [hbm4b:s23+s1], $0x4000, $0x38;
	[tilespmem:$0x11200] =	vst v63  }
0x1ef: {  	v5 =	vld [tilespmem:s24+$0x10]  }
0x1f0: {  	v6 =	vld [tilespmem:s24+$0xFFFFFFF0]  }
0x1f1: {  	v7 =	vld [tilespmem:s24+$0x0]  }
0x1f2: {  	v8 =	vld [tilespmem:s24+$0xFFFFFFE0];
	_ =	sdelay $0x2  }
0x1f3: {  	v5 =	vsub.f32 v5, v3  }
0x1f4: {  	v6 =	vsub.f32 v6, v3;
	v7 =	vsub.f32 v7, v3  }
0x1f5: {  	v8 =	vsub.f32 v8, v3;
	v5 =	vmul.f32 v5, v4  }
0x1f6: {  	v6 =	vmul.f32 v6, v4;
	v7 =	vmul.f32 v7, v4  }
0x1f7: {  	v8 =	vmul.f32 v8, v4;
	v5 =	vtrunc.f32 v5  }
0x1f8: {  	v6 =	vtrunc.f32 v6;
	v7 =	vtrunc.f32 v7  }
0x1f9: {  	s25 =	simm.s32 $0xC060;
	v8 =	vtrunc.f32 v8;
	v5 =	vcvt.f32.s32 v5  }
0x1fa: {  	v9 =	vld [tilespmem:s25+$0x10];
	v6 =	vcvt.f32.s32 v6;
	v8 =	vcvt.f32.s32 v8  }
0x1fb: {  	v11 =	vld [tilespmem:s25+$0xFFFFFFF0];
	v7 =	vcvt.f32.s32 v7;
	v10 =	vshra.s32 v5, $0x1F  }
0x1fc: {  	v59 =	vshra.s32 v6, $0x1F;
	v61 =	vshra.s32 v8, $0x1F;
	v5 =	vor.u32 v10, v5;
	v10 =	vld [tilespmem:s25+$0x0]  }
0x1fd: {  	v60 =	vld [tilespmem:s25+$0xFFFFFFE0];
	v15 =	vshra.s32 v7, $0x1F;
	v8 =	vor.u32 v61, v8;
	vm13 =	vlt.s32 v5, $0x100  }
0x1fe: {  	v6 =	vor.u32 v59, v6;
	v7 =	vor.u32 v15, v7;
	v5 =	vnsel vm13, $0x100, v5  }
0x1ff: {  	vm14 =	vlt.s32 v8, $0x100;
	v62 =	vadd.s32 v1, v5;
	v5 =	vsub.f32 v9, v3  }
0x200: {  	vm15 =	vlt.s32 v6, $0x100;
	vm2 =	vlt.s32 v7, $0x100;
	v9 =	vsub.f32 v11, v3  }
0x201: {  	v6 =	vnsel vm15, $0x100, v6;
	v10 =	vsub.f32 v10, v3;
	v5 =	vmul.f32 v5, v4  }
0x202: {  	v11 =	vnsel vm14, $0x100, v8;
	v8 =	vsub.f32 v60, v3;
	v63 =	vmul.f32 v9, v4  }
0x203: {  	v7 =	vnsel vm2, $0x100, v7;
	v10 =	vmul.f32 v10, v4;
	v5 =	vtrunc.f32 v5  }
0x204: {  	v6 =	vadd.s32 v1, v6;
	v9 =	vmul.f32 v8, v4;
	v8 =	vcvt.f32.s32 v5  }
0x205: {  	s22 =	simm.s32 $0x40;
	s23 =	simm.s32 $0xC0A0;
	v5 =	vadd.s32 v1, v11;
	[tilespmem:v62+s13+$0x0] =	vst.idx.add.f32.msk $0xffff, v2;
	v11 =	vtrunc.f32 v63;
	v10 =	vtrunc.f32 v10  }
.LBB2_18:
0x206: {  	v12 =	vld [tilespmem:s23+$0x10];
	s22 =	sadd.s32 $0x40, s22;
	v9 =	vtrunc.f32 v9;
	v11 =	vcvt.f32.s32 v11;
	v13 =	vshra.s32 v8, $0x1F  }
0x207: {  	v10 =	vcvt.f32.s32 v10;
	v14 =	vld [tilespmem:s23+$0xFFFFFFF0];
	p0 =	slt.u32 s22, $0x3FC0;
	v9 =	vcvt.f32.s32 v9;
	v8 =	vor.u32 v13, v8  }
0x208: {  	v7 =	vadd.s32 v1, v7;
	v13 =	vld [tilespmem:s23+$0x0];
	v15 =	vshra.s32 v11, $0x1F;
	vm0 =	vlt.s32 v8, $0x100  }
0x209: {  	v18 =	vshra.s32 v10, $0x1F;
	v16 =	vld [tilespmem:s23+$0xFFFFFFE0];
	v17 =	vshra.s32 v9, $0x1F;
	v8 =	vnsel vm0, $0x100, v8  }
0x20a: {  	v11 =	vor.u32 v15, v11;
	v9 =	vor.u32 v17, v9;
	v8 =	vadd.s32 v1, v8  }
0x20b: {  	v10 =	vor.u32 v18, v10;
	v12 =	vsub.f32 v12, v3;
	vm0 =	vlt.s32 v9, $0x100;
	[tilespmem:v5+s13+$0x0] =	vst.idx.add.f32.msk $0xffff, v2  }
0x20c: {  	vm1 =	vlt.s32 v11, $0x100;
	vm2 =	vlt.s32 v10, $0x100;
	v5 =	vsub.f32 v14, v3;
	[tilespmem:v6+s13+$0x0] =	vst.idx.add.f32.msk $0xffff, v2  }
.Ltmp8:
0x20d: {  	v6 =	vsub.f32 v13, v3;
	v12 =	vmul.f32 v12, v4;
	v13 =	vnsel vm0, $0x100, v9;
	[tilespmem:v7+s13+$0x0] =	vst.idx.add.f32.msk $0xffff, v2;
	(pc) =	sbr.rel @p0 .LBB2_18-.Ltmp8, $4  }
0x20e: {  	v15 =	vnsel vm1, $0x100, v11;
	v9 =	vsub.f32 v16, v3;
	v14 =	vmul.f32 v5, v4  }
0x20f: {  	v7 =	vnsel vm2, $0x100, v10;
	v6 =	vmul.f32 v6, v4;
	v5 =	vtrunc.f32 v12;
	[tilespmem:v8+s13+$0x0] =	vst.idx.add.f32.msk $0xffff, v2  }
0x210: {  	v9 =	vmul.f32 v9, v4;
	v8 =	vcvt.f32.s32 v5;
	v5 =	vadd.s32 v1, v13  }
0x211: {  	s23 =	sadd.s32 $0x40, s23;
	v11 =	vtrunc.f32 v14;
	v10 =	vtrunc.f32 v6;
	v6 =	vadd.s32 v1, v15  }
0x212: {  	v9 =	vtrunc.f32 v9  }
0x213: {  	v11 =	vcvt.f32.s32 v11;
	v12 =	vshra.s32 v8, $0x1F;
	v10 =	vcvt.f32.s32 v10  }
0x214: {  	v7 =	vadd.s32 v1, v7;
	v9 =	vcvt.f32.s32 v9;
	v8 =	vor.u32 v12, v8  }
0x215: {  	v58 =	vshra.s32 v11, $0x1F;
	vm0 =	vlt.s32 v8, $0x100;
	v14 =	vshra.s32 v10, $0x1F  }
0x216: {  	v13 =	vshra.s32 v9, $0x1F;
	v8 =	vnsel vm0, $0x100, v8;
	v11 =	vor.u32 v58, v11  }
0x217: {  	v10 =	vor.u32 v14, v10;
	v9 =	vor.u32 v13, v9;
	vm1 =	vlt.s32 v11, $0x100  }
0x218: {  	v8 =	vadd.s32 v1, v8;
	vm12 =	vlt.s32 v10, $0x100;
	v11 =	vnsel vm1, $0x100, v11  }
0x219: {  	[tilespmem:v5+s13+$0x0] =	vst.idx.add.f32.msk $0xffff, v2;
	vm11 =	vlt.s32 v9, $0x100;
	v5 =	vnsel vm12, $0x100, v10;
	v10 =	vadd.s32 v1, v11  }
0x21a: {  	v9 =	vnsel vm11, $0x100, v9;
	v5 =	vadd.s32 v1, v5  }
0x21b: {  	[tilespmem:v6+s13+$0x0] =	vst.idx.add.f32.msk $0xffff, v2;
	v9 =	vadd.s32 v1, v9  }
0x21c: {  	[tilespmem:v7+s13+$0x0] =	vst.idx.add.f32.msk $0xffff, v2  }
0x21d: {  	[tilespmem:v8+s13+$0x0] =	vst.idx.add.f32.msk $0xffff, v2  }
0x21e: {  	[tilespmem:v10+s13+$0x0] =	vst.idx.add.f32.msk $0xffff, v2  }
0x21f: {  	[tilespmem:v5+s13+$0x0] =	vst.idx.add.f32.msk $0xffff, v2  }
0x220: {  	[tilespmem:v9+s13+$0x0] =	vst.idx.add.f32.msk $0xffff, v2  }
0x221: {  	_ =	swait.ge [sflag:s11], $0x4000  }
0x222: {  	[sflag:s11] =	ssyncset.done $0x0  }
0x223: {  	s22 =	rddreg [dreg:$0x15];
	[sflag:s11] =	ssyncadd.s32 $0xFFFFC000  }
0x224: {  	[hbm4b:s22+s1] =	stream.linear.scatter [tilespmem:s1], [sflag:$0x5], $0x4000, $0x38;
	[tilespmem:$0x11200] =	vst v63  }
0x225: {  	_ =	swait.ge [sflag:s20], $0x4000  }
0x226: {  	[sflag:s20] =	ssyncset.done $0x0  }
0x227: {  	s24 =	simm.s32 $0x20;
	s23 =	rddreg [dreg:$0x19];
	[sflag:s20] =	ssyncadd.s32 $0xFFFFC000  }
0x228: {  	[tilespmem:s12], [sflag:$0x4] =	stream.linear.gather [hbm4b:s23+s1], $0x4000, $0x38;
	[tilespmem:$0x11200] =	vst v63  }
0x229: {  	v5 =	vld [tilespmem:s24+$0x10]  }
0x22a: {  	v6 =	vld [tilespmem:s24+$0xFFFFFFF0]  }
0x22b: {  	v7 =	vld [tilespmem:s24+$0x0]  }
0x22c: {  	v8 =	vld [tilespmem:s24+$0xFFFFFFE0];
	_ =	sdelay $0x2  }
0x22d: {  	v5 =	vsub.f32 v5, v3  }
0x22e: {  	v6 =	vsub.f32 v6, v3;
	v7 =	vsub.f32 v7, v3  }
0x22f: {  	v8 =	vsub.f32 v8, v3;
	v5 =	vmul.f32 v5, v4  }
0x230: {  	v6 =	vmul.f32 v6, v4;
	v7 =	vmul.f32 v7, v4  }
0x231: {  	v8 =	vmul.f32 v8, v4;
	v5 =	vtrunc.f32 v5  }
0x232: {  	v6 =	vtrunc.f32 v6;
	v7 =	vtrunc.f32 v7  }
0x233: {  	s25 =	simm.s32 $0x60;
	v8 =	vtrunc.f32 v8;
	v5 =	vcvt.f32.s32 v5  }
0x234: {  	v9 =	vld [tilespmem:s25+$0x10];
	v6 =	vcvt.f32.s32 v6;
	v8 =	vcvt.f32.s32 v8  }
0x235: {  	v11 =	vld [tilespmem:s25+$0xFFFFFFF0];
	v7 =	vcvt.f32.s32 v7;
	v10 =	vshra.s32 v5, $0x1F  }
0x236: {  	v59 =	vshra.s32 v6, $0x1F;
	v61 =	vshra.s32 v8, $0x1F;
	v5 =	vor.u32 v10, v5;
	v10 =	vld [tilespmem:s25+$0x0]  }
0x237: {  	v60 =	vld [tilespmem:s25+$0xFFFFFFE0];
	v15 =	vshra.s32 v7, $0x1F;
	v8 =	vor.u32 v61, v8;
	vm13 =	vlt.s32 v5, $0x100  }
0x238: {  	v6 =	vor.u32 v59, v6;
	v7 =	vor.u32 v15, v7;
	v5 =	vnsel vm13, $0x100, v5  }
0x239: {  	vm14 =	vlt.s32 v8, $0x100;
	v62 =	vadd.s32 v1, v5;
	v5 =	vsub.f32 v9, v3  }
0x23a: {  	vm15 =	vlt.s32 v6, $0x100;
	vm2 =	vlt.s32 v7, $0x100;
	v9 =	vsub.f32 v11, v3  }
0x23b: {  	v6 =	vnsel vm15, $0x100, v6;
	v10 =	vsub.f32 v10, v3;
	v5 =	vmul.f32 v5, v4  }
0x23c: {  	v11 =	vnsel vm14, $0x100, v8;
	v8 =	vsub.f32 v60, v3;
	v63 =	vmul.f32 v9, v4  }
0x23d: {  	v7 =	vnsel vm2, $0x100, v7;
	v10 =	vmul.f32 v10, v4;
	v5 =	vtrunc.f32 v5  }
0x23e: {  	v6 =	vadd.s32 v1, v6;
	v9 =	vmul.f32 v8, v4;
	v8 =	vcvt.f32.s32 v5  }
0x23f: {  	s22 =	simm.s32 $0x40;
	s23 =	simm.s32 $0xA0;
	v5 =	vadd.s32 v1, v11;
	[tilespmem:v62+s13+$0x0] =	vst.idx.add.f32.msk $0xffff, v2;
	v11 =	vtrunc.f32 v63;
	v10 =	vtrunc.f32 v10  }
.LBB2_20:
0x240: {  	v12 =	vld [tilespmem:s23+$0x10];
	s22 =	sadd.s32 $0x40, s22;
	v9 =	vtrunc.f32 v9;
	v11 =	vcvt.f32.s32 v11;
	v13 =	vshra.s32 v8, $0x1F  }
0x241: {  	v10 =	vcvt.f32.s32 v10;
	v14 =	vld [tilespmem:s23+$0xFFFFFFF0];
	p0 =	slt.u32 s22, $0x3FC0;
	v9 =	vcvt.f32.s32 v9;
	v8 =	vor.u32 v13, v8  }
0x242: {  	v7 =	vadd.s32 v1, v7;
	v13 =	vld [tilespmem:s23+$0x0];
	v15 =	vshra.s32 v11, $0x1F;
	vm0 =	vlt.s32 v8, $0x100  }
0x243: {  	v18 =	vshra.s32 v10, $0x1F;
	v16 =	vld [tilespmem:s23+$0xFFFFFFE0];
	v17 =	vshra.s32 v9, $0x1F;
	v8 =	vnsel vm0, $0x100, v8  }
0x244: {  	v11 =	vor.u32 v15, v11;
	v9 =	vor.u32 v17, v9;
	v8 =	vadd.s32 v1, v8  }
0x245: {  	v10 =	vor.u32 v18, v10;
	v12 =	vsub.f32 v12, v3;
	vm0 =	vlt.s32 v9, $0x100;
	[tilespmem:v5+s13+$0x0] =	vst.idx.add.f32.msk $0xffff, v2  }
0x246: {  	vm1 =	vlt.s32 v11, $0x100;
	vm2 =	vlt.s32 v10, $0x100;
	v5 =	vsub.f32 v14, v3;
	[tilespmem:v6+s13+$0x0] =	vst.idx.add.f32.msk $0xffff, v2  }
.Ltmp9:
0x247: {  	v6 =	vsub.f32 v13, v3;
	v12 =	vmul.f32 v12, v4;
	v13 =	vnsel vm0, $0x100, v9;
	[tilespmem:v7+s13+$0x0] =	vst.idx.add.f32.msk $0xffff, v2;
	(pc) =	sbr.rel @p0 .LBB2_20-.Ltmp9, $4  }
0x248: {  	v15 =	vnsel vm1, $0x100, v11;
	v9 =	vsub.f32 v16, v3;
	v14 =	vmul.f32 v5, v4  }
0x249: {  	v7 =	vnsel vm2, $0x100, v10;
	v6 =	vmul.f32 v6, v4;
	v5 =	vtrunc.f32 v12;
	[tilespmem:v8+s13+$0x0] =	vst.idx.add.f32.msk $0xffff, v2  }
0x24a: {  	v9 =	vmul.f32 v9, v4;
	v8 =	vcvt.f32.s32 v5;
	v5 =	vadd.s32 v1, v13  }
0x24b: {  	s23 =	sadd.s32 $0x40, s23;
	v11 =	vtrunc.f32 v14;
	v10 =	vtrunc.f32 v6;
	v6 =	vadd.s32 v1, v15  }
0x24c: {  	v9 =	vtrunc.f32 v9  }
0x24d: {  	v11 =	vcvt.f32.s32 v11;
	v12 =	vshra.s32 v8, $0x1F;
	v10 =	vcvt.f32.s32 v10  }
0x24e: {  	v7 =	vadd.s32 v1, v7;
	v9 =	vcvt.f32.s32 v9;
	v8 =	vor.u32 v12, v8  }
0x24f: {  	v58 =	vshra.s32 v11, $0x1F;
	vm0 =	vlt.s32 v8, $0x100;
	v14 =	vshra.s32 v10, $0x1F  }
0x250: {  	v13 =	vshra.s32 v9, $0x1F;
	v8 =	vnsel vm0, $0x100, v8;
	v11 =	vor.u32 v58, v11  }
0x251: {  	v10 =	vor.u32 v14, v10;
	v9 =	vor.u32 v13, v9;
	vm1 =	vlt.s32 v11, $0x100  }
0x252: {  	v8 =	vadd.s32 v1, v8;
	vm12 =	vlt.s32 v10, $0x100;
	v11 =	vnsel vm1, $0x100, v11  }
0x253: {  	[tilespmem:v5+s13+$0x0] =	vst.idx.add.f32.msk $0xffff, v2;
	vm11 =	vlt.s32 v9, $0x100;
	v5 =	vnsel vm12, $0x100, v10;
	v10 =	vadd.s32 v1, v11  }
0x254: {  	v9 =	vnsel vm11, $0x100, v9;
	v5 =	vadd.s32 v1, v5  }
0x255: {  	[tilespmem:v6+s13+$0x0] =	vst.idx.add.f32.msk $0xffff, v2;
	v9 =	vadd.s32 v1, v9  }
0x256: {  	[tilespmem:v7+s13+$0x0] =	vst.idx.add.f32.msk $0xffff, v2  }
0x257: {  	[tilespmem:v8+s13+$0x0] =	vst.idx.add.f32.msk $0xffff, v2  }
0x258: {  	[tilespmem:v10+s13+$0x0] =	vst.idx.add.f32.msk $0xffff, v2  }
0x259: {  	[tilespmem:v5+s13+$0x0] =	vst.idx.add.f32.msk $0xffff, v2  }
0x25a: {  	[tilespmem:v9+s13+$0x0] =	vst.idx.add.f32.msk $0xffff, v2  }
0x25b: {  	_ =	swait.ge [sflag:s14], $0x4000  }
0x25c: {  	[sflag:s14] =	ssyncset.done $0x0  }
0x25d: {  	s22 =	rddreg [dreg:$0x16];
	[sflag:s14] =	ssyncadd.s32 $0xFFFFC000  }
0x25e: {  	[hbm4b:s22+s1] =	stream.linear.scatter [tilespmem:s9], [sflag:$0x6], $0x4000, $0x38;
	[tilespmem:$0x11200] =	vst v63  }
0x25f: {  	_ =	swait.ge [sflag:s15], $0x4000  }
0x260: {  	[sflag:s15] =	ssyncset.done $0x0  }
0x261: {  	s24 =	simm.s32 $0x4020;
	s23 =	rddreg [dreg:$0x1b];
	[sflag:s15] =	ssyncadd.s32 $0xFFFFC000  }
0x262: {  	[tilespmem:s1], [sflag:$0x1] =	stream.linear.gather [hbm4b:s23+s1], $0x4000, $0x38;
	[tilespmem:$0x11200] =	vst v63  }
0x263: {  	v5 =	vld [tilespmem:s24+$0x10]  }
0x264: {  	v6 =	vld [tilespmem:s24+$0xFFFFFFF0]  }
0x265: {  	v7 =	vld [tilespmem:s24+$0x0]  }
0x266: {  	v8 =	vld [tilespmem:s24+$0xFFFFFFE0];
	_ =	sdelay $0x2  }
0x267: {  	v5 =	vsub.f32 v5, v3  }
0x268: {  	v6 =	vsub.f32 v6, v3;
	v7 =	vsub.f32 v7, v3  }
0x269: {  	v8 =	vsub.f32 v8, v3;
	v5 =	vmul.f32 v5, v4  }
0x26a: {  	v6 =	vmul.f32 v6, v4;
	v7 =	vmul.f32 v7, v4  }
0x26b: {  	v8 =	vmul.f32 v8, v4;
	v5 =	vtrunc.f32 v5  }
0x26c: {  	v6 =	vtrunc.f32 v6;
	v7 =	vtrunc.f32 v7  }
0x26d: {  	s25 =	simm.s32 $0x4060;
	v8 =	vtrunc.f32 v8;
	v5 =	vcvt.f32.s32 v5  }
0x26e: {  	v9 =	vld [tilespmem:s25+$0x10];
	v6 =	vcvt.f32.s32 v6;
	v8 =	vcvt.f32.s32 v8  }
0x26f: {  	v11 =	vld [tilespmem:s25+$0xFFFFFFF0];
	v7 =	vcvt.f32.s32 v7;
	v10 =	vshra.s32 v5, $0x1F  }
0x270: {  	v59 =	vshra.s32 v6, $0x1F;
	v61 =	vshra.s32 v8, $0x1F;
	v5 =	vor.u32 v10, v5;
	v10 =	vld [tilespmem:s25+$0x0]  }
0x271: {  	v60 =	vld [tilespmem:s25+$0xFFFFFFE0];
	v15 =	vshra.s32 v7, $0x1F;
	v8 =	vor.u32 v61, v8;
	vm13 =	vlt.s32 v5, $0x100  }
0x272: {  	v6 =	vor.u32 v59, v6;
	v7 =	vor.u32 v15, v7;
	v5 =	vnsel vm13, $0x100, v5  }
0x273: {  	vm14 =	vlt.s32 v8, $0x100;
	v62 =	vadd.s32 v1, v5;
	v5 =	vsub.f32 v9, v3  }
0x274: {  	vm15 =	vlt.s32 v6, $0x100;
	vm2 =	vlt.s32 v7, $0x100;
	v9 =	vsub.f32 v11, v3  }
0x275: {  	v6 =	vnsel vm15, $0x100, v6;
	v10 =	vsub.f32 v10, v3;
	v5 =	vmul.f32 v5, v4  }
0x276: {  	v11 =	vnsel vm14, $0x100, v8;
	v8 =	vsub.f32 v60, v3;
	v63 =	vmul.f32 v9, v4  }
0x277: {  	v7 =	vnsel vm2, $0x100, v7;
	v10 =	vmul.f32 v10, v4;
	v5 =	vtrunc.f32 v5  }
0x278: {  	v6 =	vadd.s32 v1, v6;
	v9 =	vmul.f32 v8, v4;
	v8 =	vcvt.f32.s32 v5  }
0x279: {  	s22 =	simm.s32 $0x40;
	s23 =	simm.s32 $0x40A0;
	v5 =	vadd.s32 v1, v11;
	[tilespmem:v62+s13+$0x0] =	vst.idx.add.f32.msk $0xffff, v2;
	v11 =	vtrunc.f32 v63;
	v10 =	vtrunc.f32 v10  }
.LBB2_22:
0x27a: {  	v12 =	vld [tilespmem:s23+$0x10];
	s22 =	sadd.s32 $0x40, s22;
	v9 =	vtrunc.f32 v9;
	v11 =	vcvt.f32.s32 v11;
	v13 =	vshra.s32 v8, $0x1F  }
0x27b: {  	v10 =	vcvt.f32.s32 v10;
	v14 =	vld [tilespmem:s23+$0xFFFFFFF0];
	p0 =	slt.u32 s22, $0x3FC0;
	v9 =	vcvt.f32.s32 v9;
	v8 =	vor.u32 v13, v8  }
0x27c: {  	v7 =	vadd.s32 v1, v7;
	v13 =	vld [tilespmem:s23+$0x0];
	v15 =	vshra.s32 v11, $0x1F;
	vm0 =	vlt.s32 v8, $0x100  }
0x27d: {  	v18 =	vshra.s32 v10, $0x1F;
	v16 =	vld [tilespmem:s23+$0xFFFFFFE0];
	v17 =	vshra.s32 v9, $0x1F;
	v8 =	vnsel vm0, $0x100, v8  }
0x27e: {  	v11 =	vor.u32 v15, v11;
	v9 =	vor.u32 v17, v9;
	v8 =	vadd.s32 v1, v8  }
0x27f: {  	v10 =	vor.u32 v18, v10;
	v12 =	vsub.f32 v12, v3;
	vm0 =	vlt.s32 v9, $0x100;
	[tilespmem:v5+s13+$0x0] =	vst.idx.add.f32.msk $0xffff, v2  }
0x280: {  	vm1 =	vlt.s32 v11, $0x100;
	vm2 =	vlt.s32 v10, $0x100;
	v5 =	vsub.f32 v14, v3;
	[tilespmem:v6+s13+$0x0] =	vst.idx.add.f32.msk $0xffff, v2  }
.Ltmp10:
0x281: {  	v6 =	vsub.f32 v13, v3;
	v12 =	vmul.f32 v12, v4;
	v13 =	vnsel vm0, $0x100, v9;
	[tilespmem:v7+s13+$0x0] =	vst.idx.add.f32.msk $0xffff, v2;
	(pc) =	sbr.rel @p0 .LBB2_22-.Ltmp10, $4  }
0x282: {  	v15 =	vnsel vm1, $0x100, v11;
	v9 =	vsub.f32 v16, v3;
	v14 =	vmul.f32 v5, v4  }
0x283: {  	v7 =	vnsel vm2, $0x100, v10;
	v6 =	vmul.f32 v6, v4;
	v5 =	vtrunc.f32 v12;
	[tilespmem:v8+s13+$0x0] =	vst.idx.add.f32.msk $0xffff, v2  }
0x284: {  	v9 =	vmul.f32 v9, v4;
	v8 =	vcvt.f32.s32 v5;
	v5 =	vadd.s32 v1, v13  }
0x285: {  	s23 =	sadd.s32 $0x40, s23;
	v11 =	vtrunc.f32 v14;
	v10 =	vtrunc.f32 v6;
	v6 =	vadd.s32 v1, v15  }
0x286: {  	v9 =	vtrunc.f32 v9  }
0x287: {  	v11 =	vcvt.f32.s32 v11;
	v12 =	vshra.s32 v8, $0x1F;
	v10 =	vcvt.f32.s32 v10  }
0x288: {  	v7 =	vadd.s32 v1, v7;
	v9 =	vcvt.f32.s32 v9;
	v8 =	vor.u32 v12, v8  }
0x289: {  	v58 =	vshra.s32 v11, $0x1F;
	vm0 =	vlt.s32 v8, $0x100;
	v14 =	vshra.s32 v10, $0x1F  }
0x28a: {  	v13 =	vshra.s32 v9, $0x1F;
	v8 =	vnsel vm0, $0x100, v8;
	v11 =	vor.u32 v58, v11  }
0x28b: {  	v10 =	vor.u32 v14, v10;
	v9 =	vor.u32 v13, v9;
	vm1 =	vlt.s32 v11, $0x100  }
0x28c: {  	v8 =	vadd.s32 v1, v8;
	vm12 =	vlt.s32 v10, $0x100;
	v11 =	vnsel vm1, $0x100, v11  }
0x28d: {  	[tilespmem:v5+s13+$0x0] =	vst.idx.add.f32.msk $0xffff, v2;
	vm11 =	vlt.s32 v9, $0x100;
	v5 =	vnsel vm12, $0x100, v10;
	v10 =	vadd.s32 v1, v11  }
0x28e: {  	v9 =	vnsel vm11, $0x100, v9;
	v5 =	vadd.s32 v1, v5  }
0x28f: {  	[tilespmem:v6+s13+$0x0] =	vst.idx.add.f32.msk $0xffff, v2;
	v9 =	vadd.s32 v1, v9  }
0x290: {  	[tilespmem:v7+s13+$0x0] =	vst.idx.add.f32.msk $0xffff, v2  }
0x291: {  	[tilespmem:v8+s13+$0x0] =	vst.idx.add.f32.msk $0xffff, v2  }
0x292: {  	[tilespmem:v10+s13+$0x0] =	vst.idx.add.f32.msk $0xffff, v2  }
0x293: {  	[tilespmem:v5+s13+$0x0] =	vst.idx.add.f32.msk $0xffff, v2  }
0x294: {  	[tilespmem:v9+s13+$0x0] =	vst.idx.add.f32.msk $0xffff, v2  }
0x295: {  	_ =	swait.ge [sflag:s16], $0x4000  }
0x296: {  	[sflag:s16] =	ssyncset.done $0x0  }
0x297: {  	s22 =	rddreg [dreg:$0x18];
	[sflag:s16] =	ssyncadd.s32 $0xFFFFC000  }
0x298: {  	[hbm4b:s22+s1] =	stream.linear.scatter [tilespmem:s10], [sflag:$0x7], $0x4000, $0x38;
	[tilespmem:$0x11200] =	vst v63  }
0x299: {  	_ =	swait.ge [sflag:s17], $0x4000  }
0x29a: {  	[sflag:s17] =	ssyncset.done $0x0  }
0x29b: {  	s24 =	simm.s32 $0x8020;
	s23 =	rddreg [dreg:$0x1d];
	[sflag:s17] =	ssyncadd.s32 $0xFFFFC000  }
0x29c: {  	[tilespmem:s9], [sflag:$0x2] =	stream.linear.gather [hbm4b:s23+s1], $0x4000, $0x38;
	[tilespmem:$0x11200] =	vst v63  }
0x29d: {  	v5 =	vld [tilespmem:s24+$0x10]  }
0x29e: {  	v6 =	vld [tilespmem:s24+$0xFFFFFFF0]  }
0x29f: {  	v7 =	vld [tilespmem:s24+$0x0]  }
0x2a0: {  	v8 =	vld [tilespmem:s24+$0xFFFFFFE0];
	_ =	sdelay $0x2  }
0x2a1: {  	v5 =	vsub.f32 v5, v3  }
0x2a2: {  	v6 =	vsub.f32 v6, v3;
	v7 =	vsub.f32 v7, v3  }
0x2a3: {  	v8 =	vsub.f32 v8, v3;
	v5 =	vmul.f32 v5, v4  }
0x2a4: {  	v6 =	vmul.f32 v6, v4;
	v7 =	vmul.f32 v7, v4  }
0x2a5: {  	v8 =	vmul.f32 v8, v4;
	v5 =	vtrunc.f32 v5  }
0x2a6: {  	v6 =	vtrunc.f32 v6;
	v7 =	vtrunc.f32 v7  }
0x2a7: {  	s25 =	simm.s32 $0x8060;
	v8 =	vtrunc.f32 v8;
	v5 =	vcvt.f32.s32 v5  }
0x2a8: {  	v9 =	vld [tilespmem:s25+$0x10];
	v6 =	vcvt.f32.s32 v6;
	v8 =	vcvt.f32.s32 v8  }
0x2a9: {  	v11 =	vld [tilespmem:s25+$0xFFFFFFF0];
	v7 =	vcvt.f32.s32 v7;
	v10 =	vshra.s32 v5, $0x1F  }
0x2aa: {  	v59 =	vshra.s32 v6, $0x1F;
	v61 =	vshra.s32 v8, $0x1F;
	v5 =	vor.u32 v10, v5;
	v10 =	vld [tilespmem:s25+$0x0]  }
0x2ab: {  	v60 =	vld [tilespmem:s25+$0xFFFFFFE0];
	v15 =	vshra.s32 v7, $0x1F;
	v8 =	vor.u32 v61, v8;
	vm13 =	vlt.s32 v5, $0x100  }
0x2ac: {  	v6 =	vor.u32 v59, v6;
	v7 =	vor.u32 v15, v7;
	v5 =	vnsel vm13, $0x100, v5  }
0x2ad: {  	vm14 =	vlt.s32 v8, $0x100;
	v62 =	vadd.s32 v1, v5;
	v5 =	vsub.f32 v9, v3  }
0x2ae: {  	vm15 =	vlt.s32 v6, $0x100;
	vm2 =	vlt.s32 v7, $0x100;
	v9 =	vsub.f32 v11, v3  }
0x2af: {  	v6 =	vnsel vm15, $0x100, v6;
	v10 =	vsub.f32 v10, v3;
	v5 =	vmul.f32 v5, v4  }
0x2b0: {  	v11 =	vnsel vm14, $0x100, v8;
	v8 =	vsub.f32 v60, v3;
	v63 =	vmul.f32 v9, v4  }
0x2b1: {  	v7 =	vnsel vm2, $0x100, v7;
	v10 =	vmul.f32 v10, v4;
	v5 =	vtrunc.f32 v5  }
0x2b2: {  	v6 =	vadd.s32 v1, v6;
	v9 =	vmul.f32 v8, v4;
	v8 =	vcvt.f32.s32 v5  }
0x2b3: {  	s22 =	simm.s32 $0x40;
	s23 =	simm.s32 $0x80A0;
	v5 =	vadd.s32 v1, v11;
	[tilespmem:v62+s13+$0x0] =	vst.idx.add.f32.msk $0xffff, v2;
	v11 =	vtrunc.f32 v63;
	v10 =	vtrunc.f32 v10  }
.LBB2_24:
0x2b4: {  	v12 =	vld [tilespmem:s23+$0x10];
	s22 =	sadd.s32 $0x40, s22;
	v9 =	vtrunc.f32 v9;
	v11 =	vcvt.f32.s32 v11;
	v13 =	vshra.s32 v8, $0x1F  }
0x2b5: {  	v10 =	vcvt.f32.s32 v10;
	v14 =	vld [tilespmem:s23+$0xFFFFFFF0];
	p0 =	slt.u32 s22, $0x3FC0;
	v9 =	vcvt.f32.s32 v9;
	v8 =	vor.u32 v13, v8  }
0x2b6: {  	v7 =	vadd.s32 v1, v7;
	v13 =	vld [tilespmem:s23+$0x0];
	v15 =	vshra.s32 v11, $0x1F;
	vm0 =	vlt.s32 v8, $0x100  }
0x2b7: {  	v18 =	vshra.s32 v10, $0x1F;
	v16 =	vld [tilespmem:s23+$0xFFFFFFE0];
	v17 =	vshra.s32 v9, $0x1F;
	v8 =	vnsel vm0, $0x100, v8  }
0x2b8: {  	v11 =	vor.u32 v15, v11;
	v9 =	vor.u32 v17, v9;
	v8 =	vadd.s32 v1, v8  }
0x2b9: {  	v10 =	vor.u32 v18, v10;
	v12 =	vsub.f32 v12, v3;
	vm0 =	vlt.s32 v9, $0x100;
	[tilespmem:v5+s13+$0x0] =	vst.idx.add.f32.msk $0xffff, v2  }
0x2ba: {  	vm1 =	vlt.s32 v11, $0x100;
	vm2 =	vlt.s32 v10, $0x100;
	v5 =	vsub.f32 v14, v3;
	[tilespmem:v6+s13+$0x0] =	vst.idx.add.f32.msk $0xffff, v2  }
.Ltmp11:
0x2bb: {  	v6 =	vsub.f32 v13, v3;
	v12 =	vmul.f32 v12, v4;
	v13 =	vnsel vm0, $0x100, v9;
	[tilespmem:v7+s13+$0x0] =	vst.idx.add.f32.msk $0xffff, v2;
	(pc) =	sbr.rel @p0 .LBB2_24-.Ltmp11, $4  }
0x2bc: {  	v15 =	vnsel vm1, $0x100, v11;
	v9 =	vsub.f32 v16, v3;
	v14 =	vmul.f32 v5, v4  }
0x2bd: {  	v7 =	vnsel vm2, $0x100, v10;
	v6 =	vmul.f32 v6, v4;
	v5 =	vtrunc.f32 v12;
	[tilespmem:v8+s13+$0x0] =	vst.idx.add.f32.msk $0xffff, v2  }
0x2be: {  	v9 =	vmul.f32 v9, v4;
	v8 =	vcvt.f32.s32 v5;
	v5 =	vadd.s32 v1, v13  }
0x2bf: {  	s23 =	sadd.s32 $0x40, s23;
	v11 =	vtrunc.f32 v14;
	v10 =	vtrunc.f32 v6;
	v6 =	vadd.s32 v1, v15  }
0x2c0: {  	v9 =	vtrunc.f32 v9  }
0x2c1: {  	v11 =	vcvt.f32.s32 v11;
	v12 =	vshra.s32 v8, $0x1F;
	v10 =	vcvt.f32.s32 v10  }
0x2c2: {  	v7 =	vadd.s32 v1, v7;
	v9 =	vcvt.f32.s32 v9;
	v8 =	vor.u32 v12, v8  }
0x2c3: {  	v58 =	vshra.s32 v11, $0x1F;
	vm0 =	vlt.s32 v8, $0x100;
	v14 =	vshra.s32 v10, $0x1F  }
0x2c4: {  	v13 =	vshra.s32 v9, $0x1F;
	v8 =	vnsel vm0, $0x100, v8;
	v11 =	vor.u32 v58, v11  }
0x2c5: {  	v10 =	vor.u32 v14, v10;
	v9 =	vor.u32 v13, v9;
	vm1 =	vlt.s32 v11, $0x100  }
0x2c6: {  	v8 =	vadd.s32 v1, v8;
	vm12 =	vlt.s32 v10, $0x100;
	v11 =	vnsel vm1, $0x100, v11  }
0x2c7: {  	[tilespmem:v5+s13+$0x0] =	vst.idx.add.f32.msk $0xffff, v2;
	vm11 =	vlt.s32 v9, $0x100;
	v5 =	vnsel vm12, $0x100, v10;
	v10 =	vadd.s32 v1, v11  }
0x2c8: {  	v9 =	vnsel vm11, $0x100, v9;
	v5 =	vadd.s32 v1, v5  }
0x2c9: {  	[tilespmem:v6+s13+$0x0] =	vst.idx.add.f32.msk $0xffff, v2;
	v9 =	vadd.s32 v1, v9  }
0x2ca: {  	[tilespmem:v7+s13+$0x0] =	vst.idx.add.f32.msk $0xffff, v2  }
0x2cb: {  	[tilespmem:v8+s13+$0x0] =	vst.idx.add.f32.msk $0xffff, v2  }
0x2cc: {  	[tilespmem:v10+s13+$0x0] =	vst.idx.add.f32.msk $0xffff, v2  }
0x2cd: {  	[tilespmem:v5+s13+$0x0] =	vst.idx.add.f32.msk $0xffff, v2  }
0x2ce: {  	[tilespmem:v9+s13+$0x0] =	vst.idx.add.f32.msk $0xffff, v2  }
0x2cf: {  	_ =	swait.ge [sflag:s18], $0x4000  }
0x2d0: {  	[sflag:s18] =	ssyncset.done $0x0  }
0x2d1: {  	s22 =	rddreg [dreg:$0x1a];
	[sflag:s18] =	ssyncadd.s32 $0xFFFFC000  }
0x2d2: {  	[hbm4b:s22+s1] =	stream.linear.scatter [tilespmem:s12], [sflag:$0x8], $0x4000, $0x38;
	[tilespmem:$0x11200] =	vst v63  }
0x2d3: {  	_ =	swait.ge [sflag:s19], $0x4000  }
0x2d4: {  	[sflag:s19] =	ssyncset.done $0x0  }
0x2d5: {  	s24 =	simm.s32 $0xC020;
	s23 =	rddreg [dreg:$0x1f];
	[sflag:s19] =	ssyncadd.s32 $0xFFFFC000  }
0x2d6: {  	[tilespmem:s10], [sflag:$0x3] =	stream.linear.gather [hbm4b:s23+s1], $0x4000, $0x38;
	[tilespmem:$0x11200] =	vst v63  }
0x2d7: {  	v5 =	vld [tilespmem:s24+$0x10]  }
0x2d8: {  	v6 =	vld [tilespmem:s24+$0xFFFFFFF0]  }
0x2d9: {  	v7 =	vld [tilespmem:s24+$0x0]  }
0x2da: {  	v8 =	vld [tilespmem:s24+$0xFFFFFFE0];
	_ =	sdelay $0x2  }
0x2db: {  	v5 =	vsub.f32 v5, v3  }
0x2dc: {  	v6 =	vsub.f32 v6, v3;
	v7 =	vsub.f32 v7, v3  }
0x2dd: {  	v8 =	vsub.f32 v8, v3;
	v5 =	vmul.f32 v5, v4  }
0x2de: {  	v6 =	vmul.f32 v6, v4;
	v7 =	vmul.f32 v7, v4  }
0x2df: {  	v8 =	vmul.f32 v8, v4;
	v5 =	vtrunc.f32 v5  }
0x2e0: {  	v6 =	vtrunc.f32 v6;
	v7 =	vtrunc.f32 v7  }
0x2e1: {  	s25 =	simm.s32 $0xC060;
	v8 =	vtrunc.f32 v8;
	v5 =	vcvt.f32.s32 v5  }
0x2e2: {  	v9 =	vld [tilespmem:s25+$0x10];
	v6 =	vcvt.f32.s32 v6;
	v8 =	vcvt.f32.s32 v8  }
0x2e3: {  	v11 =	vld [tilespmem:s25+$0xFFFFFFF0];
	v7 =	vcvt.f32.s32 v7;
	v10 =	vshra.s32 v5, $0x1F  }
0x2e4: {  	v59 =	vshra.s32 v6, $0x1F;
	v61 =	vshra.s32 v8, $0x1F;
	v5 =	vor.u32 v10, v5;
	v10 =	vld [tilespmem:s25+$0x0]  }
0x2e5: {  	v60 =	vld [tilespmem:s25+$0xFFFFFFE0];
	v15 =	vshra.s32 v7, $0x1F;
	v8 =	vor.u32 v61, v8;
	vm13 =	vlt.s32 v5, $0x100  }
0x2e6: {  	v6 =	vor.u32 v59, v6;
	v7 =	vor.u32 v15, v7;
	v5 =	vnsel vm13, $0x100, v5  }
0x2e7: {  	vm14 =	vlt.s32 v8, $0x100;
	v62 =	vadd.s32 v1, v5;
	v5 =	vsub.f32 v9, v3  }
0x2e8: {  	vm15 =	vlt.s32 v6, $0x100;
	vm2 =	vlt.s32 v7, $0x100;
	v9 =	vsub.f32 v11, v3  }
0x2e9: {  	v6 =	vnsel vm15, $0x100, v6;
	v10 =	vsub.f32 v10, v3;
	v5 =	vmul.f32 v5, v4  }
0x2ea: {  	v11 =	vnsel vm14, $0x100, v8;
	v8 =	vsub.f32 v60, v3;
	v63 =	vmul.f32 v9, v4  }
0x2eb: {  	v7 =	vnsel vm2, $0x100, v7;
	v10 =	vmul.f32 v10, v4;
	v5 =	vtrunc.f32 v5  }
0x2ec: {  	v6 =	vadd.s32 v1, v6;
	v9 =	vmul.f32 v8, v4;
	v8 =	vcvt.f32.s32 v5  }
0x2ed: {  	s22 =	simm.s32 $0x40;
	s23 =	simm.s32 $0xC0A0;
	v5 =	vadd.s32 v1, v11;
	[tilespmem:v62+s13+$0x0] =	vst.idx.add.f32.msk $0xffff, v2;
	v11 =	vtrunc.f32 v63;
	v10 =	vtrunc.f32 v10  }
.LBB2_26:
0x2ee: {  	v12 =	vld [tilespmem:s23+$0x10];
	s22 =	sadd.s32 $0x40, s22;
	v9 =	vtrunc.f32 v9;
	v11 =	vcvt.f32.s32 v11;
	v13 =	vshra.s32 v8, $0x1F  }
0x2ef: {  	v10 =	vcvt.f32.s32 v10;
	v14 =	vld [tilespmem:s23+$0xFFFFFFF0];
	p0 =	slt.u32 s22, $0x3FC0;
	v9 =	vcvt.f32.s32 v9;
	v8 =	vor.u32 v13, v8  }
0x2f0: {  	v7 =	vadd.s32 v1, v7;
	v13 =	vld [tilespmem:s23+$0x0];
	v15 =	vshra.s32 v11, $0x1F;
	vm0 =	vlt.s32 v8, $0x100  }
0x2f1: {  	v18 =	vshra.s32 v10, $0x1F;
	v16 =	vld [tilespmem:s23+$0xFFFFFFE0];
	v17 =	vshra.s32 v9, $0x1F;
	v8 =	vnsel vm0, $0x100, v8  }
0x2f2: {  	v11 =	vor.u32 v15, v11;
	v9 =	vor.u32 v17, v9;
	v8 =	vadd.s32 v1, v8  }
0x2f3: {  	v10 =	vor.u32 v18, v10;
	v12 =	vsub.f32 v12, v3;
	vm0 =	vlt.s32 v9, $0x100;
	[tilespmem:v5+s13+$0x0] =	vst.idx.add.f32.msk $0xffff, v2  }
0x2f4: {  	vm1 =	vlt.s32 v11, $0x100;
	vm2 =	vlt.s32 v10, $0x100;
	v5 =	vsub.f32 v14, v3;
	[tilespmem:v6+s13+$0x0] =	vst.idx.add.f32.msk $0xffff, v2  }
.Ltmp12:
0x2f5: {  	v6 =	vsub.f32 v13, v3;
	v12 =	vmul.f32 v12, v4;
	v13 =	vnsel vm0, $0x100, v9;
	[tilespmem:v7+s13+$0x0] =	vst.idx.add.f32.msk $0xffff, v2;
	(pc) =	sbr.rel @p0 .LBB2_26-.Ltmp12, $4  }
0x2f6: {  	v15 =	vnsel vm1, $0x100, v11;
	v9 =	vsub.f32 v16, v3;
	v14 =	vmul.f32 v5, v4  }
0x2f7: {  	v7 =	vnsel vm2, $0x100, v10;
	v6 =	vmul.f32 v6, v4;
	v5 =	vtrunc.f32 v12;
	[tilespmem:v8+s13+$0x0] =	vst.idx.add.f32.msk $0xffff, v2  }
0x2f8: {  	v9 =	vmul.f32 v9, v4;
	v8 =	vcvt.f32.s32 v5;
	v5 =	vadd.s32 v1, v13  }
0x2f9: {  	s23 =	sadd.s32 $0x40, s23;
	v11 =	vtrunc.f32 v14;
	v10 =	vtrunc.f32 v6;
	v6 =	vadd.s32 v1, v15  }
0x2fa: {  	v9 =	vtrunc.f32 v9  }
0x2fb: {  	v11 =	vcvt.f32.s32 v11;
	v12 =	vshra.s32 v8, $0x1F;
	v10 =	vcvt.f32.s32 v10  }
0x2fc: {  	v7 =	vadd.s32 v1, v7;
	v9 =	vcvt.f32.s32 v9;
	v8 =	vor.u32 v12, v8  }
0x2fd: {  	v58 =	vshra.s32 v11, $0x1F;
	vm0 =	vlt.s32 v8, $0x100;
	v14 =	vshra.s32 v10, $0x1F  }
0x2fe: {  	v13 =	vshra.s32 v9, $0x1F;
	v8 =	vnsel vm0, $0x100, v8;
	v11 =	vor.u32 v58, v11  }
0x2ff: {  	v10 =	vor.u32 v14, v10;
	v9 =	vor.u32 v13, v9;
	vm1 =	vlt.s32 v11, $0x100  }
0x300: {  	v8 =	vadd.s32 v1, v8;
	vm12 =	vlt.s32 v10, $0x100;
	v11 =	vnsel vm1, $0x100, v11  }
0x301: {  	[tilespmem:v5+s13+$0x0] =	vst.idx.add.f32.msk $0xffff, v2;
	vm11 =	vlt.s32 v9, $0x100;
	v5 =	vnsel vm12, $0x100, v10;
	v10 =	vadd.s32 v1, v11  }
0x302: {  	v9 =	vnsel vm11, $0x100, v9;
	v5 =	vadd.s32 v1, v5  }
0x303: {  	[tilespmem:v6+s13+$0x0] =	vst.idx.add.f32.msk $0xffff, v2;
	v9 =	vadd.s32 v1, v9  }
0x304: {  	[tilespmem:v7+s13+$0x0] =	vst.idx.add.f32.msk $0xffff, v2  }
0x305: {  	[tilespmem:v8+s13+$0x0] =	vst.idx.add.f32.msk $0xffff, v2  }
0x306: {  	[tilespmem:v10+s13+$0x0] =	vst.idx.add.f32.msk $0xffff, v2  }
0x307: {  	[tilespmem:v5+s13+$0x0] =	vst.idx.add.f32.msk $0xffff, v2  }
0x308: {  	[tilespmem:v9+s13+$0x0] =	vst.idx.add.f32.msk $0xffff, v2  }
0x309: {  	_ =	swait.ge [sflag:s11], $0x4000  }
0x30a: {  	[sflag:s11] =	ssyncset.done $0x0  }
0x30b: {  	s22 =	rddreg [dreg:$0x1c];
	[sflag:s11] =	ssyncadd.s32 $0xFFFFC000  }
0x30c: {  	[hbm4b:s22+s1] =	stream.linear.scatter [tilespmem:s1], [sflag:$0x5], $0x4000, $0x38;
	[tilespmem:$0x11200] =	vst v63  }
0x30d: {  	_ =	swait.ge [sflag:s20], $0x4000  }
0x30e: {  	s23 =	sld [smem:$0x7E4]  }
0x30f: {  	[sflag:s20] =	ssyncset.done $0x0  }
0x310: {  	s24 =	simm.s32 $0x20;
	[sflag:s20] =	ssyncadd.s32 $0xFFFFC000  }
0x311: {  	[tilespmem:s12], [sflag:$0x4] =	stream.linear.gather [hbm4b:s23+s1], $0x4000, $0x38;
	[tilespmem:$0x11200] =	vst v63  }
0x312: {  	v5 =	vld [tilespmem:s24+$0x10]  }
0x313: {  	v6 =	vld [tilespmem:s24+$0xFFFFFFF0]  }
0x314: {  	v7 =	vld [tilespmem:s24+$0x0]  }
0x315: {  	v8 =	vld [tilespmem:s24+$0xFFFFFFE0];
	_ =	sdelay $0x2  }
0x316: {  	v5 =	vsub.f32 v5, v3  }
0x317: {  	v6 =	vsub.f32 v6, v3;
	v7 =	vsub.f32 v7, v3  }
0x318: {  	v8 =	vsub.f32 v8, v3;
	v5 =	vmul.f32 v5, v4  }
0x319: {  	v6 =	vmul.f32 v6, v4;
	v7 =	vmul.f32 v7, v4  }
0x31a: {  	v8 =	vmul.f32 v8, v4;
	v5 =	vtrunc.f32 v5  }
0x31b: {  	v6 =	vtrunc.f32 v6;
	v7 =	vtrunc.f32 v7  }
0x31c: {  	s25 =	simm.s32 $0x60;
	v8 =	vtrunc.f32 v8;
	v5 =	vcvt.f32.s32 v5  }
0x31d: {  	v9 =	vld [tilespmem:s25+$0x10];
	v6 =	vcvt.f32.s32 v6;
	v8 =	vcvt.f32.s32 v8  }
0x31e: {  	v11 =	vld [tilespmem:s25+$0xFFFFFFF0];
	v7 =	vcvt.f32.s32 v7;
	v10 =	vshra.s32 v5, $0x1F  }
0x31f: {  	v59 =	vshra.s32 v6, $0x1F;
	v61 =	vshra.s32 v8, $0x1F;
	v5 =	vor.u32 v10, v5;
	v10 =	vld [tilespmem:s25+$0x0]  }
0x320: {  	v60 =	vld [tilespmem:s25+$0xFFFFFFE0];
	v15 =	vshra.s32 v7, $0x1F;
	v8 =	vor.u32 v61, v8;
	vm13 =	vlt.s32 v5, $0x100  }
0x321: {  	v6 =	vor.u32 v59, v6;
	v7 =	vor.u32 v15, v7;
	v5 =	vnsel vm13, $0x100, v5  }
0x322: {  	vm14 =	vlt.s32 v8, $0x100;
	v62 =	vadd.s32 v1, v5;
	v5 =	vsub.f32 v9, v3  }
0x323: {  	vm15 =	vlt.s32 v6, $0x100;
	vm2 =	vlt.s32 v7, $0x100;
	v9 =	vsub.f32 v11, v3  }
0x324: {  	v6 =	vnsel vm15, $0x100, v6;
	v10 =	vsub.f32 v10, v3;
	v5 =	vmul.f32 v5, v4  }
0x325: {  	v11 =	vnsel vm14, $0x100, v8;
	v8 =	vsub.f32 v60, v3;
	v63 =	vmul.f32 v9, v4  }
0x326: {  	v7 =	vnsel vm2, $0x100, v7;
	v10 =	vmul.f32 v10, v4;
	v5 =	vtrunc.f32 v5  }
0x327: {  	v6 =	vadd.s32 v1, v6;
	v9 =	vmul.f32 v8, v4;
	v8 =	vcvt.f32.s32 v5  }
0x328: {  	s22 =	simm.s32 $0x40;
	s23 =	simm.s32 $0xA0;
	v5 =	vadd.s32 v1, v11;
	[tilespmem:v62+s13+$0x0] =	vst.idx.add.f32.msk $0xffff, v2;
	v11 =	vtrunc.f32 v63;
	v10 =	vtrunc.f32 v10  }
.LBB2_28:
0x329: {  	v12 =	vld [tilespmem:s23+$0x10];
	s22 =	sadd.s32 $0x40, s22;
	v9 =	vtrunc.f32 v9;
	v11 =	vcvt.f32.s32 v11;
	v13 =	vshra.s32 v8, $0x1F  }
0x32a: {  	v10 =	vcvt.f32.s32 v10;
	v14 =	vld [tilespmem:s23+$0xFFFFFFF0];
	p0 =	slt.u32 s22, $0x3FC0;
	v9 =	vcvt.f32.s32 v9;
	v8 =	vor.u32 v13, v8  }
0x32b: {  	v7 =	vadd.s32 v1, v7;
	v13 =	vld [tilespmem:s23+$0x0];
	v15 =	vshra.s32 v11, $0x1F;
	vm0 =	vlt.s32 v8, $0x100  }
0x32c: {  	v18 =	vshra.s32 v10, $0x1F;
	v16 =	vld [tilespmem:s23+$0xFFFFFFE0];
	v17 =	vshra.s32 v9, $0x1F;
	v8 =	vnsel vm0, $0x100, v8  }
0x32d: {  	v11 =	vor.u32 v15, v11;
	v9 =	vor.u32 v17, v9;
	v8 =	vadd.s32 v1, v8  }
0x32e: {  	v10 =	vor.u32 v18, v10;
	v12 =	vsub.f32 v12, v3;
	vm0 =	vlt.s32 v9, $0x100;
	[tilespmem:v5+s13+$0x0] =	vst.idx.add.f32.msk $0xffff, v2  }
0x32f: {  	vm1 =	vlt.s32 v11, $0x100;
	vm2 =	vlt.s32 v10, $0x100;
	v5 =	vsub.f32 v14, v3;
	[tilespmem:v6+s13+$0x0] =	vst.idx.add.f32.msk $0xffff, v2  }
.Ltmp13:
0x330: {  	v6 =	vsub.f32 v13, v3;
	v12 =	vmul.f32 v12, v4;
	v13 =	vnsel vm0, $0x100, v9;
	[tilespmem:v7+s13+$0x0] =	vst.idx.add.f32.msk $0xffff, v2;
	(pc) =	sbr.rel @p0 .LBB2_28-.Ltmp13, $4  }
0x331: {  	v15 =	vnsel vm1, $0x100, v11;
	v9 =	vsub.f32 v16, v3;
	v14 =	vmul.f32 v5, v4  }
0x332: {  	v7 =	vnsel vm2, $0x100, v10;
	v6 =	vmul.f32 v6, v4;
	v5 =	vtrunc.f32 v12;
	[tilespmem:v8+s13+$0x0] =	vst.idx.add.f32.msk $0xffff, v2  }
0x333: {  	v9 =	vmul.f32 v9, v4;
	v8 =	vcvt.f32.s32 v5;
	v5 =	vadd.s32 v1, v13  }
0x334: {  	s23 =	sadd.s32 $0x40, s23;
	v11 =	vtrunc.f32 v14;
	v10 =	vtrunc.f32 v6;
	v6 =	vadd.s32 v1, v15  }
0x335: {  	v9 =	vtrunc.f32 v9  }
0x336: {  	v11 =	vcvt.f32.s32 v11;
	v12 =	vshra.s32 v8, $0x1F;
	v10 =	vcvt.f32.s32 v10  }
0x337: {  	v7 =	vadd.s32 v1, v7;
	v9 =	vcvt.f32.s32 v9;
	v8 =	vor.u32 v12, v8  }
0x338: {  	v58 =	vshra.s32 v11, $0x1F;
	vm0 =	vlt.s32 v8, $0x100;
	v14 =	vshra.s32 v10, $0x1F  }
0x339: {  	v13 =	vshra.s32 v9, $0x1F;
	v8 =	vnsel vm0, $0x100, v8;
	v11 =	vor.u32 v58, v11  }
0x33a: {  	v10 =	vor.u32 v14, v10;
	v9 =	vor.u32 v13, v9;
	vm1 =	vlt.s32 v11, $0x100  }
0x33b: {  	v8 =	vadd.s32 v1, v8;
	vm12 =	vlt.s32 v10, $0x100;
	v11 =	vnsel vm1, $0x100, v11  }
0x33c: {  	[tilespmem:v5+s13+$0x0] =	vst.idx.add.f32.msk $0xffff, v2;
	vm11 =	vlt.s32 v9, $0x100;
	v5 =	vnsel vm12, $0x100, v10;
	v10 =	vadd.s32 v1, v11  }
0x33d: {  	v9 =	vnsel vm11, $0x100, v9;
	v5 =	vadd.s32 v1, v5  }
0x33e: {  	[tilespmem:v6+s13+$0x0] =	vst.idx.add.f32.msk $0xffff, v2;
	v9 =	vadd.s32 v1, v9  }
0x33f: {  	[tilespmem:v7+s13+$0x0] =	vst.idx.add.f32.msk $0xffff, v2  }
0x340: {  	[tilespmem:v8+s13+$0x0] =	vst.idx.add.f32.msk $0xffff, v2  }
0x341: {  	[tilespmem:v10+s13+$0x0] =	vst.idx.add.f32.msk $0xffff, v2  }
0x342: {  	[tilespmem:v5+s13+$0x0] =	vst.idx.add.f32.msk $0xffff, v2  }
0x343: {  	[tilespmem:v9+s13+$0x0] =	vst.idx.add.f32.msk $0xffff, v2  }
0x344: {  	_ =	swait.ge [sflag:s14], $0x4000  }
0x345: {  	[sflag:s14] =	ssyncset.done $0x0  }
0x346: {  	s22 =	rddreg [dreg:$0x1e];
	[sflag:s14] =	ssyncadd.s32 $0xFFFFC000  }
0x347: {  	[hbm4b:s22+s1] =	stream.linear.scatter [tilespmem:s9], [sflag:$0x6], $0x4000, $0x38;
	[tilespmem:$0x11200] =	vst v63  }
0x348: {  	_ =	swait.ge [sflag:s15], $0x4000  }
0x349: {  	s23 =	sld [smem:$0x7E6]  }
0x34a: {  	[sflag:s15] =	ssyncset.done $0x0  }
0x34b: {  	s24 =	simm.s32 $0x4020;
	[sflag:s15] =	ssyncadd.s32 $0xFFFFC000  }
0x34c: {  	[tilespmem:s1], [sflag:$0x1] =	stream.linear.gather [hbm4b:s23+s1], $0x4000, $0x38;
	[tilespmem:$0x11200] =	vst v63  }
0x34d: {  	v5 =	vld [tilespmem:s24+$0x10]  }
0x34e: {  	v6 =	vld [tilespmem:s24+$0xFFFFFFF0]  }
0x34f: {  	v7 =	vld [tilespmem:s24+$0x0]  }
0x350: {  	v8 =	vld [tilespmem:s24+$0xFFFFFFE0];
	_ =	sdelay $0x2  }
0x351: {  	v5 =	vsub.f32 v5, v3  }
0x352: {  	v6 =	vsub.f32 v6, v3;
	v7 =	vsub.f32 v7, v3  }
0x353: {  	v8 =	vsub.f32 v8, v3;
	v5 =	vmul.f32 v5, v4  }
0x354: {  	v6 =	vmul.f32 v6, v4;
	v7 =	vmul.f32 v7, v4  }
0x355: {  	v8 =	vmul.f32 v8, v4;
	v5 =	vtrunc.f32 v5  }
0x356: {  	v6 =	vtrunc.f32 v6;
	v7 =	vtrunc.f32 v7  }
0x357: {  	s25 =	simm.s32 $0x4060;
	v8 =	vtrunc.f32 v8;
	v5 =	vcvt.f32.s32 v5  }
0x358: {  	v9 =	vld [tilespmem:s25+$0x10];
	v6 =	vcvt.f32.s32 v6;
	v8 =	vcvt.f32.s32 v8  }
0x359: {  	v11 =	vld [tilespmem:s25+$0xFFFFFFF0];
	v7 =	vcvt.f32.s32 v7;
	v10 =	vshra.s32 v5, $0x1F  }
0x35a: {  	v59 =	vshra.s32 v6, $0x1F;
	v61 =	vshra.s32 v8, $0x1F;
	v5 =	vor.u32 v10, v5;
	v10 =	vld [tilespmem:s25+$0x0]  }
0x35b: {  	v60 =	vld [tilespmem:s25+$0xFFFFFFE0];
	v15 =	vshra.s32 v7, $0x1F;
	v8 =	vor.u32 v61, v8;
	vm13 =	vlt.s32 v5, $0x100  }
0x35c: {  	v6 =	vor.u32 v59, v6;
	v7 =	vor.u32 v15, v7;
	v5 =	vnsel vm13, $0x100, v5  }
0x35d: {  	vm14 =	vlt.s32 v8, $0x100;
	v62 =	vadd.s32 v1, v5;
	v5 =	vsub.f32 v9, v3  }
0x35e: {  	vm15 =	vlt.s32 v6, $0x100;
	vm2 =	vlt.s32 v7, $0x100;
	v9 =	vsub.f32 v11, v3  }
0x35f: {  	v6 =	vnsel vm15, $0x100, v6;
	v10 =	vsub.f32 v10, v3;
	v5 =	vmul.f32 v5, v4  }
0x360: {  	v11 =	vnsel vm14, $0x100, v8;
	v8 =	vsub.f32 v60, v3;
	v63 =	vmul.f32 v9, v4  }
0x361: {  	v7 =	vnsel vm2, $0x100, v7;
	v10 =	vmul.f32 v10, v4;
	v5 =	vtrunc.f32 v5  }
0x362: {  	v6 =	vadd.s32 v1, v6;
	v9 =	vmul.f32 v8, v4;
	v8 =	vcvt.f32.s32 v5  }
0x363: {  	s22 =	simm.s32 $0x40;
	s23 =	simm.s32 $0x40A0;
	v5 =	vadd.s32 v1, v11;
	[tilespmem:v62+s13+$0x0] =	vst.idx.add.f32.msk $0xffff, v2;
	v11 =	vtrunc.f32 v63;
	v10 =	vtrunc.f32 v10  }
.LBB2_30:
0x364: {  	v12 =	vld [tilespmem:s23+$0x10];
	s22 =	sadd.s32 $0x40, s22;
	v9 =	vtrunc.f32 v9;
	v11 =	vcvt.f32.s32 v11;
	v13 =	vshra.s32 v8, $0x1F  }
0x365: {  	v10 =	vcvt.f32.s32 v10;
	v14 =	vld [tilespmem:s23+$0xFFFFFFF0];
	p0 =	slt.u32 s22, $0x3FC0;
	v9 =	vcvt.f32.s32 v9;
	v8 =	vor.u32 v13, v8  }
0x366: {  	v7 =	vadd.s32 v1, v7;
	v13 =	vld [tilespmem:s23+$0x0];
	v15 =	vshra.s32 v11, $0x1F;
	vm0 =	vlt.s32 v8, $0x100  }
0x367: {  	v18 =	vshra.s32 v10, $0x1F;
	v16 =	vld [tilespmem:s23+$0xFFFFFFE0];
	v17 =	vshra.s32 v9, $0x1F;
	v8 =	vnsel vm0, $0x100, v8  }
0x368: {  	v11 =	vor.u32 v15, v11;
	v9 =	vor.u32 v17, v9;
	v8 =	vadd.s32 v1, v8  }
0x369: {  	v10 =	vor.u32 v18, v10;
	v12 =	vsub.f32 v12, v3;
	vm0 =	vlt.s32 v9, $0x100;
	[tilespmem:v5+s13+$0x0] =	vst.idx.add.f32.msk $0xffff, v2  }
0x36a: {  	vm1 =	vlt.s32 v11, $0x100;
	vm2 =	vlt.s32 v10, $0x100;
	v5 =	vsub.f32 v14, v3;
	[tilespmem:v6+s13+$0x0] =	vst.idx.add.f32.msk $0xffff, v2  }
.Ltmp14:
0x36b: {  	v6 =	vsub.f32 v13, v3;
	v12 =	vmul.f32 v12, v4;
	v13 =	vnsel vm0, $0x100, v9;
	[tilespmem:v7+s13+$0x0] =	vst.idx.add.f32.msk $0xffff, v2;
	(pc) =	sbr.rel @p0 .LBB2_30-.Ltmp14, $4  }
0x36c: {  	v15 =	vnsel vm1, $0x100, v11;
	v9 =	vsub.f32 v16, v3;
	v14 =	vmul.f32 v5, v4  }
0x36d: {  	v7 =	vnsel vm2, $0x100, v10;
	v6 =	vmul.f32 v6, v4;
	v5 =	vtrunc.f32 v12;
	[tilespmem:v8+s13+$0x0] =	vst.idx.add.f32.msk $0xffff, v2  }
0x36e: {  	v9 =	vmul.f32 v9, v4;
	v8 =	vcvt.f32.s32 v5;
	v5 =	vadd.s32 v1, v13  }
0x36f: {  	s23 =	sadd.s32 $0x40, s23;
	v11 =	vtrunc.f32 v14;
	v10 =	vtrunc.f32 v6;
	v6 =	vadd.s32 v1, v15  }
0x370: {  	v9 =	vtrunc.f32 v9  }
0x371: {  	v11 =	vcvt.f32.s32 v11;
	v12 =	vshra.s32 v8, $0x1F;
	v10 =	vcvt.f32.s32 v10  }
0x372: {  	v7 =	vadd.s32 v1, v7;
	v9 =	vcvt.f32.s32 v9;
	v8 =	vor.u32 v12, v8  }
0x373: {  	v58 =	vshra.s32 v11, $0x1F;
	vm0 =	vlt.s32 v8, $0x100;
	v14 =	vshra.s32 v10, $0x1F  }
0x374: {  	v13 =	vshra.s32 v9, $0x1F;
	v8 =	vnsel vm0, $0x100, v8;
	v11 =	vor.u32 v58, v11  }
0x375: {  	v10 =	vor.u32 v14, v10;
	v9 =	vor.u32 v13, v9;
	vm1 =	vlt.s32 v11, $0x100  }
0x376: {  	v8 =	vadd.s32 v1, v8;
	vm12 =	vlt.s32 v10, $0x100;
	v11 =	vnsel vm1, $0x100, v11  }
0x377: {  	[tilespmem:v5+s13+$0x0] =	vst.idx.add.f32.msk $0xffff, v2;
	vm11 =	vlt.s32 v9, $0x100;
	v5 =	vnsel vm12, $0x100, v10;
	v10 =	vadd.s32 v1, v11  }
0x378: {  	v9 =	vnsel vm11, $0x100, v9;
	v5 =	vadd.s32 v1, v5  }
0x379: {  	[tilespmem:v6+s13+$0x0] =	vst.idx.add.f32.msk $0xffff, v2;
	v9 =	vadd.s32 v1, v9  }
0x37a: {  	[tilespmem:v7+s13+$0x0] =	vst.idx.add.f32.msk $0xffff, v2  }
0x37b: {  	[tilespmem:v8+s13+$0x0] =	vst.idx.add.f32.msk $0xffff, v2  }
0x37c: {  	[tilespmem:v10+s13+$0x0] =	vst.idx.add.f32.msk $0xffff, v2  }
0x37d: {  	[tilespmem:v5+s13+$0x0] =	vst.idx.add.f32.msk $0xffff, v2  }
0x37e: {  	[tilespmem:v9+s13+$0x0] =	vst.idx.add.f32.msk $0xffff, v2  }
0x37f: {  	_ =	swait.ge [sflag:s16], $0x4000  }
0x380: {  	s22 =	sld [smem:$0x7E3]  }
0x381: {  	[sflag:s16] =	ssyncset.done $0x0  }
0x382: {  	[sflag:s16] =	ssyncadd.s32 $0xFFFFC000  }
0x383: {  	[hbm4b:s22+s1] =	stream.linear.scatter [tilespmem:s10], [sflag:$0x7], $0x4000, $0x38;
	[tilespmem:$0x11200] =	vst v63  }
0x384: {  	_ =	swait.ge [sflag:s17], $0x4000  }
0x385: {  	s23 =	sld [smem:$0x7E8]  }
0x386: {  	[sflag:s17] =	ssyncset.done $0x0  }
0x387: {  	s24 =	simm.s32 $0x8020;
	[sflag:s17] =	ssyncadd.s32 $0xFFFFC000  }
0x388: {  	[tilespmem:s9], [sflag:$0x2] =	stream.linear.gather [hbm4b:s23+s1], $0x4000, $0x38;
	[tilespmem:$0x11200] =	vst v63  }
0x389: {  	v5 =	vld [tilespmem:s24+$0x10]  }
0x38a: {  	v6 =	vld [tilespmem:s24+$0xFFFFFFF0]  }
0x38b: {  	v7 =	vld [tilespmem:s24+$0x0]  }
0x38c: {  	v8 =	vld [tilespmem:s24+$0xFFFFFFE0];
	_ =	sdelay $0x2  }
0x38d: {  	v5 =	vsub.f32 v5, v3  }
0x38e: {  	v6 =	vsub.f32 v6, v3;
	v7 =	vsub.f32 v7, v3  }
0x38f: {  	v8 =	vsub.f32 v8, v3;
	v5 =	vmul.f32 v5, v4  }
0x390: {  	v6 =	vmul.f32 v6, v4;
	v7 =	vmul.f32 v7, v4  }
0x391: {  	v8 =	vmul.f32 v8, v4;
	v5 =	vtrunc.f32 v5  }
0x392: {  	v6 =	vtrunc.f32 v6;
	v7 =	vtrunc.f32 v7  }
0x393: {  	s25 =	simm.s32 $0x8060;
	v8 =	vtrunc.f32 v8;
	v5 =	vcvt.f32.s32 v5  }
0x394: {  	v9 =	vld [tilespmem:s25+$0x10];
	v6 =	vcvt.f32.s32 v6;
	v8 =	vcvt.f32.s32 v8  }
0x395: {  	v11 =	vld [tilespmem:s25+$0xFFFFFFF0];
	v7 =	vcvt.f32.s32 v7;
	v10 =	vshra.s32 v5, $0x1F  }
0x396: {  	v59 =	vshra.s32 v6, $0x1F;
	v61 =	vshra.s32 v8, $0x1F;
	v5 =	vor.u32 v10, v5;
	v10 =	vld [tilespmem:s25+$0x0]  }
0x397: {  	v60 =	vld [tilespmem:s25+$0xFFFFFFE0];
	v15 =	vshra.s32 v7, $0x1F;
	v8 =	vor.u32 v61, v8;
	vm13 =	vlt.s32 v5, $0x100  }
0x398: {  	v6 =	vor.u32 v59, v6;
	v7 =	vor.u32 v15, v7;
	v5 =	vnsel vm13, $0x100, v5  }
0x399: {  	vm14 =	vlt.s32 v8, $0x100;
	v62 =	vadd.s32 v1, v5;
	v5 =	vsub.f32 v9, v3  }
0x39a: {  	vm15 =	vlt.s32 v6, $0x100;
	vm2 =	vlt.s32 v7, $0x100;
	v9 =	vsub.f32 v11, v3  }
0x39b: {  	v6 =	vnsel vm15, $0x100, v6;
	v10 =	vsub.f32 v10, v3;
	v5 =	vmul.f32 v5, v4  }
0x39c: {  	v11 =	vnsel vm14, $0x100, v8;
	v8 =	vsub.f32 v60, v3;
	v63 =	vmul.f32 v9, v4  }
0x39d: {  	v7 =	vnsel vm2, $0x100, v7;
	v10 =	vmul.f32 v10, v4;
	v5 =	vtrunc.f32 v5  }
0x39e: {  	v6 =	vadd.s32 v1, v6;
	v9 =	vmul.f32 v8, v4;
	v8 =	vcvt.f32.s32 v5  }
0x39f: {  	s22 =	simm.s32 $0x40;
	s23 =	simm.s32 $0x80A0;
	v5 =	vadd.s32 v1, v11;
	[tilespmem:v62+s13+$0x0] =	vst.idx.add.f32.msk $0xffff, v2;
	v11 =	vtrunc.f32 v63;
	v10 =	vtrunc.f32 v10  }
.LBB2_32:
0x3a0: {  	v12 =	vld [tilespmem:s23+$0x10];
	s22 =	sadd.s32 $0x40, s22;
	v9 =	vtrunc.f32 v9;
	v11 =	vcvt.f32.s32 v11;
	v13 =	vshra.s32 v8, $0x1F  }
0x3a1: {  	v10 =	vcvt.f32.s32 v10;
	v14 =	vld [tilespmem:s23+$0xFFFFFFF0];
	p0 =	slt.u32 s22, $0x3FC0;
	v9 =	vcvt.f32.s32 v9;
	v8 =	vor.u32 v13, v8  }
0x3a2: {  	v7 =	vadd.s32 v1, v7;
	v13 =	vld [tilespmem:s23+$0x0];
	v15 =	vshra.s32 v11, $0x1F;
	vm0 =	vlt.s32 v8, $0x100  }
0x3a3: {  	v18 =	vshra.s32 v10, $0x1F;
	v16 =	vld [tilespmem:s23+$0xFFFFFFE0];
	v17 =	vshra.s32 v9, $0x1F;
	v8 =	vnsel vm0, $0x100, v8  }
0x3a4: {  	v11 =	vor.u32 v15, v11;
	v9 =	vor.u32 v17, v9;
	v8 =	vadd.s32 v1, v8  }
0x3a5: {  	v10 =	vor.u32 v18, v10;
	v12 =	vsub.f32 v12, v3;
	vm0 =	vlt.s32 v9, $0x100;
	[tilespmem:v5+s13+$0x0] =	vst.idx.add.f32.msk $0xffff, v2  }
0x3a6: {  	vm1 =	vlt.s32 v11, $0x100;
	vm2 =	vlt.s32 v10, $0x100;
	v5 =	vsub.f32 v14, v3;
	[tilespmem:v6+s13+$0x0] =	vst.idx.add.f32.msk $0xffff, v2  }
.Ltmp15:
0x3a7: {  	v6 =	vsub.f32 v13, v3;
	v12 =	vmul.f32 v12, v4;
	v13 =	vnsel vm0, $0x100, v9;
	[tilespmem:v7+s13+$0x0] =	vst.idx.add.f32.msk $0xffff, v2;
	(pc) =	sbr.rel @p0 .LBB2_32-.Ltmp15, $4  }
0x3a8: {  	v15 =	vnsel vm1, $0x100, v11;
	v9 =	vsub.f32 v16, v3;
	v14 =	vmul.f32 v5, v4  }
0x3a9: {  	v7 =	vnsel vm2, $0x100, v10;
	v6 =	vmul.f32 v6, v4;
	v5 =	vtrunc.f32 v12;
	[tilespmem:v8+s13+$0x0] =	vst.idx.add.f32.msk $0xffff, v2  }
0x3aa: {  	v9 =	vmul.f32 v9, v4;
	v8 =	vcvt.f32.s32 v5;
	v5 =	vadd.s32 v1, v13  }
0x3ab: {  	s23 =	sadd.s32 $0x40, s23;
	v11 =	vtrunc.f32 v14;
	v10 =	vtrunc.f32 v6;
	v6 =	vadd.s32 v1, v15  }
0x3ac: {  	v9 =	vtrunc.f32 v9  }
0x3ad: {  	v11 =	vcvt.f32.s32 v11;
	v12 =	vshra.s32 v8, $0x1F;
	v10 =	vcvt.f32.s32 v10  }
0x3ae: {  	v7 =	vadd.s32 v1, v7;
	v9 =	vcvt.f32.s32 v9;
	v8 =	vor.u32 v12, v8  }
0x3af: {  	v58 =	vshra.s32 v11, $0x1F;
	vm0 =	vlt.s32 v8, $0x100;
	v14 =	vshra.s32 v10, $0x1F  }
0x3b0: {  	v13 =	vshra.s32 v9, $0x1F;
	v8 =	vnsel vm0, $0x100, v8;
	v11 =	vor.u32 v58, v11  }
0x3b1: {  	v10 =	vor.u32 v14, v10;
	v9 =	vor.u32 v13, v9;
	vm1 =	vlt.s32 v11, $0x100  }
0x3b2: {  	v8 =	vadd.s32 v1, v8;
	vm12 =	vlt.s32 v10, $0x100;
	v11 =	vnsel vm1, $0x100, v11  }
0x3b3: {  	[tilespmem:v5+s13+$0x0] =	vst.idx.add.f32.msk $0xffff, v2;
	vm11 =	vlt.s32 v9, $0x100;
	v5 =	vnsel vm12, $0x100, v10;
	v10 =	vadd.s32 v1, v11  }
0x3b4: {  	v9 =	vnsel vm11, $0x100, v9;
	v5 =	vadd.s32 v1, v5  }
0x3b5: {  	[tilespmem:v6+s13+$0x0] =	vst.idx.add.f32.msk $0xffff, v2;
	v9 =	vadd.s32 v1, v9  }
0x3b6: {  	[tilespmem:v7+s13+$0x0] =	vst.idx.add.f32.msk $0xffff, v2  }
0x3b7: {  	[tilespmem:v8+s13+$0x0] =	vst.idx.add.f32.msk $0xffff, v2  }
0x3b8: {  	[tilespmem:v10+s13+$0x0] =	vst.idx.add.f32.msk $0xffff, v2  }
0x3b9: {  	[tilespmem:v5+s13+$0x0] =	vst.idx.add.f32.msk $0xffff, v2  }
0x3ba: {  	[tilespmem:v9+s13+$0x0] =	vst.idx.add.f32.msk $0xffff, v2  }
0x3bb: {  	_ =	swait.ge [sflag:s18], $0x4000  }
0x3bc: {  	s22 =	sld [smem:$0x7E5]  }
0x3bd: {  	[sflag:s18] =	ssyncset.done $0x0  }
0x3be: {  	[sflag:s18] =	ssyncadd.s32 $0xFFFFC000  }
0x3bf: {  	[hbm4b:s22+s1] =	stream.linear.scatter [tilespmem:s12], [sflag:$0x8], $0x4000, $0x38;
	[tilespmem:$0x11200] =	vst v63  }
0x3c0: {  	_ =	swait.ge [sflag:s19], $0x4000  }
0x3c1: {  	s23 =	sld [smem:$0x7EA]  }
0x3c2: {  	[sflag:s19] =	ssyncset.done $0x0  }
0x3c3: {  	s24 =	simm.s32 $0xC020;
	[sflag:s19] =	ssyncadd.s32 $0xFFFFC000  }
0x3c4: {  	[tilespmem:s10], [sflag:$0x3] =	stream.linear.gather [hbm4b:s23+s1], $0x4000, $0x38;
	[tilespmem:$0x11200] =	vst v63  }
0x3c5: {  	v5 =	vld [tilespmem:s24+$0x10]  }
0x3c6: {  	v6 =	vld [tilespmem:s24+$0xFFFFFFF0]  }
0x3c7: {  	v7 =	vld [tilespmem:s24+$0x0]  }
0x3c8: {  	v8 =	vld [tilespmem:s24+$0xFFFFFFE0];
	_ =	sdelay $0x2  }
0x3c9: {  	v5 =	vsub.f32 v5, v3  }
0x3ca: {  	v6 =	vsub.f32 v6, v3;
	v7 =	vsub.f32 v7, v3  }
0x3cb: {  	v8 =	vsub.f32 v8, v3;
	v5 =	vmul.f32 v5, v4  }
0x3cc: {  	v6 =	vmul.f32 v6, v4;
	v7 =	vmul.f32 v7, v4  }
0x3cd: {  	v8 =	vmul.f32 v8, v4;
	v5 =	vtrunc.f32 v5  }
0x3ce: {  	v6 =	vtrunc.f32 v6;
	v7 =	vtrunc.f32 v7  }
0x3cf: {  	s25 =	simm.s32 $0xC060;
	v8 =	vtrunc.f32 v8;
	v5 =	vcvt.f32.s32 v5  }
0x3d0: {  	v9 =	vld [tilespmem:s25+$0x10];
	v6 =	vcvt.f32.s32 v6;
	v8 =	vcvt.f32.s32 v8  }
0x3d1: {  	v11 =	vld [tilespmem:s25+$0xFFFFFFF0];
	v7 =	vcvt.f32.s32 v7;
	v10 =	vshra.s32 v5, $0x1F  }
0x3d2: {  	v59 =	vshra.s32 v6, $0x1F;
	v61 =	vshra.s32 v8, $0x1F;
	v5 =	vor.u32 v10, v5;
	v10 =	vld [tilespmem:s25+$0x0]  }
0x3d3: {  	v60 =	vld [tilespmem:s25+$0xFFFFFFE0];
	v15 =	vshra.s32 v7, $0x1F;
	v8 =	vor.u32 v61, v8;
	vm13 =	vlt.s32 v5, $0x100  }
0x3d4: {  	v6 =	vor.u32 v59, v6;
	v7 =	vor.u32 v15, v7;
	v5 =	vnsel vm13, $0x100, v5  }
0x3d5: {  	vm14 =	vlt.s32 v8, $0x100;
	v62 =	vadd.s32 v1, v5;
	v5 =	vsub.f32 v9, v3  }
0x3d6: {  	vm15 =	vlt.s32 v6, $0x100;
	vm2 =	vlt.s32 v7, $0x100;
	v9 =	vsub.f32 v11, v3  }
0x3d7: {  	v6 =	vnsel vm15, $0x100, v6;
	v10 =	vsub.f32 v10, v3;
	v5 =	vmul.f32 v5, v4  }
0x3d8: {  	v11 =	vnsel vm14, $0x100, v8;
	v8 =	vsub.f32 v60, v3;
	v63 =	vmul.f32 v9, v4  }
0x3d9: {  	v7 =	vnsel vm2, $0x100, v7;
	v10 =	vmul.f32 v10, v4;
	v5 =	vtrunc.f32 v5  }
0x3da: {  	v6 =	vadd.s32 v1, v6;
	v9 =	vmul.f32 v8, v4;
	v8 =	vcvt.f32.s32 v5  }
0x3db: {  	s22 =	simm.s32 $0x40;
	s23 =	simm.s32 $0xC0A0;
	v5 =	vadd.s32 v1, v11;
	[tilespmem:v62+s13+$0x0] =	vst.idx.add.f32.msk $0xffff, v2;
	v11 =	vtrunc.f32 v63;
	v10 =	vtrunc.f32 v10  }
.LBB2_34:
0x3dc: {  	v12 =	vld [tilespmem:s23+$0x10];
	s22 =	sadd.s32 $0x40, s22;
	v9 =	vtrunc.f32 v9;
	v11 =	vcvt.f32.s32 v11;
	v13 =	vshra.s32 v8, $0x1F  }
0x3dd: {  	v10 =	vcvt.f32.s32 v10;
	v14 =	vld [tilespmem:s23+$0xFFFFFFF0];
	p0 =	slt.u32 s22, $0x3FC0;
	v9 =	vcvt.f32.s32 v9;
	v8 =	vor.u32 v13, v8  }
0x3de: {  	v7 =	vadd.s32 v1, v7;
	v13 =	vld [tilespmem:s23+$0x0];
	v15 =	vshra.s32 v11, $0x1F;
	vm0 =	vlt.s32 v8, $0x100  }
0x3df: {  	v18 =	vshra.s32 v10, $0x1F;
	v16 =	vld [tilespmem:s23+$0xFFFFFFE0];
	v17 =	vshra.s32 v9, $0x1F;
	v8 =	vnsel vm0, $0x100, v8  }
0x3e0: {  	v11 =	vor.u32 v15, v11;
	v9 =	vor.u32 v17, v9;
	v8 =	vadd.s32 v1, v8  }
0x3e1: {  	v10 =	vor.u32 v18, v10;
	v12 =	vsub.f32 v12, v3;
	vm0 =	vlt.s32 v9, $0x100;
	[tilespmem:v5+s13+$0x0] =	vst.idx.add.f32.msk $0xffff, v2  }
0x3e2: {  	vm1 =	vlt.s32 v11, $0x100;
	vm2 =	vlt.s32 v10, $0x100;
	v5 =	vsub.f32 v14, v3;
	[tilespmem:v6+s13+$0x0] =	vst.idx.add.f32.msk $0xffff, v2  }
.Ltmp16:
0x3e3: {  	v6 =	vsub.f32 v13, v3;
	v12 =	vmul.f32 v12, v4;
	v13 =	vnsel vm0, $0x100, v9;
	[tilespmem:v7+s13+$0x0] =	vst.idx.add.f32.msk $0xffff, v2;
	(pc) =	sbr.rel @p0 .LBB2_34-.Ltmp16, $4  }
0x3e4: {  	v15 =	vnsel vm1, $0x100, v11;
	v9 =	vsub.f32 v16, v3;
	v14 =	vmul.f32 v5, v4  }
0x3e5: {  	v7 =	vnsel vm2, $0x100, v10;
	v6 =	vmul.f32 v6, v4;
	v5 =	vtrunc.f32 v12;
	[tilespmem:v8+s13+$0x0] =	vst.idx.add.f32.msk $0xffff, v2  }
0x3e6: {  	v9 =	vmul.f32 v9, v4;
	v8 =	vcvt.f32.s32 v5;
	v5 =	vadd.s32 v1, v13  }
0x3e7: {  	s23 =	sadd.s32 $0x40, s23;
	v11 =	vtrunc.f32 v14;
	v10 =	vtrunc.f32 v6;
	v6 =	vadd.s32 v1, v15  }
0x3e8: {  	v9 =	vtrunc.f32 v9  }
0x3e9: {  	v11 =	vcvt.f32.s32 v11;
	v12 =	vshra.s32 v8, $0x1F;
	v10 =	vcvt.f32.s32 v10  }
0x3ea: {  	v7 =	vadd.s32 v1, v7;
	v9 =	vcvt.f32.s32 v9;
	v8 =	vor.u32 v12, v8  }
0x3eb: {  	v58 =	vshra.s32 v11, $0x1F;
	vm0 =	vlt.s32 v8, $0x100;
	v14 =	vshra.s32 v10, $0x1F  }
0x3ec: {  	v13 =	vshra.s32 v9, $0x1F;
	v8 =	vnsel vm0, $0x100, v8;
	v11 =	vor.u32 v58, v11  }
0x3ed: {  	v10 =	vor.u32 v14, v10;
	v9 =	vor.u32 v13, v9;
	vm1 =	vlt.s32 v11, $0x100  }
0x3ee: {  	v8 =	vadd.s32 v1, v8;
	vm12 =	vlt.s32 v10, $0x100;
	v11 =	vnsel vm1, $0x100, v11  }
0x3ef: {  	[tilespmem:v5+s13+$0x0] =	vst.idx.add.f32.msk $0xffff, v2;
	vm11 =	vlt.s32 v9, $0x100;
	v5 =	vnsel vm12, $0x100, v10;
	v10 =	vadd.s32 v1, v11  }
0x3f0: {  	v9 =	vnsel vm11, $0x100, v9;
	v5 =	vadd.s32 v1, v5  }
0x3f1: {  	[tilespmem:v6+s13+$0x0] =	vst.idx.add.f32.msk $0xffff, v2;
	v9 =	vadd.s32 v1, v9  }
0x3f2: {  	[tilespmem:v7+s13+$0x0] =	vst.idx.add.f32.msk $0xffff, v2  }
0x3f3: {  	[tilespmem:v8+s13+$0x0] =	vst.idx.add.f32.msk $0xffff, v2  }
0x3f4: {  	[tilespmem:v10+s13+$0x0] =	vst.idx.add.f32.msk $0xffff, v2  }
0x3f5: {  	[tilespmem:v5+s13+$0x0] =	vst.idx.add.f32.msk $0xffff, v2  }
0x3f6: {  	[tilespmem:v9+s13+$0x0] =	vst.idx.add.f32.msk $0xffff, v2  }
0x3f7: {  	_ =	swait.ge [sflag:s11], $0x4000  }
0x3f8: {  	s22 =	sld [smem:$0x7E7]  }
0x3f9: {  	[sflag:s11] =	ssyncset.done $0x0  }
0x3fa: {  	[sflag:s11] =	ssyncadd.s32 $0xFFFFC000  }
0x3fb: {  	[hbm4b:s22+s1] =	stream.linear.scatter [tilespmem:s1], [sflag:$0x5], $0x4000, $0x38;
	[tilespmem:$0x11200] =	vst v63  }
0x3fc: {  	_ =	swait.ge [sflag:s20], $0x4000  }
0x3fd: {  	s23 =	sld [smem:$0x7EC]  }
0x3fe: {  	[sflag:s20] =	ssyncset.done $0x0  }
0x3ff: {  	s24 =	simm.s32 $0x20;
	[sflag:s20] =	ssyncadd.s32 $0xFFFFC000  }
0x400: {  	[tilespmem:s12], [sflag:$0x4] =	stream.linear.gather [hbm4b:s23+s1], $0x4000, $0x38;
	[tilespmem:$0x11200] =	vst v63  }
0x401: {  	v5 =	vld [tilespmem:s24+$0x10]  }
0x402: {  	v6 =	vld [tilespmem:s24+$0xFFFFFFF0]  }
0x403: {  	v7 =	vld [tilespmem:s24+$0x0]  }
0x404: {  	v8 =	vld [tilespmem:s24+$0xFFFFFFE0];
	_ =	sdelay $0x2  }
0x405: {  	v5 =	vsub.f32 v5, v3  }
0x406: {  	v6 =	vsub.f32 v6, v3;
	v7 =	vsub.f32 v7, v3  }
0x407: {  	v8 =	vsub.f32 v8, v3;
	v5 =	vmul.f32 v5, v4  }
0x408: {  	v6 =	vmul.f32 v6, v4;
	v7 =	vmul.f32 v7, v4  }
0x409: {  	v8 =	vmul.f32 v8, v4;
	v5 =	vtrunc.f32 v5  }
0x40a: {  	v6 =	vtrunc.f32 v6;
	v7 =	vtrunc.f32 v7  }
0x40b: {  	s25 =	simm.s32 $0x60;
	v8 =	vtrunc.f32 v8;
	v5 =	vcvt.f32.s32 v5  }
0x40c: {  	v9 =	vld [tilespmem:s25+$0x10];
	v6 =	vcvt.f32.s32 v6;
	v8 =	vcvt.f32.s32 v8  }
0x40d: {  	v11 =	vld [tilespmem:s25+$0xFFFFFFF0];
	v7 =	vcvt.f32.s32 v7;
	v10 =	vshra.s32 v5, $0x1F  }
0x40e: {  	v59 =	vshra.s32 v6, $0x1F;
	v61 =	vshra.s32 v8, $0x1F;
	v5 =	vor.u32 v10, v5;
	v10 =	vld [tilespmem:s25+$0x0]  }
0x40f: {  	v60 =	vld [tilespmem:s25+$0xFFFFFFE0];
	v15 =	vshra.s32 v7, $0x1F;
	v8 =	vor.u32 v61, v8;
	vm13 =	vlt.s32 v5, $0x100  }
0x410: {  	v6 =	vor.u32 v59, v6;
	v7 =	vor.u32 v15, v7;
	v5 =	vnsel vm13, $0x100, v5  }
0x411: {  	vm14 =	vlt.s32 v8, $0x100;
	v62 =	vadd.s32 v1, v5;
	v5 =	vsub.f32 v9, v3  }
0x412: {  	vm15 =	vlt.s32 v6, $0x100;
	vm2 =	vlt.s32 v7, $0x100;
	v9 =	vsub.f32 v11, v3  }
0x413: {  	v6 =	vnsel vm15, $0x100, v6;
	v10 =	vsub.f32 v10, v3;
	v5 =	vmul.f32 v5, v4  }
0x414: {  	v11 =	vnsel vm14, $0x100, v8;
	v8 =	vsub.f32 v60, v3;
	v63 =	vmul.f32 v9, v4  }
0x415: {  	v7 =	vnsel vm2, $0x100, v7;
	v10 =	vmul.f32 v10, v4;
	v5 =	vtrunc.f32 v5  }
0x416: {  	v6 =	vadd.s32 v1, v6;
	v9 =	vmul.f32 v8, v4;
	v8 =	vcvt.f32.s32 v5  }
0x417: {  	s22 =	simm.s32 $0x40;
	s23 =	simm.s32 $0xA0;
	v5 =	vadd.s32 v1, v11;
	[tilespmem:v62+s13+$0x0] =	vst.idx.add.f32.msk $0xffff, v2;
	v11 =	vtrunc.f32 v63;
	v10 =	vtrunc.f32 v10  }
.LBB2_36:
0x418: {  	v12 =	vld [tilespmem:s23+$0x10];
	s22 =	sadd.s32 $0x40, s22;
	v9 =	vtrunc.f32 v9;
	v11 =	vcvt.f32.s32 v11;
	v13 =	vshra.s32 v8, $0x1F  }
0x419: {  	v10 =	vcvt.f32.s32 v10;
	v14 =	vld [tilespmem:s23+$0xFFFFFFF0];
	p0 =	slt.u32 s22, $0x3FC0;
	v9 =	vcvt.f32.s32 v9;
	v8 =	vor.u32 v13, v8  }
0x41a: {  	v7 =	vadd.s32 v1, v7;
	v13 =	vld [tilespmem:s23+$0x0];
	v15 =	vshra.s32 v11, $0x1F;
	vm0 =	vlt.s32 v8, $0x100  }
0x41b: {  	v18 =	vshra.s32 v10, $0x1F;
	v16 =	vld [tilespmem:s23+$0xFFFFFFE0];
	v17 =	vshra.s32 v9, $0x1F;
	v8 =	vnsel vm0, $0x100, v8  }
0x41c: {  	v11 =	vor.u32 v15, v11;
	v9 =	vor.u32 v17, v9;
	v8 =	vadd.s32 v1, v8  }
0x41d: {  	v10 =	vor.u32 v18, v10;
	v12 =	vsub.f32 v12, v3;
	vm0 =	vlt.s32 v9, $0x100;
	[tilespmem:v5+s13+$0x0] =	vst.idx.add.f32.msk $0xffff, v2  }
0x41e: {  	vm1 =	vlt.s32 v11, $0x100;
	vm2 =	vlt.s32 v10, $0x100;
	v5 =	vsub.f32 v14, v3;
	[tilespmem:v6+s13+$0x0] =	vst.idx.add.f32.msk $0xffff, v2  }
.Ltmp17:
0x41f: {  	v6 =	vsub.f32 v13, v3;
	v12 =	vmul.f32 v12, v4;
	v13 =	vnsel vm0, $0x100, v9;
	[tilespmem:v7+s13+$0x0] =	vst.idx.add.f32.msk $0xffff, v2;
	(pc) =	sbr.rel @p0 .LBB2_36-.Ltmp17, $4  }
0x420: {  	v15 =	vnsel vm1, $0x100, v11;
	v9 =	vsub.f32 v16, v3;
	v14 =	vmul.f32 v5, v4  }
0x421: {  	v7 =	vnsel vm2, $0x100, v10;
	v6 =	vmul.f32 v6, v4;
	v5 =	vtrunc.f32 v12;
	[tilespmem:v8+s13+$0x0] =	vst.idx.add.f32.msk $0xffff, v2  }
0x422: {  	v9 =	vmul.f32 v9, v4;
	v8 =	vcvt.f32.s32 v5;
	v5 =	vadd.s32 v1, v13  }
0x423: {  	s23 =	sadd.s32 $0x40, s23;
	v11 =	vtrunc.f32 v14;
	v10 =	vtrunc.f32 v6;
	v6 =	vadd.s32 v1, v15  }
0x424: {  	v9 =	vtrunc.f32 v9  }
0x425: {  	v11 =	vcvt.f32.s32 v11;
	v12 =	vshra.s32 v8, $0x1F;
	v10 =	vcvt.f32.s32 v10  }
0x426: {  	v7 =	vadd.s32 v1, v7;
	v9 =	vcvt.f32.s32 v9;
	v8 =	vor.u32 v12, v8  }
0x427: {  	v58 =	vshra.s32 v11, $0x1F;
	vm0 =	vlt.s32 v8, $0x100;
	v14 =	vshra.s32 v10, $0x1F  }
0x428: {  	v13 =	vshra.s32 v9, $0x1F;
	v8 =	vnsel vm0, $0x100, v8;
	v11 =	vor.u32 v58, v11  }
0x429: {  	v10 =	vor.u32 v14, v10;
	v9 =	vor.u32 v13, v9;
	vm1 =	vlt.s32 v11, $0x100  }
0x42a: {  	v8 =	vadd.s32 v1, v8;
	vm12 =	vlt.s32 v10, $0x100;
	v11 =	vnsel vm1, $0x100, v11  }
0x42b: {  	[tilespmem:v5+s13+$0x0] =	vst.idx.add.f32.msk $0xffff, v2;
	vm11 =	vlt.s32 v9, $0x100;
	v5 =	vnsel vm12, $0x100, v10;
	v10 =	vadd.s32 v1, v11  }
0x42c: {  	v9 =	vnsel vm11, $0x100, v9;
	v5 =	vadd.s32 v1, v5  }
0x42d: {  	[tilespmem:v6+s13+$0x0] =	vst.idx.add.f32.msk $0xffff, v2;
	v9 =	vadd.s32 v1, v9  }
0x42e: {  	[tilespmem:v7+s13+$0x0] =	vst.idx.add.f32.msk $0xffff, v2  }
0x42f: {  	[tilespmem:v8+s13+$0x0] =	vst.idx.add.f32.msk $0xffff, v2  }
0x430: {  	[tilespmem:v10+s13+$0x0] =	vst.idx.add.f32.msk $0xffff, v2  }
0x431: {  	[tilespmem:v5+s13+$0x0] =	vst.idx.add.f32.msk $0xffff, v2  }
0x432: {  	[tilespmem:v9+s13+$0x0] =	vst.idx.add.f32.msk $0xffff, v2  }
0x433: {  	_ =	swait.ge [sflag:s14], $0x4000  }
0x434: {  	s22 =	sld [smem:$0x7E9]  }
0x435: {  	[sflag:s14] =	ssyncset.done $0x0  }
0x436: {  	[sflag:s14] =	ssyncadd.s32 $0xFFFFC000  }
0x437: {  	[hbm4b:s22+s1] =	stream.linear.scatter [tilespmem:s9], [sflag:$0x6], $0x4000, $0x38;
	[tilespmem:$0x11200] =	vst v63  }
0x438: {  	_ =	swait.ge [sflag:s15], $0x4000  }
0x439: {  	s23 =	sld [smem:$0x7EE]  }
0x43a: {  	[sflag:s15] =	ssyncset.done $0x0  }
0x43b: {  	s24 =	simm.s32 $0x4020;
	[sflag:s15] =	ssyncadd.s32 $0xFFFFC000  }
0x43c: {  	[tilespmem:s1], [sflag:$0x1] =	stream.linear.gather [hbm4b:s23+s1], $0x4000, $0x38;
	[tilespmem:$0x11200] =	vst v63  }
0x43d: {  	v5 =	vld [tilespmem:s24+$0x10]  }
0x43e: {  	v6 =	vld [tilespmem:s24+$0xFFFFFFF0]  }
0x43f: {  	v7 =	vld [tilespmem:s24+$0x0]  }
0x440: {  	v8 =	vld [tilespmem:s24+$0xFFFFFFE0];
	_ =	sdelay $0x2  }
0x441: {  	v5 =	vsub.f32 v5, v3  }
0x442: {  	v6 =	vsub.f32 v6, v3;
	v7 =	vsub.f32 v7, v3  }
0x443: {  	v8 =	vsub.f32 v8, v3;
	v5 =	vmul.f32 v5, v4  }
0x444: {  	v6 =	vmul.f32 v6, v4;
	v7 =	vmul.f32 v7, v4  }
0x445: {  	v8 =	vmul.f32 v8, v4;
	v5 =	vtrunc.f32 v5  }
0x446: {  	v6 =	vtrunc.f32 v6;
	v7 =	vtrunc.f32 v7  }
0x447: {  	s25 =	simm.s32 $0x4060;
	v8 =	vtrunc.f32 v8;
	v5 =	vcvt.f32.s32 v5  }
0x448: {  	v9 =	vld [tilespmem:s25+$0x10];
	v6 =	vcvt.f32.s32 v6;
	v8 =	vcvt.f32.s32 v8  }
0x449: {  	v11 =	vld [tilespmem:s25+$0xFFFFFFF0];
	v7 =	vcvt.f32.s32 v7;
	v10 =	vshra.s32 v5, $0x1F  }
0x44a: {  	v59 =	vshra.s32 v6, $0x1F;
	v61 =	vshra.s32 v8, $0x1F;
	v5 =	vor.u32 v10, v5;
	v10 =	vld [tilespmem:s25+$0x0]  }
0x44b: {  	v60 =	vld [tilespmem:s25+$0xFFFFFFE0];
	v15 =	vshra.s32 v7, $0x1F;
	v8 =	vor.u32 v61, v8;
	vm13 =	vlt.s32 v5, $0x100  }
0x44c: {  	v6 =	vor.u32 v59, v6;
	v7 =	vor.u32 v15, v7;
	v5 =	vnsel vm13, $0x100, v5  }
0x44d: {  	vm14 =	vlt.s32 v8, $0x100;
	v62 =	vadd.s32 v1, v5;
	v5 =	vsub.f32 v9, v3  }
0x44e: {  	vm15 =	vlt.s32 v6, $0x100;
	vm2 =	vlt.s32 v7, $0x100;
	v9 =	vsub.f32 v11, v3  }
0x44f: {  	v6 =	vnsel vm15, $0x100, v6;
	v10 =	vsub.f32 v10, v3;
	v5 =	vmul.f32 v5, v4  }
0x450: {  	v11 =	vnsel vm14, $0x100, v8;
	v8 =	vsub.f32 v60, v3;
	v63 =	vmul.f32 v9, v4  }
0x451: {  	v7 =	vnsel vm2, $0x100, v7;
	v10 =	vmul.f32 v10, v4;
	v5 =	vtrunc.f32 v5  }
0x452: {  	v6 =	vadd.s32 v1, v6;
	v9 =	vmul.f32 v8, v4;
	v8 =	vcvt.f32.s32 v5  }
0x453: {  	s22 =	simm.s32 $0x40;
	s23 =	simm.s32 $0x40A0;
	v5 =	vadd.s32 v1, v11;
	[tilespmem:v62+s13+$0x0] =	vst.idx.add.f32.msk $0xffff, v2;
	v11 =	vtrunc.f32 v63;
	v10 =	vtrunc.f32 v10  }
.LBB2_38:
0x454: {  	v12 =	vld [tilespmem:s23+$0x10];
	s22 =	sadd.s32 $0x40, s22;
	v9 =	vtrunc.f32 v9;
	v11 =	vcvt.f32.s32 v11;
	v13 =	vshra.s32 v8, $0x1F  }
0x455: {  	v10 =	vcvt.f32.s32 v10;
	v14 =	vld [tilespmem:s23+$0xFFFFFFF0];
	p0 =	slt.u32 s22, $0x3FC0;
	v9 =	vcvt.f32.s32 v9;
	v8 =	vor.u32 v13, v8  }
0x456: {  	v7 =	vadd.s32 v1, v7;
	v13 =	vld [tilespmem:s23+$0x0];
	v15 =	vshra.s32 v11, $0x1F;
	vm0 =	vlt.s32 v8, $0x100  }
0x457: {  	v18 =	vshra.s32 v10, $0x1F;
	v16 =	vld [tilespmem:s23+$0xFFFFFFE0];
	v17 =	vshra.s32 v9, $0x1F;
	v8 =	vnsel vm0, $0x100, v8  }
0x458: {  	v11 =	vor.u32 v15, v11;
	v9 =	vor.u32 v17, v9;
	v8 =	vadd.s32 v1, v8  }
0x459: {  	v10 =	vor.u32 v18, v10;
	v12 =	vsub.f32 v12, v3;
	vm0 =	vlt.s32 v9, $0x100;
	[tilespmem:v5+s13+$0x0] =	vst.idx.add.f32.msk $0xffff, v2  }
0x45a: {  	vm1 =	vlt.s32 v11, $0x100;
	vm2 =	vlt.s32 v10, $0x100;
	v5 =	vsub.f32 v14, v3;
	[tilespmem:v6+s13+$0x0] =	vst.idx.add.f32.msk $0xffff, v2  }
.Ltmp18:
0x45b: {  	v6 =	vsub.f32 v13, v3;
	v12 =	vmul.f32 v12, v4;
	v13 =	vnsel vm0, $0x100, v9;
	[tilespmem:v7+s13+$0x0] =	vst.idx.add.f32.msk $0xffff, v2;
	(pc) =	sbr.rel @p0 .LBB2_38-.Ltmp18, $4  }
0x45c: {  	v15 =	vnsel vm1, $0x100, v11;
	v9 =	vsub.f32 v16, v3;
	v14 =	vmul.f32 v5, v4  }
0x45d: {  	v7 =	vnsel vm2, $0x100, v10;
	v6 =	vmul.f32 v6, v4;
	v5 =	vtrunc.f32 v12;
	[tilespmem:v8+s13+$0x0] =	vst.idx.add.f32.msk $0xffff, v2  }
0x45e: {  	v9 =	vmul.f32 v9, v4;
	v8 =	vcvt.f32.s32 v5;
	v5 =	vadd.s32 v1, v13  }
0x45f: {  	s23 =	sadd.s32 $0x40, s23;
	v11 =	vtrunc.f32 v14;
	v10 =	vtrunc.f32 v6;
	v6 =	vadd.s32 v1, v15  }
0x460: {  	v9 =	vtrunc.f32 v9  }
0x461: {  	v11 =	vcvt.f32.s32 v11;
	v12 =	vshra.s32 v8, $0x1F;
	v10 =	vcvt.f32.s32 v10  }
0x462: {  	v7 =	vadd.s32 v1, v7;
	v9 =	vcvt.f32.s32 v9;
	v8 =	vor.u32 v12, v8  }
0x463: {  	v58 =	vshra.s32 v11, $0x1F;
	vm0 =	vlt.s32 v8, $0x100;
	v14 =	vshra.s32 v10, $0x1F  }
0x464: {  	v13 =	vshra.s32 v9, $0x1F;
	v8 =	vnsel vm0, $0x100, v8;
	v11 =	vor.u32 v58, v11  }
0x465: {  	v10 =	vor.u32 v14, v10;
	v9 =	vor.u32 v13, v9;
	vm1 =	vlt.s32 v11, $0x100  }
0x466: {  	v8 =	vadd.s32 v1, v8;
	vm12 =	vlt.s32 v10, $0x100;
	v11 =	vnsel vm1, $0x100, v11  }
0x467: {  	[tilespmem:v5+s13+$0x0] =	vst.idx.add.f32.msk $0xffff, v2;
	vm11 =	vlt.s32 v9, $0x100;
	v5 =	vnsel vm12, $0x100, v10;
	v10 =	vadd.s32 v1, v11  }
0x468: {  	v9 =	vnsel vm11, $0x100, v9;
	v5 =	vadd.s32 v1, v5  }
0x469: {  	[tilespmem:v6+s13+$0x0] =	vst.idx.add.f32.msk $0xffff, v2;
	v9 =	vadd.s32 v1, v9  }
0x46a: {  	[tilespmem:v7+s13+$0x0] =	vst.idx.add.f32.msk $0xffff, v2  }
0x46b: {  	[tilespmem:v8+s13+$0x0] =	vst.idx.add.f32.msk $0xffff, v2  }
0x46c: {  	[tilespmem:v10+s13+$0x0] =	vst.idx.add.f32.msk $0xffff, v2  }
0x46d: {  	[tilespmem:v5+s13+$0x0] =	vst.idx.add.f32.msk $0xffff, v2  }
0x46e: {  	[tilespmem:v9+s13+$0x0] =	vst.idx.add.f32.msk $0xffff, v2  }
0x46f: {  	_ =	swait.ge [sflag:s16], $0x4000  }
0x470: {  	s22 =	sld [smem:$0x7EB]  }
0x471: {  	[sflag:s16] =	ssyncset.done $0x0  }
0x472: {  	[sflag:s16] =	ssyncadd.s32 $0xFFFFC000  }
0x473: {  	[hbm4b:s22+s1] =	stream.linear.scatter [tilespmem:s10], [sflag:$0x7], $0x4000, $0x38;
	[tilespmem:$0x11200] =	vst v63  }
0x474: {  	_ =	swait.ge [sflag:s17], $0x4000  }
0x475: {  	s23 =	sld [smem:$0x7F0]  }
0x476: {  	[sflag:s17] =	ssyncset.done $0x0  }
0x477: {  	s24 =	simm.s32 $0x8020;
	[sflag:s17] =	ssyncadd.s32 $0xFFFFC000  }
0x478: {  	[tilespmem:s9], [sflag:$0x2] =	stream.linear.gather [hbm4b:s23+s1], $0x4000, $0x38;
	[tilespmem:$0x11200] =	vst v63  }
0x479: {  	v5 =	vld [tilespmem:s24+$0x10]  }
0x47a: {  	v6 =	vld [tilespmem:s24+$0xFFFFFFF0]  }
0x47b: {  	v7 =	vld [tilespmem:s24+$0x0]  }
0x47c: {  	v8 =	vld [tilespmem:s24+$0xFFFFFFE0];
	_ =	sdelay $0x2  }
0x47d: {  	v5 =	vsub.f32 v5, v3  }
0x47e: {  	v6 =	vsub.f32 v6, v3;
	v7 =	vsub.f32 v7, v3  }
0x47f: {  	v8 =	vsub.f32 v8, v3;
	v5 =	vmul.f32 v5, v4  }
0x480: {  	v6 =	vmul.f32 v6, v4;
	v7 =	vmul.f32 v7, v4  }
0x481: {  	v8 =	vmul.f32 v8, v4;
	v5 =	vtrunc.f32 v5  }
0x482: {  	v6 =	vtrunc.f32 v6;
	v7 =	vtrunc.f32 v7  }
0x483: {  	s25 =	simm.s32 $0x8060;
	v8 =	vtrunc.f32 v8;
	v5 =	vcvt.f32.s32 v5  }
0x484: {  	v9 =	vld [tilespmem:s25+$0x10];
	v6 =	vcvt.f32.s32 v6;
	v8 =	vcvt.f32.s32 v8  }
0x485: {  	v11 =	vld [tilespmem:s25+$0xFFFFFFF0];
	v7 =	vcvt.f32.s32 v7;
	v10 =	vshra.s32 v5, $0x1F  }
0x486: {  	v59 =	vshra.s32 v6, $0x1F;
	v61 =	vshra.s32 v8, $0x1F;
	v5 =	vor.u32 v10, v5;
	v10 =	vld [tilespmem:s25+$0x0]  }
0x487: {  	v60 =	vld [tilespmem:s25+$0xFFFFFFE0];
	v15 =	vshra.s32 v7, $0x1F;
	v8 =	vor.u32 v61, v8;
	vm13 =	vlt.s32 v5, $0x100  }
0x488: {  	v6 =	vor.u32 v59, v6;
	v7 =	vor.u32 v15, v7;
	v5 =	vnsel vm13, $0x100, v5  }
0x489: {  	vm14 =	vlt.s32 v8, $0x100;
	v62 =	vadd.s32 v1, v5;
	v5 =	vsub.f32 v9, v3  }
0x48a: {  	vm15 =	vlt.s32 v6, $0x100;
	vm2 =	vlt.s32 v7, $0x100;
	v9 =	vsub.f32 v11, v3  }
0x48b: {  	v6 =	vnsel vm15, $0x100, v6;
	v10 =	vsub.f32 v10, v3;
	v5 =	vmul.f32 v5, v4  }
0x48c: {  	v11 =	vnsel vm14, $0x100, v8;
	v8 =	vsub.f32 v60, v3;
	v63 =	vmul.f32 v9, v4  }
0x48d: {  	v7 =	vnsel vm2, $0x100, v7;
	v10 =	vmul.f32 v10, v4;
	v5 =	vtrunc.f32 v5  }
0x48e: {  	v6 =	vadd.s32 v1, v6;
	v9 =	vmul.f32 v8, v4;
	v8 =	vcvt.f32.s32 v5  }
0x48f: {  	s22 =	simm.s32 $0x40;
	s23 =	simm.s32 $0x80A0;
	v5 =	vadd.s32 v1, v11;
	[tilespmem:v62+s13+$0x0] =	vst.idx.add.f32.msk $0xffff, v2;
	v11 =	vtrunc.f32 v63;
	v10 =	vtrunc.f32 v10  }
.LBB2_40:
0x490: {  	v12 =	vld [tilespmem:s23+$0x10];
	s22 =	sadd.s32 $0x40, s22;
	v9 =	vtrunc.f32 v9;
	v11 =	vcvt.f32.s32 v11;
	v13 =	vshra.s32 v8, $0x1F  }
0x491: {  	v10 =	vcvt.f32.s32 v10;
	v14 =	vld [tilespmem:s23+$0xFFFFFFF0];
	p0 =	slt.u32 s22, $0x3FC0;
	v9 =	vcvt.f32.s32 v9;
	v8 =	vor.u32 v13, v8  }
0x492: {  	v7 =	vadd.s32 v1, v7;
	v13 =	vld [tilespmem:s23+$0x0];
	v15 =	vshra.s32 v11, $0x1F;
	vm0 =	vlt.s32 v8, $0x100  }
0x493: {  	v18 =	vshra.s32 v10, $0x1F;
	v16 =	vld [tilespmem:s23+$0xFFFFFFE0];
	v17 =	vshra.s32 v9, $0x1F;
	v8 =	vnsel vm0, $0x100, v8  }
0x494: {  	v11 =	vor.u32 v15, v11;
	v9 =	vor.u32 v17, v9;
	v8 =	vadd.s32 v1, v8  }
0x495: {  	v10 =	vor.u32 v18, v10;
	v12 =	vsub.f32 v12, v3;
	vm0 =	vlt.s32 v9, $0x100;
	[tilespmem:v5+s13+$0x0] =	vst.idx.add.f32.msk $0xffff, v2  }
0x496: {  	vm1 =	vlt.s32 v11, $0x100;
	vm2 =	vlt.s32 v10, $0x100;
	v5 =	vsub.f32 v14, v3;
	[tilespmem:v6+s13+$0x0] =	vst.idx.add.f32.msk $0xffff, v2  }
.Ltmp19:
0x497: {  	v6 =	vsub.f32 v13, v3;
	v12 =	vmul.f32 v12, v4;
	v13 =	vnsel vm0, $0x100, v9;
	[tilespmem:v7+s13+$0x0] =	vst.idx.add.f32.msk $0xffff, v2;
	(pc) =	sbr.rel @p0 .LBB2_40-.Ltmp19, $4  }
0x498: {  	v15 =	vnsel vm1, $0x100, v11;
	v9 =	vsub.f32 v16, v3;
	v14 =	vmul.f32 v5, v4  }
0x499: {  	v7 =	vnsel vm2, $0x100, v10;
	v6 =	vmul.f32 v6, v4;
	v5 =	vtrunc.f32 v12;
	[tilespmem:v8+s13+$0x0] =	vst.idx.add.f32.msk $0xffff, v2  }
0x49a: {  	v9 =	vmul.f32 v9, v4;
	v8 =	vcvt.f32.s32 v5;
	v5 =	vadd.s32 v1, v13  }
0x49b: {  	s23 =	sadd.s32 $0x40, s23;
	v11 =	vtrunc.f32 v14;
	v10 =	vtrunc.f32 v6;
	v6 =	vadd.s32 v1, v15  }
0x49c: {  	v9 =	vtrunc.f32 v9  }
0x49d: {  	v11 =	vcvt.f32.s32 v11;
	v12 =	vshra.s32 v8, $0x1F;
	v10 =	vcvt.f32.s32 v10  }
0x49e: {  	v7 =	vadd.s32 v1, v7;
	v9 =	vcvt.f32.s32 v9;
	v8 =	vor.u32 v12, v8  }
0x49f: {  	v58 =	vshra.s32 v11, $0x1F;
	vm0 =	vlt.s32 v8, $0x100;
	v14 =	vshra.s32 v10, $0x1F  }
0x4a0: {  	v13 =	vshra.s32 v9, $0x1F;
	v8 =	vnsel vm0, $0x100, v8;
	v11 =	vor.u32 v58, v11  }
0x4a1: {  	v10 =	vor.u32 v14, v10;
	v9 =	vor.u32 v13, v9;
	vm1 =	vlt.s32 v11, $0x100  }
0x4a2: {  	v8 =	vadd.s32 v1, v8;
	vm12 =	vlt.s32 v10, $0x100;
	v11 =	vnsel vm1, $0x100, v11  }
0x4a3: {  	[tilespmem:v5+s13+$0x0] =	vst.idx.add.f32.msk $0xffff, v2;
	vm11 =	vlt.s32 v9, $0x100;
	v5 =	vnsel vm12, $0x100, v10;
	v10 =	vadd.s32 v1, v11  }
0x4a4: {  	v9 =	vnsel vm11, $0x100, v9;
	v5 =	vadd.s32 v1, v5  }
0x4a5: {  	[tilespmem:v6+s13+$0x0] =	vst.idx.add.f32.msk $0xffff, v2;
	v9 =	vadd.s32 v1, v9  }
0x4a6: {  	[tilespmem:v7+s13+$0x0] =	vst.idx.add.f32.msk $0xffff, v2  }
0x4a7: {  	[tilespmem:v8+s13+$0x0] =	vst.idx.add.f32.msk $0xffff, v2  }
0x4a8: {  	[tilespmem:v10+s13+$0x0] =	vst.idx.add.f32.msk $0xffff, v2  }
0x4a9: {  	[tilespmem:v5+s13+$0x0] =	vst.idx.add.f32.msk $0xffff, v2  }
0x4aa: {  	[tilespmem:v9+s13+$0x0] =	vst.idx.add.f32.msk $0xffff, v2  }
0x4ab: {  	_ =	swait.ge [sflag:s18], $0x4000  }
0x4ac: {  	s22 =	sld [smem:$0x7ED]  }
0x4ad: {  	[sflag:s18] =	ssyncset.done $0x0  }
0x4ae: {  	[sflag:s18] =	ssyncadd.s32 $0xFFFFC000  }
0x4af: {  	[hbm4b:s22+s1] =	stream.linear.scatter [tilespmem:s12], [sflag:$0x8], $0x4000, $0x38;
	[tilespmem:$0x11200] =	vst v63  }
0x4b0: {  	_ =	swait.ge [sflag:s19], $0x4000  }
0x4b1: {  	s23 =	sld [smem:$0x7F2]  }
0x4b2: {  	[sflag:s19] =	ssyncset.done $0x0  }
0x4b3: {  	s24 =	simm.s32 $0xC020;
	[sflag:s19] =	ssyncadd.s32 $0xFFFFC000  }
0x4b4: {  	[tilespmem:s10], [sflag:$0x3] =	stream.linear.gather [hbm4b:s23+s1], $0x4000, $0x38;
	[tilespmem:$0x11200] =	vst v63  }
0x4b5: {  	v5 =	vld [tilespmem:s24+$0x10]  }
0x4b6: {  	v6 =	vld [tilespmem:s24+$0xFFFFFFF0]  }
0x4b7: {  	v7 =	vld [tilespmem:s24+$0x0]  }
0x4b8: {  	v8 =	vld [tilespmem:s24+$0xFFFFFFE0];
	_ =	sdelay $0x2  }
0x4b9: {  	v5 =	vsub.f32 v5, v3  }
0x4ba: {  	v6 =	vsub.f32 v6, v3;
	v7 =	vsub.f32 v7, v3  }
0x4bb: {  	v8 =	vsub.f32 v8, v3;
	v5 =	vmul.f32 v5, v4  }
0x4bc: {  	v6 =	vmul.f32 v6, v4;
	v7 =	vmul.f32 v7, v4  }
0x4bd: {  	v8 =	vmul.f32 v8, v4;
	v5 =	vtrunc.f32 v5  }
0x4be: {  	v6 =	vtrunc.f32 v6;
	v7 =	vtrunc.f32 v7  }
0x4bf: {  	s25 =	simm.s32 $0xC060;
	v8 =	vtrunc.f32 v8;
	v5 =	vcvt.f32.s32 v5  }
0x4c0: {  	v9 =	vld [tilespmem:s25+$0x10];
	v6 =	vcvt.f32.s32 v6;
	v8 =	vcvt.f32.s32 v8  }
0x4c1: {  	v11 =	vld [tilespmem:s25+$0xFFFFFFF0];
	v7 =	vcvt.f32.s32 v7;
	v10 =	vshra.s32 v5, $0x1F  }
0x4c2: {  	v59 =	vshra.s32 v6, $0x1F;
	v61 =	vshra.s32 v8, $0x1F;
	v5 =	vor.u32 v10, v5;
	v10 =	vld [tilespmem:s25+$0x0]  }
0x4c3: {  	v60 =	vld [tilespmem:s25+$0xFFFFFFE0];
	v15 =	vshra.s32 v7, $0x1F;
	v8 =	vor.u32 v61, v8;
	vm13 =	vlt.s32 v5, $0x100  }
0x4c4: {  	v6 =	vor.u32 v59, v6;
	v7 =	vor.u32 v15, v7;
	v5 =	vnsel vm13, $0x100, v5  }
0x4c5: {  	vm14 =	vlt.s32 v8, $0x100;
	v62 =	vadd.s32 v1, v5;
	v5 =	vsub.f32 v9, v3  }
0x4c6: {  	vm15 =	vlt.s32 v6, $0x100;
	vm2 =	vlt.s32 v7, $0x100;
	v9 =	vsub.f32 v11, v3  }
0x4c7: {  	v6 =	vnsel vm15, $0x100, v6;
	v10 =	vsub.f32 v10, v3;
	v5 =	vmul.f32 v5, v4  }
0x4c8: {  	v11 =	vnsel vm14, $0x100, v8;
	v8 =	vsub.f32 v60, v3;
	v63 =	vmul.f32 v9, v4  }
0x4c9: {  	v7 =	vnsel vm2, $0x100, v7;
	v10 =	vmul.f32 v10, v4;
	v5 =	vtrunc.f32 v5  }
0x4ca: {  	v6 =	vadd.s32 v1, v6;
	v9 =	vmul.f32 v8, v4;
	v8 =	vcvt.f32.s32 v5  }
0x4cb: {  	s22 =	simm.s32 $0x40;
	s23 =	simm.s32 $0xC0A0;
	v5 =	vadd.s32 v1, v11;
	[tilespmem:v62+s13+$0x0] =	vst.idx.add.f32.msk $0xffff, v2;
	v11 =	vtrunc.f32 v63;
	v10 =	vtrunc.f32 v10  }
.LBB2_42:
0x4cc: {  	v12 =	vld [tilespmem:s23+$0x10];
	s22 =	sadd.s32 $0x40, s22;
	v9 =	vtrunc.f32 v9;
	v11 =	vcvt.f32.s32 v11;
	v13 =	vshra.s32 v8, $0x1F  }
0x4cd: {  	v10 =	vcvt.f32.s32 v10;
	v14 =	vld [tilespmem:s23+$0xFFFFFFF0];
	p0 =	slt.u32 s22, $0x3FC0;
	v9 =	vcvt.f32.s32 v9;
	v8 =	vor.u32 v13, v8  }
0x4ce: {  	v7 =	vadd.s32 v1, v7;
	v13 =	vld [tilespmem:s23+$0x0];
	v15 =	vshra.s32 v11, $0x1F;
	vm0 =	vlt.s32 v8, $0x100  }
0x4cf: {  	v18 =	vshra.s32 v10, $0x1F;
	v16 =	vld [tilespmem:s23+$0xFFFFFFE0];
	v17 =	vshra.s32 v9, $0x1F;
	v8 =	vnsel vm0, $0x100, v8  }
0x4d0: {  	v11 =	vor.u32 v15, v11;
	v9 =	vor.u32 v17, v9;
	v8 =	vadd.s32 v1, v8  }
0x4d1: {  	v10 =	vor.u32 v18, v10;
	v12 =	vsub.f32 v12, v3;
	vm0 =	vlt.s32 v9, $0x100;
	[tilespmem:v5+s13+$0x0] =	vst.idx.add.f32.msk $0xffff, v2  }
0x4d2: {  	vm1 =	vlt.s32 v11, $0x100;
	vm2 =	vlt.s32 v10, $0x100;
	v5 =	vsub.f32 v14, v3;
	[tilespmem:v6+s13+$0x0] =	vst.idx.add.f32.msk $0xffff, v2  }
.Ltmp20:
0x4d3: {  	v6 =	vsub.f32 v13, v3;
	v12 =	vmul.f32 v12, v4;
	v13 =	vnsel vm0, $0x100, v9;
	[tilespmem:v7+s13+$0x0] =	vst.idx.add.f32.msk $0xffff, v2;
	(pc) =	sbr.rel @p0 .LBB2_42-.Ltmp20, $4  }
0x4d4: {  	v15 =	vnsel vm1, $0x100, v11;
	v9 =	vsub.f32 v16, v3;
	v14 =	vmul.f32 v5, v4  }
0x4d5: {  	v7 =	vnsel vm2, $0x100, v10;
	v6 =	vmul.f32 v6, v4;
	v5 =	vtrunc.f32 v12;
	[tilespmem:v8+s13+$0x0] =	vst.idx.add.f32.msk $0xffff, v2  }
0x4d6: {  	v9 =	vmul.f32 v9, v4;
	v8 =	vcvt.f32.s32 v5;
	v5 =	vadd.s32 v1, v13  }
0x4d7: {  	s23 =	sadd.s32 $0x40, s23;
	v11 =	vtrunc.f32 v14;
	v10 =	vtrunc.f32 v6;
	v6 =	vadd.s32 v1, v15  }
0x4d8: {  	v9 =	vtrunc.f32 v9  }
0x4d9: {  	v11 =	vcvt.f32.s32 v11;
	v12 =	vshra.s32 v8, $0x1F;
	v10 =	vcvt.f32.s32 v10  }
0x4da: {  	v7 =	vadd.s32 v1, v7;
	v9 =	vcvt.f32.s32 v9;
	v8 =	vor.u32 v12, v8  }
0x4db: {  	v58 =	vshra.s32 v11, $0x1F;
	vm0 =	vlt.s32 v8, $0x100;
	v14 =	vshra.s32 v10, $0x1F  }
0x4dc: {  	v13 =	vshra.s32 v9, $0x1F;
	v8 =	vnsel vm0, $0x100, v8;
	v11 =	vor.u32 v58, v11  }
0x4dd: {  	v10 =	vor.u32 v14, v10;
	v9 =	vor.u32 v13, v9;
	vm1 =	vlt.s32 v11, $0x100  }
0x4de: {  	v8 =	vadd.s32 v1, v8;
	vm12 =	vlt.s32 v10, $0x100;
	v11 =	vnsel vm1, $0x100, v11  }
0x4df: {  	[tilespmem:v5+s13+$0x0] =	vst.idx.add.f32.msk $0xffff, v2;
	vm11 =	vlt.s32 v9, $0x100;
	v5 =	vnsel vm12, $0x100, v10;
	v10 =	vadd.s32 v1, v11  }
0x4e0: {  	v9 =	vnsel vm11, $0x100, v9;
	v5 =	vadd.s32 v1, v5  }
0x4e1: {  	[tilespmem:v6+s13+$0x0] =	vst.idx.add.f32.msk $0xffff, v2;
	v9 =	vadd.s32 v1, v9  }
0x4e2: {  	[tilespmem:v7+s13+$0x0] =	vst.idx.add.f32.msk $0xffff, v2  }
0x4e3: {  	[tilespmem:v8+s13+$0x0] =	vst.idx.add.f32.msk $0xffff, v2  }
0x4e4: {  	[tilespmem:v10+s13+$0x0] =	vst.idx.add.f32.msk $0xffff, v2  }
0x4e5: {  	[tilespmem:v5+s13+$0x0] =	vst.idx.add.f32.msk $0xffff, v2  }
0x4e6: {  	[tilespmem:v9+s13+$0x0] =	vst.idx.add.f32.msk $0xffff, v2  }
0x4e7: {  	_ =	swait.ge [sflag:s11], $0x4000  }
0x4e8: {  	s22 =	sld [smem:$0x7EF]  }
0x4e9: {  	[sflag:s11] =	ssyncset.done $0x0  }
0x4ea: {  	[sflag:s11] =	ssyncadd.s32 $0xFFFFC000  }
0x4eb: {  	[hbm4b:s22+s1] =	stream.linear.scatter [tilespmem:s1], [sflag:$0x5], $0x4000, $0x38;
	[tilespmem:$0x11200] =	vst v63  }
0x4ec: {  	_ =	swait.ge [sflag:s20], $0x4000  }
0x4ed: {  	s23 =	sld [smem:$0x7F4]  }
0x4ee: {  	[sflag:s20] =	ssyncset.done $0x0  }
0x4ef: {  	s24 =	simm.s32 $0x20;
	[sflag:s20] =	ssyncadd.s32 $0xFFFFC000  }
0x4f0: {  	[tilespmem:s12], [sflag:$0x4] =	stream.linear.gather [hbm4b:s23+s1], $0x4000, $0x38;
	[tilespmem:$0x11200] =	vst v63  }
0x4f1: {  	v5 =	vld [tilespmem:s24+$0x10]  }
0x4f2: {  	v6 =	vld [tilespmem:s24+$0xFFFFFFF0]  }
0x4f3: {  	v7 =	vld [tilespmem:s24+$0x0]  }
0x4f4: {  	v8 =	vld [tilespmem:s24+$0xFFFFFFE0];
	_ =	sdelay $0x2  }
0x4f5: {  	v5 =	vsub.f32 v5, v3  }
0x4f6: {  	v6 =	vsub.f32 v6, v3;
	v7 =	vsub.f32 v7, v3  }
0x4f7: {  	v8 =	vsub.f32 v8, v3;
	v5 =	vmul.f32 v5, v4  }
0x4f8: {  	v6 =	vmul.f32 v6, v4;
	v7 =	vmul.f32 v7, v4  }
0x4f9: {  	v8 =	vmul.f32 v8, v4;
	v5 =	vtrunc.f32 v5  }
0x4fa: {  	v6 =	vtrunc.f32 v6;
	v7 =	vtrunc.f32 v7  }
0x4fb: {  	s25 =	simm.s32 $0x60;
	v8 =	vtrunc.f32 v8;
	v5 =	vcvt.f32.s32 v5  }
0x4fc: {  	v9 =	vld [tilespmem:s25+$0x10];
	v6 =	vcvt.f32.s32 v6;
	v8 =	vcvt.f32.s32 v8  }
0x4fd: {  	v11 =	vld [tilespmem:s25+$0xFFFFFFF0];
	v7 =	vcvt.f32.s32 v7;
	v10 =	vshra.s32 v5, $0x1F  }
0x4fe: {  	v59 =	vshra.s32 v6, $0x1F;
	v61 =	vshra.s32 v8, $0x1F;
	v5 =	vor.u32 v10, v5;
	v10 =	vld [tilespmem:s25+$0x0]  }
0x4ff: {  	v60 =	vld [tilespmem:s25+$0xFFFFFFE0];
	v15 =	vshra.s32 v7, $0x1F;
	v8 =	vor.u32 v61, v8;
	vm13 =	vlt.s32 v5, $0x100  }
0x500: {  	v6 =	vor.u32 v59, v6;
	v7 =	vor.u32 v15, v7;
	v5 =	vnsel vm13, $0x100, v5  }
0x501: {  	vm14 =	vlt.s32 v8, $0x100;
	v62 =	vadd.s32 v1, v5;
	v5 =	vsub.f32 v9, v3  }
0x502: {  	vm15 =	vlt.s32 v6, $0x100;
	vm2 =	vlt.s32 v7, $0x100;
	v9 =	vsub.f32 v11, v3  }
0x503: {  	v6 =	vnsel vm15, $0x100, v6;
	v10 =	vsub.f32 v10, v3;
	v5 =	vmul.f32 v5, v4  }
0x504: {  	v11 =	vnsel vm14, $0x100, v8;
	v8 =	vsub.f32 v60, v3;
	v63 =	vmul.f32 v9, v4  }
0x505: {  	v7 =	vnsel vm2, $0x100, v7;
	v10 =	vmul.f32 v10, v4;
	v5 =	vtrunc.f32 v5  }
0x506: {  	v6 =	vadd.s32 v1, v6;
	v9 =	vmul.f32 v8, v4;
	v8 =	vcvt.f32.s32 v5  }
0x507: {  	s22 =	simm.s32 $0x40;
	s23 =	simm.s32 $0xA0;
	v5 =	vadd.s32 v1, v11;
	[tilespmem:v62+s13+$0x0] =	vst.idx.add.f32.msk $0xffff, v2;
	v11 =	vtrunc.f32 v63;
	v10 =	vtrunc.f32 v10  }
.LBB2_44:
0x508: {  	v12 =	vld [tilespmem:s23+$0x10];
	s22 =	sadd.s32 $0x40, s22;
	v9 =	vtrunc.f32 v9;
	v11 =	vcvt.f32.s32 v11;
	v13 =	vshra.s32 v8, $0x1F  }
0x509: {  	v10 =	vcvt.f32.s32 v10;
	v14 =	vld [tilespmem:s23+$0xFFFFFFF0];
	p0 =	slt.u32 s22, $0x3FC0;
	v9 =	vcvt.f32.s32 v9;
	v8 =	vor.u32 v13, v8  }
0x50a: {  	v7 =	vadd.s32 v1, v7;
	v13 =	vld [tilespmem:s23+$0x0];
	v15 =	vshra.s32 v11, $0x1F;
	vm0 =	vlt.s32 v8, $0x100  }
0x50b: {  	v18 =	vshra.s32 v10, $0x1F;
	v16 =	vld [tilespmem:s23+$0xFFFFFFE0];
	v17 =	vshra.s32 v9, $0x1F;
	v8 =	vnsel vm0, $0x100, v8  }
0x50c: {  	v11 =	vor.u32 v15, v11;
	v9 =	vor.u32 v17, v9;
	v8 =	vadd.s32 v1, v8  }
0x50d: {  	v10 =	vor.u32 v18, v10;
	v12 =	vsub.f32 v12, v3;
	vm0 =	vlt.s32 v9, $0x100;
	[tilespmem:v5+s13+$0x0] =	vst.idx.add.f32.msk $0xffff, v2  }
0x50e: {  	vm1 =	vlt.s32 v11, $0x100;
	vm2 =	vlt.s32 v10, $0x100;
	v5 =	vsub.f32 v14, v3;
	[tilespmem:v6+s13+$0x0] =	vst.idx.add.f32.msk $0xffff, v2  }
.Ltmp21:
0x50f: {  	v6 =	vsub.f32 v13, v3;
	v12 =	vmul.f32 v12, v4;
	v13 =	vnsel vm0, $0x100, v9;
	[tilespmem:v7+s13+$0x0] =	vst.idx.add.f32.msk $0xffff, v2;
	(pc) =	sbr.rel @p0 .LBB2_44-.Ltmp21, $4  }
0x510: {  	v15 =	vnsel vm1, $0x100, v11;
	v9 =	vsub.f32 v16, v3;
	v14 =	vmul.f32 v5, v4  }
0x511: {  	v7 =	vnsel vm2, $0x100, v10;
	v6 =	vmul.f32 v6, v4;
	v5 =	vtrunc.f32 v12;
	[tilespmem:v8+s13+$0x0] =	vst.idx.add.f32.msk $0xffff, v2  }
0x512: {  	v9 =	vmul.f32 v9, v4;
	v8 =	vcvt.f32.s32 v5;
	v5 =	vadd.s32 v1, v13  }
0x513: {  	s23 =	sadd.s32 $0x40, s23;
	v11 =	vtrunc.f32 v14;
	v10 =	vtrunc.f32 v6;
	v6 =	vadd.s32 v1, v15  }
0x514: {  	v9 =	vtrunc.f32 v9  }
0x515: {  	v11 =	vcvt.f32.s32 v11;
	v12 =	vshra.s32 v8, $0x1F;
	v10 =	vcvt.f32.s32 v10  }
0x516: {  	v7 =	vadd.s32 v1, v7;
	v9 =	vcvt.f32.s32 v9;
	v8 =	vor.u32 v12, v8  }
0x517: {  	v58 =	vshra.s32 v11, $0x1F;
	vm0 =	vlt.s32 v8, $0x100;
	v14 =	vshra.s32 v10, $0x1F  }
0x518: {  	v13 =	vshra.s32 v9, $0x1F;
	v8 =	vnsel vm0, $0x100, v8;
	v11 =	vor.u32 v58, v11  }
0x519: {  	v10 =	vor.u32 v14, v10;
	v9 =	vor.u32 v13, v9;
	vm1 =	vlt.s32 v11, $0x100  }
0x51a: {  	v8 =	vadd.s32 v1, v8;
	vm12 =	vlt.s32 v10, $0x100;
	v11 =	vnsel vm1, $0x100, v11  }
0x51b: {  	[tilespmem:v5+s13+$0x0] =	vst.idx.add.f32.msk $0xffff, v2;
	vm11 =	vlt.s32 v9, $0x100;
	v5 =	vnsel vm12, $0x100, v10;
	v10 =	vadd.s32 v1, v11  }
0x51c: {  	v9 =	vnsel vm11, $0x100, v9;
	v5 =	vadd.s32 v1, v5  }
0x51d: {  	[tilespmem:v6+s13+$0x0] =	vst.idx.add.f32.msk $0xffff, v2;
	v9 =	vadd.s32 v1, v9  }
0x51e: {  	[tilespmem:v7+s13+$0x0] =	vst.idx.add.f32.msk $0xffff, v2  }
0x51f: {  	[tilespmem:v8+s13+$0x0] =	vst.idx.add.f32.msk $0xffff, v2  }
0x520: {  	[tilespmem:v10+s13+$0x0] =	vst.idx.add.f32.msk $0xffff, v2  }
0x521: {  	[tilespmem:v5+s13+$0x0] =	vst.idx.add.f32.msk $0xffff, v2  }
0x522: {  	[tilespmem:v9+s13+$0x0] =	vst.idx.add.f32.msk $0xffff, v2  }
0x523: {  	_ =	swait.ge [sflag:s14], $0x4000  }
0x524: {  	s22 =	sld [smem:$0x7F1]  }
0x525: {  	[sflag:s14] =	ssyncset.done $0x0  }
0x526: {  	[sflag:s14] =	ssyncadd.s32 $0xFFFFC000  }
0x527: {  	[hbm4b:s22+s1] =	stream.linear.scatter [tilespmem:s9], [sflag:$0x6], $0x4000, $0x38;
	[tilespmem:$0x11200] =	vst v63  }
0x528: {  	_ =	swait.ge [sflag:s15], $0x4000  }
0x529: {  	s23 =	sld [smem:$0x7F6]  }
0x52a: {  	[sflag:s15] =	ssyncset.done $0x0  }
0x52b: {  	s24 =	simm.s32 $0x4020;
	[sflag:s15] =	ssyncadd.s32 $0xFFFFC000  }
0x52c: {  	[tilespmem:s1], [sflag:$0x1] =	stream.linear.gather [hbm4b:s23+s1], $0x4000, $0x38;
	[tilespmem:$0x11200] =	vst v63  }
0x52d: {  	v5 =	vld [tilespmem:s24+$0x10]  }
0x52e: {  	v6 =	vld [tilespmem:s24+$0xFFFFFFF0]  }
0x52f: {  	v7 =	vld [tilespmem:s24+$0x0]  }
0x530: {  	v8 =	vld [tilespmem:s24+$0xFFFFFFE0];
	_ =	sdelay $0x2  }
0x531: {  	v5 =	vsub.f32 v5, v3  }
0x532: {  	v6 =	vsub.f32 v6, v3;
	v7 =	vsub.f32 v7, v3  }
0x533: {  	v8 =	vsub.f32 v8, v3;
	v5 =	vmul.f32 v5, v4  }
0x534: {  	v6 =	vmul.f32 v6, v4;
	v7 =	vmul.f32 v7, v4  }
0x535: {  	v8 =	vmul.f32 v8, v4;
	v5 =	vtrunc.f32 v5  }
0x536: {  	v6 =	vtrunc.f32 v6;
	v7 =	vtrunc.f32 v7  }
0x537: {  	s25 =	simm.s32 $0x4060;
	v8 =	vtrunc.f32 v8;
	v5 =	vcvt.f32.s32 v5  }
0x538: {  	v9 =	vld [tilespmem:s25+$0x10];
	v6 =	vcvt.f32.s32 v6;
	v8 =	vcvt.f32.s32 v8  }
0x539: {  	v11 =	vld [tilespmem:s25+$0xFFFFFFF0];
	v7 =	vcvt.f32.s32 v7;
	v10 =	vshra.s32 v5, $0x1F  }
0x53a: {  	v59 =	vshra.s32 v6, $0x1F;
	v61 =	vshra.s32 v8, $0x1F;
	v5 =	vor.u32 v10, v5;
	v10 =	vld [tilespmem:s25+$0x0]  }
0x53b: {  	v60 =	vld [tilespmem:s25+$0xFFFFFFE0];
	v15 =	vshra.s32 v7, $0x1F;
	v8 =	vor.u32 v61, v8;
	vm13 =	vlt.s32 v5, $0x100  }
0x53c: {  	v6 =	vor.u32 v59, v6;
	v7 =	vor.u32 v15, v7;
	v5 =	vnsel vm13, $0x100, v5  }
0x53d: {  	vm14 =	vlt.s32 v8, $0x100;
	v62 =	vadd.s32 v1, v5;
	v5 =	vsub.f32 v9, v3  }
0x53e: {  	vm15 =	vlt.s32 v6, $0x100;
	vm2 =	vlt.s32 v7, $0x100;
	v9 =	vsub.f32 v11, v3  }
0x53f: {  	v6 =	vnsel vm15, $0x100, v6;
	v10 =	vsub.f32 v10, v3;
	v5 =	vmul.f32 v5, v4  }
0x540: {  	v11 =	vnsel vm14, $0x100, v8;
	v8 =	vsub.f32 v60, v3;
	v63 =	vmul.f32 v9, v4  }
0x541: {  	v7 =	vnsel vm2, $0x100, v7;
	v10 =	vmul.f32 v10, v4;
	v5 =	vtrunc.f32 v5  }
0x542: {  	v6 =	vadd.s32 v1, v6;
	v9 =	vmul.f32 v8, v4;
	v8 =	vcvt.f32.s32 v5  }
0x543: {  	s22 =	simm.s32 $0x40;
	s23 =	simm.s32 $0x40A0;
	v5 =	vadd.s32 v1, v11;
	[tilespmem:v62+s13+$0x0] =	vst.idx.add.f32.msk $0xffff, v2;
	v11 =	vtrunc.f32 v63;
	v10 =	vtrunc.f32 v10  }
.LBB2_46:
0x544: {  	v12 =	vld [tilespmem:s23+$0x10];
	s22 =	sadd.s32 $0x40, s22;
	v9 =	vtrunc.f32 v9;
	v11 =	vcvt.f32.s32 v11;
	v13 =	vshra.s32 v8, $0x1F  }
0x545: {  	v10 =	vcvt.f32.s32 v10;
	v14 =	vld [tilespmem:s23+$0xFFFFFFF0];
	p0 =	slt.u32 s22, $0x3FC0;
	v9 =	vcvt.f32.s32 v9;
	v8 =	vor.u32 v13, v8  }
0x546: {  	v7 =	vadd.s32 v1, v7;
	v13 =	vld [tilespmem:s23+$0x0];
	v15 =	vshra.s32 v11, $0x1F;
	vm0 =	vlt.s32 v8, $0x100  }
0x547: {  	v18 =	vshra.s32 v10, $0x1F;
	v16 =	vld [tilespmem:s23+$0xFFFFFFE0];
	v17 =	vshra.s32 v9, $0x1F;
	v8 =	vnsel vm0, $0x100, v8  }
0x548: {  	v11 =	vor.u32 v15, v11;
	v9 =	vor.u32 v17, v9;
	v8 =	vadd.s32 v1, v8  }
0x549: {  	v10 =	vor.u32 v18, v10;
	v12 =	vsub.f32 v12, v3;
	vm0 =	vlt.s32 v9, $0x100;
	[tilespmem:v5+s13+$0x0] =	vst.idx.add.f32.msk $0xffff, v2  }
0x54a: {  	vm1 =	vlt.s32 v11, $0x100;
	vm2 =	vlt.s32 v10, $0x100;
	v5 =	vsub.f32 v14, v3;
	[tilespmem:v6+s13+$0x0] =	vst.idx.add.f32.msk $0xffff, v2  }
.Ltmp22:
0x54b: {  	v6 =	vsub.f32 v13, v3;
	v12 =	vmul.f32 v12, v4;
	v13 =	vnsel vm0, $0x100, v9;
	[tilespmem:v7+s13+$0x0] =	vst.idx.add.f32.msk $0xffff, v2;
	(pc) =	sbr.rel @p0 .LBB2_46-.Ltmp22, $4  }
0x54c: {  	v15 =	vnsel vm1, $0x100, v11;
	v9 =	vsub.f32 v16, v3;
	v14 =	vmul.f32 v5, v4  }
0x54d: {  	v7 =	vnsel vm2, $0x100, v10;
	v6 =	vmul.f32 v6, v4;
	v5 =	vtrunc.f32 v12;
	[tilespmem:v8+s13+$0x0] =	vst.idx.add.f32.msk $0xffff, v2  }
0x54e: {  	v9 =	vmul.f32 v9, v4;
	v8 =	vcvt.f32.s32 v5;
	v5 =	vadd.s32 v1, v13  }
0x54f: {  	s23 =	sadd.s32 $0x40, s23;
	v11 =	vtrunc.f32 v14;
	v10 =	vtrunc.f32 v6;
	v6 =	vadd.s32 v1, v15  }
0x550: {  	v9 =	vtrunc.f32 v9  }
0x551: {  	v11 =	vcvt.f32.s32 v11;
	v12 =	vshra.s32 v8, $0x1F;
	v10 =	vcvt.f32.s32 v10  }
0x552: {  	v7 =	vadd.s32 v1, v7;
	v9 =	vcvt.f32.s32 v9;
	v8 =	vor.u32 v12, v8  }
0x553: {  	v58 =	vshra.s32 v11, $0x1F;
	vm0 =	vlt.s32 v8, $0x100;
	v14 =	vshra.s32 v10, $0x1F  }
0x554: {  	v13 =	vshra.s32 v9, $0x1F;
	v8 =	vnsel vm0, $0x100, v8;
	v11 =	vor.u32 v58, v11  }
0x555: {  	v10 =	vor.u32 v14, v10;
	v9 =	vor.u32 v13, v9;
	vm1 =	vlt.s32 v11, $0x100  }
0x556: {  	v8 =	vadd.s32 v1, v8;
	vm12 =	vlt.s32 v10, $0x100;
	v11 =	vnsel vm1, $0x100, v11  }
0x557: {  	[tilespmem:v5+s13+$0x0] =	vst.idx.add.f32.msk $0xffff, v2;
	vm11 =	vlt.s32 v9, $0x100;
	v5 =	vnsel vm12, $0x100, v10;
	v10 =	vadd.s32 v1, v11  }
0x558: {  	v9 =	vnsel vm11, $0x100, v9;
	v5 =	vadd.s32 v1, v5  }
0x559: {  	[tilespmem:v6+s13+$0x0] =	vst.idx.add.f32.msk $0xffff, v2;
	v9 =	vadd.s32 v1, v9  }
0x55a: {  	[tilespmem:v7+s13+$0x0] =	vst.idx.add.f32.msk $0xffff, v2  }
0x55b: {  	[tilespmem:v8+s13+$0x0] =	vst.idx.add.f32.msk $0xffff, v2  }
0x55c: {  	[tilespmem:v10+s13+$0x0] =	vst.idx.add.f32.msk $0xffff, v2  }
0x55d: {  	[tilespmem:v5+s13+$0x0] =	vst.idx.add.f32.msk $0xffff, v2  }
0x55e: {  	[tilespmem:v9+s13+$0x0] =	vst.idx.add.f32.msk $0xffff, v2  }
0x55f: {  	_ =	swait.ge [sflag:s16], $0x4000  }
0x560: {  	s22 =	sld [smem:$0x7F3]  }
0x561: {  	[sflag:s16] =	ssyncset.done $0x0  }
0x562: {  	[sflag:s16] =	ssyncadd.s32 $0xFFFFC000  }
0x563: {  	[hbm4b:s22+s1] =	stream.linear.scatter [tilespmem:s10], [sflag:$0x7], $0x4000, $0x38;
	[tilespmem:$0x11200] =	vst v63  }
0x564: {  	_ =	swait.ge [sflag:s17], $0x4000  }
0x565: {  	s23 =	sld [smem:$0x7F8]  }
0x566: {  	[sflag:s17] =	ssyncset.done $0x0  }
0x567: {  	s24 =	simm.s32 $0x8020;
	[sflag:s17] =	ssyncadd.s32 $0xFFFFC000  }
0x568: {  	[tilespmem:s9], [sflag:$0x2] =	stream.linear.gather [hbm4b:s23+s1], $0x4000, $0x38;
	[tilespmem:$0x11200] =	vst v63  }
0x569: {  	v5 =	vld [tilespmem:s24+$0x10]  }
0x56a: {  	v6 =	vld [tilespmem:s24+$0xFFFFFFF0]  }
0x56b: {  	v7 =	vld [tilespmem:s24+$0x0]  }
0x56c: {  	v8 =	vld [tilespmem:s24+$0xFFFFFFE0];
	_ =	sdelay $0x2  }
0x56d: {  	v5 =	vsub.f32 v5, v3  }
0x56e: {  	v6 =	vsub.f32 v6, v3;
	v7 =	vsub.f32 v7, v3  }
0x56f: {  	v8 =	vsub.f32 v8, v3;
	v5 =	vmul.f32 v5, v4  }
0x570: {  	v6 =	vmul.f32 v6, v4;
	v7 =	vmul.f32 v7, v4  }
0x571: {  	v8 =	vmul.f32 v8, v4;
	v5 =	vtrunc.f32 v5  }
0x572: {  	v6 =	vtrunc.f32 v6;
	v7 =	vtrunc.f32 v7  }
0x573: {  	s25 =	simm.s32 $0x8060;
	v8 =	vtrunc.f32 v8;
	v5 =	vcvt.f32.s32 v5  }
0x574: {  	v9 =	vld [tilespmem:s25+$0x10];
	v6 =	vcvt.f32.s32 v6;
	v8 =	vcvt.f32.s32 v8  }
0x575: {  	v11 =	vld [tilespmem:s25+$0xFFFFFFF0];
	v7 =	vcvt.f32.s32 v7;
	v10 =	vshra.s32 v5, $0x1F  }
0x576: {  	v59 =	vshra.s32 v6, $0x1F;
	v61 =	vshra.s32 v8, $0x1F;
	v5 =	vor.u32 v10, v5;
	v10 =	vld [tilespmem:s25+$0x0]  }
0x577: {  	v60 =	vld [tilespmem:s25+$0xFFFFFFE0];
	v15 =	vshra.s32 v7, $0x1F;
	v8 =	vor.u32 v61, v8;
	vm13 =	vlt.s32 v5, $0x100  }
0x578: {  	v6 =	vor.u32 v59, v6;
	v7 =	vor.u32 v15, v7;
	v5 =	vnsel vm13, $0x100, v5  }
0x579: {  	vm14 =	vlt.s32 v8, $0x100;
	v62 =	vadd.s32 v1, v5;
	v5 =	vsub.f32 v9, v3  }
0x57a: {  	vm15 =	vlt.s32 v6, $0x100;
	vm2 =	vlt.s32 v7, $0x100;
	v9 =	vsub.f32 v11, v3  }
0x57b: {  	v6 =	vnsel vm15, $0x100, v6;
	v10 =	vsub.f32 v10, v3;
	v5 =	vmul.f32 v5, v4  }
0x57c: {  	v11 =	vnsel vm14, $0x100, v8;
	v8 =	vsub.f32 v60, v3;
	v63 =	vmul.f32 v9, v4  }
0x57d: {  	v7 =	vnsel vm2, $0x100, v7;
	v10 =	vmul.f32 v10, v4;
	v5 =	vtrunc.f32 v5  }
0x57e: {  	v6 =	vadd.s32 v1, v6;
	v9 =	vmul.f32 v8, v4;
	v8 =	vcvt.f32.s32 v5  }
0x57f: {  	s22 =	simm.s32 $0x40;
	s23 =	simm.s32 $0x80A0;
	v5 =	vadd.s32 v1, v11;
	[tilespmem:v62+s13+$0x0] =	vst.idx.add.f32.msk $0xffff, v2;
	v11 =	vtrunc.f32 v63;
	v10 =	vtrunc.f32 v10  }
.LBB2_48:
0x580: {  	v12 =	vld [tilespmem:s23+$0x10];
	s22 =	sadd.s32 $0x40, s22;
	v9 =	vtrunc.f32 v9;
	v11 =	vcvt.f32.s32 v11;
	v13 =	vshra.s32 v8, $0x1F  }
0x581: {  	v10 =	vcvt.f32.s32 v10;
	v14 =	vld [tilespmem:s23+$0xFFFFFFF0];
	p0 =	slt.u32 s22, $0x3FC0;
	v9 =	vcvt.f32.s32 v9;
	v8 =	vor.u32 v13, v8  }
0x582: {  	v7 =	vadd.s32 v1, v7;
	v13 =	vld [tilespmem:s23+$0x0];
	v15 =	vshra.s32 v11, $0x1F;
	vm0 =	vlt.s32 v8, $0x100  }
0x583: {  	v18 =	vshra.s32 v10, $0x1F;
	v16 =	vld [tilespmem:s23+$0xFFFFFFE0];
	v17 =	vshra.s32 v9, $0x1F;
	v8 =	vnsel vm0, $0x100, v8  }
0x584: {  	v11 =	vor.u32 v15, v11;
	v9 =	vor.u32 v17, v9;
	v8 =	vadd.s32 v1, v8  }
0x585: {  	v10 =	vor.u32 v18, v10;
	v12 =	vsub.f32 v12, v3;
	vm0 =	vlt.s32 v9, $0x100;
	[tilespmem:v5+s13+$0x0] =	vst.idx.add.f32.msk $0xffff, v2  }
0x586: {  	vm1 =	vlt.s32 v11, $0x100;
	vm2 =	vlt.s32 v10, $0x100;
	v5 =	vsub.f32 v14, v3;
	[tilespmem:v6+s13+$0x0] =	vst.idx.add.f32.msk $0xffff, v2  }
.Ltmp23:
0x587: {  	v6 =	vsub.f32 v13, v3;
	v12 =	vmul.f32 v12, v4;
	v13 =	vnsel vm0, $0x100, v9;
	[tilespmem:v7+s13+$0x0] =	vst.idx.add.f32.msk $0xffff, v2;
	(pc) =	sbr.rel @p0 .LBB2_48-.Ltmp23, $4  }
0x588: {  	v15 =	vnsel vm1, $0x100, v11;
	v9 =	vsub.f32 v16, v3;
	v14 =	vmul.f32 v5, v4  }
0x589: {  	v7 =	vnsel vm2, $0x100, v10;
	v6 =	vmul.f32 v6, v4;
	v5 =	vtrunc.f32 v12;
	[tilespmem:v8+s13+$0x0] =	vst.idx.add.f32.msk $0xffff, v2  }
0x58a: {  	v9 =	vmul.f32 v9, v4;
	v8 =	vcvt.f32.s32 v5;
	v5 =	vadd.s32 v1, v13  }
0x58b: {  	s23 =	sadd.s32 $0x40, s23;
	v11 =	vtrunc.f32 v14;
	v10 =	vtrunc.f32 v6;
	v6 =	vadd.s32 v1, v15  }
0x58c: {  	v9 =	vtrunc.f32 v9  }
0x58d: {  	v11 =	vcvt.f32.s32 v11;
	v12 =	vshra.s32 v8, $0x1F;
	v10 =	vcvt.f32.s32 v10  }
0x58e: {  	v7 =	vadd.s32 v1, v7;
	v9 =	vcvt.f32.s32 v9;
	v8 =	vor.u32 v12, v8  }
0x58f: {  	v58 =	vshra.s32 v11, $0x1F;
	vm0 =	vlt.s32 v8, $0x100;
	v14 =	vshra.s32 v10, $0x1F  }
0x590: {  	v13 =	vshra.s32 v9, $0x1F;
	v8 =	vnsel vm0, $0x100, v8;
	v11 =	vor.u32 v58, v11  }
0x591: {  	v10 =	vor.u32 v14, v10;
	v9 =	vor.u32 v13, v9;
	vm1 =	vlt.s32 v11, $0x100  }
0x592: {  	v8 =	vadd.s32 v1, v8;
	vm12 =	vlt.s32 v10, $0x100;
	v11 =	vnsel vm1, $0x100, v11  }
0x593: {  	[tilespmem:v5+s13+$0x0] =	vst.idx.add.f32.msk $0xffff, v2;
	vm11 =	vlt.s32 v9, $0x100;
	v5 =	vnsel vm12, $0x100, v10;
	v10 =	vadd.s32 v1, v11  }
0x594: {  	v9 =	vnsel vm11, $0x100, v9;
	v5 =	vadd.s32 v1, v5  }
0x595: {  	[tilespmem:v6+s13+$0x0] =	vst.idx.add.f32.msk $0xffff, v2;
	v9 =	vadd.s32 v1, v9  }
0x596: {  	[tilespmem:v7+s13+$0x0] =	vst.idx.add.f32.msk $0xffff, v2  }
0x597: {  	[tilespmem:v8+s13+$0x0] =	vst.idx.add.f32.msk $0xffff, v2  }
0x598: {  	[tilespmem:v10+s13+$0x0] =	vst.idx.add.f32.msk $0xffff, v2  }
0x599: {  	[tilespmem:v5+s13+$0x0] =	vst.idx.add.f32.msk $0xffff, v2  }
0x59a: {  	[tilespmem:v9+s13+$0x0] =	vst.idx.add.f32.msk $0xffff, v2  }
0x59b: {  	_ =	swait.ge [sflag:s18], $0x4000  }
0x59c: {  	s22 =	sld [smem:$0x7F5]  }
0x59d: {  	[sflag:s18] =	ssyncset.done $0x0  }
0x59e: {  	[sflag:s18] =	ssyncadd.s32 $0xFFFFC000  }
0x59f: {  	[hbm4b:s22+s1] =	stream.linear.scatter [tilespmem:s12], [sflag:$0x8], $0x4000, $0x38;
	[tilespmem:$0x11200] =	vst v63  }
0x5a0: {  	_ =	swait.ge [sflag:s19], $0x4000  }
0x5a1: {  	s23 =	sld [smem:$0x7FA]  }
0x5a2: {  	[sflag:s19] =	ssyncset.done $0x0  }
0x5a3: {  	s24 =	simm.s32 $0xC020;
	[sflag:s19] =	ssyncadd.s32 $0xFFFFC000  }
0x5a4: {  	[tilespmem:s10], [sflag:$0x3] =	stream.linear.gather [hbm4b:s23+s1], $0x4000, $0x38;
	[tilespmem:$0x11200] =	vst v63  }
0x5a5: {  	v5 =	vld [tilespmem:s24+$0x10]  }
0x5a6: {  	v6 =	vld [tilespmem:s24+$0xFFFFFFF0]  }
0x5a7: {  	v7 =	vld [tilespmem:s24+$0x0]  }
0x5a8: {  	v8 =	vld [tilespmem:s24+$0xFFFFFFE0];
	_ =	sdelay $0x2  }
0x5a9: {  	v5 =	vsub.f32 v5, v3  }
0x5aa: {  	v6 =	vsub.f32 v6, v3;
	v7 =	vsub.f32 v7, v3  }
0x5ab: {  	v8 =	vsub.f32 v8, v3;
	v5 =	vmul.f32 v5, v4  }
0x5ac: {  	v6 =	vmul.f32 v6, v4;
	v7 =	vmul.f32 v7, v4  }
0x5ad: {  	v8 =	vmul.f32 v8, v4;
	v5 =	vtrunc.f32 v5  }
0x5ae: {  	v6 =	vtrunc.f32 v6;
	v7 =	vtrunc.f32 v7  }
0x5af: {  	s25 =	simm.s32 $0xC060;
	v8 =	vtrunc.f32 v8;
	v5 =	vcvt.f32.s32 v5  }
0x5b0: {  	v9 =	vld [tilespmem:s25+$0x10];
	v6 =	vcvt.f32.s32 v6;
	v8 =	vcvt.f32.s32 v8  }
0x5b1: {  	v11 =	vld [tilespmem:s25+$0xFFFFFFF0];
	v7 =	vcvt.f32.s32 v7;
	v10 =	vshra.s32 v5, $0x1F  }
0x5b2: {  	v59 =	vshra.s32 v6, $0x1F;
	v61 =	vshra.s32 v8, $0x1F;
	v5 =	vor.u32 v10, v5;
	v10 =	vld [tilespmem:s25+$0x0]  }
0x5b3: {  	v60 =	vld [tilespmem:s25+$0xFFFFFFE0];
	v15 =	vshra.s32 v7, $0x1F;
	v8 =	vor.u32 v61, v8;
	vm13 =	vlt.s32 v5, $0x100  }
0x5b4: {  	v6 =	vor.u32 v59, v6;
	v7 =	vor.u32 v15, v7;
	v5 =	vnsel vm13, $0x100, v5  }
0x5b5: {  	vm14 =	vlt.s32 v8, $0x100;
	v62 =	vadd.s32 v1, v5;
	v5 =	vsub.f32 v9, v3  }
0x5b6: {  	vm15 =	vlt.s32 v6, $0x100;
	vm2 =	vlt.s32 v7, $0x100;
	v9 =	vsub.f32 v11, v3  }
0x5b7: {  	v6 =	vnsel vm15, $0x100, v6;
	v10 =	vsub.f32 v10, v3;
	v5 =	vmul.f32 v5, v4  }
0x5b8: {  	v11 =	vnsel vm14, $0x100, v8;
	v8 =	vsub.f32 v60, v3;
	v63 =	vmul.f32 v9, v4  }
0x5b9: {  	v7 =	vnsel vm2, $0x100, v7;
	v10 =	vmul.f32 v10, v4;
	v5 =	vtrunc.f32 v5  }
0x5ba: {  	v6 =	vadd.s32 v1, v6;
	v9 =	vmul.f32 v8, v4;
	v8 =	vcvt.f32.s32 v5  }
0x5bb: {  	s22 =	simm.s32 $0x40;
	s23 =	simm.s32 $0xC0A0;
	v5 =	vadd.s32 v1, v11;
	[tilespmem:v62+s13+$0x0] =	vst.idx.add.f32.msk $0xffff, v2;
	v11 =	vtrunc.f32 v63;
	v10 =	vtrunc.f32 v10  }
.LBB2_50:
0x5bc: {  	v12 =	vld [tilespmem:s23+$0x10];
	s22 =	sadd.s32 $0x40, s22;
	v9 =	vtrunc.f32 v9;
	v11 =	vcvt.f32.s32 v11;
	v13 =	vshra.s32 v8, $0x1F  }
0x5bd: {  	v10 =	vcvt.f32.s32 v10;
	v14 =	vld [tilespmem:s23+$0xFFFFFFF0];
	p0 =	slt.u32 s22, $0x3FC0;
	v9 =	vcvt.f32.s32 v9;
	v8 =	vor.u32 v13, v8  }
0x5be: {  	v7 =	vadd.s32 v1, v7;
	v13 =	vld [tilespmem:s23+$0x0];
	v15 =	vshra.s32 v11, $0x1F;
	vm0 =	vlt.s32 v8, $0x100  }
0x5bf: {  	v18 =	vshra.s32 v10, $0x1F;
	v16 =	vld [tilespmem:s23+$0xFFFFFFE0];
	v17 =	vshra.s32 v9, $0x1F;
	v8 =	vnsel vm0, $0x100, v8  }
0x5c0: {  	v11 =	vor.u32 v15, v11;
	v9 =	vor.u32 v17, v9;
	v8 =	vadd.s32 v1, v8  }
0x5c1: {  	v10 =	vor.u32 v18, v10;
	v12 =	vsub.f32 v12, v3;
	vm0 =	vlt.s32 v9, $0x100;
	[tilespmem:v5+s13+$0x0] =	vst.idx.add.f32.msk $0xffff, v2  }
0x5c2: {  	vm1 =	vlt.s32 v11, $0x100;
	vm2 =	vlt.s32 v10, $0x100;
	v5 =	vsub.f32 v14, v3;
	[tilespmem:v6+s13+$0x0] =	vst.idx.add.f32.msk $0xffff, v2  }
.Ltmp24:
0x5c3: {  	v6 =	vsub.f32 v13, v3;
	v12 =	vmul.f32 v12, v4;
	v13 =	vnsel vm0, $0x100, v9;
	[tilespmem:v7+s13+$0x0] =	vst.idx.add.f32.msk $0xffff, v2;
	(pc) =	sbr.rel @p0 .LBB2_50-.Ltmp24, $4  }
0x5c4: {  	v15 =	vnsel vm1, $0x100, v11;
	v9 =	vsub.f32 v16, v3;
	v14 =	vmul.f32 v5, v4  }
0x5c5: {  	v7 =	vnsel vm2, $0x100, v10;
	v6 =	vmul.f32 v6, v4;
	v5 =	vtrunc.f32 v12;
	[tilespmem:v8+s13+$0x0] =	vst.idx.add.f32.msk $0xffff, v2  }
0x5c6: {  	v9 =	vmul.f32 v9, v4;
	v8 =	vcvt.f32.s32 v5;
	v5 =	vadd.s32 v1, v13  }
0x5c7: {  	s23 =	sadd.s32 $0x40, s23;
	v11 =	vtrunc.f32 v14;
	v10 =	vtrunc.f32 v6;
	v6 =	vadd.s32 v1, v15  }
0x5c8: {  	v9 =	vtrunc.f32 v9  }
0x5c9: {  	v11 =	vcvt.f32.s32 v11;
	v12 =	vshra.s32 v8, $0x1F;
	v10 =	vcvt.f32.s32 v10  }
0x5ca: {  	v7 =	vadd.s32 v1, v7;
	v9 =	vcvt.f32.s32 v9;
	v8 =	vor.u32 v12, v8  }
0x5cb: {  	v58 =	vshra.s32 v11, $0x1F;
	vm0 =	vlt.s32 v8, $0x100;
	v14 =	vshra.s32 v10, $0x1F  }
0x5cc: {  	v13 =	vshra.s32 v9, $0x1F;
	v8 =	vnsel vm0, $0x100, v8;
	v11 =	vor.u32 v58, v11  }
0x5cd: {  	v10 =	vor.u32 v14, v10;
	v9 =	vor.u32 v13, v9;
	vm1 =	vlt.s32 v11, $0x100  }
0x5ce: {  	v8 =	vadd.s32 v1, v8;
	vm12 =	vlt.s32 v10, $0x100;
	v11 =	vnsel vm1, $0x100, v11  }
0x5cf: {  	[tilespmem:v5+s13+$0x0] =	vst.idx.add.f32.msk $0xffff, v2;
	vm11 =	vlt.s32 v9, $0x100;
	v5 =	vnsel vm12, $0x100, v10;
	v10 =	vadd.s32 v1, v11  }
0x5d0: {  	v9 =	vnsel vm11, $0x100, v9;
	v5 =	vadd.s32 v1, v5  }
0x5d1: {  	[tilespmem:v6+s13+$0x0] =	vst.idx.add.f32.msk $0xffff, v2;
	v9 =	vadd.s32 v1, v9  }
0x5d2: {  	[tilespmem:v7+s13+$0x0] =	vst.idx.add.f32.msk $0xffff, v2  }
0x5d3: {  	[tilespmem:v8+s13+$0x0] =	vst.idx.add.f32.msk $0xffff, v2  }
0x5d4: {  	[tilespmem:v10+s13+$0x0] =	vst.idx.add.f32.msk $0xffff, v2  }
0x5d5: {  	[tilespmem:v5+s13+$0x0] =	vst.idx.add.f32.msk $0xffff, v2  }
0x5d6: {  	[tilespmem:v9+s13+$0x0] =	vst.idx.add.f32.msk $0xffff, v2  }
0x5d7: {  	_ =	swait.ge [sflag:s11], $0x4000  }
0x5d8: {  	s22 =	sld [smem:$0x7F7]  }
0x5d9: {  	[sflag:s11] =	ssyncset.done $0x0  }
0x5da: {  	[sflag:s11] =	ssyncadd.s32 $0xFFFFC000  }
0x5db: {  	[hbm4b:s22+s1] =	stream.linear.scatter [tilespmem:s1], [sflag:$0x5], $0x4000, $0x38;
	[tilespmem:$0x11200] =	vst v63  }
0x5dc: {  	_ =	swait.ge [sflag:s20], $0x4000  }
0x5dd: {  	s23 =	sld [smem:$0x7FC]  }
0x5de: {  	[sflag:s20] =	ssyncset.done $0x0  }
0x5df: {  	s24 =	simm.s32 $0x20;
	[sflag:s20] =	ssyncadd.s32 $0xFFFFC000  }
0x5e0: {  	[tilespmem:s12], [sflag:$0x4] =	stream.linear.gather [hbm4b:s23+s1], $0x4000, $0x38;
	[tilespmem:$0x11200] =	vst v63  }
0x5e1: {  	v5 =	vld [tilespmem:s24+$0x10]  }
0x5e2: {  	v6 =	vld [tilespmem:s24+$0xFFFFFFF0]  }
0x5e3: {  	v7 =	vld [tilespmem:s24+$0x0]  }
0x5e4: {  	v8 =	vld [tilespmem:s24+$0xFFFFFFE0];
	_ =	sdelay $0x2  }
0x5e5: {  	v5 =	vsub.f32 v5, v3  }
0x5e6: {  	v6 =	vsub.f32 v6, v3;
	v7 =	vsub.f32 v7, v3  }
0x5e7: {  	v8 =	vsub.f32 v8, v3;
	v5 =	vmul.f32 v5, v4  }
0x5e8: {  	v6 =	vmul.f32 v6, v4;
	v7 =	vmul.f32 v7, v4  }
0x5e9: {  	v8 =	vmul.f32 v8, v4;
	v5 =	vtrunc.f32 v5  }
0x5ea: {  	v6 =	vtrunc.f32 v6;
	v7 =	vtrunc.f32 v7  }
0x5eb: {  	s25 =	simm.s32 $0x60;
	v8 =	vtrunc.f32 v8;
	v5 =	vcvt.f32.s32 v5  }
0x5ec: {  	v9 =	vld [tilespmem:s25+$0x10];
	v6 =	vcvt.f32.s32 v6;
	v8 =	vcvt.f32.s32 v8  }
0x5ed: {  	v11 =	vld [tilespmem:s25+$0xFFFFFFF0];
	v7 =	vcvt.f32.s32 v7;
	v10 =	vshra.s32 v5, $0x1F  }
0x5ee: {  	v59 =	vshra.s32 v6, $0x1F;
	v61 =	vshra.s32 v8, $0x1F;
	v5 =	vor.u32 v10, v5;
	v10 =	vld [tilespmem:s25+$0x0]  }
0x5ef: {  	v60 =	vld [tilespmem:s25+$0xFFFFFFE0];
	v15 =	vshra.s32 v7, $0x1F;
	v8 =	vor.u32 v61, v8;
	vm13 =	vlt.s32 v5, $0x100  }
0x5f0: {  	v6 =	vor.u32 v59, v6;
	v7 =	vor.u32 v15, v7;
	v5 =	vnsel vm13, $0x100, v5  }
0x5f1: {  	vm14 =	vlt.s32 v8, $0x100;
	v62 =	vadd.s32 v1, v5;
	v5 =	vsub.f32 v9, v3  }
0x5f2: {  	vm15 =	vlt.s32 v6, $0x100;
	vm2 =	vlt.s32 v7, $0x100;
	v9 =	vsub.f32 v11, v3  }
0x5f3: {  	v6 =	vnsel vm15, $0x100, v6;
	v10 =	vsub.f32 v10, v3;
	v5 =	vmul.f32 v5, v4  }
0x5f4: {  	v11 =	vnsel vm14, $0x100, v8;
	v8 =	vsub.f32 v60, v3;
	v63 =	vmul.f32 v9, v4  }
0x5f5: {  	v7 =	vnsel vm2, $0x100, v7;
	v10 =	vmul.f32 v10, v4;
	v5 =	vtrunc.f32 v5  }
0x5f6: {  	v6 =	vadd.s32 v1, v6;
	v9 =	vmul.f32 v8, v4;
	v8 =	vcvt.f32.s32 v5  }
0x5f7: {  	s22 =	simm.s32 $0x40;
	s23 =	simm.s32 $0xA0;
	v5 =	vadd.s32 v1, v11;
	[tilespmem:v62+s13+$0x0] =	vst.idx.add.f32.msk $0xffff, v2;
	v11 =	vtrunc.f32 v63;
	v10 =	vtrunc.f32 v10  }
.LBB2_52:
0x5f8: {  	v12 =	vld [tilespmem:s23+$0x10];
	s22 =	sadd.s32 $0x40, s22;
	v9 =	vtrunc.f32 v9;
	v11 =	vcvt.f32.s32 v11;
	v13 =	vshra.s32 v8, $0x1F  }
0x5f9: {  	v10 =	vcvt.f32.s32 v10;
	v14 =	vld [tilespmem:s23+$0xFFFFFFF0];
	p0 =	slt.u32 s22, $0x3FC0;
	v9 =	vcvt.f32.s32 v9;
	v8 =	vor.u32 v13, v8  }
0x5fa: {  	v7 =	vadd.s32 v1, v7;
	v13 =	vld [tilespmem:s23+$0x0];
	v15 =	vshra.s32 v11, $0x1F;
	vm0 =	vlt.s32 v8, $0x100  }
0x5fb: {  	v18 =	vshra.s32 v10, $0x1F;
	v16 =	vld [tilespmem:s23+$0xFFFFFFE0];
	v17 =	vshra.s32 v9, $0x1F;
	v8 =	vnsel vm0, $0x100, v8  }
0x5fc: {  	v11 =	vor.u32 v15, v11;
	v9 =	vor.u32 v17, v9;
	v8 =	vadd.s32 v1, v8  }
0x5fd: {  	v10 =	vor.u32 v18, v10;
	v12 =	vsub.f32 v12, v3;
	vm0 =	vlt.s32 v9, $0x100;
	[tilespmem:v5+s13+$0x0] =	vst.idx.add.f32.msk $0xffff, v2  }
0x5fe: {  	vm1 =	vlt.s32 v11, $0x100;
	vm2 =	vlt.s32 v10, $0x100;
	v5 =	vsub.f32 v14, v3;
	[tilespmem:v6+s13+$0x0] =	vst.idx.add.f32.msk $0xffff, v2  }
.Ltmp25:
0x5ff: {  	v6 =	vsub.f32 v13, v3;
	v12 =	vmul.f32 v12, v4;
	v13 =	vnsel vm0, $0x100, v9;
	[tilespmem:v7+s13+$0x0] =	vst.idx.add.f32.msk $0xffff, v2;
	(pc) =	sbr.rel @p0 .LBB2_52-.Ltmp25, $4  }
0x600: {  	v15 =	vnsel vm1, $0x100, v11;
	v9 =	vsub.f32 v16, v3;
	v14 =	vmul.f32 v5, v4  }
0x601: {  	v7 =	vnsel vm2, $0x100, v10;
	v6 =	vmul.f32 v6, v4;
	v5 =	vtrunc.f32 v12;
	[tilespmem:v8+s13+$0x0] =	vst.idx.add.f32.msk $0xffff, v2  }
0x602: {  	v9 =	vmul.f32 v9, v4;
	v8 =	vcvt.f32.s32 v5;
	v5 =	vadd.s32 v1, v13  }
0x603: {  	s23 =	sadd.s32 $0x40, s23;
	v11 =	vtrunc.f32 v14;
	v10 =	vtrunc.f32 v6;
	v6 =	vadd.s32 v1, v15  }
0x604: {  	v9 =	vtrunc.f32 v9  }
0x605: {  	v11 =	vcvt.f32.s32 v11;
	v12 =	vshra.s32 v8, $0x1F;
	v10 =	vcvt.f32.s32 v10  }
0x606: {  	v7 =	vadd.s32 v1, v7;
	v9 =	vcvt.f32.s32 v9;
	v8 =	vor.u32 v12, v8  }
0x607: {  	v58 =	vshra.s32 v11, $0x1F;
	vm0 =	vlt.s32 v8, $0x100;
	v14 =	vshra.s32 v10, $0x1F  }
0x608: {  	v13 =	vshra.s32 v9, $0x1F;
	v8 =	vnsel vm0, $0x100, v8;
	v11 =	vor.u32 v58, v11  }
0x609: {  	v10 =	vor.u32 v14, v10;
	v9 =	vor.u32 v13, v9;
	vm1 =	vlt.s32 v11, $0x100  }
0x60a: {  	v8 =	vadd.s32 v1, v8;
	vm12 =	vlt.s32 v10, $0x100;
	v11 =	vnsel vm1, $0x100, v11  }
0x60b: {  	[tilespmem:v5+s13+$0x0] =	vst.idx.add.f32.msk $0xffff, v2;
	vm11 =	vlt.s32 v9, $0x100;
	v5 =	vnsel vm12, $0x100, v10;
	v10 =	vadd.s32 v1, v11  }
0x60c: {  	v9 =	vnsel vm11, $0x100, v9;
	v5 =	vadd.s32 v1, v5  }
0x60d: {  	[tilespmem:v6+s13+$0x0] =	vst.idx.add.f32.msk $0xffff, v2;
	v9 =	vadd.s32 v1, v9  }
0x60e: {  	[tilespmem:v7+s13+$0x0] =	vst.idx.add.f32.msk $0xffff, v2  }
0x60f: {  	[tilespmem:v8+s13+$0x0] =	vst.idx.add.f32.msk $0xffff, v2  }
0x610: {  	[tilespmem:v10+s13+$0x0] =	vst.idx.add.f32.msk $0xffff, v2  }
0x611: {  	[tilespmem:v5+s13+$0x0] =	vst.idx.add.f32.msk $0xffff, v2  }
0x612: {  	[tilespmem:v9+s13+$0x0] =	vst.idx.add.f32.msk $0xffff, v2  }
0x613: {  	_ =	swait.ge [sflag:s14], $0x4000  }
0x614: {  	s22 =	sld [smem:$0x7F9]  }
0x615: {  	[sflag:s14] =	ssyncset.done $0x0  }
0x616: {  	[sflag:s14] =	ssyncadd.s32 $0xFFFFC000  }
0x617: {  	[hbm4b:s22+s1] =	stream.linear.scatter [tilespmem:s9], [sflag:$0x6], $0x4000, $0x38;
	[tilespmem:$0x11200] =	vst v63  }
0x618: {  	_ =	swait.ge [sflag:s15], $0x4000  }
0x619: {  	[sflag:s15] =	ssyncset.done $0x0  }
0x61a: {  	s24 =	simm.s32 $0x4020;
	[sflag:s15] =	ssyncadd.s32 $0xFFFFC000  }
0x61b: {  	[tilespmem:s1], [sflag:$0x1] =	stream.linear.gather [hbm4b:s26+s1], $0x4000, $0x38;
	[tilespmem:$0x11200] =	vst v63  }
0x61c: {  	v5 =	vld [tilespmem:s24+$0x10]  }
0x61d: {  	v6 =	vld [tilespmem:s24+$0xFFFFFFF0]  }
0x61e: {  	v7 =	vld [tilespmem:s24+$0x0]  }
0x61f: {  	v8 =	vld [tilespmem:s24+$0xFFFFFFE0];
	_ =	sdelay $0x2  }
0x620: {  	v5 =	vsub.f32 v5, v3  }
0x621: {  	v6 =	vsub.f32 v6, v3;
	v7 =	vsub.f32 v7, v3  }
0x622: {  	v8 =	vsub.f32 v8, v3;
	v5 =	vmul.f32 v5, v4  }
0x623: {  	v6 =	vmul.f32 v6, v4;
	v7 =	vmul.f32 v7, v4  }
0x624: {  	v8 =	vmul.f32 v8, v4;
	v5 =	vtrunc.f32 v5  }
0x625: {  	v6 =	vtrunc.f32 v6;
	v7 =	vtrunc.f32 v7  }
0x626: {  	s25 =	simm.s32 $0x4060;
	v8 =	vtrunc.f32 v8;
	v5 =	vcvt.f32.s32 v5  }
0x627: {  	v9 =	vld [tilespmem:s25+$0x10];
	v6 =	vcvt.f32.s32 v6;
	v8 =	vcvt.f32.s32 v8  }
0x628: {  	v11 =	vld [tilespmem:s25+$0xFFFFFFF0];
	v7 =	vcvt.f32.s32 v7;
	v10 =	vshra.s32 v5, $0x1F  }
0x629: {  	v59 =	vshra.s32 v6, $0x1F;
	v61 =	vshra.s32 v8, $0x1F;
	v5 =	vor.u32 v10, v5;
	v10 =	vld [tilespmem:s25+$0x0]  }
0x62a: {  	v60 =	vld [tilespmem:s25+$0xFFFFFFE0];
	v15 =	vshra.s32 v7, $0x1F;
	v8 =	vor.u32 v61, v8;
	vm13 =	vlt.s32 v5, $0x100  }
0x62b: {  	v6 =	vor.u32 v59, v6;
	v7 =	vor.u32 v15, v7;
	v5 =	vnsel vm13, $0x100, v5  }
0x62c: {  	vm14 =	vlt.s32 v8, $0x100;
	v62 =	vadd.s32 v1, v5;
	v5 =	vsub.f32 v9, v3  }
0x62d: {  	vm15 =	vlt.s32 v6, $0x100;
	vm2 =	vlt.s32 v7, $0x100;
	v9 =	vsub.f32 v11, v3  }
0x62e: {  	v6 =	vnsel vm15, $0x100, v6;
	v10 =	vsub.f32 v10, v3;
	v5 =	vmul.f32 v5, v4  }
0x62f: {  	v11 =	vnsel vm14, $0x100, v8;
	v8 =	vsub.f32 v60, v3;
	v63 =	vmul.f32 v9, v4  }
0x630: {  	v7 =	vnsel vm2, $0x100, v7;
	v10 =	vmul.f32 v10, v4;
	v5 =	vtrunc.f32 v5  }
0x631: {  	v6 =	vadd.s32 v1, v6;
	v9 =	vmul.f32 v8, v4;
	v8 =	vcvt.f32.s32 v5  }
0x632: {  	s23 =	simm.s32 $0x40A0;
	s22 =	simm.s32 $0x40;
	v5 =	vadd.s32 v1, v11;
	[tilespmem:v62+s13+$0x0] =	vst.idx.add.f32.msk $0xffff, v2;
	v11 =	vtrunc.f32 v63;
	v10 =	vtrunc.f32 v10  }
.LBB2_54:
0x633: {  	v12 =	vld [tilespmem:s23+$0x10];
	s22 =	sadd.s32 $0x40, s22;
	v9 =	vtrunc.f32 v9;
	v11 =	vcvt.f32.s32 v11;
	v13 =	vshra.s32 v8, $0x1F  }
0x634: {  	v10 =	vcvt.f32.s32 v10;
	v14 =	vld [tilespmem:s23+$0xFFFFFFF0];
	p0 =	slt.u32 s22, $0x3FC0;
	v9 =	vcvt.f32.s32 v9;
	v8 =	vor.u32 v13, v8  }
0x635: {  	v7 =	vadd.s32 v1, v7;
	v13 =	vld [tilespmem:s23+$0x0];
	v15 =	vshra.s32 v11, $0x1F;
	vm0 =	vlt.s32 v8, $0x100  }
0x636: {  	v18 =	vshra.s32 v10, $0x1F;
	v16 =	vld [tilespmem:s23+$0xFFFFFFE0];
	v17 =	vshra.s32 v9, $0x1F;
	v8 =	vnsel vm0, $0x100, v8  }
0x637: {  	v11 =	vor.u32 v15, v11;
	v9 =	vor.u32 v17, v9;
	v8 =	vadd.s32 v1, v8  }
0x638: {  	v10 =	vor.u32 v18, v10;
	v12 =	vsub.f32 v12, v3;
	vm0 =	vlt.s32 v9, $0x100;
	[tilespmem:v5+s13+$0x0] =	vst.idx.add.f32.msk $0xffff, v2  }
0x639: {  	vm1 =	vlt.s32 v11, $0x100;
	vm2 =	vlt.s32 v10, $0x100;
	v5 =	vsub.f32 v14, v3;
	[tilespmem:v6+s13+$0x0] =	vst.idx.add.f32.msk $0xffff, v2  }
.Ltmp26:
0x63a: {  	v6 =	vsub.f32 v13, v3;
	v12 =	vmul.f32 v12, v4;
	v13 =	vnsel vm0, $0x100, v9;
	[tilespmem:v7+s13+$0x0] =	vst.idx.add.f32.msk $0xffff, v2;
	(pc) =	sbr.rel @p0 .LBB2_54-.Ltmp26, $4  }
0x63b: {  	v15 =	vnsel vm1, $0x100, v11;
	v9 =	vsub.f32 v16, v3;
	v14 =	vmul.f32 v5, v4  }
0x63c: {  	v7 =	vnsel vm2, $0x100, v10;
	v6 =	vmul.f32 v6, v4;
	v5 =	vtrunc.f32 v12;
	[tilespmem:v8+s13+$0x0] =	vst.idx.add.f32.msk $0xffff, v2  }
0x63d: {  	v9 =	vmul.f32 v9, v4;
	v8 =	vcvt.f32.s32 v5;
	v5 =	vadd.s32 v1, v13  }
0x63e: {  	s23 =	sadd.s32 $0x40, s23;
	v11 =	vtrunc.f32 v14;
	v10 =	vtrunc.f32 v6;
	v6 =	vadd.s32 v1, v15  }
0x63f: {  	v9 =	vtrunc.f32 v9  }
0x640: {  	v11 =	vcvt.f32.s32 v11;
	v12 =	vshra.s32 v8, $0x1F;
	v10 =	vcvt.f32.s32 v10  }
0x641: {  	v7 =	vadd.s32 v1, v7;
	v9 =	vcvt.f32.s32 v9;
	v8 =	vor.u32 v12, v8  }
0x642: {  	v58 =	vshra.s32 v11, $0x1F;
	vm0 =	vlt.s32 v8, $0x100;
	v14 =	vshra.s32 v10, $0x1F  }
0x643: {  	v13 =	vshra.s32 v9, $0x1F;
	v8 =	vnsel vm0, $0x100, v8;
	v11 =	vor.u32 v58, v11  }
0x644: {  	v10 =	vor.u32 v14, v10;
	v9 =	vor.u32 v13, v9;
	vm1 =	vlt.s32 v11, $0x100  }
0x645: {  	v8 =	vadd.s32 v1, v8;
	vm12 =	vlt.s32 v10, $0x100;
	v11 =	vnsel vm1, $0x100, v11  }
0x646: {  	[tilespmem:v5+s13+$0x0] =	vst.idx.add.f32.msk $0xffff, v2;
	vm11 =	vlt.s32 v9, $0x100;
	v5 =	vnsel vm12, $0x100, v10;
	v10 =	vadd.s32 v1, v11  }
0x647: {  	v9 =	vnsel vm11, $0x100, v9;
	v5 =	vadd.s32 v1, v5  }
0x648: {  	[tilespmem:v6+s13+$0x0] =	vst.idx.add.f32.msk $0xffff, v2;
	v9 =	vadd.s32 v1, v9  }
0x649: {  	[tilespmem:v7+s13+$0x0] =	vst.idx.add.f32.msk $0xffff, v2  }
0x64a: {  	[tilespmem:v8+s13+$0x0] =	vst.idx.add.f32.msk $0xffff, v2  }
0x64b: {  	[tilespmem:v10+s13+$0x0] =	vst.idx.add.f32.msk $0xffff, v2  }
0x64c: {  	[tilespmem:v5+s13+$0x0] =	vst.idx.add.f32.msk $0xffff, v2  }
0x64d: {  	[tilespmem:v9+s13+$0x0] =	vst.idx.add.f32.msk $0xffff, v2  }
0x64e: {  	_ =	swait.ge [sflag:s16], $0x4000  }
0x64f: {  	s22 =	sld [smem:$0x7FB]  }
0x650: {  	[sflag:s16] =	ssyncset.done $0x0  }
0x651: {  	[sflag:s16] =	ssyncadd.s32 $0xFFFFC000  }
0x652: {  	[hbm4b:s22+s1] =	stream.linear.scatter [tilespmem:s10], [sflag:$0x7], $0x4000, $0x38;
	[tilespmem:$0x11200] =	vst v63  }
0x653: {  	_ =	swait.ge [sflag:s17], $0x4000  }
0x654: {  	[sflag:s17] =	ssyncset.done $0x0  }
0x655: {  	s24 =	simm.s32 $0x8020;
	[sflag:s17] =	ssyncadd.s32 $0xFFFFC000  }
0x656: {  	[tilespmem:s9], [sflag:$0x2] =	stream.linear.gather [hbm4b:s31+s1], $0x4000, $0x38;
	[tilespmem:$0x11200] =	vst v63  }
0x657: {  	v5 =	vld [tilespmem:s24+$0x10]  }
0x658: {  	v6 =	vld [tilespmem:s24+$0xFFFFFFF0]  }
0x659: {  	v7 =	vld [tilespmem:s24+$0x0]  }
0x65a: {  	v8 =	vld [tilespmem:s24+$0xFFFFFFE0];
	_ =	sdelay $0x2  }
0x65b: {  	v5 =	vsub.f32 v5, v3  }
0x65c: {  	v6 =	vsub.f32 v6, v3;
	v7 =	vsub.f32 v7, v3  }
0x65d: {  	v8 =	vsub.f32 v8, v3;
	v5 =	vmul.f32 v5, v4  }
0x65e: {  	v6 =	vmul.f32 v6, v4;
	v7 =	vmul.f32 v7, v4  }
0x65f: {  	v8 =	vmul.f32 v8, v4;
	v5 =	vtrunc.f32 v5  }
0x660: {  	v6 =	vtrunc.f32 v6;
	v7 =	vtrunc.f32 v7  }
0x661: {  	s25 =	simm.s32 $0x8060;
	v8 =	vtrunc.f32 v8;
	v5 =	vcvt.f32.s32 v5  }
0x662: {  	v9 =	vld [tilespmem:s25+$0x10];
	v6 =	vcvt.f32.s32 v6;
	v8 =	vcvt.f32.s32 v8  }
0x663: {  	v11 =	vld [tilespmem:s25+$0xFFFFFFF0];
	v7 =	vcvt.f32.s32 v7;
	v10 =	vshra.s32 v5, $0x1F  }
0x664: {  	v59 =	vshra.s32 v6, $0x1F;
	v61 =	vshra.s32 v8, $0x1F;
	v5 =	vor.u32 v10, v5;
	v10 =	vld [tilespmem:s25+$0x0]  }
0x665: {  	v60 =	vld [tilespmem:s25+$0xFFFFFFE0];
	v15 =	vshra.s32 v7, $0x1F;
	v8 =	vor.u32 v61, v8;
	vm13 =	vlt.s32 v5, $0x100  }
0x666: {  	v6 =	vor.u32 v59, v6;
	v7 =	vor.u32 v15, v7;
	v5 =	vnsel vm13, $0x100, v5  }
0x667: {  	vm14 =	vlt.s32 v8, $0x100;
	v62 =	vadd.s32 v1, v5;
	v5 =	vsub.f32 v9, v3  }
0x668: {  	vm15 =	vlt.s32 v6, $0x100;
	vm2 =	vlt.s32 v7, $0x100;
	v9 =	vsub.f32 v11, v3  }
0x669: {  	v6 =	vnsel vm15, $0x100, v6;
	v10 =	vsub.f32 v10, v3;
	v5 =	vmul.f32 v5, v4  }
0x66a: {  	v11 =	vnsel vm14, $0x100, v8;
	v8 =	vsub.f32 v60, v3;
	v63 =	vmul.f32 v9, v4  }
0x66b: {  	v7 =	vnsel vm2, $0x100, v7;
	v10 =	vmul.f32 v10, v4;
	v5 =	vtrunc.f32 v5  }
0x66c: {  	v6 =	vadd.s32 v1, v6;
	v9 =	vmul.f32 v8, v4;
	v8 =	vcvt.f32.s32 v5  }
0x66d: {  	s23 =	simm.s32 $0x80A0;
	s22 =	simm.s32 $0x40;
	v5 =	vadd.s32 v1, v11;
	[tilespmem:v62+s13+$0x0] =	vst.idx.add.f32.msk $0xffff, v2;
	v11 =	vtrunc.f32 v63;
	v10 =	vtrunc.f32 v10  }
.LBB2_56:
0x66e: {  	v12 =	vld [tilespmem:s23+$0x10];
	s22 =	sadd.s32 $0x40, s22;
	v9 =	vtrunc.f32 v9;
	v11 =	vcvt.f32.s32 v11;
	v13 =	vshra.s32 v8, $0x1F  }
0x66f: {  	v10 =	vcvt.f32.s32 v10;
	v14 =	vld [tilespmem:s23+$0xFFFFFFF0];
	p0 =	slt.u32 s22, $0x3FC0;
	v9 =	vcvt.f32.s32 v9;
	v8 =	vor.u32 v13, v8  }
0x670: {  	v7 =	vadd.s32 v1, v7;
	v13 =	vld [tilespmem:s23+$0x0];
	v15 =	vshra.s32 v11, $0x1F;
	vm0 =	vlt.s32 v8, $0x100  }
0x671: {  	v18 =	vshra.s32 v10, $0x1F;
	v16 =	vld [tilespmem:s23+$0xFFFFFFE0];
	v17 =	vshra.s32 v9, $0x1F;
	v8 =	vnsel vm0, $0x100, v8  }
0x672: {  	v11 =	vor.u32 v15, v11;
	v9 =	vor.u32 v17, v9;
	v8 =	vadd.s32 v1, v8  }
0x673: {  	v10 =	vor.u32 v18, v10;
	v12 =	vsub.f32 v12, v3;
	vm0 =	vlt.s32 v9, $0x100;
	[tilespmem:v5+s13+$0x0] =	vst.idx.add.f32.msk $0xffff, v2  }
0x674: {  	vm1 =	vlt.s32 v11, $0x100;
	vm2 =	vlt.s32 v10, $0x100;
	v5 =	vsub.f32 v14, v3;
	[tilespmem:v6+s13+$0x0] =	vst.idx.add.f32.msk $0xffff, v2  }
.Ltmp27:
0x675: {  	v6 =	vsub.f32 v13, v3;
	v12 =	vmul.f32 v12, v4;
	v13 =	vnsel vm0, $0x100, v9;
	[tilespmem:v7+s13+$0x0] =	vst.idx.add.f32.msk $0xffff, v2;
	(pc) =	sbr.rel @p0 .LBB2_56-.Ltmp27, $4  }
0x676: {  	v15 =	vnsel vm1, $0x100, v11;
	v9 =	vsub.f32 v16, v3;
	v14 =	vmul.f32 v5, v4  }
0x677: {  	v7 =	vnsel vm2, $0x100, v10;
	v6 =	vmul.f32 v6, v4;
	v5 =	vtrunc.f32 v12;
	[tilespmem:v8+s13+$0x0] =	vst.idx.add.f32.msk $0xffff, v2  }
0x678: {  	v9 =	vmul.f32 v9, v4;
	v8 =	vcvt.f32.s32 v5;
	v5 =	vadd.s32 v1, v13  }
0x679: {  	s23 =	sadd.s32 $0x40, s23;
	v11 =	vtrunc.f32 v14;
	v10 =	vtrunc.f32 v6;
	v6 =	vadd.s32 v1, v15  }
0x67a: {  	v9 =	vtrunc.f32 v9  }
0x67b: {  	v11 =	vcvt.f32.s32 v11;
	v12 =	vshra.s32 v8, $0x1F;
	v10 =	vcvt.f32.s32 v10  }
0x67c: {  	v7 =	vadd.s32 v1, v7;
	v9 =	vcvt.f32.s32 v9;
	v8 =	vor.u32 v12, v8  }
0x67d: {  	v58 =	vshra.s32 v11, $0x1F;
	vm0 =	vlt.s32 v8, $0x100;
	v14 =	vshra.s32 v10, $0x1F  }
0x67e: {  	v13 =	vshra.s32 v9, $0x1F;
	v8 =	vnsel vm0, $0x100, v8;
	v11 =	vor.u32 v58, v11  }
0x67f: {  	v10 =	vor.u32 v14, v10;
	v9 =	vor.u32 v13, v9;
	vm1 =	vlt.s32 v11, $0x100  }
0x680: {  	v8 =	vadd.s32 v1, v8;
	vm12 =	vlt.s32 v10, $0x100;
	v11 =	vnsel vm1, $0x100, v11  }
0x681: {  	[tilespmem:v5+s13+$0x0] =	vst.idx.add.f32.msk $0xffff, v2;
	vm11 =	vlt.s32 v9, $0x100;
	v5 =	vnsel vm12, $0x100, v10;
	v10 =	vadd.s32 v1, v11  }
0x682: {  	v9 =	vnsel vm11, $0x100, v9;
	v5 =	vadd.s32 v1, v5  }
0x683: {  	[tilespmem:v6+s13+$0x0] =	vst.idx.add.f32.msk $0xffff, v2;
	v9 =	vadd.s32 v1, v9  }
0x684: {  	[tilespmem:v7+s13+$0x0] =	vst.idx.add.f32.msk $0xffff, v2  }
0x685: {  	[tilespmem:v8+s13+$0x0] =	vst.idx.add.f32.msk $0xffff, v2  }
0x686: {  	[tilespmem:v10+s13+$0x0] =	vst.idx.add.f32.msk $0xffff, v2  }
0x687: {  	[tilespmem:v5+s13+$0x0] =	vst.idx.add.f32.msk $0xffff, v2  }
0x688: {  	[tilespmem:v9+s13+$0x0] =	vst.idx.add.f32.msk $0xffff, v2  }
0x689: {  	_ =	swait.ge [sflag:s18], $0x4000  }
0x68a: {  	s22 =	sld [smem:$0x7FD]  }
0x68b: {  	[sflag:s18] =	ssyncset.done $0x0  }
0x68c: {  	[sflag:s18] =	ssyncadd.s32 $0xFFFFC000  }
0x68d: {  	[hbm4b:s22+s1] =	stream.linear.scatter [tilespmem:s12], [sflag:$0x8], $0x4000, $0x38;
	[tilespmem:$0x11200] =	vst v63  }
0x68e: {  	_ =	swait.ge [sflag:s19], $0x4000  }
0x68f: {  	[sflag:s19] =	ssyncset.done $0x0  }
0x690: {  	s24 =	simm.s32 $0xC020;
	[sflag:s19] =	ssyncadd.s32 $0xFFFFC000  }
0x691: {  	[tilespmem:s10], [sflag:$0x3] =	stream.linear.gather [hbm4b:s0+s1], $0x4000, $0x38;
	[tilespmem:$0x11200] =	vst v63  }
0x692: {  	v5 =	vld [tilespmem:s24+$0x10]  }
0x693: {  	v6 =	vld [tilespmem:s24+$0xFFFFFFF0]  }
0x694: {  	v7 =	vld [tilespmem:s24+$0x0]  }
0x695: {  	v8 =	vld [tilespmem:s24+$0xFFFFFFE0];
	_ =	sdelay $0x2  }
0x696: {  	v5 =	vsub.f32 v5, v3  }
0x697: {  	v6 =	vsub.f32 v6, v3;
	v7 =	vsub.f32 v7, v3  }
0x698: {  	v8 =	vsub.f32 v8, v3;
	v5 =	vmul.f32 v5, v4  }
0x699: {  	v6 =	vmul.f32 v6, v4;
	v7 =	vmul.f32 v7, v4  }
0x69a: {  	v8 =	vmul.f32 v8, v4;
	v5 =	vtrunc.f32 v5  }
0x69b: {  	v6 =	vtrunc.f32 v6;
	v7 =	vtrunc.f32 v7  }
0x69c: {  	s25 =	simm.s32 $0xC060;
	v8 =	vtrunc.f32 v8;
	v5 =	vcvt.f32.s32 v5  }
0x69d: {  	v9 =	vld [tilespmem:s25+$0x10];
	v6 =	vcvt.f32.s32 v6;
	v8 =	vcvt.f32.s32 v8  }
0x69e: {  	v11 =	vld [tilespmem:s25+$0xFFFFFFF0];
	v7 =	vcvt.f32.s32 v7;
	v10 =	vshra.s32 v5, $0x1F  }
0x69f: {  	v59 =	vshra.s32 v6, $0x1F;
	v61 =	vshra.s32 v8, $0x1F;
	v5 =	vor.u32 v10, v5;
	v10 =	vld [tilespmem:s25+$0x0]  }
0x6a0: {  	v60 =	vld [tilespmem:s25+$0xFFFFFFE0];
	v15 =	vshra.s32 v7, $0x1F;
	v8 =	vor.u32 v61, v8;
	vm13 =	vlt.s32 v5, $0x100  }
0x6a1: {  	v6 =	vor.u32 v59, v6;
	v7 =	vor.u32 v15, v7;
	v5 =	vnsel vm13, $0x100, v5  }
0x6a2: {  	vm14 =	vlt.s32 v8, $0x100;
	v62 =	vadd.s32 v1, v5;
	v5 =	vsub.f32 v9, v3  }
0x6a3: {  	vm15 =	vlt.s32 v6, $0x100;
	vm2 =	vlt.s32 v7, $0x100;
	v9 =	vsub.f32 v11, v3  }
0x6a4: {  	v6 =	vnsel vm15, $0x100, v6;
	v10 =	vsub.f32 v10, v3;
	v5 =	vmul.f32 v5, v4  }
0x6a5: {  	v11 =	vnsel vm14, $0x100, v8;
	v8 =	vsub.f32 v60, v3;
	v63 =	vmul.f32 v9, v4  }
0x6a6: {  	v7 =	vnsel vm2, $0x100, v7;
	v10 =	vmul.f32 v10, v4;
	v5 =	vtrunc.f32 v5  }
0x6a7: {  	v6 =	vadd.s32 v1, v6;
	v9 =	vmul.f32 v8, v4;
	v8 =	vcvt.f32.s32 v5  }
0x6a8: {  	s23 =	simm.s32 $0xC0A0;
	s22 =	simm.s32 $0x40;
	v5 =	vadd.s32 v1, v11;
	[tilespmem:v62+s13+$0x0] =	vst.idx.add.f32.msk $0xffff, v2;
	v11 =	vtrunc.f32 v63;
	v10 =	vtrunc.f32 v10  }
.LBB2_58:
0x6a9: {  	v12 =	vld [tilespmem:s23+$0x10];
	s22 =	sadd.s32 $0x40, s22;
	v9 =	vtrunc.f32 v9;
	v11 =	vcvt.f32.s32 v11;
	v13 =	vshra.s32 v8, $0x1F  }
0x6aa: {  	v10 =	vcvt.f32.s32 v10;
	v14 =	vld [tilespmem:s23+$0xFFFFFFF0];
	p0 =	slt.u32 s22, $0x3FC0;
	v9 =	vcvt.f32.s32 v9;
	v8 =	vor.u32 v13, v8  }
0x6ab: {  	v7 =	vadd.s32 v1, v7;
	v13 =	vld [tilespmem:s23+$0x0];
	v15 =	vshra.s32 v11, $0x1F;
	vm0 =	vlt.s32 v8, $0x100  }
0x6ac: {  	v18 =	vshra.s32 v10, $0x1F;
	v16 =	vld [tilespmem:s23+$0xFFFFFFE0];
	v17 =	vshra.s32 v9, $0x1F;
	v8 =	vnsel vm0, $0x100, v8  }
0x6ad: {  	v11 =	vor.u32 v15, v11;
	v9 =	vor.u32 v17, v9;
	v8 =	vadd.s32 v1, v8  }
0x6ae: {  	v10 =	vor.u32 v18, v10;
	v12 =	vsub.f32 v12, v3;
	vm0 =	vlt.s32 v9, $0x100;
	[tilespmem:v5+s13+$0x0] =	vst.idx.add.f32.msk $0xffff, v2  }
0x6af: {  	vm1 =	vlt.s32 v11, $0x100;
	vm2 =	vlt.s32 v10, $0x100;
	v5 =	vsub.f32 v14, v3;
	[tilespmem:v6+s13+$0x0] =	vst.idx.add.f32.msk $0xffff, v2  }
.Ltmp28:
0x6b0: {  	v6 =	vsub.f32 v13, v3;
	v12 =	vmul.f32 v12, v4;
	v13 =	vnsel vm0, $0x100, v9;
	[tilespmem:v7+s13+$0x0] =	vst.idx.add.f32.msk $0xffff, v2;
	(pc) =	sbr.rel @p0 .LBB2_58-.Ltmp28, $4  }
0x6b1: {  	v15 =	vnsel vm1, $0x100, v11;
	v9 =	vsub.f32 v16, v3;
	v14 =	vmul.f32 v5, v4  }
0x6b2: {  	v7 =	vnsel vm2, $0x100, v10;
	v6 =	vmul.f32 v6, v4;
	v5 =	vtrunc.f32 v12;
	[tilespmem:v8+s13+$0x0] =	vst.idx.add.f32.msk $0xffff, v2  }
0x6b3: {  	v9 =	vmul.f32 v9, v4;
	v8 =	vcvt.f32.s32 v5;
	v5 =	vadd.s32 v1, v13  }
0x6b4: {  	s23 =	sadd.s32 $0x40, s23;
	v11 =	vtrunc.f32 v14;
	v10 =	vtrunc.f32 v6;
	v6 =	vadd.s32 v1, v15  }
0x6b5: {  	v9 =	vtrunc.f32 v9  }
0x6b6: {  	v11 =	vcvt.f32.s32 v11;
	v12 =	vshra.s32 v8, $0x1F;
	v10 =	vcvt.f32.s32 v10  }
0x6b7: {  	v7 =	vadd.s32 v1, v7;
	v9 =	vcvt.f32.s32 v9;
	v8 =	vor.u32 v12, v8  }
0x6b8: {  	v58 =	vshra.s32 v11, $0x1F;
	vm0 =	vlt.s32 v8, $0x100;
	v14 =	vshra.s32 v10, $0x1F  }
0x6b9: {  	v13 =	vshra.s32 v9, $0x1F;
	v8 =	vnsel vm0, $0x100, v8;
	v11 =	vor.u32 v58, v11  }
0x6ba: {  	v10 =	vor.u32 v14, v10;
	v9 =	vor.u32 v13, v9;
	vm1 =	vlt.s32 v11, $0x100  }
0x6bb: {  	v8 =	vadd.s32 v1, v8;
	vm12 =	vlt.s32 v10, $0x100;
	v11 =	vnsel vm1, $0x100, v11  }
0x6bc: {  	[tilespmem:v5+s13+$0x0] =	vst.idx.add.f32.msk $0xffff, v2;
	vm11 =	vlt.s32 v9, $0x100;
	v5 =	vnsel vm12, $0x100, v10;
	v10 =	vadd.s32 v1, v11  }
0x6bd: {  	v9 =	vnsel vm11, $0x100, v9;
	v5 =	vadd.s32 v1, v5  }
0x6be: {  	[tilespmem:v6+s13+$0x0] =	vst.idx.add.f32.msk $0xffff, v2;
	v9 =	vadd.s32 v1, v9  }
0x6bf: {  	[tilespmem:v7+s13+$0x0] =	vst.idx.add.f32.msk $0xffff, v2  }
0x6c0: {  	[tilespmem:v8+s13+$0x0] =	vst.idx.add.f32.msk $0xffff, v2  }
0x6c1: {  	[tilespmem:v10+s13+$0x0] =	vst.idx.add.f32.msk $0xffff, v2  }
0x6c2: {  	[tilespmem:v5+s13+$0x0] =	vst.idx.add.f32.msk $0xffff, v2  }
0x6c3: {  	[tilespmem:v9+s13+$0x0] =	vst.idx.add.f32.msk $0xffff, v2  }
0x6c4: {  	_ =	swait.ge [sflag:s11], $0x4000  }
0x6c5: {  	[sflag:s11] =	ssyncset.done $0x0  }
0x6c6: {  	[sflag:s11] =	ssyncadd.s32 $0xFFFFC000  }
0x6c7: {  	[hbm4b:s28+s1] =	stream.linear.scatter [tilespmem:s1], [sflag:$0x5], $0x4000, $0x38;
	[tilespmem:$0x11200] =	vst v63  }
0x6c8: {  	_ =	swait.ge [sflag:s20], $0x4000  }
0x6c9: {  	[sflag:s20] =	ssyncset.done $0x0  }
0x6ca: {  	s22 =	simm.s32 $0x20;
	[sflag:s20] =	ssyncadd.s32 $0xFFFFC000  }
0x6cb: {  	[tilespmem:s12], [sflag:$0x4] =	stream.linear.gather [hbm4b:s2+s1], $0x4000, $0x38;
	[tilespmem:$0x11200] =	vst v63  }
0x6cc: {  	v5 =	vld [tilespmem:s22+$0x10]  }
0x6cd: {  	v6 =	vld [tilespmem:s22+$0xFFFFFFF0]  }
0x6ce: {  	v7 =	vld [tilespmem:s22+$0x0]  }
0x6cf: {  	v8 =	vld [tilespmem:s22+$0xFFFFFFE0];
	_ =	sdelay $0x2  }
0x6d0: {  	v5 =	vsub.f32 v5, v3  }
0x6d1: {  	v6 =	vsub.f32 v6, v3;
	v7 =	vsub.f32 v7, v3  }
0x6d2: {  	v8 =	vsub.f32 v8, v3;
	v5 =	vmul.f32 v5, v4  }
0x6d3: {  	v6 =	vmul.f32 v6, v4;
	v7 =	vmul.f32 v7, v4  }
0x6d4: {  	v8 =	vmul.f32 v8, v4;
	v5 =	vtrunc.f32 v5  }
0x6d5: {  	v6 =	vtrunc.f32 v6;
	v7 =	vtrunc.f32 v7  }
0x6d6: {  	s25 =	simm.s32 $0x60;
	v8 =	vtrunc.f32 v8;
	v5 =	vcvt.f32.s32 v5  }
0x6d7: {  	v9 =	vld [tilespmem:s25+$0x10];
	v6 =	vcvt.f32.s32 v6;
	v8 =	vcvt.f32.s32 v8  }
0x6d8: {  	v11 =	vld [tilespmem:s25+$0xFFFFFFF0];
	v7 =	vcvt.f32.s32 v7;
	v10 =	vshra.s32 v5, $0x1F  }
0x6d9: {  	v59 =	vshra.s32 v6, $0x1F;
	v61 =	vshra.s32 v8, $0x1F;
	v5 =	vor.u32 v10, v5;
	v10 =	vld [tilespmem:s25+$0x0]  }
0x6da: {  	v60 =	vld [tilespmem:s25+$0xFFFFFFE0];
	v15 =	vshra.s32 v7, $0x1F;
	v8 =	vor.u32 v61, v8;
	vm13 =	vlt.s32 v5, $0x100  }
0x6db: {  	v6 =	vor.u32 v59, v6;
	v7 =	vor.u32 v15, v7;
	v5 =	vnsel vm13, $0x100, v5  }
0x6dc: {  	vm14 =	vlt.s32 v8, $0x100;
	v62 =	vadd.s32 v1, v5;
	v5 =	vsub.f32 v9, v3  }
0x6dd: {  	vm15 =	vlt.s32 v6, $0x100;
	vm2 =	vlt.s32 v7, $0x100;
	v9 =	vsub.f32 v11, v3  }
0x6de: {  	v6 =	vnsel vm15, $0x100, v6;
	v10 =	vsub.f32 v10, v3;
	v5 =	vmul.f32 v5, v4  }
0x6df: {  	v11 =	vnsel vm14, $0x100, v8;
	v8 =	vsub.f32 v60, v3;
	v63 =	vmul.f32 v9, v4  }
0x6e0: {  	v7 =	vnsel vm2, $0x100, v7;
	v10 =	vmul.f32 v10, v4;
	v5 =	vtrunc.f32 v5  }
0x6e1: {  	v6 =	vadd.s32 v1, v6;
	v9 =	vmul.f32 v8, v4;
	v8 =	vcvt.f32.s32 v5  }
0x6e2: {  	s23 =	simm.s32 $0xA0;
	s22 =	simm.s32 $0x40;
	v5 =	vadd.s32 v1, v11;
	[tilespmem:v62+s13+$0x0] =	vst.idx.add.f32.msk $0xffff, v2;
	v11 =	vtrunc.f32 v63;
	v10 =	vtrunc.f32 v10  }
.LBB2_60:
0x6e3: {  	v12 =	vld [tilespmem:s23+$0x10];
	s22 =	sadd.s32 $0x40, s22;
	v9 =	vtrunc.f32 v9;
	v11 =	vcvt.f32.s32 v11;
	v13 =	vshra.s32 v8, $0x1F  }
0x6e4: {  	v10 =	vcvt.f32.s32 v10;
	v14 =	vld [tilespmem:s23+$0xFFFFFFF0];
	p0 =	slt.u32 s22, $0x3FC0;
	v9 =	vcvt.f32.s32 v9;
	v8 =	vor.u32 v13, v8  }
0x6e5: {  	v7 =	vadd.s32 v1, v7;
	v13 =	vld [tilespmem:s23+$0x0];
	v15 =	vshra.s32 v11, $0x1F;
	vm0 =	vlt.s32 v8, $0x100  }
0x6e6: {  	v18 =	vshra.s32 v10, $0x1F;
	v16 =	vld [tilespmem:s23+$0xFFFFFFE0];
	v17 =	vshra.s32 v9, $0x1F;
	v8 =	vnsel vm0, $0x100, v8  }
0x6e7: {  	v11 =	vor.u32 v15, v11;
	v9 =	vor.u32 v17, v9;
	v8 =	vadd.s32 v1, v8  }
0x6e8: {  	v10 =	vor.u32 v18, v10;
	v12 =	vsub.f32 v12, v3;
	vm0 =	vlt.s32 v9, $0x100;
	[tilespmem:v5+s13+$0x0] =	vst.idx.add.f32.msk $0xffff, v2  }
0x6e9: {  	vm1 =	vlt.s32 v11, $0x100;
	vm2 =	vlt.s32 v10, $0x100;
	v5 =	vsub.f32 v14, v3;
	[tilespmem:v6+s13+$0x0] =	vst.idx.add.f32.msk $0xffff, v2  }
.Ltmp29:
0x6ea: {  	v6 =	vsub.f32 v13, v3;
	v12 =	vmul.f32 v12, v4;
	v13 =	vnsel vm0, $0x100, v9;
	[tilespmem:v7+s13+$0x0] =	vst.idx.add.f32.msk $0xffff, v2;
	(pc) =	sbr.rel @p0 .LBB2_60-.Ltmp29, $4  }
0x6eb: {  	v15 =	vnsel vm1, $0x100, v11;
	v9 =	vsub.f32 v16, v3;
	v14 =	vmul.f32 v5, v4  }
0x6ec: {  	v7 =	vnsel vm2, $0x100, v10;
	v6 =	vmul.f32 v6, v4;
	v5 =	vtrunc.f32 v12;
	[tilespmem:v8+s13+$0x0] =	vst.idx.add.f32.msk $0xffff, v2  }
0x6ed: {  	v9 =	vmul.f32 v9, v4;
	v8 =	vcvt.f32.s32 v5;
	v5 =	vadd.s32 v1, v13  }
0x6ee: {  	s23 =	sadd.s32 $0x40, s23;
	v11 =	vtrunc.f32 v14;
	v10 =	vtrunc.f32 v6;
	v6 =	vadd.s32 v1, v15  }
0x6ef: {  	v9 =	vtrunc.f32 v9  }
0x6f0: {  	v11 =	vcvt.f32.s32 v11;
	v12 =	vshra.s32 v8, $0x1F;
	v10 =	vcvt.f32.s32 v10  }
0x6f1: {  	v7 =	vadd.s32 v1, v7;
	v9 =	vcvt.f32.s32 v9;
	v8 =	vor.u32 v12, v8  }
0x6f2: {  	v58 =	vshra.s32 v11, $0x1F;
	vm0 =	vlt.s32 v8, $0x100;
	v14 =	vshra.s32 v10, $0x1F  }
0x6f3: {  	v13 =	vshra.s32 v9, $0x1F;
	v8 =	vnsel vm0, $0x100, v8;
	v11 =	vor.u32 v58, v11  }
0x6f4: {  	v10 =	vor.u32 v14, v10;
	v9 =	vor.u32 v13, v9;
	vm1 =	vlt.s32 v11, $0x100  }
0x6f5: {  	v8 =	vadd.s32 v1, v8;
	vm12 =	vlt.s32 v10, $0x100;
	v11 =	vnsel vm1, $0x100, v11  }
0x6f6: {  	[tilespmem:v5+s13+$0x0] =	vst.idx.add.f32.msk $0xffff, v2;
	vm11 =	vlt.s32 v9, $0x100;
	v5 =	vnsel vm12, $0x100, v10;
	v10 =	vadd.s32 v1, v11  }
0x6f7: {  	v9 =	vnsel vm11, $0x100, v9;
	v5 =	vadd.s32 v1, v5  }
0x6f8: {  	[tilespmem:v6+s13+$0x0] =	vst.idx.add.f32.msk $0xffff, v2;
	v9 =	vadd.s32 v1, v9  }
0x6f9: {  	[tilespmem:v7+s13+$0x0] =	vst.idx.add.f32.msk $0xffff, v2  }
0x6fa: {  	[tilespmem:v8+s13+$0x0] =	vst.idx.add.f32.msk $0xffff, v2  }
0x6fb: {  	[tilespmem:v10+s13+$0x0] =	vst.idx.add.f32.msk $0xffff, v2  }
0x6fc: {  	[tilespmem:v5+s13+$0x0] =	vst.idx.add.f32.msk $0xffff, v2  }
0x6fd: {  	[tilespmem:v9+s13+$0x0] =	vst.idx.add.f32.msk $0xffff, v2  }
0x6fe: {  	_ =	swait.ge [sflag:s14], $0x4000  }
0x6ff: {  	[sflag:s14] =	ssyncset.done $0x0  }
0x700: {  	s22 =	simm.s32 $0x4020;
	[sflag:s14] =	ssyncadd.s32 $0xFFFFC000  }
0x701: {  	[hbm4b:s3+s1] =	stream.linear.scatter [tilespmem:s9], [sflag:$0x6], $0x4000, $0x38;
	[tilespmem:$0x11200] =	vst v63  }
0x702: {  	v5 =	vld [tilespmem:s22+$0x10]  }
0x703: {  	v6 =	vld [tilespmem:s22+$0xFFFFFFF0]  }
0x704: {  	v7 =	vld [tilespmem:s22+$0x0]  }
0x705: {  	v8 =	vld [tilespmem:s22+$0xFFFFFFE0];
	_ =	sdelay $0x2  }
0x706: {  	v5 =	vsub.f32 v5, v3  }
0x707: {  	v6 =	vsub.f32 v6, v3;
	v7 =	vsub.f32 v7, v3  }
0x708: {  	v8 =	vsub.f32 v8, v3;
	v5 =	vmul.f32 v5, v4  }
0x709: {  	v6 =	vmul.f32 v6, v4;
	v7 =	vmul.f32 v7, v4  }
0x70a: {  	v8 =	vmul.f32 v8, v4;
	v5 =	vtrunc.f32 v5  }
0x70b: {  	v6 =	vtrunc.f32 v6;
	v7 =	vtrunc.f32 v7  }
0x70c: {  	s25 =	simm.s32 $0x4060;
	v8 =	vtrunc.f32 v8;
	v5 =	vcvt.f32.s32 v5  }
0x70d: {  	v9 =	vld [tilespmem:s25+$0x10];
	v6 =	vcvt.f32.s32 v6;
	v8 =	vcvt.f32.s32 v8  }
0x70e: {  	v11 =	vld [tilespmem:s25+$0xFFFFFFF0];
	v7 =	vcvt.f32.s32 v7;
	v10 =	vshra.s32 v5, $0x1F  }
0x70f: {  	v59 =	vshra.s32 v6, $0x1F;
	v61 =	vshra.s32 v8, $0x1F;
	v5 =	vor.u32 v10, v5;
	v10 =	vld [tilespmem:s25+$0x0]  }
0x710: {  	v60 =	vld [tilespmem:s25+$0xFFFFFFE0];
	v15 =	vshra.s32 v7, $0x1F;
	v8 =	vor.u32 v61, v8;
	vm13 =	vlt.s32 v5, $0x100  }
0x711: {  	v6 =	vor.u32 v59, v6;
	v7 =	vor.u32 v15, v7;
	v5 =	vnsel vm13, $0x100, v5  }
0x712: {  	vm14 =	vlt.s32 v8, $0x100;
	v62 =	vadd.s32 v1, v5;
	v5 =	vsub.f32 v9, v3  }
0x713: {  	vm15 =	vlt.s32 v6, $0x100;
	vm2 =	vlt.s32 v7, $0x100;
	v9 =	vsub.f32 v11, v3  }
0x714: {  	v6 =	vnsel vm15, $0x100, v6;
	v10 =	vsub.f32 v10, v3;
	v5 =	vmul.f32 v5, v4  }
0x715: {  	v11 =	vnsel vm14, $0x100, v8;
	v8 =	vsub.f32 v60, v3;
	v63 =	vmul.f32 v9, v4  }
0x716: {  	v7 =	vnsel vm2, $0x100, v7;
	v10 =	vmul.f32 v10, v4;
	v5 =	vtrunc.f32 v5  }
0x717: {  	v6 =	vadd.s32 v1, v6;
	v9 =	vmul.f32 v8, v4;
	v8 =	vcvt.f32.s32 v5  }
0x718: {  	s23 =	simm.s32 $0x40A0;
	s22 =	simm.s32 $0x40;
	v5 =	vadd.s32 v1, v11;
	[tilespmem:v62+s13+$0x0] =	vst.idx.add.f32.msk $0xffff, v2;
	v11 =	vtrunc.f32 v63;
	v10 =	vtrunc.f32 v10  }
.LBB2_62:
0x719: {  	v12 =	vld [tilespmem:s23+$0x10];
	s22 =	sadd.s32 $0x40, s22;
	v9 =	vtrunc.f32 v9;
	v11 =	vcvt.f32.s32 v11;
	v13 =	vshra.s32 v8, $0x1F  }
0x71a: {  	v10 =	vcvt.f32.s32 v10;
	v14 =	vld [tilespmem:s23+$0xFFFFFFF0];
	p0 =	slt.u32 s22, $0x3FC0;
	v9 =	vcvt.f32.s32 v9;
	v8 =	vor.u32 v13, v8  }
0x71b: {  	v7 =	vadd.s32 v1, v7;
	v13 =	vld [tilespmem:s23+$0x0];
	v15 =	vshra.s32 v11, $0x1F;
	vm0 =	vlt.s32 v8, $0x100  }
0x71c: {  	v18 =	vshra.s32 v10, $0x1F;
	v16 =	vld [tilespmem:s23+$0xFFFFFFE0];
	v17 =	vshra.s32 v9, $0x1F;
	v8 =	vnsel vm0, $0x100, v8  }
0x71d: {  	v11 =	vor.u32 v15, v11;
	v9 =	vor.u32 v17, v9;
	v8 =	vadd.s32 v1, v8  }
0x71e: {  	v10 =	vor.u32 v18, v10;
	v12 =	vsub.f32 v12, v3;
	vm0 =	vlt.s32 v9, $0x100;
	[tilespmem:v5+s13+$0x0] =	vst.idx.add.f32.msk $0xffff, v2  }
0x71f: {  	vm1 =	vlt.s32 v11, $0x100;
	vm2 =	vlt.s32 v10, $0x100;
	v5 =	vsub.f32 v14, v3;
	[tilespmem:v6+s13+$0x0] =	vst.idx.add.f32.msk $0xffff, v2  }
.Ltmp30:
0x720: {  	v6 =	vsub.f32 v13, v3;
	v12 =	vmul.f32 v12, v4;
	v13 =	vnsel vm0, $0x100, v9;
	[tilespmem:v7+s13+$0x0] =	vst.idx.add.f32.msk $0xffff, v2;
	(pc) =	sbr.rel @p0 .LBB2_62-.Ltmp30, $4  }
0x721: {  	v15 =	vnsel vm1, $0x100, v11;
	v9 =	vsub.f32 v16, v3;
	v14 =	vmul.f32 v5, v4  }
0x722: {  	v7 =	vnsel vm2, $0x100, v10;
	v6 =	vmul.f32 v6, v4;
	v5 =	vtrunc.f32 v12;
	[tilespmem:v8+s13+$0x0] =	vst.idx.add.f32.msk $0xffff, v2  }
0x723: {  	v9 =	vmul.f32 v9, v4;
	v8 =	vcvt.f32.s32 v5;
	v5 =	vadd.s32 v1, v13  }
0x724: {  	s23 =	sadd.s32 $0x40, s23;
	v11 =	vtrunc.f32 v14;
	v10 =	vtrunc.f32 v6;
	v6 =	vadd.s32 v1, v15  }
0x725: {  	v9 =	vtrunc.f32 v9  }
0x726: {  	v11 =	vcvt.f32.s32 v11;
	v12 =	vshra.s32 v8, $0x1F;
	v10 =	vcvt.f32.s32 v10  }
0x727: {  	v7 =	vadd.s32 v1, v7;
	v9 =	vcvt.f32.s32 v9;
	v8 =	vor.u32 v12, v8  }
0x728: {  	v58 =	vshra.s32 v11, $0x1F;
	vm0 =	vlt.s32 v8, $0x100;
	v14 =	vshra.s32 v10, $0x1F  }
0x729: {  	v13 =	vshra.s32 v9, $0x1F;
	v8 =	vnsel vm0, $0x100, v8;
	v11 =	vor.u32 v58, v11  }
0x72a: {  	v10 =	vor.u32 v14, v10;
	v9 =	vor.u32 v13, v9;
	vm1 =	vlt.s32 v11, $0x100  }
0x72b: {  	v8 =	vadd.s32 v1, v8;
	vm12 =	vlt.s32 v10, $0x100;
	v11 =	vnsel vm1, $0x100, v11  }
0x72c: {  	[tilespmem:v5+s13+$0x0] =	vst.idx.add.f32.msk $0xffff, v2;
	vm11 =	vlt.s32 v9, $0x100;
	v5 =	vnsel vm12, $0x100, v10;
	v10 =	vadd.s32 v1, v11  }
0x72d: {  	v9 =	vnsel vm11, $0x100, v9;
	v5 =	vadd.s32 v1, v5  }
0x72e: {  	[tilespmem:v6+s13+$0x0] =	vst.idx.add.f32.msk $0xffff, v2;
	v9 =	vadd.s32 v1, v9  }
0x72f: {  	[tilespmem:v7+s13+$0x0] =	vst.idx.add.f32.msk $0xffff, v2  }
0x730: {  	[tilespmem:v8+s13+$0x0] =	vst.idx.add.f32.msk $0xffff, v2  }
0x731: {  	[tilespmem:v10+s13+$0x0] =	vst.idx.add.f32.msk $0xffff, v2  }
0x732: {  	[tilespmem:v5+s13+$0x0] =	vst.idx.add.f32.msk $0xffff, v2  }
0x733: {  	[tilespmem:v9+s13+$0x0] =	vst.idx.add.f32.msk $0xffff, v2  }
0x734: {  	_ =	swait.ge [sflag:s16], $0x4000  }
0x735: {  	[sflag:s16] =	ssyncset.done $0x0  }
0x736: {  	s22 =	simm.s32 $0x8020;
	[sflag:s16] =	ssyncadd.s32 $0xFFFFC000  }
0x737: {  	[hbm4b:s4+s1] =	stream.linear.scatter [tilespmem:s10], [sflag:$0x7], $0x4000, $0x38;
	[tilespmem:$0x11200] =	vst v63  }
0x738: {  	v5 =	vld [tilespmem:s22+$0x10]  }
0x739: {  	v6 =	vld [tilespmem:s22+$0xFFFFFFF0]  }
0x73a: {  	v7 =	vld [tilespmem:s22+$0x0]  }
0x73b: {  	v8 =	vld [tilespmem:s22+$0xFFFFFFE0];
	_ =	sdelay $0x2  }
0x73c: {  	v5 =	vsub.f32 v5, v3  }
0x73d: {  	v6 =	vsub.f32 v6, v3;
	v7 =	vsub.f32 v7, v3  }
0x73e: {  	v8 =	vsub.f32 v8, v3;
	v5 =	vmul.f32 v5, v4  }
0x73f: {  	v6 =	vmul.f32 v6, v4;
	v7 =	vmul.f32 v7, v4  }
0x740: {  	v8 =	vmul.f32 v8, v4;
	v5 =	vtrunc.f32 v5  }
0x741: {  	v6 =	vtrunc.f32 v6;
	v7 =	vtrunc.f32 v7  }
0x742: {  	s25 =	simm.s32 $0x8060;
	v8 =	vtrunc.f32 v8;
	v5 =	vcvt.f32.s32 v5  }
0x743: {  	v9 =	vld [tilespmem:s25+$0x10];
	v6 =	vcvt.f32.s32 v6;
	v8 =	vcvt.f32.s32 v8  }
0x744: {  	v11 =	vld [tilespmem:s25+$0xFFFFFFF0];
	v7 =	vcvt.f32.s32 v7;
	v10 =	vshra.s32 v5, $0x1F  }
0x745: {  	v59 =	vshra.s32 v6, $0x1F;
	v61 =	vshra.s32 v8, $0x1F;
	v5 =	vor.u32 v10, v5;
	v10 =	vld [tilespmem:s25+$0x0]  }
0x746: {  	v60 =	vld [tilespmem:s25+$0xFFFFFFE0];
	v15 =	vshra.s32 v7, $0x1F;
	v8 =	vor.u32 v61, v8;
	vm13 =	vlt.s32 v5, $0x100  }
0x747: {  	v6 =	vor.u32 v59, v6;
	v7 =	vor.u32 v15, v7;
	v5 =	vnsel vm13, $0x100, v5  }
0x748: {  	vm14 =	vlt.s32 v8, $0x100;
	v62 =	vadd.s32 v1, v5;
	v5 =	vsub.f32 v9, v3  }
0x749: {  	vm15 =	vlt.s32 v6, $0x100;
	vm2 =	vlt.s32 v7, $0x100;
	v9 =	vsub.f32 v11, v3  }
0x74a: {  	v6 =	vnsel vm15, $0x100, v6;
	v10 =	vsub.f32 v10, v3;
	v5 =	vmul.f32 v5, v4  }
0x74b: {  	v11 =	vnsel vm14, $0x100, v8;
	v8 =	vsub.f32 v60, v3;
	v63 =	vmul.f32 v9, v4  }
0x74c: {  	v7 =	vnsel vm2, $0x100, v7;
	v10 =	vmul.f32 v10, v4;
	v5 =	vtrunc.f32 v5  }
0x74d: {  	v6 =	vadd.s32 v1, v6;
	v9 =	vmul.f32 v8, v4;
	v8 =	vcvt.f32.s32 v5  }
0x74e: {  	s23 =	simm.s32 $0x80A0;
	s22 =	simm.s32 $0x40;
	v5 =	vadd.s32 v1, v11;
	[tilespmem:v62+s13+$0x0] =	vst.idx.add.f32.msk $0xffff, v2;
	v11 =	vtrunc.f32 v63;
	v10 =	vtrunc.f32 v10  }
.LBB2_64:
0x74f: {  	v12 =	vld [tilespmem:s23+$0x10];
	s22 =	sadd.s32 $0x40, s22;
	v9 =	vtrunc.f32 v9;
	v11 =	vcvt.f32.s32 v11;
	v13 =	vshra.s32 v8, $0x1F  }
0x750: {  	v10 =	vcvt.f32.s32 v10;
	v14 =	vld [tilespmem:s23+$0xFFFFFFF0];
	p0 =	slt.u32 s22, $0x3FC0;
	v9 =	vcvt.f32.s32 v9;
	v8 =	vor.u32 v13, v8  }
0x751: {  	v7 =	vadd.s32 v1, v7;
	v13 =	vld [tilespmem:s23+$0x0];
	v15 =	vshra.s32 v11, $0x1F;
	vm0 =	vlt.s32 v8, $0x100  }
0x752: {  	v18 =	vshra.s32 v10, $0x1F;
	v16 =	vld [tilespmem:s23+$0xFFFFFFE0];
	v17 =	vshra.s32 v9, $0x1F;
	v8 =	vnsel vm0, $0x100, v8  }
0x753: {  	v11 =	vor.u32 v15, v11;
	v9 =	vor.u32 v17, v9;
	v8 =	vadd.s32 v1, v8  }
0x754: {  	v10 =	vor.u32 v18, v10;
	v12 =	vsub.f32 v12, v3;
	vm0 =	vlt.s32 v9, $0x100;
	[tilespmem:v5+s13+$0x0] =	vst.idx.add.f32.msk $0xffff, v2  }
0x755: {  	vm1 =	vlt.s32 v11, $0x100;
	vm2 =	vlt.s32 v10, $0x100;
	v5 =	vsub.f32 v14, v3;
	[tilespmem:v6+s13+$0x0] =	vst.idx.add.f32.msk $0xffff, v2  }
.Ltmp31:
0x756: {  	v6 =	vsub.f32 v13, v3;
	v12 =	vmul.f32 v12, v4;
	v13 =	vnsel vm0, $0x100, v9;
	[tilespmem:v7+s13+$0x0] =	vst.idx.add.f32.msk $0xffff, v2;
	(pc) =	sbr.rel @p0 .LBB2_64-.Ltmp31, $4  }
0x757: {  	v15 =	vnsel vm1, $0x100, v11;
	v9 =	vsub.f32 v16, v3;
	v14 =	vmul.f32 v5, v4  }
0x758: {  	v7 =	vnsel vm2, $0x100, v10;
	v6 =	vmul.f32 v6, v4;
	v5 =	vtrunc.f32 v12;
	[tilespmem:v8+s13+$0x0] =	vst.idx.add.f32.msk $0xffff, v2  }
0x759: {  	v9 =	vmul.f32 v9, v4;
	v8 =	vcvt.f32.s32 v5;
	v5 =	vadd.s32 v1, v13  }
0x75a: {  	s23 =	sadd.s32 $0x40, s23;
	v11 =	vtrunc.f32 v14;
	v10 =	vtrunc.f32 v6;
	v6 =	vadd.s32 v1, v15  }
0x75b: {  	v9 =	vtrunc.f32 v9  }
0x75c: {  	v11 =	vcvt.f32.s32 v11;
	v12 =	vshra.s32 v8, $0x1F;
	v10 =	vcvt.f32.s32 v10  }
0x75d: {  	v7 =	vadd.s32 v1, v7;
	v9 =	vcvt.f32.s32 v9;
	v8 =	vor.u32 v12, v8  }
0x75e: {  	v58 =	vshra.s32 v11, $0x1F;
	vm0 =	vlt.s32 v8, $0x100;
	v14 =	vshra.s32 v10, $0x1F  }
0x75f: {  	v13 =	vshra.s32 v9, $0x1F;
	v8 =	vnsel vm0, $0x100, v8;
	v11 =	vor.u32 v58, v11  }
0x760: {  	v10 =	vor.u32 v14, v10;
	v9 =	vor.u32 v13, v9;
	vm1 =	vlt.s32 v11, $0x100  }
0x761: {  	v8 =	vadd.s32 v1, v8;
	vm12 =	vlt.s32 v10, $0x100;
	v11 =	vnsel vm1, $0x100, v11  }
0x762: {  	[tilespmem:v5+s13+$0x0] =	vst.idx.add.f32.msk $0xffff, v2;
	vm11 =	vlt.s32 v9, $0x100;
	v5 =	vnsel vm12, $0x100, v10;
	v10 =	vadd.s32 v1, v11  }
0x763: {  	v9 =	vnsel vm11, $0x100, v9;
	v5 =	vadd.s32 v1, v5  }
0x764: {  	[tilespmem:v6+s13+$0x0] =	vst.idx.add.f32.msk $0xffff, v2;
	v9 =	vadd.s32 v1, v9  }
0x765: {  	[tilespmem:v7+s13+$0x0] =	vst.idx.add.f32.msk $0xffff, v2  }
0x766: {  	[tilespmem:v8+s13+$0x0] =	vst.idx.add.f32.msk $0xffff, v2  }
0x767: {  	[tilespmem:v10+s13+$0x0] =	vst.idx.add.f32.msk $0xffff, v2  }
0x768: {  	[tilespmem:v5+s13+$0x0] =	vst.idx.add.f32.msk $0xffff, v2  }
0x769: {  	[tilespmem:v9+s13+$0x0] =	vst.idx.add.f32.msk $0xffff, v2  }
0x76a: {  	_ =	swait.ge [sflag:s18], $0x4000  }
0x76b: {  	[sflag:s18] =	ssyncset.done $0x0  }
0x76c: {  	s22 =	simm.s32 $0xC020;
	[sflag:s18] =	ssyncadd.s32 $0xFFFFC000  }
0x76d: {  	[hbm4b:s5+s1] =	stream.linear.scatter [tilespmem:s12], [sflag:$0x8], $0x4000, $0x38;
	[tilespmem:$0x11200] =	vst v63  }
0x76e: {  	v5 =	vld [tilespmem:s22+$0x10]  }
0x76f: {  	v6 =	vld [tilespmem:s22+$0xFFFFFFF0]  }
0x770: {  	v7 =	vld [tilespmem:s22+$0x0]  }
0x771: {  	v8 =	vld [tilespmem:s22+$0xFFFFFFE0];
	_ =	sdelay $0x2  }
0x772: {  	v5 =	vsub.f32 v5, v3  }
0x773: {  	v6 =	vsub.f32 v6, v3;
	v7 =	vsub.f32 v7, v3  }
0x774: {  	v8 =	vsub.f32 v8, v3;
	v5 =	vmul.f32 v5, v4  }
0x775: {  	v6 =	vmul.f32 v6, v4;
	v7 =	vmul.f32 v7, v4  }
0x776: {  	v8 =	vmul.f32 v8, v4;
	v5 =	vtrunc.f32 v5  }
0x777: {  	v6 =	vtrunc.f32 v6;
	v7 =	vtrunc.f32 v7  }
0x778: {  	s25 =	simm.s32 $0xC060;
	v8 =	vtrunc.f32 v8;
	v5 =	vcvt.f32.s32 v5  }
0x779: {  	v9 =	vld [tilespmem:s25+$0x10];
	v6 =	vcvt.f32.s32 v6;
	v8 =	vcvt.f32.s32 v8  }
0x77a: {  	v11 =	vld [tilespmem:s25+$0xFFFFFFF0];
	v7 =	vcvt.f32.s32 v7;
	v10 =	vshra.s32 v5, $0x1F  }
0x77b: {  	v59 =	vshra.s32 v6, $0x1F;
	v61 =	vshra.s32 v8, $0x1F;
	v5 =	vor.u32 v10, v5;
	v10 =	vld [tilespmem:s25+$0x0]  }
0x77c: {  	v60 =	vld [tilespmem:s25+$0xFFFFFFE0];
	v15 =	vshra.s32 v7, $0x1F;
	v8 =	vor.u32 v61, v8;
	vm13 =	vlt.s32 v5, $0x100  }
0x77d: {  	v6 =	vor.u32 v59, v6;
	v7 =	vor.u32 v15, v7;
	v5 =	vnsel vm13, $0x100, v5  }
0x77e: {  	vm14 =	vlt.s32 v8, $0x100;
	v62 =	vadd.s32 v1, v5;
	v5 =	vsub.f32 v9, v3  }
0x77f: {  	vm15 =	vlt.s32 v6, $0x100;
	vm2 =	vlt.s32 v7, $0x100;
	v9 =	vsub.f32 v11, v3  }
0x780: {  	v6 =	vnsel vm15, $0x100, v6;
	v10 =	vsub.f32 v10, v3;
	v5 =	vmul.f32 v5, v4  }
0x781: {  	v11 =	vnsel vm14, $0x100, v8;
	v8 =	vsub.f32 v60, v3;
	v63 =	vmul.f32 v9, v4  }
0x782: {  	v7 =	vnsel vm2, $0x100, v7;
	v10 =	vmul.f32 v10, v4;
	v5 =	vtrunc.f32 v5  }
0x783: {  	v6 =	vadd.s32 v1, v6;
	v9 =	vmul.f32 v8, v4;
	v8 =	vcvt.f32.s32 v5  }
0x784: {  	s23 =	simm.s32 $0xC0A0;
	s22 =	simm.s32 $0x40;
	v5 =	vadd.s32 v1, v11;
	[tilespmem:v62+s13+$0x0] =	vst.idx.add.f32.msk $0xffff, v2;
	v11 =	vtrunc.f32 v63;
	v10 =	vtrunc.f32 v10  }
.LBB2_66:
0x785: {  	v12 =	vld [tilespmem:s23+$0x10];
	s22 =	sadd.s32 $0x40, s22;
	v9 =	vtrunc.f32 v9;
	v11 =	vcvt.f32.s32 v11;
	v13 =	vshra.s32 v8, $0x1F  }
0x786: {  	v10 =	vcvt.f32.s32 v10;
	v14 =	vld [tilespmem:s23+$0xFFFFFFF0];
	p0 =	slt.u32 s22, $0x3FC0;
	v9 =	vcvt.f32.s32 v9;
	v8 =	vor.u32 v13, v8  }
0x787: {  	v7 =	vadd.s32 v1, v7;
	v13 =	vld [tilespmem:s23+$0x0];
	v15 =	vshra.s32 v11, $0x1F;
	vm0 =	vlt.s32 v8, $0x100  }
0x788: {  	v18 =	vshra.s32 v10, $0x1F;
	v16 =	vld [tilespmem:s23+$0xFFFFFFE0];
	v17 =	vshra.s32 v9, $0x1F;
	v8 =	vnsel vm0, $0x100, v8  }
0x789: {  	v11 =	vor.u32 v15, v11;
	v9 =	vor.u32 v17, v9;
	v8 =	vadd.s32 v1, v8  }
0x78a: {  	v10 =	vor.u32 v18, v10;
	v12 =	vsub.f32 v12, v3;
	vm0 =	vlt.s32 v9, $0x100;
	[tilespmem:v5+s13+$0x0] =	vst.idx.add.f32.msk $0xffff, v2  }
0x78b: {  	vm1 =	vlt.s32 v11, $0x100;
	vm2 =	vlt.s32 v10, $0x100;
	v5 =	vsub.f32 v14, v3;
	[tilespmem:v6+s13+$0x0] =	vst.idx.add.f32.msk $0xffff, v2  }
.Ltmp32:
0x78c: {  	v6 =	vsub.f32 v13, v3;
	v12 =	vmul.f32 v12, v4;
	v13 =	vnsel vm0, $0x100, v9;
	[tilespmem:v7+s13+$0x0] =	vst.idx.add.f32.msk $0xffff, v2;
	(pc) =	sbr.rel @p0 .LBB2_66-.Ltmp32, $4  }
0x78d: {  	v15 =	vnsel vm1, $0x100, v11;
	v9 =	vsub.f32 v16, v3;
	v14 =	vmul.f32 v5, v4  }
0x78e: {  	v7 =	vnsel vm2, $0x100, v10;
	v6 =	vmul.f32 v6, v4;
	v5 =	vtrunc.f32 v12;
	[tilespmem:v8+s13+$0x0] =	vst.idx.add.f32.msk $0xffff, v2  }
0x78f: {  	v9 =	vmul.f32 v9, v4;
	v8 =	vcvt.f32.s32 v5;
	v5 =	vadd.s32 v1, v13  }
0x790: {  	s23 =	sadd.s32 $0x40, s23;
	v11 =	vtrunc.f32 v14;
	v10 =	vtrunc.f32 v6;
	v6 =	vadd.s32 v1, v15  }
0x791: {  	v3 =	vtrunc.f32 v9  }
0x792: {  	v4 =	vcvt.f32.s32 v11;
	v9 =	vshra.s32 v8, $0x1F;
	v10 =	vcvt.f32.s32 v10  }
0x793: {  	v7 =	vadd.s32 v1, v7;
	v3 =	vcvt.f32.s32 v3;
	v8 =	vor.u32 v9, v8  }
0x794: {  	v9 =	vshra.s32 v4, $0x1F;
	vm0 =	vlt.s32 v8, $0x100;
	v12 =	vshra.s32 v10, $0x1F  }
0x795: {  	v11 =	vshra.s32 v3, $0x1F;
	v8 =	vnsel vm0, $0x100, v8;
	v4 =	vor.u32 v9, v4  }
0x796: {  	v9 =	vor.u32 v12, v10;
	v3 =	vor.u32 v11, v3;
	vm1 =	vlt.s32 v4, $0x100  }
0x797: {  	v8 =	vadd.s32 v1, v8;
	vm15 =	vlt.s32 v9, $0x100;
	v4 =	vnsel vm1, $0x100, v4  }
0x798: {  	[tilespmem:v5+s13+$0x0] =	vst.idx.add.f32.msk $0xffff, v2;
	vm14 =	vlt.s32 v3, $0x100;
	v5 =	vnsel vm15, $0x100, v9;
	v4 =	vadd.s32 v1, v4  }
0x799: {  	v3 =	vnsel vm14, $0x100, v3;
	v5 =	vadd.s32 v1, v5  }
0x79a: {  	[tilespmem:v6+s13+$0x0] =	vst.idx.add.f32.msk $0xffff, v2;
	v3 =	vadd.s32 v1, v3  }
0x79b: {  	[tilespmem:v7+s13+$0x0] =	vst.idx.add.f32.msk $0xffff, v2  }
0x79c: {  	[tilespmem:v8+s13+$0x0] =	vst.idx.add.f32.msk $0xffff, v2  }
0x79d: {  	[tilespmem:v4+s13+$0x0] =	vst.idx.add.f32.msk $0xffff, v2  }
0x79e: {  	[tilespmem:v5+s13+$0x0] =	vst.idx.add.f32.msk $0xffff, v2  }
0x79f: {  	[tilespmem:v3+s13+$0x0] =	vst.idx.add.f32.msk $0xffff, v2  }
0x7a0: {  	_ =	swait.ge [sflag:s15], $0x4000  }
0x7a1: {  	[sflag:s15] =	ssyncset.done $0x0  }
0x7a2: {  	[sflag:s15] =	ssyncadd.s32 $0xFFFFC000  }
0x7a3: {  	_ =	swait.ge [sflag:s17], $0x4000  }
0x7a4: {  	[sflag:s17] =	ssyncset.done $0x0  }
0x7a5: {  	[sflag:s17] =	ssyncadd.s32 $0xFFFFC000  }
0x7a6: {  	_ =	swait.ge [sflag:s19], $0x4000  }
0x7a7: {  	[sflag:s19] =	ssyncset.done $0x0  }
0x7a8: {  	[sflag:s19] =	ssyncadd.s32 $0xFFFFC000  }
0x7a9: {  	_ =	swait.ge [sflag:s20], $0x4000  }
0x7aa: {  	[sflag:s20] =	ssyncset.done $0x0  }
0x7ab: {  	s23 =	simm.s32 $0x0;
	[sflag:s20] =	ssyncadd.s32 $0xFFFFC000  }
0x7ac: {  	v3 =	vld [tilespmem:s23+$0x10081];
	_ =	sdelay $0x1  }
0x7ad: {  	v4 =	vld [tilespmem:s23+$0x10189];
	_ =	sdelay $0x1  }
0x7ae: {  	v5 =	vld [tilespmem:s23+$0x10291]  }
0x7af: {  	v3 =	vadd.f32 $0.0e+00, v3  }
0x7b0: {  	v6 =	vld [tilespmem:s23+$0x10399]  }
0x7b1: {  	v3 =	vadd.f32 v4, v3  }
0x7b2: {  	v4 =	vld [tilespmem:s23+$0x104A1]  }
0x7b3: {  	v3 =	vadd.f32 v5, v3  }
0x7b4: {  	v5 =	vld [tilespmem:s23+$0x105A9]  }
0x7b5: {  	v3 =	vadd.f32 v6, v3  }
0x7b6: {  	v6 =	vld [tilespmem:s23+$0x106B1]  }
0x7b7: {  	v3 =	vadd.f32 v4, v3  }
0x7b8: {  	s22 =	simm.s32 $0x10;
	v4 =	vld [tilespmem:s23+$0x107B9]  }
0x7b9: {  	v7 =	vld [tilespmem:s22+$0x10081];
	v3 =	vadd.f32 v5, v3  }
0x7ba: {  	v5 =	vld [tilespmem:s23+$0x108C1]  }
0x7bb: {  	v8 =	vld [tilespmem:s22+$0x10189];
	v3 =	vadd.f32 v6, v3  }
0x7bc: {  	v6 =	vld [tilespmem:s23+$0x109C9]  }
0x7bd: {  	v9 =	vld [tilespmem:s22+$0x10291];
	v3 =	vadd.f32 v4, v3  }
0x7be: {  	v4 =	vld [tilespmem:s23+$0x10AD1]  }
0x7bf: {  	v10 =	vld [tilespmem:s22+$0x10399];
	v7 =	vadd.f32 $0.0e+00, v7;
	v3 =	vadd.f32 v5, v3  }
0x7c0: {  	v5 =	vld [tilespmem:s23+$0x10BD9]  }
0x7c1: {  	v11 =	vld [tilespmem:s22+$0x104A1];
	v7 =	vadd.f32 v8, v7;
	v3 =	vadd.f32 v6, v3  }
0x7c2: {  	v8 =	vld [tilespmem:s23+$0x10CE1]  }
0x7c3: {  	v63 =	vld [tilespmem:s22+$0x105A9];
	v6 =	vadd.f32 v9, v7;
	v3 =	vadd.f32 v4, v3  }
0x7c4: {  	v9 =	vld [tilespmem:s23+$0x10DE9]  }
0x7c5: {  	v4 =	vadd.f32 v10, v6;
	v6 =	vld [tilespmem:s22+$0x106B1];
	v5 =	vadd.f32 v5, v3  }
0x7c6: {  	v3 =	vld [tilespmem:s23+$0x10EF1]  }
0x7c7: {  	v7 =	vld [tilespmem:s22+$0x107B9];
	v10 =	vadd.f32 v11, v4;
	v11 =	vadd.f32 v8, v5  }
0x7c8: {  	v4 =	vld [tilespmem:s23+$0x10FF9]  }
0x7c9: {  	s24 =	simm.s32 $0x20;
	s25 =	simm.s32 $0xC0;
	v8 =	vadd.f32 v63, v10;
	v5 =	vld [tilespmem:s22+$0x108C1];
	v9 =	vadd.f32 v9, v11  }
.LBB2_68:
0x7ca: {  	p0 =	sne.s32 s25, $0x3C0;
	v10 =	vld [tilespmem:s24+$0x10081]  }
0x7cb: {  	v6 =	vadd.f32 v6, v8;
	v8 =	vld [tilespmem:s22+$0x109C9];
	v3 =	vadd.f32 v3, v9  }
0x7cc: {  	v9 =	vld [tilespmem:s24+$0x10189]  }
0x7cd: {  	v6 =	vadd.f32 v7, v6;
	v7 =	vld [tilespmem:s22+$0x10AD1];
	v3 =	vadd.f32 v4, v3  }
0x7ce: {  	v4 =	vld [tilespmem:s24+$0x10291]  }
0x7cf: {  	v10 =	vadd.f32 $0.0e+00, v10;
	v5 =	vadd.f32 v5, v6;
	v6 =	vld [tilespmem:s22+$0x10BD9];
	[tilespmem:s23+$0x11100] =	vst v3;
	s23 =	smov.u32 s22;
	s22 =	smov.u32 s24  }
0x7d0: {  	v3 =	vld [tilespmem:s22+$0x10399]  }
0x7d1: {  	v9 =	vadd.f32 v9, v10;
	v5 =	vadd.f32 v8, v5;
	v8 =	vld [tilespmem:s23+$0x10CE1]  }
0x7d2: {  	v10 =	vld [tilespmem:s22+$0x104A1]  }
0x7d3: {  	v4 =	vadd.f32 v4, v9;
	v5 =	vadd.f32 v7, v5;
	v9 =	vld [tilespmem:s23+$0x10DE9]  }
0x7d4: {  	v11 =	vld [tilespmem:s22+$0x105A9]  }
.Ltmp33:
0x7d5: {  	v4 =	vadd.f32 v3, v4;
	v5 =	vadd.f32 v6, v5;
	v3 =	vld [tilespmem:s23+$0x10EF1];
	(pc) =	sbr.rel @p0 .LBB2_68-.Ltmp33, $4  }
0x7d6: {  	v6 =	vld [tilespmem:s22+$0x106B1]  }
0x7d7: {  	v10 =	vadd.f32 v10, v4;
	v12 =	vadd.f32 v8, v5;
	v4 =	vld [tilespmem:s23+$0x10FF9]  }
0x7d8: {  	v7 =	vld [tilespmem:s22+$0x107B9]  }
0x7d9: {  	s24 =	sshra.s32 s25, $0x2;
	s25 =	sadd.s32 $0x40, s25;
	v8 =	vadd.f32 v11, v10;
	v5 =	vld [tilespmem:s22+$0x108C1];
	v9 =	vadd.f32 v9, v12  }
0x7da: {  	v10 =	vld [tilespmem:s24+$0x10081]  }
0x7db: {  	v11 =	vld [tilespmem:s22+$0x109C9];
	v3 =	vadd.f32 v3, v9  }
0x7dc: {  	v44 =	vld [tilespmem:s24+$0x10189]  }
0x7dd: {  	v12 =	vld [tilespmem:s22+$0x10AD1];
	v6 =	vadd.f32 v6, v8;
	v3 =	vadd.f32 v4, v3  }
0x7de: {  	v45 =	vld [tilespmem:s24+$0x10291]  }
0x7df: {  	v46 =	vld [tilespmem:s22+$0x10BD9];
	v6 =	vadd.f32 v7, v6;
	v47 =	vadd.f32 $0.0e+00, v10;
	[tilespmem:s23+$0x11100] =	vst v3  }
0x7e0: {  	v3 =	vld [tilespmem:s24+$0x10399]  }
0x7e1: {  	v5 =	vadd.f32 v5, v6;
	v48 =	vadd.f32 v44, v47  }
0x7e2: {  	v49 =	vld [tilespmem:s24+$0x104A1]  }
0x7e3: {  	v50 =	vld [tilespmem:s22+$0x10CE1];
	v5 =	vadd.f32 v11, v5;
	v4 =	vadd.f32 v45, v48  }
0x7e4: {  	v51 =	vld [tilespmem:s24+$0x105A9]  }
0x7e5: {  	v52 =	vld [tilespmem:s22+$0x10DE9];
	v5 =	vadd.f32 v12, v5;
	v3 =	vadd.f32 v3, v4  }
0x7e6: {  	v53 =	vld [tilespmem:s24+$0x106B1]  }
0x7e7: {  	v54 =	vld [tilespmem:s22+$0x10EF1];
	v5 =	vadd.f32 v46, v5;
	v3 =	vadd.f32 v49, v3  }
0x7e8: {  	v55 =	vld [tilespmem:s24+$0x107B9]  }
0x7e9: {  	v56 =	vld [tilespmem:s22+$0x10FF9];
	v5 =	vadd.f32 v50, v5;
	v3 =	vadd.f32 v51, v3  }
0x7ea: {  	v57 =	vld [tilespmem:s24+$0x108C1]  }
0x7eb: {  	v5 =	vadd.f32 v52, v5;
	v3 =	vadd.f32 v53, v3  }
0x7ec: {  	v58 =	vld [tilespmem:s24+$0x109C9]  }
0x7ed: {  	v5 =	vadd.f32 v54, v5;
	v3 =	vadd.f32 v55, v3  }
0x7ee: {  	v59 =	vld [tilespmem:s24+$0x10AD1]  }
0x7ef: {  	v5 =	vadd.f32 v56, v5;
	v3 =	vadd.f32 v57, v3  }
0x7f0: {  	v60 =	vld [tilespmem:s24+$0x10BD9]  }
0x7f1: {  	[tilespmem:s22+$0x11100] =	vst v5;
	v3 =	vadd.f32 v58, v3  }
0x7f2: {  	v61 =	vld [tilespmem:s24+$0x10CE1]  }
0x7f3: {  	v3 =	vadd.f32 v59, v3  }
0x7f4: {  	v5 =	vld [tilespmem:s24+$0x10DE9]  }
0x7f5: {  	v3 =	vadd.f32 v60, v3  }
0x7f6: {  	v62 =	vld [tilespmem:s24+$0x10EF1]  }
0x7f7: {  	v3 =	vadd.f32 v61, v3  }
0x7f8: {  	v63 =	vld [tilespmem:s24+$0x10FF9]  }
0x7f9: {  	v3 =	vadd.f32 v5, v3;
	_ =	sdelay $0x1  }
0x7fa: {  	v3 =	vadd.f32 v62, v3;
	_ =	sdelay $0x1  }
0x7fb: {  	s21 =	sadd.s32 $0x1, s21;
	v3 =	vadd.f32 v63, v3  }
0x7fc: {  	s25 =	simm.s32 $0x11100;
	p0 =	sne.s32 s21, s7  }
.Ltmp34:
0x7fd: {  	s23 =	simm.s32 $0x80;
	[tilespmem:s24+$0x11100] =	vst v3;
	s24 =	simm.s32 $0x400;
	(pc) =	sbr.rel @p0 .LBB2_1-.Ltmp34, $4  }
0x7fe: {  	[hbm4b:s6+s23] =	stream.strided.scatter [tilespmem:s25], [sflag:$0x9], $0x100, s24, s23, $0x38;
	[tilespmem:$0x11200] =	vst v63  }
0x7ff: {  	_ =	swait.ge [sflag:s8], $0x100  }
0x800: {  	[sflag:s8] =	ssyncset.done $0x0  }
0x801: {  	[sflag:s8] =	ssyncadd.s32 $0xFFFFFF00  }
0x802: {  	_ =	sfence.sel $0x180000  }
0x803: {  	[bflag:$0x0] =	sbarrier.arrive $0xFFFF  }
0x804: {  	_ =	strace $0x90000047  }
0x805: {  	s0 =	stileid.u32;
	[bflag:$0x2] =	sbarrier.arrive $0xFFFF  }
0x806: {  	p0 =	sne.s32 s0, $0x0;
	s0 =	rddreg [dreg:$0x4]  }
0x807: {  	s0 =	sadd.s32 @!p0 $0x100000, s0  }
0x808: {  	[sflag:s0] =	ssyncadd.tile.s32 @!p0 $0x1;
	_ =	shalt  }
.Lfunc_end2:
_tile_overlayer_lowered:
.L_overlay_start_2:
0x809: {  	(tag) =	ssettag $0x2  }
0x80a: {  	s0 =	rddreg [dreg:$0x0];
	s2 =	stileid.u32  }
0x80b: {  	s1 =	rddreg [dreg:$0x1];
	p0 =	sne.s32 s2, $0x0  }
0x80c: {  	s3 =	rddreg [dreg:$0x2];
	[bflag:$0x3] =	sbarrier.arrive $0xFFFF;
	s2 =	simm.s32 @!p0 $0x1C09  }
0x80d: {  	[timem:s3], [sflag:s2] =	dma.local @!p0 [hbm:s0], s1  }
0x80e: {  	s0 =	simm.s32 @!p0 $0x9  }
0x80f: {  	_ =	swait.ge @!p0 [sflag:s0], s1  }
0x810: {  	s1 =	ssub.s32 @!p0 $0x0, s1;
	[sflag:s0] =	ssyncset.done @!p0 $0x0  }
0x811: {  	[sflag:s0] =	ssyncadd.s32 @!p0 s1  }
0x812: {  	[bflag:$0x3] =	sbarrier.arrive $0xFFFF  }
0x813: {  	_ =	shalt  }

</sc_bundles>
